<compile_context>
chip_gen: v7x
topology: tpu7x:2x2x1
jax: 0.10.2.dev20260603
libtpu: 0.0.44.dev20260713+nightly
codegen_flags: <defaults>
</compile_context>

<pallas_src>
import functools

import jax
import jax.numpy as jnp
from jax import lax
from jax.experimental import pallas as pl
from jax.experimental.pallas import tpu as pltpu
from jax.experimental.pallas import tpu_sc as plsc

N, E, D = 10000, 320000, 128
EH = E // 2
TE = 2000
GRID_H = EH // TE

NW = 32
EWH = EH // NW
KG = 200
KS = 160
NSTRIPE = 632


NCH_G = EWH // KG


def _sc_gather(xB, xC, row_h, col_h):
    mesh = plsc.VectorSubcoreMesh(core_axis_name="c", subcore_axis_name="s")
    out = jax.ShapeDtypeStruct((EH, D), jnp.float32)

    @functools.partial(
        pl.kernel, mesh=mesh, out_type=out,
        scratch_types=[
            pltpu.VMEM((KG,), jnp.int32),
            pltpu.VMEM((KG,), jnp.int32),
            pltpu.VMEM((KG, D), jnp.float32),
            pltpu.VMEM((KG, D), jnp.float32),
            pltpu.VMEM((KG,), jnp.int32),
            pltpu.VMEM((KG,), jnp.int32),
            pltpu.VMEM((KG, D), jnp.float32),
            pltpu.VMEM((KG, D), jnp.float32),
            pltpu.SemaphoreType.DMA,
            pltpu.SemaphoreType.DMA,
            pltpu.SemaphoreType.DMA,
            pltpu.SemaphoreType.DMA,
        ])
    def k(xB_hbm, xC_hbm, row_hbm, col_hbm, gsum_hbm,
          rowi0, coli0, bufB0, bufC0, rowi1, coli1, bufB1, bufC1,
          semB0, semC0, semB1, semC1):
        wid = lax.axis_index("s") * 2 + lax.axis_index("c")
        base0 = wid * EWH

        def start(off, rowi, coli, bufB, bufC, semB, semC):
            base = base0 + off
            pltpu.sync_copy(row_hbm.at[pl.ds(base, KG)], rowi)
            pltpu.sync_copy(col_hbm.at[pl.ds(base, KG)], coli)
            pltpu.async_copy(xB_hbm.at[rowi], bufB, semB)
            pltpu.async_copy(xC_hbm.at[coli], bufC, semC)

        def finish(off, rowi, coli, bufB, bufC, semB, semC):
            base = base0 + off
            pltpu.make_async_copy(xB_hbm.at[rowi], bufB, semB).wait()
            pltpu.make_async_copy(xC_hbm.at[coli], bufC, semC).wait()

            @pl.loop(0, KG)
            def _(r):
                for j in range(8):
                    plsc.addupdate(bufB.at[r, pl.ds(j * 16, 16)],
                                   bufC[r, pl.ds(j * 16, 16)])

            pltpu.sync_copy(bufB, gsum_hbm.at[pl.ds(base, KG)])

        set0 = (rowi0, coli0, bufB0, bufC0, semB0, semC0)
        set1 = (rowi1, coli1, bufB1, bufC1, semB1, semC1)

        start(0, *set0)

        @pl.loop(0, (NCH_G - 1) * KG, step=2 * KG)
        def _(off):
            start(off + KG, *set1)
            finish(off, *set0)

            @pl.when(off + 2 * KG < NCH_G * KG)
            def _():
                start(off + 2 * KG, *set0)

            finish(off + KG, *set1)

        finish((NCH_G - 1) * KG, *set0)

    return k(xB, xC, row_h, col_h)


NCHUNK_S = EH // KS


def _sc_scatter(sigma_h, xv, row_h, col_h, zeros_nd):
    mesh = plsc.VectorSubcoreMesh(core_axis_name="c", subcore_axis_name="s")
    out = jax.ShapeDtypeStruct((2, N, D), jnp.float32)

    @functools.partial(
        pl.kernel, mesh=mesh, out_type=out,
        scratch_types=[
            pltpu.VMEM((KS,), jnp.int32),
            pltpu.VMEM((KS,), jnp.int32),
            pltpu.VMEM((KS, D), jnp.float32),
            pltpu.VMEM((KS, D), jnp.float32),
            pltpu.VMEM_SHARED((N, D), jnp.float32),
            pltpu.SemaphoreType.DMA,
            pltpu.SemaphoreType.DMA,
        ])
    def k(sig_hbm, xv_hbm, row_hbm, col_hbm, zero_hbm, agg_hbm,
          rowi_v, coli_v, sig_v, xvg_v, acc_sh, sem1, sem2):
        cid = lax.axis_index("c")
        sid = lax.axis_index("s")
        wid = sid * 2 + cid

        @pl.when(sid == 0)
        def _():
            pltpu.sync_copy(zero_hbm, acc_sh)

        plsc.subcore_barrier()

        @pl.loop(wid, NCHUNK_S, step=NW)
        def _(chunk):
            base = chunk * KS
            pltpu.sync_copy(col_hbm.at[pl.ds(base, KS)], coli_v)
            cpS = pltpu.async_copy(sig_hbm.at[pl.ds(base, KS)], sig_v, sem1)
            cpV = pltpu.async_copy(xv_hbm.at[coli_v], xvg_v, sem2)
            pltpu.sync_copy(row_hbm.at[pl.ds(base, KS)], rowi_v)
            cpS.wait()
            cpV.wait()

            @pl.loop(0, KS)
            def _(r):
                for j in range(8):
                    sl = (r, pl.ds(j * 16, 16))
                    sig_v[sl] = sig_v[sl] * xvg_v[sl]

            pltpu.sync_copy(sig_v, acc_sh.at[rowi_v], add=True)

        plsc.subcore_barrier()

        @pl.when(sid < 15)
        def _():
            pltpu.sync_copy(acc_sh.at[pl.ds(sid * NSTRIPE, NSTRIPE)],
                            agg_hbm.at[cid].at[pl.ds(sid * NSTRIPE, NSTRIPE)])

        @pl.when(sid == 15)
        def _():
            pltpu.sync_copy(acc_sh.at[pl.ds(15 * NSTRIPE, N - 15 * NSTRIPE)],
                            agg_hbm.at[cid].at[pl.ds(15 * NSTRIPE, N - 15 * NSTRIPE)])

    return k(sigma_h, xv, row_h, col_h, zeros_nd)


def _tables_body(x_ref, wu_ref, bu_ref, wv_ref, bv_ref, wb_ref, bb_ref,
                 wc_ref, bc_ref, xu_ref, xv_ref, xb_ref, xc_ref):
    xx = x_ref[...]
    xu_ref[...] = jnp.dot(xx, wu_ref[...], preferred_element_type=jnp.float32) + bu_ref[...]
    xv_ref[...] = jnp.dot(xx, wv_ref[...], preferred_element_type=jnp.float32) + bv_ref[...]
    xb_ref[...] = jnp.dot(xx, wb_ref[...], preferred_element_type=jnp.float32) + bb_ref[...]
    xc_ref[...] = jnp.dot(xx, wc_ref[...], preferred_element_type=jnp.float32) + bc_ref[...]


def _tables(x, WuT, bu, WvT, bv, WBT, bB, WCT, bC):
    out = jax.ShapeDtypeStruct((N, D), jnp.float32)
    return pl.pallas_call(
        _tables_body,
        out_shape=(out, out, out, out),
    )(x, WuT, bu, WvT, bv, WBT, bB, WCT, bC)


def _stats_body(ea_ref, gsum_ref, wat_ref, ba_ref, s1_ref, s2_ref, acc1, acc2):
    i = pl.program_id(0)

    @pl.when(i == 0)
    def _():
        acc1[...] = jnp.zeros_like(acc1)
        acc2[...] = jnp.zeros_like(acc2)

    ein = (jnp.dot(ea_ref[...], wat_ref[...], preferred_element_type=jnp.float32)
           + ba_ref[...] + gsum_ref[...])
    e3 = ein.reshape(TE // 8, 8, D)
    acc1[...] += jnp.sum(e3, axis=0)
    acc2[...] += jnp.sum(e3 * e3, axis=0)

    @pl.when(i == GRID_H - 1)
    def _():
        s1_ref[...] = acc1[...]
        s2_ref[...] = acc2[...]


def _edge_stats(edge_attr, gsum_h, WAT, bA, off):
    s = jax.ShapeDtypeStruct((8, D), jnp.float32)
    noff = off // TE
    return pl.pallas_call(
        _stats_body,
        grid=(GRID_H,),
        in_specs=[
            pl.BlockSpec((TE, D), lambda i: (i + noff, 0)),
            pl.BlockSpec((TE, D), lambda i: (i, 0)),
            pl.BlockSpec((D, D), lambda i: (0, 0)),
            pl.BlockSpec((1, D), lambda i: (0, 0)),
        ],
        out_specs=(pl.BlockSpec((8, D), lambda i: (0, 0)),
                   pl.BlockSpec((8, D), lambda i: (0, 0))),
        out_shape=(s, s),
        scratch_shapes=[pltpu.VMEM((8, D), jnp.float32),
                        pltpu.VMEM((8, D), jnp.float32)],
    )(edge_attr, gsum_h, WAT, bA)


def _apply_common(ea_ref, gsum_ref, wat_ref, ba_ref, s1a_ref, s1b_ref,
                  s2a_ref, s2b_ref, ge_ref, be_ref, eout_ref, sig_ref):
    s1 = jnp.sum(s1a_ref[...] + s1b_ref[...], axis=0, keepdims=True)
    s2 = jnp.sum(s2a_ref[...] + s2b_ref[...], axis=0, keepdims=True)
    mean = s1 / E
    var = s2 / E - mean * mean
    rstd = jax.lax.rsqrt(var + 1e-5)
    ea = ea_ref[...]
    ein = (jnp.dot(ea, wat_ref[...], preferred_element_type=jnp.float32)
           + ba_ref[...] + gsum_ref[...])
    tmp = jnp.maximum(ge_ref[...] * (ein - mean) * rstd + be_ref[...], 0.0)
    eout = ea + tmp
    eout_ref[...] = eout
    sig_ref[...] = jax.nn.sigmoid(eout)


def _apply_body_first(ea_ref, gsum_ref, wat_ref, ba_ref, s1a_ref, s1b_ref,
                      s2a_ref, s2b_ref, ge_ref, be_ref, eout_ref, sig_ref):
    _apply_common(ea_ref, gsum_ref, wat_ref, ba_ref, s1a_ref, s1b_ref,
                  s2a_ref, s2b_ref, ge_ref, be_ref, eout_ref, sig_ref)


def _apply_body_next(ea_ref, gsum_ref, wat_ref, ba_ref, s1a_ref, s1b_ref,
                     s2a_ref, s2b_ref, ge_ref, be_ref, eprev_ref,
                     eout_ref, sig_ref):
    del eprev_ref
    _apply_common(ea_ref, gsum_ref, wat_ref, ba_ref, s1a_ref, s1b_ref,
                  s2a_ref, s2b_ref, ge_ref, be_ref, eout_ref, sig_ref)


def _edge_apply(edge_attr, gsum_h, WAT, bA, s1a, s1b, s2a, s2b,
                gamma_e, beta_e, eout_prev, off):
    noff = off // TE
    out_full = jax.ShapeDtypeStruct((E, D), jnp.float32)
    out_half = jax.ShapeDtypeStruct((EH, D), jnp.float32)
    in_specs = [
        pl.BlockSpec((TE, D), lambda i: (i + noff, 0)),
        pl.BlockSpec((TE, D), lambda i: (i, 0)),
        pl.BlockSpec((D, D), lambda i: (0, 0)),
        pl.BlockSpec((1, D), lambda i: (0, 0)),
        pl.BlockSpec((8, D), lambda i: (0, 0)),
        pl.BlockSpec((8, D), lambda i: (0, 0)),
        pl.BlockSpec((8, D), lambda i: (0, 0)),
        pl.BlockSpec((8, D), lambda i: (0, 0)),
        pl.BlockSpec((1, D), lambda i: (0, 0)),
        pl.BlockSpec((1, D), lambda i: (0, 0)),
    ]
    args = [edge_attr, gsum_h, WAT, bA, s1a, s1b, s2a, s2b, gamma_e, beta_e]
    if eout_prev is None:
        body, aliases = _apply_body_first, {}
    else:
        in_specs.append(pl.BlockSpec((8, D), lambda i: (0, 0)))
        args.append(eout_prev)
        body, aliases = _apply_body_next, {10: 0}
    return pl.pallas_call(
        body,
        grid=(GRID_H,),
        in_specs=in_specs,
        out_specs=(pl.BlockSpec((TE, D), lambda i: (i + noff, 0)),
                   pl.BlockSpec((TE, D), lambda i: (i, 0))),
        out_shape=(out_full, out_half),
        input_output_aliases=aliases,
    )(*args)


def _node_body(x_ref, xu_ref, agga_ref, aggb_ref, gn_ref, bn_ref, xo_ref):
    node_in = (xu_ref[...] + agga_ref[0] + agga_ref[1]
               + aggb_ref[0] + aggb_ref[1])
    mean = jnp.mean(node_in, axis=0, keepdims=True)
    var = jnp.mean(node_in * node_in, axis=0, keepdims=True) - mean * mean
    rstd = jax.lax.rsqrt(var + 1e-5)
    tmp = jnp.maximum(gn_ref[...] * (node_in - mean) * rstd + bn_ref[...], 0.0)
    xo_ref[...] = x_ref[...] + tmp


def _node_final(x, xu, agg_a, agg_b, gamma_n, beta_n):
    return pl.pallas_call(
        _node_body,
        out_shape=jax.ShapeDtypeStruct((N, D), jnp.float32),
    )(x, xu, agg_a, agg_b, gamma_n, beta_n)


def kernel(x, edge_index, edge_attr, Wu, bu, Wv, bv, WA, bA, WB, bB, WC, bC,
           gamma_node, beta_node, gamma_edge, beta_edge):
    row = edge_index[0]
    col = edge_index[1]
    row_lo, row_hi = row[:EH], row[EH:]
    col_lo, col_hi = col[:EH], col[EH:]
    bu2 = bu.reshape(1, D)
    bv2 = bv.reshape(1, D)
    bA2 = bA.reshape(1, D)
    bB2 = bB.reshape(1, D)
    bC2 = bC.reshape(1, D)
    ge2 = gamma_edge.reshape(1, D)
    be2 = beta_edge.reshape(1, D)
    gn2 = gamma_node.reshape(1, D)
    bn2 = beta_node.reshape(1, D)

    xu, xv, xB, xC = _tables(x, Wu.T, bu2, Wv.T, bv2, WB.T, bB2, WC.T, bC2)

    gsum_lo = _sc_gather(xB, xC, row_lo, col_lo)
    gsum_hi = _sc_gather(xB, xC, row_hi, col_hi)

    WAT = WA.T
    s1a, s2a = _edge_stats(edge_attr, gsum_lo, WAT, bA2, 0)
    s1b, s2b = _edge_stats(edge_attr, gsum_hi, WAT, bA2, EH)

    eout1, sig_lo = _edge_apply(edge_attr, gsum_lo, WAT, bA2,
                                s1a, s1b, s2a, s2b, ge2, be2, None, 0)
    eout, sig_hi = _edge_apply(edge_attr, gsum_hi, WAT, bA2,
                               s1a, s1b, s2a, s2b, ge2, be2, eout1, EH)

    zeros_nd = jnp.zeros((N, D), jnp.float32)
    agg_a = _sc_scatter(sig_lo, xv, row_lo, col_lo, zeros_nd)
    agg_b = _sc_scatter(sig_hi, xv, row_hi, col_hi, zeros_nd)

    x_out = _node_final(x, xu, agg_a, agg_b, gn2, bn2)
    return (x_out, eout)

# --- scband reference (transcript-rebuilt; emitter-appended) ---
"""Pipeline reference for scband-gated-gcnlayer-36180804502137 (READ-ONLY COPY).

The authoritative reference and input builder live on the scoring server;
editing this copy changes nothing except your own understanding.
"""

import jax, jax.numpy as jnp
import numpy as np

N, E, D = 10000, 320000, 128


def _bn(h, gamma, beta, eps=1e-5):
    m = jnp.mean(h, axis=0)
    v = jnp.var(h, axis=0)
    return gamma * (h - m) / jnp.sqrt(v + eps) + beta


def setup_inputs(seed: int = 0) -> dict:
    key = jax.random.key(seed)
    ks = jax.random.split(key, 20)
    x = jax.random.normal(ks[0], (N, D), dtype=jnp.float32)
    edge_index = jax.random.randint(ks[1], (2, E), 0, N, dtype=jnp.int32)
    edge_attr = jax.random.normal(ks[2], (E, D), dtype=jnp.float32)
    s = 1.0 / np.sqrt(D)
    Wu = jax.random.uniform(ks[3], (D, D), jnp.float32, -s, s)
    bu = jax.random.uniform(ks[4], (D,), jnp.float32, -s, s)
    Wv = jax.random.uniform(ks[5], (D, D), jnp.float32, -s, s)
    bv = jax.random.uniform(ks[6], (D,), jnp.float32, -s, s)
    WA = jax.random.uniform(ks[7], (D, D), jnp.float32, -s, s)
    bA = jax.random.uniform(ks[8], (D,), jnp.float32, -s, s)
    WB = jax.random.uniform(ks[9], (D, D), jnp.float32, -s, s)
    bB = jax.random.uniform(ks[10], (D,), jnp.float32, -s, s)
    WC = jax.random.uniform(ks[11], (D, D), jnp.float32, -s, s)
    bC = jax.random.uniform(ks[12], (D,), jnp.float32, -s, s)
    gamma_node = jnp.ones((D,), jnp.float32)
    beta_node = jnp.zeros((D,), jnp.float32)
    gamma_edge = jnp.ones((D,), jnp.float32)
    beta_edge = jnp.zeros((D,), jnp.float32)
    return {"x": x, "edge_index": edge_index, "edge_attr": edge_attr,
            "Wu": Wu, "bu": bu, "Wv": Wv, "bv": bv,
            "WA": WA, "bA": bA, "WB": WB, "bB": bB, "WC": WC, "bC": bC,
            "gamma_node": gamma_node, "beta_node": beta_node,
            "gamma_edge": gamma_edge, "beta_edge": beta_edge}


def reference(x, edge_index, edge_attr, Wu, bu, Wv, bv, WA, bA, WB, bB, WC, bC,
              gamma_node, beta_node, gamma_edge, beta_edge):
    row = edge_index[0]
    col = edge_index[1]
    edge_in = (edge_attr @ WA.T + bA) + (x[row] @ WB.T + bB) + (x[col] @ WC.T + bC)
    edge_tmp = jax.nn.relu(_bn(edge_in, gamma_edge, beta_edge))
    edge_attr_out = edge_attr + edge_tmp
    sigma_edge = jax.nn.sigmoid(edge_attr_out)
    node_neighbor = x @ Wv.T + bv
    msg = sigma_edge * node_neighbor[col]
    agg_msg = jax.ops.segment_sum(msg, row, num_segments=x.shape[0])
    node_in = (x @ Wu.T + bu) + agg_msg
    node_tmp = jax.nn.relu(_bn(node_in, gamma_node, beta_node))
    x_out = x + node_tmp
    return (x_out, edge_attr_out)

if __name__ == "__main__":
    import jax
    _d = setup_inputs()
    print(jax.jit(kernel)(*tuple(_d.values())))

</pallas_src>

<mosaic_0001>
#map = affine_map<(d0, d1) -> (0, 0)>
#map1 = affine_map<(d0, d1) -> (0)>
module attributes {stable_mosaic.version = 14 : i64} {
  func.func @k(%arg0: i32, %arg1: i32, %arg2: memref<10000x128xf32, #tpu.memory_space<hbm>>, %arg3: memref<10000x128xf32, #tpu.memory_space<hbm>>, %arg4: memref<160000xi32, #tpu.memory_space<hbm>>, %arg5: memref<160000xi32, #tpu.memory_space<hbm>>, %arg6: memref<160000x128xf32, #tpu.memory_space<hbm>>, %arg7: memref<200xi32, #tpu.memory_space<vmem>>, %arg8: memref<200xi32, #tpu.memory_space<vmem>>, %arg9: memref<200x128xf32, #tpu.memory_space<vmem>>, %arg10: memref<200x128xf32, #tpu.memory_space<vmem>>, %arg11: memref<200xi32, #tpu.memory_space<vmem>>, %arg12: memref<200xi32, #tpu.memory_space<vmem>>, %arg13: memref<200x128xf32, #tpu.memory_space<vmem>>, %arg14: memref<200x128xf32, #tpu.memory_space<vmem>>, %arg15: memref<!tpu.dma_semaphore, #tpu.memory_space<semaphore_mem>>, %arg16: memref<!tpu.dma_semaphore, #tpu.memory_space<semaphore_mem>>, %arg17: memref<!tpu.dma_semaphore, #tpu.memory_space<semaphore_mem>>, %arg18: memref<!tpu.dma_semaphore, #tpu.memory_space<semaphore_mem>>) attributes {dimension_semantics = [#tpu.dimension_semantics<core_parallel>, #tpu.dimension_semantics<subcore_parallel>], iteration_bounds = array<i64: 2, 16>, scalar_prefetch = 0 : i64, scratch_operands = 12 : i64, tpu.core_type = #tpu.core_type<sc_vector_subcore>, window_params = [{transform_indices = #map}, {transform_indices = #map}, {transform_indices = #map1}, {transform_indices = #map1}, {transform_indices = #map}]} {
    %mul3A = arith.constant 2 : i32
    %mul3A_0 = arith.muli %arg1, %mul3A : i32
    %add3A = arith.addi %mul3A_0, %arg0 : i32
    %mul3A_1 = arith.constant 5000 : i32
    %mul3A_2 = arith.muli %add3A, %mul3A_1 : i32
    %add3A_3 = arith.constant 0 : i32
    %add3A_4 = arith.addi %mul3A_2, %add3A_3 : i32
    "tpu.region"() ({
      %run_scoped3A = tpu.sem_alloc : memref<!tpu.dma_semaphore, #tpu.memory_space<semaphore_mem>>
      %dma_start3A_26 = tpu.memref_slice %arg4[%add3A_4] : memref<160000xi32, #tpu.memory_space<hbm>> -> memref<200xi32, #tpu.memory_space<hbm>>
      %dma_start3A_27 = tpu.memref_slice %arg4[%add3A_4] : memref<160000xi32, #tpu.memory_space<hbm>> -> memref<200xi32, #tpu.memory_space<hbm>>
      tpu.enqueue_dma source(%dma_start3A_27 : memref<200xi32, #tpu.memory_space<hbm>>) target(%arg7 : memref<200xi32, #tpu.memory_space<vmem>>) target_semaphore(%run_scoped3A : memref<!tpu.dma_semaphore, #tpu.memory_space<semaphore_mem>>)
      %dma_wait3A_28 = tpu.memref_slice %arg4[%add3A_4] : memref<160000xi32, #tpu.memory_space<hbm>> -> memref<200xi32, #tpu.memory_space<hbm>>
      %dma_wait3A_29 = tpu.memref_slice %arg4[%add3A_4] : memref<160000xi32, #tpu.memory_space<hbm>> -> memref<200xi32, #tpu.memory_space<hbm>>
      tpu.wait_dma2 semaphore(%run_scoped3A : memref<!tpu.dma_semaphore, #tpu.memory_space<semaphore_mem>>) src(%dma_wait3A_29 : memref<200xi32, #tpu.memory_space<hbm>>) dst(%arg7 : memref<200xi32, #tpu.memory_space<vmem>>)
      tpu.yield
    }) : () -> ()
    "tpu.region"() ({
      %run_scoped3A = tpu.sem_alloc : memref<!tpu.dma_semaphore, #tpu.memory_space<semaphore_mem>>
      %dma_start3A_26 = tpu.memref_slice %arg5[%add3A_4] : memref<160000xi32, #tpu.memory_space<hbm>> -> memref<200xi32, #tpu.memory_space<hbm>>
      %dma_start3A_27 = tpu.memref_slice %arg5[%add3A_4] : memref<160000xi32, #tpu.memory_space<hbm>> -> memref<200xi32, #tpu.memory_space<hbm>>
      tpu.enqueue_dma source(%dma_start3A_27 : memref<200xi32, #tpu.memory_space<hbm>>) target(%arg8 : memref<200xi32, #tpu.memory_space<vmem>>) target_semaphore(%run_scoped3A : memref<!tpu.dma_semaphore, #tpu.memory_space<semaphore_mem>>)
      %dma_wait3A_28 = tpu.memref_slice %arg5[%add3A_4] : memref<160000xi32, #tpu.memory_space<hbm>> -> memref<200xi32, #tpu.memory_space<hbm>>
      %dma_wait3A_29 = tpu.memref_slice %arg5[%add3A_4] : memref<160000xi32, #tpu.memory_space<hbm>> -> memref<200xi32, #tpu.memory_space<hbm>>
      tpu.wait_dma2 semaphore(%run_scoped3A : memref<!tpu.dma_semaphore, #tpu.memory_space<semaphore_mem>>) src(%dma_wait3A_29 : memref<200xi32, #tpu.memory_space<hbm>>) dst(%arg8 : memref<200xi32, #tpu.memory_space<vmem>>)
      tpu.yield
    }) : () -> ()
    %dma_start3A = arith.constant 0 : i32
    %dma_start3A_5 = arith.constant 0 : i32
    %dma_start3A_6 = tpu.memref_slice %arg2[%dma_start3A, %dma_start3A_5] : memref<10000x128xf32, #tpu.memory_space<hbm>> -> memref<10000x128xf32, #tpu.memory_space<hbm>>
    tpu.enqueue_indirect_dma source(%dma_start3A_6 : memref<10000x128xf32, #tpu.memory_space<hbm>>) target(%arg9 : memref<200x128xf32, #tpu.memory_space<vmem>>) offsets(%arg7 : memref<200xi32, #tpu.memory_space<vmem>>) semaphore(%arg15 : memref<!tpu.dma_semaphore, #tpu.memory_space<semaphore_mem>>)
    %dma_start3A_7 = arith.constant 0 : i32
    %dma_start3A_8 = arith.constant 0 : i32
    %dma_start3A_9 = tpu.memref_slice %arg3[%dma_start3A_7, %dma_start3A_8] : memref<10000x128xf32, #tpu.memory_space<hbm>> -> memref<10000x128xf32, #tpu.memory_space<hbm>>
    tpu.enqueue_indirect_dma source(%dma_start3A_9 : memref<10000x128xf32, #tpu.memory_space<hbm>>) target(%arg10 : memref<200x128xf32, #tpu.memory_space<vmem>>) offsets(%arg8 : memref<200xi32, #tpu.memory_space<vmem>>) semaphore(%arg16 : memref<!tpu.dma_semaphore, #tpu.memory_space<semaphore_mem>>)
    %scan3A = arith.constant 0 : i32
    %scan3A_10 = arith.constant 12 : i32
    %scan3A_11 = arith.addi %scan3A, %scan3A_10 : i32
    %scan3A_12 = arith.constant 1 : i32
    scf.for %scan3A_26 = %scan3A to %scan3A_11 step %scan3A_12  : i32 {
      %mul3A_27 = arith.constant 400 : i32
      %mul3A_28 = arith.muli %scan3A_26, %mul3A_27 : i32
      %add3A_29 = arith.constant 0 : i32
      %add3A_30 = arith.addi %add3A_29, %mul3A_28 : i32
      %add3A_31 = arith.constant 200 : i32
      %add3A_32 = arith.addi %add3A_30, %add3A_31 : i32
      %add3A_33 = arith.addi %mul3A_2, %add3A_32 : i32
      "tpu.region"() ({
        %run_scoped3A = tpu.sem_alloc : memref<!tpu.dma_semaphore, #tpu.memory_space<semaphore_mem>>
        %dma_start3A_70 = tpu.memref_slice %arg4[%add3A_33] : memref<160000xi32, #tpu.memory_space<hbm>> -> memref<200xi32, #tpu.memory_space<hbm>>
        %dma_start3A_71 = tpu.memref_slice %arg4[%add3A_33] : memref<160000xi32, #tpu.memory_space<hbm>> -> memref<200xi32, #tpu.memory_space<hbm>>
        tpu.enqueue_dma source(%dma_start3A_71 : memref<200xi32, #tpu.memory_space<hbm>>) target(%arg11 : memref<200xi32, #tpu.memory_space<vmem>>) target_semaphore(%run_scoped3A : memref<!tpu.dma_semaphore, #tpu.memory_space<semaphore_mem>>)
        %dma_wait3A_72 = tpu.memref_slice %arg4[%add3A_33] : memref<160000xi32, #tpu.memory_space<hbm>> -> memref<200xi32, #tpu.memory_space<hbm>>
        %dma_wait3A_73 = tpu.memref_slice %arg4[%add3A_33] : memref<160000xi32, #tpu.memory_space<hbm>> -> memref<200xi32, #tpu.memory_space<hbm>>
        tpu.wait_dma2 semaphore(%run_scoped3A : memref<!tpu.dma_semaphore, #tpu.memory_space<semaphore_mem>>) src(%dma_wait3A_73 : memref<200xi32, #tpu.memory_space<hbm>>) dst(%arg11 : memref<200xi32, #tpu.memory_space<vmem>>)
        tpu.yield
      }) : () -> ()
      "tpu.region"() ({
        %run_scoped3A = tpu.sem_alloc : memref<!tpu.dma_semaphore, #tpu.memory_space<semaphore_mem>>
        %dma_start3A_70 = tpu.memref_slice %arg5[%add3A_33] : memref<160000xi32, #tpu.memory_space<hbm>> -> memref<200xi32, #tpu.memory_space<hbm>>
        %dma_start3A_71 = tpu.memref_slice %arg5[%add3A_33] : memref<160000xi32, #tpu.memory_space<hbm>> -> memref<200xi32, #tpu.memory_space<hbm>>
        tpu.enqueue_dma source(%dma_start3A_71 : memref<200xi32, #tpu.memory_space<hbm>>) target(%arg12 : memref<200xi32, #tpu.memory_space<vmem>>) target_semaphore(%run_scoped3A : memref<!tpu.dma_semaphore, #tpu.memory_space<semaphore_mem>>)
        %dma_wait3A_72 = tpu.memref_slice %arg5[%add3A_33] : memref<160000xi32, #tpu.memory_space<hbm>> -> memref<200xi32, #tpu.memory_space<hbm>>
        %dma_wait3A_73 = tpu.memref_slice %arg5[%add3A_33] : memref<160000xi32, #tpu.memory_space<hbm>> -> memref<200xi32, #tpu.memory_space<hbm>>
        tpu.wait_dma2 semaphore(%run_scoped3A : memref<!tpu.dma_semaphore, #tpu.memory_space<semaphore_mem>>) src(%dma_wait3A_73 : memref<200xi32, #tpu.memory_space<hbm>>) dst(%arg12 : memref<200xi32, #tpu.memory_space<vmem>>)
        tpu.yield
      }) : () -> ()
      %dma_start3A_34 = arith.constant 0 : i32
      %dma_start3A_35 = arith.constant 0 : i32
      %dma_start3A_36 = tpu.memref_slice %arg2[%dma_start3A_34, %dma_start3A_35] : memref<10000x128xf32, #tpu.memory_space<hbm>> -> memref<10000x128xf32, #tpu.memory_space<hbm>>
      tpu.enqueue_indirect_dma source(%dma_start3A_36 : memref<10000x128xf32, #tpu.memory_space<hbm>>) target(%arg13 : memref<200x128xf32, #tpu.memory_space<vmem>>) offsets(%arg11 : memref<200xi32, #tpu.memory_space<vmem>>) semaphore(%arg17 : memref<!tpu.dma_semaphore, #tpu.memory_space<semaphore_mem>>)
      %dma_start3A_37 = arith.constant 0 : i32
      %dma_start3A_38 = arith.constant 0 : i32
      %dma_start3A_39 = tpu.memref_slice %arg3[%dma_start3A_37, %dma_start3A_38] : memref<10000x128xf32, #tpu.memory_space<hbm>> -> memref<10000x128xf32, #tpu.memory_space<hbm>>
      tpu.enqueue_indirect_dma source(%dma_start3A_39 : memref<10000x128xf32, #tpu.memory_space<hbm>>) target(%arg14 : memref<200x128xf32, #tpu.memory_space<vmem>>) offsets(%arg12 : memref<200xi32, #tpu.memory_space<vmem>>) semaphore(%arg18 : memref<!tpu.dma_semaphore, #tpu.memory_space<semaphore_mem>>)
      %add3A_40 = arith.addi %mul3A_2, %add3A_30 : i32
      %dma_wait3A_41 = arith.constant 0 : i32
      %dma_wait3A_42 = arith.constant 0 : i32
      %dma_wait3A_43 = tpu.memref_slice %arg2[%dma_wait3A_41, %dma_wait3A_42] : memref<10000x128xf32, #tpu.memory_space<hbm>> -> memref<10000x128xf32, #tpu.memory_space<hbm>>
      tpu.wait_indirect_dma semaphore(%arg15 : memref<!tpu.dma_semaphore, #tpu.memory_space<semaphore_mem>>) src(%dma_wait3A_43 : memref<10000x128xf32, #tpu.memory_space<hbm>>) dst(%arg9 : memref<200x128xf32, #tpu.memory_space<vmem>>)
      %dma_wait3A_44 = arith.constant 0 : i32
      %dma_wait3A_45 = arith.constant 0 : i32
      %dma_wait3A_46 = tpu.memref_slice %arg3[%dma_wait3A_44, %dma_wait3A_45] : memref<10000x128xf32, #tpu.memory_space<hbm>> -> memref<10000x128xf32, #tpu.memory_space<hbm>>
      tpu.wait_indirect_dma semaphore(%arg16 : memref<!tpu.dma_semaphore, #tpu.memory_space<semaphore_mem>>) src(%dma_wait3A_46 : memref<10000x128xf32, #tpu.memory_space<hbm>>) dst(%arg10 : memref<200x128xf32, #tpu.memory_space<vmem>>)
      %scan3A_47 = arith.constant 0 : i32
      %scan3A_48 = arith.constant 200 : i32
      %scan3A_49 = arith.addi %scan3A_47, %scan3A_48 : i32
      %scan3A_50 = arith.constant 1 : i32
      scf.for %scan3A_70 = %scan3A_47 to %scan3A_49 step %scan3A_50  : i32 {
        %mul3A_71 = arith.constant 1 : i32
        %mul3A_72 = arith.muli %scan3A_70, %mul3A_71 : i32
        %add3A_73 = arith.constant 0 : i32
        %add3A_74 = arith.addi %add3A_73, %mul3A_72 : i32
        %get3A = arith.index_cast %add3A_74 : i32 to index
        %get3A_75 = arith.constant 0 : index
        %get3A_76 = tpu.vector_load %arg10[%get3A, %get3A_75] {strides = array<i32>} : memref<200x128xf32, #tpu.memory_space<vmem>>, vector<1x16xf32>,
        %get3A_77 = vector.shape_cast %get3A_76 : vector<1x16xf32> to vector<16xf32>
        %swap3A = arith.index_cast %add3A_74 : i32 to index
        %swap3A_78 = arith.constant 0 : index
        %swap3A_79 = tpu.vector_load %arg9[%swap3A, %swap3A_78] {strides = array<i32>} : memref<200x128xf32, #tpu.memory_space<vmem>>, vector<1x16xf32>,
        %swap3A_80 = vector.shape_cast %swap3A_79 : vector<1x16xf32> to vector<16xf32>
        %swap3A_81 = vector.shape_cast %get3A_77 : vector<16xf32> to vector<1x16xf32>
        tpu.vector_store %arg9[%swap3A, %swap3A_78], %swap3A_81 {add = true, strides = array<i32>} : memref<200x128xf32, #tpu.memory_space<vmem>>, vector<1x16xf32>,
        %get3A_82 = arith.index_cast %add3A_74 : i32 to index
        %get3A_83 = arith.constant 16 : index
        %get3A_84 = tpu.vector_load %arg10[%get3A_82, %get3A_83] {strides = array<i32>} : memref<200x128xf32, #tpu.memory_space<vmem>>, vector<1x16xf32>,
        %get3A_85 = vector.shape_cast %get3A_84 : vector<1x16xf32> to vector<16xf32>
        %swap3A_86 = arith.index_cast %add3A_74 : i32 to index
        %swap3A_87 = arith.constant 16 : index
        %swap3A_88 = tpu.vector_load %arg9[%swap3A_86, %swap3A_87] {strides = array<i32>} : memref<200x128xf32, #tpu.memory_space<vmem>>, vector<1x16xf32>,
        %swap3A_89 = vector.shape_cast %swap3A_88 : vector<1x16xf32> to vector<16xf32>
        %swap3A_90 = vector.shape_cast %get3A_85 : vector<16xf32> to vector<1x16xf32>
        tpu.vector_store %arg9[%swap3A_86, %swap3A_87], %swap3A_90 {add = true, strides = array<i32>} : memref<200x128xf32, #tpu.memory_space<vmem>>, vector<1x16xf32>,
        %get3A_91 = arith.index_cast %add3A_74 : i32 to index
        %get3A_92 = arith.constant 32 : index
        %get3A_93 = tpu.vector_load %arg10[%get3A_91, %get3A_92] {strides = array<i32>} : memref<200x128xf32, #tpu.memory_space<vmem>>, vector<1x16xf32>,
        %get3A_94 = vector.shape_cast %get3A_93 : vector<1x16xf32> to vector<16xf32>
        %swap3A_95 = arith.index_cast %add3A_74 : i32 to index
        %swap3A_96 = arith.constant 32 : index
        %swap3A_97 = tpu.vector_load %arg9[%swap3A_95, %swap3A_96] {strides = array<i32>} : memref<200x128xf32, #tpu.memory_space<vmem>>, vector<1x16xf32>,
        %swap3A_98 = vector.shape_cast %swap3A_97 : vector<1x16xf32> to vector<16xf32>
        %swap3A_99 = vector.shape_cast %get3A_94 : vector<16xf32> to vector<1x16xf32>
        tpu.vector_store %arg9[%swap3A_95, %swap3A_96], %swap3A_99 {add = true, strides = array<i32>} : memref<200x128xf32, #tpu.memory_space<vmem>>, vector<1x16xf32>,
        %get3A_100 = arith.index_cast %add3A_74 : i32 to index
        %get3A_101 = arith.constant 48 : index
        %get3A_102 = tpu.vector_load %arg10[%get3A_100, %get3A_101] {strides = array<i32>} : memref<200x128xf32, #tpu.memory_space<vmem>>, vector<1x16xf32>,
        %get3A_103 = vector.shape_cast %get3A_102 : vector<1x16xf32> to vector<16xf32>
        %swap3A_104 = arith.index_cast %add3A_74 : i32 to index
        %swap3A_105 = arith.constant 48 : index
        %swap3A_106 = tpu.vector_load %arg9[%swap3A_104, %swap3A_105] {strides = array<i32>} : memref<200x128xf32, #tpu.memory_space<vmem>>, vector<1x16xf32>,
        %swap3A_107 = vector.shape_cast %swap3A_106 : vector<1x16xf32> to vector<16xf32>
        %swap3A_108 = vector.shape_cast %get3A_103 : vector<16xf32> to vector<1x16xf32>
        tpu.vector_store %arg9[%swap3A_104, %swap3A_105], %swap3A_108 {add = true, strides = array<i32>} : memref<200x128xf32, #tpu.memory_space<vmem>>, vector<1x16xf32>,
        %get3A_109 = arith.index_cast %add3A_74 : i32 to index
        %get3A_110 = arith.constant 64 : index
        %get3A_111 = tpu.vector_load %arg10[%get3A_109, %get3A_110] {strides = array<i32>} : memref<200x128xf32, #tpu.memory_space<vmem>>, vector<1x16xf32>,
        %get3A_112 = vector.shape_cast %get3A_111 : vector<1x16xf32> to vector<16xf32>
        %swap3A_113 = arith.index_cast %add3A_74 : i32 to index
        %swap3A_114 = arith.constant 64 : index
        %swap3A_115 = tpu.vector_load %arg9[%swap3A_113, %swap3A_114] {strides = array<i32>} : memref<200x128xf32, #tpu.memory_space<vmem>>, vector<1x16xf32>,
        %swap3A_116 = vector.shape_cast %swap3A_115 : vector<1x16xf32> to vector<16xf32>
        %swap3A_117 = vector.shape_cast %get3A_112 : vector<16xf32> to vector<1x16xf32>
        tpu.vector_store %arg9[%swap3A_113, %swap3A_114], %swap3A_117 {add = true, strides = array<i32>} : memref<200x128xf32, #tpu.memory_space<vmem>>, vector<1x16xf32>,
        %get3A_118 = arith.index_cast %add3A_74 : i32 to index
        %get3A_119 = arith.constant 80 : index
        %get3A_120 = tpu.vector_load %arg10[%get3A_118, %get3A_119] {strides = array<i32>} : memref<200x128xf32, #tpu.memory_space<vmem>>, vector<1x16xf32>,
        %get3A_121 = vector.shape_cast %get3A_120 : vector<1x16xf32> to vector<16xf32>
        %swap3A_122 = arith.index_cast %add3A_74 : i32 to index
        %swap3A_123 = arith.constant 80 : index
        %swap3A_124 = tpu.vector_load %arg9[%swap3A_122, %swap3A_123] {strides = array<i32>} : memref<200x128xf32, #tpu.memory_space<vmem>>, vector<1x16xf32>,
        %swap3A_125 = vector.shape_cast %swap3A_124 : vector<1x16xf32> to vector<16xf32>
        %swap3A_126 = vector.shape_cast %get3A_121 : vector<16xf32> to vector<1x16xf32>
        tpu.vector_store %arg9[%swap3A_122, %swap3A_123], %swap3A_126 {add = true, strides = array<i32>} : memref<200x128xf32, #tpu.memory_space<vmem>>, vector<1x16xf32>,
        %get3A_127 = arith.index_cast %add3A_74 : i32 to index
        %get3A_128 = arith.constant 96 : index
        %get3A_129 = tpu.vector_load %arg10[%get3A_127, %get3A_128] {strides = array<i32>} : memref<200x128xf32, #tpu.memory_space<vmem>>, vector<1x16xf32>,
        %get3A_130 = vector.shape_cast %get3A_129 : vector<1x16xf32> to vector<16xf32>
        %swap3A_131 = arith.index_cast %add3A_74 : i32 to index
        %swap3A_132 = arith.constant 96 : index
        %swap3A_133 = tpu.vector_load %arg9[%swap3A_131, %swap3A_132] {strides = array<i32>} : memref<200x128xf32, #tpu.memory_space<vmem>>, vector<1x16xf32>,
        %swap3A_134 = vector.shape_cast %swap3A_133 : vector<1x16xf32> to vector<16xf32>
        %swap3A_135 = vector.shape_cast %get3A_130 : vector<16xf32> to vector<1x16xf32>
        tpu.vector_store %arg9[%swap3A_131, %swap3A_132], %swap3A_135 {add = true, strides = array<i32>} : memref<200x128xf32, #tpu.memory_space<vmem>>, vector<1x16xf32>,
        %get3A_136 = arith.index_cast %add3A_74 : i32 to index
        %get3A_137 = arith.constant 112 : index
        %get3A_138 = tpu.vector_load %arg10[%get3A_136, %get3A_137] {strides = array<i32>} : memref<200x128xf32, #tpu.memory_space<vmem>>, vector<1x16xf32>,
        %get3A_139 = vector.shape_cast %get3A_138 : vector<1x16xf32> to vector<16xf32>
        %swap3A_140 = arith.index_cast %add3A_74 : i32 to index
        %swap3A_141 = arith.constant 112 : index
        %swap3A_142 = tpu.vector_load %arg9[%swap3A_140, %swap3A_141] {strides = array<i32>} : memref<200x128xf32, #tpu.memory_space<vmem>>, vector<1x16xf32>,
        %swap3A_143 = vector.shape_cast %swap3A_142 : vector<1x16xf32> to vector<16xf32>
        %swap3A_144 = vector.shape_cast %get3A_139 : vector<16xf32> to vector<1x16xf32>
        tpu.vector_store %arg9[%swap3A_140, %swap3A_141], %swap3A_144 {add = true, strides = array<i32>} : memref<200x128xf32, #tpu.memory_space<vmem>>, vector<1x16xf32>,
      }
      %scan3A_51 = arith.constant 200 : i32
      "tpu.region"() ({
        %run_scoped3A = tpu.sem_alloc : memref<!tpu.dma_semaphore, #tpu.memory_space<semaphore_mem>>
        %dma_start3A_70 = arith.constant 0 : i32
        %dma_start3A_71 = tpu.memref_slice %arg6[%add3A_40, %dma_start3A_70] : memref<160000x128xf32, #tpu.memory_space<hbm>> -> memref<200x128xf32, #tpu.memory_space<hbm>>
        %dma_start3A_72 = arith.constant 0 : i32
        %dma_start3A_73 = tpu.memref_slice %arg6[%add3A_40, %dma_start3A_72] : memref<160000x128xf32, #tpu.memory_space<hbm>> -> memref<200x128xf32, #tpu.memory_space<hbm>>
        tpu.enqueue_dma source(%arg9 : memref<200x128xf32, #tpu.memory_space<vmem>>) target(%dma_start3A_73 : memref<200x128xf32, #tpu.memory_space<hbm>>) target_semaphore(%run_scoped3A : memref<!tpu.dma_semaphore, #tpu.memory_space<semaphore_mem>>)
        %dma_wait3A_74 = arith.constant 0 : i32
        %dma_wait3A_75 = tpu.memref_slice %arg6[%add3A_40, %dma_wait3A_74] : memref<160000x128xf32, #tpu.memory_space<hbm>> -> memref<200x128xf32, #tpu.memory_space<hbm>>
        %dma_wait3A_76 = arith.constant 0 : i32
        %dma_wait3A_77 = tpu.memref_slice %arg6[%add3A_40, %dma_wait3A_76] : memref<160000x128xf32, #tpu.memory_space<hbm>> -> memref<200x128xf32, #tpu.memory_space<hbm>>
        tpu.wait_dma2 semaphore(%run_scoped3A : memref<!tpu.dma_semaphore, #tpu.memory_space<semaphore_mem>>) src(%arg9 : memref<200x128xf32, #tpu.memory_space<vmem>>) dst(%dma_wait3A_77 : memref<200x128xf32, #tpu.memory_space<hbm>>)
        tpu.yield
      }) : () -> ()
      %add3A_52 = arith.constant 400 : i32
      %add3A_53 = arith.addi %add3A_30, %add3A_52 : i32
      %lt3A = arith.constant 5000 : i32
      %lt3A_54 = arith.cmpi slt, %add3A_53, %lt3A : i32
      %convert_element_type3A = arith.extui %lt3A_54 : i1 to i32
      %cond3A = arith.constant 0 : i32
      %cond3A_55 = arith.cmpi ne, %convert_element_type3A, %cond3A : i32
      scf.if %cond3A_55 {
        %add3A_70 = arith.constant 400 : i32
        %add3A_71 = arith.addi %add3A_30, %add3A_70 : i32
        %add3A_72 = arith.addi %mul3A_2, %add3A_71 : i32
        "tpu.region"() ({
          %run_scoped3A = tpu.sem_alloc : memref<!tpu.dma_semaphore, #tpu.memory_space<semaphore_mem>>
          %dma_start3A_79 = tpu.memref_slice %arg4[%add3A_72] : memref<160000xi32, #tpu.memory_space<hbm>> -> memref<200xi32, #tpu.memory_space<hbm>>
          %dma_start3A_80 = tpu.memref_slice %arg4[%add3A_72] : memref<160000xi32, #tpu.memory_space<hbm>> -> memref<200xi32, #tpu.memory_space<hbm>>
          tpu.enqueue_dma source(%dma_start3A_80 : memref<200xi32, #tpu.memory_space<hbm>>) target(%arg7 : memref<200xi32, #tpu.memory_space<vmem>>) target_semaphore(%run_scoped3A : memref<!tpu.dma_semaphore, #tpu.memory_space<semaphore_mem>>)
          %dma_wait3A_81 = tpu.memref_slice %arg4[%add3A_72] : memref<160000xi32, #tpu.memory_space<hbm>> -> memref<200xi32, #tpu.memory_space<hbm>>
          %dma_wait3A_82 = tpu.memref_slice %arg4[%add3A_72] : memref<160000xi32, #tpu.memory_space<hbm>> -> memref<200xi32, #tpu.memory_space<hbm>>
          tpu.wait_dma2 semaphore(%run_scoped3A : memref<!tpu.dma_semaphore, #tpu.memory_space<semaphore_mem>>) src(%dma_wait3A_82 : memref<200xi32, #tpu.memory_space<hbm>>) dst(%arg7 : memref<200xi32, #tpu.memory_space<vmem>>)
          tpu.yield
        }) : () -> ()
        "tpu.region"() ({
          %run_scoped3A = tpu.sem_alloc : memref<!tpu.dma_semaphore, #tpu.memory_space<semaphore_mem>>
          %dma_start3A_79 = tpu.memref_slice %arg5[%add3A_72] : memref<160000xi32, #tpu.memory_space<hbm>> -> memref<200xi32, #tpu.memory_space<hbm>>
          %dma_start3A_80 = tpu.memref_slice %arg5[%add3A_72] : memref<160000xi32, #tpu.memory_space<hbm>> -> memref<200xi32, #tpu.memory_space<hbm>>
          tpu.enqueue_dma source(%dma_start3A_80 : memref<200xi32, #tpu.memory_space<hbm>>) target(%arg8 : memref<200xi32, #tpu.memory_space<vmem>>) target_semaphore(%run_scoped3A : memref<!tpu.dma_semaphore, #tpu.memory_space<semaphore_mem>>)
          %dma_wait3A_81 = tpu.memref_slice %arg5[%add3A_72] : memref<160000xi32, #tpu.memory_space<hbm>> -> memref<200xi32, #tpu.memory_space<hbm>>
          %dma_wait3A_82 = tpu.memref_slice %arg5[%add3A_72] : memref<160000xi32, #tpu.memory_space<hbm>> -> memref<200xi32, #tpu.memory_space<hbm>>
          tpu.wait_dma2 semaphore(%run_scoped3A : memref<!tpu.dma_semaphore, #tpu.memory_space<semaphore_mem>>) src(%dma_wait3A_82 : memref<200xi32, #tpu.memory_space<hbm>>) dst(%arg8 : memref<200xi32, #tpu.memory_space<vmem>>)
          tpu.yield
        }) : () -> ()
        %dma_start3A_73 = arith.constant 0 : i32
        %dma_start3A_74 = arith.constant 0 : i32
        %dma_start3A_75 = tpu.memref_slice %arg2[%dma_start3A_73, %dma_start3A_74] : memref<10000x128xf32, #tpu.memory_space<hbm>> -> memref<10000x128xf32, #tpu.memory_space<hbm>>
        tpu.enqueue_indirect_dma source(%dma_start3A_75 : memref<10000x128xf32, #tpu.memory_space<hbm>>) target(%arg9 : memref<200x128xf32, #tpu.memory_space<vmem>>) offsets(%arg7 : memref<200xi32, #tpu.memory_space<vmem>>) semaphore(%arg15 : memref<!tpu.dma_semaphore, #tpu.memory_space<semaphore_mem>>)
        %dma_start3A_76 = arith.constant 0 : i32
        %dma_start3A_77 = arith.constant 0 : i32
        %dma_start3A_78 = tpu.memref_slice %arg3[%dma_start3A_76, %dma_start3A_77] : memref<10000x128xf32, #tpu.memory_space<hbm>> -> memref<10000x128xf32, #tpu.memory_space<hbm>>
        tpu.enqueue_indirect_dma source(%dma_start3A_78 : memref<10000x128xf32, #tpu.memory_space<hbm>>) target(%arg10 : memref<200x128xf32, #tpu.memory_space<vmem>>) offsets(%arg8 : memref<200xi32, #tpu.memory_space<vmem>>) semaphore(%arg16 : memref<!tpu.dma_semaphore, #tpu.memory_space<semaphore_mem>>)
      } else {
      }
      %add3A_56 = arith.constant 200 : i32
      %add3A_57 = arith.addi %add3A_30, %add3A_56 : i32
      %add3A_58 = arith.addi %mul3A_2, %add3A_57 : i32
      %dma_wait3A_59 = arith.constant 0 : i32
      %dma_wait3A_60 = arith.constant 0 : i32
      %dma_wait3A_61 = tpu.memref_slice %arg2[%dma_wait3A_59, %dma_wait3A_60] : memref<10000x128xf32, #tpu.memory_space<hbm>> -> memref<10000x128xf32, #tpu.memory_space<hbm>>
      tpu.wait_indirect_dma semaphore(%arg17 : memref<!tpu.dma_semaphore, #tpu.memory_space<semaphore_mem>>) src(%dma_wait3A_61 : memref<10000x128xf32, #tpu.memory_space<hbm>>) dst(%arg13 : memref<200x128xf32, #tpu.memory_space<vmem>>)
      %dma_wait3A_62 = arith.constant 0 : i32
      %dma_wait3A_63 = arith.constant 0 : i32
      %dma_wait3A_64 = tpu.memref_slice %arg3[%dma_wait3A_62, %dma_wait3A_63] : memref<10000x128xf32, #tpu.memory_space<hbm>> -> memref<10000x128xf32, #tpu.memory_space<hbm>>
      tpu.wait_indirect_dma semaphore(%arg18 : memref<!tpu.dma_semaphore, #tpu.memory_space<semaphore_mem>>) src(%dma_wait3A_64 : memref<10000x128xf32, #tpu.memory_space<hbm>>) dst(%arg14 : memref<200x128xf32, #tpu.memory_space<vmem>>)
      %scan3A_65 = arith.constant 0 : i32
      %scan3A_66 = arith.constant 200 : i32
      %scan3A_67 = arith.addi %scan3A_65, %scan3A_66 : i32
      %scan3A_68 = arith.constant 1 : i32
      scf.for %scan3A_70 = %scan3A_65 to %scan3A_67 step %scan3A_68  : i32 {
        %mul3A_71 = arith.constant 1 : i32
        %mul3A_72 = arith.muli %scan3A_70, %mul3A_71 : i32
        %add3A_73 = arith.constant 0 : i32
        %add3A_74 = arith.addi %add3A_73, %mul3A_72 : i32
        %get3A = arith.index_cast %add3A_74 : i32 to index
        %get3A_75 = arith.constant 0 : index
        %get3A_76 = tpu.vector_load %arg14[%get3A, %get3A_75] {strides = array<i32>} : memref<200x128xf32, #tpu.memory_space<vmem>>, vector<1x16xf32>,
        %get3A_77 = vector.shape_cast %get3A_76 : vector<1x16xf32> to vector<16xf32>
        %swap3A = arith.index_cast %add3A_74 : i32 to index
        %swap3A_78 = arith.constant 0 : index
        %swap3A_79 = tpu.vector_load %arg13[%swap3A, %swap3A_78] {strides = array<i32>} : memref<200x128xf32, #tpu.memory_space<vmem>>, vector<1x16xf32>,
        %swap3A_80 = vector.shape_cast %swap3A_79 : vector<1x16xf32> to vector<16xf32>
        %swap3A_81 = vector.shape_cast %get3A_77 : vector<16xf32> to vector<1x16xf32>
        tpu.vector_store %arg13[%swap3A, %swap3A_78], %swap3A_81 {add = true, strides = array<i32>} : memref<200x128xf32, #tpu.memory_space<vmem>>, vector<1x16xf32>,
        %get3A_82 = arith.index_cast %add3A_74 : i32 to index
        %get3A_83 = arith.constant 16 : index
        %get3A_84 = tpu.vector_load %arg14[%get3A_82, %get3A_83] {strides = array<i32>} : memref<200x128xf32, #tpu.memory_space<vmem>>, vector<1x16xf32>,
        %get3A_85 = vector.shape_cast %get3A_84 : vector<1x16xf32> to vector<16xf32>
        %swap3A_86 = arith.index_cast %add3A_74 : i32 to index
        %swap3A_87 = arith.constant 16 : index
        %swap3A_88 = tpu.vector_load %arg13[%swap3A_86, %swap3A_87] {strides = array<i32>} : memref<200x128xf32, #tpu.memory_space<vmem>>, vector<1x16xf32>,
        %swap3A_89 = vector.shape_cast %swap3A_88 : vector<1x16xf32> to vector<16xf32>
        %swap3A_90 = vector.shape_cast %get3A_85 : vector<16xf32> to vector<1x16xf32>
        tpu.vector_store %arg13[%swap3A_86, %swap3A_87], %swap3A_90 {add = true, strides = array<i32>} : memref<200x128xf32, #tpu.memory_space<vmem>>, vector<1x16xf32>,
        %get3A_91 = arith.index_cast %add3A_74 : i32 to index
        %get3A_92 = arith.constant 32 : index
        %get3A_93 = tpu.vector_load %arg14[%get3A_91, %get3A_92] {strides = array<i32>} : memref<200x128xf32, #tpu.memory_space<vmem>>, vector<1x16xf32>,
        %get3A_94 = vector.shape_cast %get3A_93 : vector<1x16xf32> to vector<16xf32>
        %swap3A_95 = arith.index_cast %add3A_74 : i32 to index
        %swap3A_96 = arith.constant 32 : index
        %swap3A_97 = tpu.vector_load %arg13[%swap3A_95, %swap3A_96] {strides = array<i32>} : memref<200x128xf32, #tpu.memory_space<vmem>>, vector<1x16xf32>,
        %swap3A_98 = vector.shape_cast %swap3A_97 : vector<1x16xf32> to vector<16xf32>
        %swap3A_99 = vector.shape_cast %get3A_94 : vector<16xf32> to vector<1x16xf32>
        tpu.vector_store %arg13[%swap3A_95, %swap3A_96], %swap3A_99 {add = true, strides = array<i32>} : memref<200x128xf32, #tpu.memory_space<vmem>>, vector<1x16xf32>,
        %get3A_100 = arith.index_cast %add3A_74 : i32 to index
        %get3A_101 = arith.constant 48 : index
        %get3A_102 = tpu.vector_load %arg14[%get3A_100, %get3A_101] {strides = array<i32>} : memref<200x128xf32, #tpu.memory_space<vmem>>, vector<1x16xf32>,
        %get3A_103 = vector.shape_cast %get3A_102 : vector<1x16xf32> to vector<16xf32>
        %swap3A_104 = arith.index_cast %add3A_74 : i32 to index
        %swap3A_105 = arith.constant 48 : index
        %swap3A_106 = tpu.vector_load %arg13[%swap3A_104, %swap3A_105] {strides = array<i32>} : memref<200x128xf32, #tpu.memory_space<vmem>>, vector<1x16xf32>,
        %swap3A_107 = vector.shape_cast %swap3A_106 : vector<1x16xf32> to vector<16xf32>
        %swap3A_108 = vector.shape_cast %get3A_103 : vector<16xf32> to vector<1x16xf32>
        tpu.vector_store %arg13[%swap3A_104, %swap3A_105], %swap3A_108 {add = true, strides = array<i32>} : memref<200x128xf32, #tpu.memory_space<vmem>>, vector<1x16xf32>,
        %get3A_109 = arith.index_cast %add3A_74 : i32 to index
        %get3A_110 = arith.constant 64 : index
        %get3A_111 = tpu.vector_load %arg14[%get3A_109, %get3A_110] {strides = array<i32>} : memref<200x128xf32, #tpu.memory_space<vmem>>, vector<1x16xf32>,
        %get3A_112 = vector.shape_cast %get3A_111 : vector<1x16xf32> to vector<16xf32>
        %swap3A_113 = arith.index_cast %add3A_74 : i32 to index
        %swap3A_114 = arith.constant 64 : index
        %swap3A_115 = tpu.vector_load %arg13[%swap3A_113, %swap3A_114] {strides = array<i32>} : memref<200x128xf32, #tpu.memory_space<vmem>>, vector<1x16xf32>,
        %swap3A_116 = vector.shape_cast %swap3A_115 : vector<1x16xf32> to vector<16xf32>
        %swap3A_117 = vector.shape_cast %get3A_112 : vector<16xf32> to vector<1x16xf32>
        tpu.vector_store %arg13[%swap3A_113, %swap3A_114], %swap3A_117 {add = true, strides = array<i32>} : memref<200x128xf32, #tpu.memory_space<vmem>>, vector<1x16xf32>,
        %get3A_118 = arith.index_cast %add3A_74 : i32 to index
        %get3A_119 = arith.constant 80 : index
        %get3A_120 = tpu.vector_load %arg14[%get3A_118, %get3A_119] {strides = array<i32>} : memref<200x128xf32, #tpu.memory_space<vmem>>, vector<1x16xf32>,
        %get3A_121 = vector.shape_cast %get3A_120 : vector<1x16xf32> to vector<16xf32>
        %swap3A_122 = arith.index_cast %add3A_74 : i32 to index
        %swap3A_123 = arith.constant 80 : index
        %swap3A_124 = tpu.vector_load %arg13[%swap3A_122, %swap3A_123] {strides = array<i32>} : memref<200x128xf32, #tpu.memory_space<vmem>>, vector<1x16xf32>,
        %swap3A_125 = vector.shape_cast %swap3A_124 : vector<1x16xf32> to vector<16xf32>
        %swap3A_126 = vector.shape_cast %get3A_121 : vector<16xf32> to vector<1x16xf32>
        tpu.vector_store %arg13[%swap3A_122, %swap3A_123], %swap3A_126 {add = true, strides = array<i32>} : memref<200x128xf32, #tpu.memory_space<vmem>>, vector<1x16xf32>,
        %get3A_127 = arith.index_cast %add3A_74 : i32 to index
        %get3A_128 = arith.constant 96 : index
        %get3A_129 = tpu.vector_load %arg14[%get3A_127, %get3A_128] {strides = array<i32>} : memref<200x128xf32, #tpu.memory_space<vmem>>, vector<1x16xf32>,
        %get3A_130 = vector.shape_cast %get3A_129 : vector<1x16xf32> to vector<16xf32>
        %swap3A_131 = arith.index_cast %add3A_74 : i32 to index
        %swap3A_132 = arith.constant 96 : index
        %swap3A_133 = tpu.vector_load %arg13[%swap3A_131, %swap3A_132] {strides = array<i32>} : memref<200x128xf32, #tpu.memory_space<vmem>>, vector<1x16xf32>,
        %swap3A_134 = vector.shape_cast %swap3A_133 : vector<1x16xf32> to vector<16xf32>
        %swap3A_135 = vector.shape_cast %get3A_130 : vector<16xf32> to vector<1x16xf32>
        tpu.vector_store %arg13[%swap3A_131, %swap3A_132], %swap3A_135 {add = true, strides = array<i32>} : memref<200x128xf32, #tpu.memory_space<vmem>>, vector<1x16xf32>,
        %get3A_136 = arith.index_cast %add3A_74 : i32 to index
        %get3A_137 = arith.constant 112 : index
        %get3A_138 = tpu.vector_load %arg14[%get3A_136, %get3A_137] {strides = array<i32>} : memref<200x128xf32, #tpu.memory_space<vmem>>, vector<1x16xf32>,
        %get3A_139 = vector.shape_cast %get3A_138 : vector<1x16xf32> to vector<16xf32>
        %swap3A_140 = arith.index_cast %add3A_74 : i32 to index
        %swap3A_141 = arith.constant 112 : index
        %swap3A_142 = tpu.vector_load %arg13[%swap3A_140, %swap3A_141] {strides = array<i32>} : memref<200x128xf32, #tpu.memory_space<vmem>>, vector<1x16xf32>,
        %swap3A_143 = vector.shape_cast %swap3A_142 : vector<1x16xf32> to vector<16xf32>
        %swap3A_144 = vector.shape_cast %get3A_139 : vector<16xf32> to vector<1x16xf32>
        tpu.vector_store %arg13[%swap3A_140, %swap3A_141], %swap3A_144 {add = true, strides = array<i32>} : memref<200x128xf32, #tpu.memory_space<vmem>>, vector<1x16xf32>,
      }
      %scan3A_69 = arith.constant 200 : i32
      "tpu.region"() ({
        %run_scoped3A = tpu.sem_alloc : memref<!tpu.dma_semaphore, #tpu.memory_space<semaphore_mem>>
        %dma_start3A_70 = arith.constant 0 : i32
        %dma_start3A_71 = tpu.memref_slice %arg6[%add3A_58, %dma_start3A_70] : memref<160000x128xf32, #tpu.memory_space<hbm>> -> memref<200x128xf32, #tpu.memory_space<hbm>>
        %dma_start3A_72 = arith.constant 0 : i32
        %dma_start3A_73 = tpu.memref_slice %arg6[%add3A_58, %dma_start3A_72] : memref<160000x128xf32, #tpu.memory_space<hbm>> -> memref<200x128xf32, #tpu.memory_space<hbm>>
        tpu.enqueue_dma source(%arg13 : memref<200x128xf32, #tpu.memory_space<vmem>>) target(%dma_start3A_73 : memref<200x128xf32, #tpu.memory_space<hbm>>) target_semaphore(%run_scoped3A : memref<!tpu.dma_semaphore, #tpu.memory_space<semaphore_mem>>)
        %dma_wait3A_74 = arith.constant 0 : i32
        %dma_wait3A_75 = tpu.memref_slice %arg6[%add3A_58, %dma_wait3A_74] : memref<160000x128xf32, #tpu.memory_space<hbm>> -> memref<200x128xf32, #tpu.memory_space<hbm>>
        %dma_wait3A_76 = arith.constant 0 : i32
        %dma_wait3A_77 = tpu.memref_slice %arg6[%add3A_58, %dma_wait3A_76] : memref<160000x128xf32, #tpu.memory_space<hbm>> -> memref<200x128xf32, #tpu.memory_space<hbm>>
        tpu.wait_dma2 semaphore(%run_scoped3A : memref<!tpu.dma_semaphore, #tpu.memory_space<semaphore_mem>>) src(%arg13 : memref<200x128xf32, #tpu.memory_space<vmem>>) dst(%dma_wait3A_77 : memref<200x128xf32, #tpu.memory_space<hbm>>)
        tpu.yield
      }) : () -> ()
    }
    %scan3A_13 = arith.constant 12 : i32
    %add3A_14 = arith.constant 4800 : i32
    %add3A_15 = arith.addi %mul3A_2, %add3A_14 : i32
    %dma_wait3A = arith.constant 0 : i32
    %dma_wait3A_16 = arith.constant 0 : i32
    %dma_wait3A_17 = tpu.memref_slice %arg2[%dma_wait3A, %dma_wait3A_16] : memref<10000x128xf32, #tpu.memory_space<hbm>> -> memref<10000x128xf32, #tpu.memory_space<hbm>>
    tpu.wait_indirect_dma semaphore(%arg15 : memref<!tpu.dma_semaphore, #tpu.memory_space<semaphore_mem>>) src(%dma_wait3A_17 : memref<10000x128xf32, #tpu.memory_space<hbm>>) dst(%arg9 : memref<200x128xf32, #tpu.memory_space<vmem>>)
    %dma_wait3A_18 = arith.constant 0 : i32
    %dma_wait3A_19 = arith.constant 0 : i32
    %dma_wait3A_20 = tpu.memref_slice %arg3[%dma_wait3A_18, %dma_wait3A_19] : memref<10000x128xf32, #tpu.memory_space<hbm>> -> memref<10000x128xf32, #tpu.memory_space<hbm>>
    tpu.wait_indirect_dma semaphore(%arg16 : memref<!tpu.dma_semaphore, #tpu.memory_space<semaphore_mem>>) src(%dma_wait3A_20 : memref<10000x128xf32, #tpu.memory_space<hbm>>) dst(%arg10 : memref<200x128xf32, #tpu.memory_space<vmem>>)
    %scan3A_21 = arith.constant 0 : i32
    %scan3A_22 = arith.constant 200 : i32
    %scan3A_23 = arith.addi %scan3A_21, %scan3A_22 : i32
    %scan3A_24 = arith.constant 1 : i32
    scf.for %scan3A_26 = %scan3A_21 to %scan3A_23 step %scan3A_24  : i32 {
      %mul3A_27 = arith.constant 1 : i32
      %mul3A_28 = arith.muli %scan3A_26, %mul3A_27 : i32
      %add3A_29 = arith.constant 0 : i32
      %add3A_30 = arith.addi %add3A_29, %mul3A_28 : i32
      %get3A = arith.index_cast %add3A_30 : i32 to index
      %get3A_31 = arith.constant 0 : index
      %get3A_32 = tpu.vector_load %arg10[%get3A, %get3A_31] {strides = array<i32>} : memref<200x128xf32, #tpu.memory_space<vmem>>, vector<1x16xf32>,
      %get3A_33 = vector.shape_cast %get3A_32 : vector<1x16xf32> to vector<16xf32>
      %swap3A = arith.index_cast %add3A_30 : i32 to index
      %swap3A_34 = arith.constant 0 : index
      %swap3A_35 = tpu.vector_load %arg9[%swap3A, %swap3A_34] {strides = array<i32>} : memref<200x128xf32, #tpu.memory_space<vmem>>, vector<1x16xf32>,
      %swap3A_36 = vector.shape_cast %swap3A_35 : vector<1x16xf32> to vector<16xf32>
      %swap3A_37 = vector.shape_cast %get3A_33 : vector<16xf32> to vector<1x16xf32>
      tpu.vector_store %arg9[%swap3A, %swap3A_34], %swap3A_37 {add = true, strides = array<i32>} : memref<200x128xf32, #tpu.memory_space<vmem>>, vector<1x16xf32>,
      %get3A_38 = arith.index_cast %add3A_30 : i32 to index
      %get3A_39 = arith.constant 16 : index
      %get3A_40 = tpu.vector_load %arg10[%get3A_38, %get3A_39] {strides = array<i32>} : memref<200x128xf32, #tpu.memory_space<vmem>>, vector<1x16xf32>,
      %get3A_41 = vector.shape_cast %get3A_40 : vector<1x16xf32> to vector<16xf32>
      %swap3A_42 = arith.index_cast %add3A_30 : i32 to index
      %swap3A_43 = arith.constant 16 : index
      %swap3A_44 = tpu.vector_load %arg9[%swap3A_42, %swap3A_43] {strides = array<i32>} : memref<200x128xf32, #tpu.memory_space<vmem>>, vector<1x16xf32>,
      %swap3A_45 = vector.shape_cast %swap3A_44 : vector<1x16xf32> to vector<16xf32>
      %swap3A_46 = vector.shape_cast %get3A_41 : vector<16xf32> to vector<1x16xf32>
      tpu.vector_store %arg9[%swap3A_42, %swap3A_43], %swap3A_46 {add = true, strides = array<i32>} : memref<200x128xf32, #tpu.memory_space<vmem>>, vector<1x16xf32>,
      %get3A_47 = arith.index_cast %add3A_30 : i32 to index
      %get3A_48 = arith.constant 32 : index
      %get3A_49 = tpu.vector_load %arg10[%get3A_47, %get3A_48] {strides = array<i32>} : memref<200x128xf32, #tpu.memory_space<vmem>>, vector<1x16xf32>,
      %get3A_50 = vector.shape_cast %get3A_49 : vector<1x16xf32> to vector<16xf32>
      %swap3A_51 = arith.index_cast %add3A_30 : i32 to index
      %swap3A_52 = arith.constant 32 : index
      %swap3A_53 = tpu.vector_load %arg9[%swap3A_51, %swap3A_52] {strides = array<i32>} : memref<200x128xf32, #tpu.memory_space<vmem>>, vector<1x16xf32>,
      %swap3A_54 = vector.shape_cast %swap3A_53 : vector<1x16xf32> to vector<16xf32>
      %swap3A_55 = vector.shape_cast %get3A_50 : vector<16xf32> to vector<1x16xf32>
      tpu.vector_store %arg9[%swap3A_51, %swap3A_52], %swap3A_55 {add = true, strides = array<i32>} : memref<200x128xf32, #tpu.memory_space<vmem>>, vector<1x16xf32>,
      %get3A_56 = arith.index_cast %add3A_30 : i32 to index
      %get3A_57 = arith.constant 48 : index
      %get3A_58 = tpu.vector_load %arg10[%get3A_56, %get3A_57] {strides = array<i32>} : memref<200x128xf32, #tpu.memory_space<vmem>>, vector<1x16xf32>,
      %get3A_59 = vector.shape_cast %get3A_58 : vector<1x16xf32> to vector<16xf32>
      %swap3A_60 = arith.index_cast %add3A_30 : i32 to index
      %swap3A_61 = arith.constant 48 : index
      %swap3A_62 = tpu.vector_load %arg9[%swap3A_60, %swap3A_61] {strides = array<i32>} : memref<200x128xf32, #tpu.memory_space<vmem>>, vector<1x16xf32>,
      %swap3A_63 = vector.shape_cast %swap3A_62 : vector<1x16xf32> to vector<16xf32>
      %swap3A_64 = vector.shape_cast %get3A_59 : vector<16xf32> to vector<1x16xf32>
      tpu.vector_store %arg9[%swap3A_60, %swap3A_61], %swap3A_64 {add = true, strides = array<i32>} : memref<200x128xf32, #tpu.memory_space<vmem>>, vector<1x16xf32>,
      %get3A_65 = arith.index_cast %add3A_30 : i32 to index
      %get3A_66 = arith.constant 64 : index
      %get3A_67 = tpu.vector_load %arg10[%get3A_65, %get3A_66] {strides = array<i32>} : memref<200x128xf32, #tpu.memory_space<vmem>>, vector<1x16xf32>,
      %get3A_68 = vector.shape_cast %get3A_67 : vector<1x16xf32> to vector<16xf32>
      %swap3A_69 = arith.index_cast %add3A_30 : i32 to index
      %swap3A_70 = arith.constant 64 : index
      %swap3A_71 = tpu.vector_load %arg9[%swap3A_69, %swap3A_70] {strides = array<i32>} : memref<200x128xf32, #tpu.memory_space<vmem>>, vector<1x16xf32>,
      %swap3A_72 = vector.shape_cast %swap3A_71 : vector<1x16xf32> to vector<16xf32>
      %swap3A_73 = vector.shape_cast %get3A_68 : vector<16xf32> to vector<1x16xf32>
      tpu.vector_store %arg9[%swap3A_69, %swap3A_70], %swap3A_73 {add = true, strides = array<i32>} : memref<200x128xf32, #tpu.memory_space<vmem>>, vector<1x16xf32>,
      %get3A_74 = arith.index_cast %add3A_30 : i32 to index
      %get3A_75 = arith.constant 80 : index
      %get3A_76 = tpu.vector_load %arg10[%get3A_74, %get3A_75] {strides = array<i32>} : memref<200x128xf32, #tpu.memory_space<vmem>>, vector<1x16xf32>,
      %get3A_77 = vector.shape_cast %get3A_76 : vector<1x16xf32> to vector<16xf32>
      %swap3A_78 = arith.index_cast %add3A_30 : i32 to index
      %swap3A_79 = arith.constant 80 : index
      %swap3A_80 = tpu.vector_load %arg9[%swap3A_78, %swap3A_79] {strides = array<i32>} : memref<200x128xf32, #tpu.memory_space<vmem>>, vector<1x16xf32>,
      %swap3A_81 = vector.shape_cast %swap3A_80 : vector<1x16xf32> to vector<16xf32>
      %swap3A_82 = vector.shape_cast %get3A_77 : vector<16xf32> to vector<1x16xf32>
      tpu.vector_store %arg9[%swap3A_78, %swap3A_79], %swap3A_82 {add = true, strides = array<i32>} : memref<200x128xf32, #tpu.memory_space<vmem>>, vector<1x16xf32>,
      %get3A_83 = arith.index_cast %add3A_30 : i32 to index
      %get3A_84 = arith.constant 96 : index
      %get3A_85 = tpu.vector_load %arg10[%get3A_83, %get3A_84] {strides = array<i32>} : memref<200x128xf32, #tpu.memory_space<vmem>>, vector<1x16xf32>,
      %get3A_86 = vector.shape_cast %get3A_85 : vector<1x16xf32> to vector<16xf32>
      %swap3A_87 = arith.index_cast %add3A_30 : i32 to index
      %swap3A_88 = arith.constant 96 : index
      %swap3A_89 = tpu.vector_load %arg9[%swap3A_87, %swap3A_88] {strides = array<i32>} : memref<200x128xf32, #tpu.memory_space<vmem>>, vector<1x16xf32>,
      %swap3A_90 = vector.shape_cast %swap3A_89 : vector<1x16xf32> to vector<16xf32>
      %swap3A_91 = vector.shape_cast %get3A_86 : vector<16xf32> to vector<1x16xf32>
      tpu.vector_store %arg9[%swap3A_87, %swap3A_88], %swap3A_91 {add = true, strides = array<i32>} : memref<200x128xf32, #tpu.memory_space<vmem>>, vector<1x16xf32>,
      %get3A_92 = arith.index_cast %add3A_30 : i32 to index
      %get3A_93 = arith.constant 112 : index
      %get3A_94 = tpu.vector_load %arg10[%get3A_92, %get3A_93] {strides = array<i32>} : memref<200x128xf32, #tpu.memory_space<vmem>>, vector<1x16xf32>,
      %get3A_95 = vector.shape_cast %get3A_94 : vector<1x16xf32> to vector<16xf32>
      %swap3A_96 = arith.index_cast %add3A_30 : i32 to index
      %swap3A_97 = arith.constant 112 : index
      %swap3A_98 = tpu.vector_load %arg9[%swap3A_96, %swap3A_97] {strides = array<i32>} : memref<200x128xf32, #tpu.memory_space<vmem>>, vector<1x16xf32>,
      %swap3A_99 = vector.shape_cast %swap3A_98 : vector<1x16xf32> to vector<16xf32>
      %swap3A_100 = vector.shape_cast %get3A_95 : vector<16xf32> to vector<1x16xf32>
      tpu.vector_store %arg9[%swap3A_96, %swap3A_97], %swap3A_100 {add = true, strides = array<i32>} : memref<200x128xf32, #tpu.memory_space<vmem>>, vector<1x16xf32>,
    }
    %scan3A_25 = arith.constant 200 : i32
    "tpu.region"() ({
      %run_scoped3A = tpu.sem_alloc : memref<!tpu.dma_semaphore, #tpu.memory_space<semaphore_mem>>
      %dma_start3A_26 = arith.constant 0 : i32
      %dma_start3A_27 = tpu.memref_slice %arg6[%add3A_15, %dma_start3A_26] : memref<160000x128xf32, #tpu.memory_space<hbm>> -> memref<200x128xf32, #tpu.memory_space<hbm>>
      %dma_start3A_28 = arith.constant 0 : i32
      %dma_start3A_29 = tpu.memref_slice %arg6[%add3A_15, %dma_start3A_28] : memref<160000x128xf32, #tpu.memory_space<hbm>> -> memref<200x128xf32, #tpu.memory_space<hbm>>
      tpu.enqueue_dma source(%arg9 : memref<200x128xf32, #tpu.memory_space<vmem>>) target(%dma_start3A_29 : memref<200x128xf32, #tpu.memory_space<hbm>>) target_semaphore(%run_scoped3A : memref<!tpu.dma_semaphore, #tpu.memory_space<semaphore_mem>>)
      %dma_wait3A_30 = arith.constant 0 : i32
      %dma_wait3A_31 = tpu.memref_slice %arg6[%add3A_15, %dma_wait3A_30] : memref<160000x128xf32, #tpu.memory_space<hbm>> -> memref<200x128xf32, #tpu.memory_space<hbm>>
      %dma_wait3A_32 = arith.constant 0 : i32
      %dma_wait3A_33 = tpu.memref_slice %arg6[%add3A_15, %dma_wait3A_32] : memref<160000x128xf32, #tpu.memory_space<hbm>> -> memref<200x128xf32, #tpu.memory_space<hbm>>
      tpu.wait_dma2 semaphore(%run_scoped3A : memref<!tpu.dma_semaphore, #tpu.memory_space<semaphore_mem>>) src(%arg9 : memref<200x128xf32, #tpu.memory_space<vmem>>) dst(%dma_wait3A_33 : memref<200x128xf32, #tpu.memory_space<hbm>>)
      tpu.yield
    }) : () -> ()
    return
  }
}

#map = affine_map<(d0, d1) -> (0, 0)>
#map1 = affine_map<(d0, d1) -> (0)>
module attributes {stable_mosaic.version = 14 : i64} {
  func.func @k(%arg0: i32, %arg1: i32, %arg2: memref<10000x128xf32, #tpu.memory_space<hbm>>, %arg3: memref<10000x128xf32, #tpu.memory_space<hbm>>, %arg4: memref<160000xi32, #tpu.memory_space<hbm>>, %arg5: memref<160000xi32, #tpu.memory_space<hbm>>, %arg6: memref<160000x128xf32, #tpu.memory_space<hbm>>, %arg7: memref<200xi32, #tpu.memory_space<vmem>>, %arg8: memref<200xi32, #tpu.memory_space<vmem>>, %arg9: memref<200x128xf32, #tpu.memory_space<vmem>>, %arg10: memref<200x128xf32, #tpu.memory_space<vmem>>, %arg11: memref<200xi32, #tpu.memory_space<vmem>>, %arg12: memref<200xi32, #tpu.memory_space<vmem>>, %arg13: memref<200x128xf32, #tpu.memory_space<vmem>>, %arg14: memref<200x128xf32, #tpu.memory_space<vmem>>, %arg15: memref<!tpu.dma_semaphore, #tpu.memory_space<semaphore_mem>>, %arg16: memref<!tpu.dma_semaphore, #tpu.memory_space<semaphore_mem>>, %arg17: memref<!tpu.dma_semaphore, #tpu.memory_space<semaphore_mem>>, %arg18: memref<!tpu.dma_semaphore, #tpu.memory_space<semaphore_mem>>) attributes {dimension_semantics = [#tpu.dimension_semantics<core_parallel>, #tpu.dimension_semantics<subcore_parallel>], iteration_bounds = array<i64: 2, 16>, scalar_prefetch = 0 : i64, scratch_operands = 12 : i64, tpu.core_type = #tpu.core_type<sc_vector_subcore>, window_params = [{transform_indices = #map}, {transform_indices = #map}, {transform_indices = #map1}, {transform_indices = #map1}, {transform_indices = #map}]} {
    %mul3A = arith.constant 2 : i32
    %mul3A_0 = arith.muli %arg1, %mul3A : i32
    %add3A = arith.addi %mul3A_0, %arg0 : i32
    %mul3A_1 = arith.constant 5000 : i32
    %mul3A_2 = arith.muli %add3A, %mul3A_1 : i32
    %add3A_3 = arith.constant 0 : i32
    %add3A_4 = arith.addi %mul3A_2, %add3A_3 : i32
    "tpu.region"() ({
      %run_scoped3A = tpu.sem_alloc : memref<!tpu.dma_semaphore, #tpu.memory_space<semaphore_mem>>
      %dma_start3A_26 = tpu.memref_slice %arg4[%add3A_4] : memref<160000xi32, #tpu.memory_space<hbm>> -> memref<200xi32, #tpu.memory_space<hbm>>
      %dma_start3A_27 = tpu.memref_slice %arg4[%add3A_4] : memref<160000xi32, #tpu.memory_space<hbm>> -> memref<200xi32, #tpu.memory_space<hbm>>
      tpu.enqueue_dma source(%dma_start3A_27 : memref<200xi32, #tpu.memory_space<hbm>>) target(%arg7 : memref<200xi32, #tpu.memory_space<vmem>>) target_semaphore(%run_scoped3A : memref<!tpu.dma_semaphore, #tpu.memory_space<semaphore_mem>>)
      %dma_wait3A_28 = tpu.memref_slice %arg4[%add3A_4] : memref<160000xi32, #tpu.memory_space<hbm>> -> memref<200xi32, #tpu.memory_space<hbm>>
      %dma_wait3A_29 = tpu.memref_slice %arg4[%add3A_4] : memref<160000xi32, #tpu.memory_space<hbm>> -> memref<200xi32, #tpu.memory_space<hbm>>
      tpu.wait_dma2 semaphore(%run_scoped3A : memref<!tpu.dma_semaphore, #tpu.memory_space<semaphore_mem>>) src(%dma_wait3A_29 : memref<200xi32, #tpu.memory_space<hbm>>) dst(%arg7 : memref<200xi32, #tpu.memory_space<vmem>>)
      tpu.yield
    }) : () -> ()
    "tpu.region"() ({
      %run_scoped3A = tpu.sem_alloc : memref<!tpu.dma_semaphore, #tpu.memory_space<semaphore_mem>>
      %dma_start3A_26 = tpu.memref_slice %arg5[%add3A_4] : memref<160000xi32, #tpu.memory_space<hbm>> -> memref<200xi32, #tpu.memory_space<hbm>>
      %dma_start3A_27 = tpu.memref_slice %arg5[%add3A_4] : memref<160000xi32, #tpu.memory_space<hbm>> -> memref<200xi32, #tpu.memory_space<hbm>>
      tpu.enqueue_dma source(%dma_start3A_27 : memref<200xi32, #tpu.memory_space<hbm>>) target(%arg8 : memref<200xi32, #tpu.memory_space<vmem>>) target_semaphore(%run_scoped3A : memref<!tpu.dma_semaphore, #tpu.memory_space<semaphore_mem>>)
      %dma_wait3A_28 = tpu.memref_slice %arg5[%add3A_4] : memref<160000xi32, #tpu.memory_space<hbm>> -> memref<200xi32, #tpu.memory_space<hbm>>
      %dma_wait3A_29 = tpu.memref_slice %arg5[%add3A_4] : memref<160000xi32, #tpu.memory_space<hbm>> -> memref<200xi32, #tpu.memory_space<hbm>>
      tpu.wait_dma2 semaphore(%run_scoped3A : memref<!tpu.dma_semaphore, #tpu.memory_space<semaphore_mem>>) src(%dma_wait3A_29 : memref<200xi32, #tpu.memory_space<hbm>>) dst(%arg8 : memref<200xi32, #tpu.memory_space<vmem>>)
      tpu.yield
    }) : () -> ()
    %dma_start3A = arith.constant 0 : i32
    %dma_start3A_5 = arith.constant 0 : i32
    %dma_start3A_6 = tpu.memref_slice %arg2[%dma_start3A, %dma_start3A_5] : memref<10000x128xf32, #tpu.memory_space<hbm>> -> memref<10000x128xf32, #tpu.memory_space<hbm>>
    tpu.enqueue_indirect_dma source(%dma_start3A_6 : memref<10000x128xf32, #tpu.memory_space<hbm>>) target(%arg9 : memref<200x128xf32, #tpu.memory_space<vmem>>) offsets(%arg7 : memref<200xi32, #tpu.memory_space<vmem>>) semaphore(%arg15 : memref<!tpu.dma_semaphore, #tpu.memory_space<semaphore_mem>>)
    %dma_start3A_7 = arith.constant 0 : i32
    %dma_start3A_8 = arith.constant 0 : i32
    %dma_start3A_9 = tpu.memref_slice %arg3[%dma_start3A_7, %dma_start3A_8] : memref<10000x128xf32, #tpu.memory_space<hbm>> -> memref<10000x128xf32, #tpu.memory_space<hbm>>
    tpu.enqueue_indirect_dma source(%dma_start3A_9 : memref<10000x128xf32, #tpu.memory_space<hbm>>) target(%arg10 : memref<200x128xf32, #tpu.memory_space<vmem>>) offsets(%arg8 : memref<200xi32, #tpu.memory_space<vmem>>) semaphore(%arg16 : memref<!tpu.dma_semaphore, #tpu.memory_space<semaphore_mem>>)
    %scan3A = arith.constant 0 : i32
    %scan3A_10 = arith.constant 12 : i32
    %scan3A_11 = arith.addi %scan3A, %scan3A_10 : i32
    %scan3A_12 = arith.constant 1 : i32
    scf.for %scan3A_26 = %scan3A to %scan3A_11 step %scan3A_12  : i32 {
      %mul3A_27 = arith.constant 400 : i32
      %mul3A_28 = arith.muli %scan3A_26, %mul3A_27 : i32
      %add3A_29 = arith.constant 0 : i32
      %add3A_30 = arith.addi %add3A_29, %mul3A_28 : i32
      %add3A_31 = arith.constant 200 : i32
      %add3A_32 = arith.addi %add3A_30, %add3A_31 : i32
      %add3A_33 = arith.addi %mul3A_2, %add3A_32 : i32
      "tpu.region"() ({
        %run_scoped3A = tpu.sem_alloc : memref<!tpu.dma_semaphore, #tpu.memory_space<semaphore_mem>>
        %dma_start3A_70 = tpu.memref_slice %arg4[%add3A_33] : memref<160000xi32, #tpu.memory_space<hbm>> -> memref<200xi32, #tpu.memory_space<hbm>>
        %dma_start3A_71 = tpu.memref_slice %arg4[%add3A_33] : memref<160000xi32, #tpu.memory_space<hbm>> -> memref<200xi32, #tpu.memory_space<hbm>>
        tpu.enqueue_dma source(%dma_start3A_71 : memref<200xi32, #tpu.memory_space<hbm>>) target(%arg11 : memref<200xi32, #tpu.memory_space<vmem>>) target_semaphore(%run_scoped3A : memref<!tpu.dma_semaphore, #tpu.memory_space<semaphore_mem>>)
        %dma_wait3A_72 = tpu.memref_slice %arg4[%add3A_33] : memref<160000xi32, #tpu.memory_space<hbm>> -> memref<200xi32, #tpu.memory_space<hbm>>
        %dma_wait3A_73 = tpu.memref_slice %arg4[%add3A_33] : memref<160000xi32, #tpu.memory_space<hbm>> -> memref<200xi32, #tpu.memory_space<hbm>>
        tpu.wait_dma2 semaphore(%run_scoped3A : memref<!tpu.dma_semaphore, #tpu.memory_space<semaphore_mem>>) src(%dma_wait3A_73 : memref<200xi32, #tpu.memory_space<hbm>>) dst(%arg11 : memref<200xi32, #tpu.memory_space<vmem>>)
        tpu.yield
      }) : () -> ()
      "tpu.region"() ({
        %run_scoped3A = tpu.sem_alloc : memref<!tpu.dma_semaphore, #tpu.memory_space<semaphore_mem>>
        %dma_start3A_70 = tpu.memref_slice %arg5[%add3A_33] : memref<160000xi32, #tpu.memory_space<hbm>> -> memref<200xi32, #tpu.memory_space<hbm>>
        %dma_start3A_71 = tpu.memref_slice %arg5[%add3A_33] : memref<160000xi32, #tpu.memory_space<hbm>> -> memref<200xi32, #tpu.memory_space<hbm>>
        tpu.enqueue_dma source(%dma_start3A_71 : memref<200xi32, #tpu.memory_space<hbm>>) target(%arg12 : memref<200xi32, #tpu.memory_space<vmem>>) target_semaphore(%run_scoped3A : memref<!tpu.dma_semaphore, #tpu.memory_space<semaphore_mem>>)
        %dma_wait3A_72 = tpu.memref_slice %arg5[%add3A_33] : memref<160000xi32, #tpu.memory_space<hbm>> -> memref<200xi32, #tpu.memory_space<hbm>>
        %dma_wait3A_73 = tpu.memref_slice %arg5[%add3A_33] : memref<160000xi32, #tpu.memory_space<hbm>> -> memref<200xi32, #tpu.memory_space<hbm>>
        tpu.wait_dma2 semaphore(%run_scoped3A : memref<!tpu.dma_semaphore, #tpu.memory_space<semaphore_mem>>) src(%dma_wait3A_73 : memref<200xi32, #tpu.memory_space<hbm>>) dst(%arg12 : memref<200xi32, #tpu.memory_space<vmem>>)
        tpu.yield
      }) : () -> ()
      %dma_start3A_34 = arith.constant 0 : i32
      %dma_start3A_35 = arith.constant 0 : i32
      %dma_start3A_36 = tpu.memref_slice %arg2[%dma_start3A_34, %dma_start3A_35] : memref<10000x128xf32, #tpu.memory_space<hbm>> -> memref<10000x128xf32, #tpu.memory_space<hbm>>
      tpu.enqueue_indirect_dma source(%dma_start3A_36 : memref<10000x128xf32, #tpu.memory_space<hbm>>) target(%arg13 : memref<200x128xf32, #tpu.memory_space<vmem>>) offsets(%arg11 : memref<200xi32, #tpu.memory_space<vmem>>) semaphore(%arg17 : memref<!tpu.dma_semaphore, #tpu.memory_space<semaphore_mem>>)
      %dma_start3A_37 = arith.constant 0 : i32
      %dma_start3A_38 = arith.constant 0 : i32
      %dma_start3A_39 = tpu.memref_slice %arg3[%dma_start3A_37, %dma_start3A_38] : memref<10000x128xf32, #tpu.memory_space<hbm>> -> memref<10000x128xf32, #tpu.memory_space<hbm>>
      tpu.enqueue_indirect_dma source(%dma_start3A_39 : memref<10000x128xf32, #tpu.memory_space<hbm>>) target(%arg14 : memref<200x128xf32, #tpu.memory_space<vmem>>) offsets(%arg12 : memref<200xi32, #tpu.memory_space<vmem>>) semaphore(%arg18 : memref<!tpu.dma_semaphore, #tpu.memory_space<semaphore_mem>>)
      %add3A_40 = arith.addi %mul3A_2, %add3A_30 : i32
      %dma_wait3A_41 = arith.constant 0 : i32
      %dma_wait3A_42 = arith.constant 0 : i32
      %dma_wait3A_43 = tpu.memref_slice %arg2[%dma_wait3A_41, %dma_wait3A_42] : memref<10000x128xf32, #tpu.memory_space<hbm>> -> memref<10000x128xf32, #tpu.memory_space<hbm>>
      tpu.wait_indirect_dma semaphore(%arg15 : memref<!tpu.dma_semaphore, #tpu.memory_space<semaphore_mem>>) src(%dma_wait3A_43 : memref<10000x128xf32, #tpu.memory_space<hbm>>) dst(%arg9 : memref<200x128xf32, #tpu.memory_space<vmem>>)
      %dma_wait3A_44 = arith.constant 0 : i32
      %dma_wait3A_45 = arith.constant 0 : i32
      %dma_wait3A_46 = tpu.memref_slice %arg3[%dma_wait3A_44, %dma_wait3A_45] : memref<10000x128xf32, #tpu.memory_space<hbm>> -> memref<10000x128xf32, #tpu.memory_space<hbm>>
      tpu.wait_indirect_dma semaphore(%arg16 : memref<!tpu.dma_semaphore, #tpu.memory_space<semaphore_mem>>) src(%dma_wait3A_46 : memref<10000x128xf32, #tpu.memory_space<hbm>>) dst(%arg10 : memref<200x128xf32, #tpu.memory_space<vmem>>)
      %scan3A_47 = arith.constant 0 : i32
      %scan3A_48 = arith.constant 200 : i32
      %scan3A_49 = arith.addi %scan3A_47, %scan3A_48 : i32
      %scan3A_50 = arith.constant 1 : i32
      scf.for %scan3A_70 = %scan3A_47 to %scan3A_49 step %scan3A_50  : i32 {
        %mul3A_71 = arith.constant 1 : i32
        %mul3A_72 = arith.muli %scan3A_70, %mul3A_71 : i32
        %add3A_73 = arith.constant 0 : i32
        %add3A_74 = arith.addi %add3A_73, %mul3A_72 : i32
        %get3A = arith.index_cast %add3A_74 : i32 to index
        %get3A_75 = arith.constant 0 : index
        %get3A_76 = tpu.vector_load %arg10[%get3A, %get3A_75] {strides = array<i32>} : memref<200x128xf32, #tpu.memory_space<vmem>>, vector<1x16xf32>,
        %get3A_77 = vector.shape_cast %get3A_76 : vector<1x16xf32> to vector<16xf32>
        %swap3A = arith.index_cast %add3A_74 : i32 to index
        %swap3A_78 = arith.constant 0 : index
        %swap3A_79 = tpu.vector_load %arg9[%swap3A, %swap3A_78] {strides = array<i32>} : memref<200x128xf32, #tpu.memory_space<vmem>>, vector<1x16xf32>,
        %swap3A_80 = vector.shape_cast %swap3A_79 : vector<1x16xf32> to vector<16xf32>
        %swap3A_81 = vector.shape_cast %get3A_77 : vector<16xf32> to vector<1x16xf32>
        tpu.vector_store %arg9[%swap3A, %swap3A_78], %swap3A_81 {add = true, strides = array<i32>} : memref<200x128xf32, #tpu.memory_space<vmem>>, vector<1x16xf32>,
        %get3A_82 = arith.index_cast %add3A_74 : i32 to index
        %get3A_83 = arith.constant 16 : index
        %get3A_84 = tpu.vector_load %arg10[%get3A_82, %get3A_83] {strides = array<i32>} : memref<200x128xf32, #tpu.memory_space<vmem>>, vector<1x16xf32>,
        %get3A_85 = vector.shape_cast %get3A_84 : vector<1x16xf32> to vector<16xf32>
        %swap3A_86 = arith.index_cast %add3A_74 : i32 to index
        %swap3A_87 = arith.constant 16 : index
        %swap3A_88 = tpu.vector_load %arg9[%swap3A_86, %swap3A_87] {strides = array<i32>} : memref<200x128xf32, #tpu.memory_space<vmem>>, vector<1x16xf32>,
        %swap3A_89 = vector.shape_cast %swap3A_88 : vector<1x16xf32> to vector<16xf32>
        %swap3A_90 = vector.shape_cast %get3A_85 : vector<16xf32> to vector<1x16xf32>
        tpu.vector_store %arg9[%swap3A_86, %swap3A_87], %swap3A_90 {add = true, strides = array<i32>} : memref<200x128xf32, #tpu.memory_space<vmem>>, vector<1x16xf32>,
        %get3A_91 = arith.index_cast %add3A_74 : i32 to index
        %get3A_92 = arith.constant 32 : index
        %get3A_93 = tpu.vector_load %arg10[%get3A_91, %get3A_92] {strides = array<i32>} : memref<200x128xf32, #tpu.memory_space<vmem>>, vector<1x16xf32>,
        %get3A_94 = vector.shape_cast %get3A_93 : vector<1x16xf32> to vector<16xf32>
        %swap3A_95 = arith.index_cast %add3A_74 : i32 to index
        %swap3A_96 = arith.constant 32 : index
        %swap3A_97 = tpu.vector_load %arg9[%swap3A_95, %swap3A_96] {strides = array<i32>} : memref<200x128xf32, #tpu.memory_space<vmem>>, vector<1x16xf32>,
        %swap3A_98 = vector.shape_cast %swap3A_97 : vector<1x16xf32> to vector<16xf32>
        %swap3A_99 = vector.shape_cast %get3A_94 : vector<16xf32> to vector<1x16xf32>
        tpu.vector_store %arg9[%swap3A_95, %swap3A_96], %swap3A_99 {add = true, strides = array<i32>} : memref<200x128xf32, #tpu.memory_space<vmem>>, vector<1x16xf32>,
        %get3A_100 = arith.index_cast %add3A_74 : i32 to index
        %get3A_101 = arith.constant 48 : index
        %get3A_102 = tpu.vector_load %arg10[%get3A_100, %get3A_101] {strides = array<i32>} : memref<200x128xf32, #tpu.memory_space<vmem>>, vector<1x16xf32>,
        %get3A_103 = vector.shape_cast %get3A_102 : vector<1x16xf32> to vector<16xf32>
        %swap3A_104 = arith.index_cast %add3A_74 : i32 to index
        %swap3A_105 = arith.constant 48 : index
        %swap3A_106 = tpu.vector_load %arg9[%swap3A_104, %swap3A_105] {strides = array<i32>} : memref<200x128xf32, #tpu.memory_space<vmem>>, vector<1x16xf32>,
        %swap3A_107 = vector.shape_cast %swap3A_106 : vector<1x16xf32> to vector<16xf32>
        %swap3A_108 = vector.shape_cast %get3A_103 : vector<16xf32> to vector<1x16xf32>
        tpu.vector_store %arg9[%swap3A_104, %swap3A_105], %swap3A_108 {add = true, strides = array<i32>} : memref<200x128xf32, #tpu.memory_space<vmem>>, vector<1x16xf32>,
        %get3A_109 = arith.index_cast %add3A_74 : i32 to index
        %get3A_110 = arith.constant 64 : index
        %get3A_111 = tpu.vector_load %arg10[%get3A_109, %get3A_110] {strides = array<i32>} : memref<200x128xf32, #tpu.memory_space<vmem>>, vector<1x16xf32>,
        %get3A_112 = vector.shape_cast %get3A_111 : vector<1x16xf32> to vector<16xf32>
        %swap3A_113 = arith.index_cast %add3A_74 : i32 to index
        %swap3A_114 = arith.constant 64 : index
        %swap3A_115 = tpu.vector_load %arg9[%swap3A_113, %swap3A_114] {strides = array<i32>} : memref<200x128xf32, #tpu.memory_space<vmem>>, vector<1x16xf32>,
        %swap3A_116 = vector.shape_cast %swap3A_115 : vector<1x16xf32> to vector<16xf32>
        %swap3A_117 = vector.shape_cast %get3A_112 : vector<16xf32> to vector<1x16xf32>
        tpu.vector_store %arg9[%swap3A_113, %swap3A_114], %swap3A_117 {add = true, strides = array<i32>} : memref<200x128xf32, #tpu.memory_space<vmem>>, vector<1x16xf32>,
        %get3A_118 = arith.index_cast %add3A_74 : i32 to index
        %get3A_119 = arith.constant 80 : index
        %get3A_120 = tpu.vector_load %arg10[%get3A_118, %get3A_119] {strides = array<i32>} : memref<200x128xf32, #tpu.memory_space<vmem>>, vector<1x16xf32>,
        %get3A_121 = vector.shape_cast %get3A_120 : vector<1x16xf32> to vector<16xf32>
        %swap3A_122 = arith.index_cast %add3A_74 : i32 to index
        %swap3A_123 = arith.constant 80 : index
        %swap3A_124 = tpu.vector_load %arg9[%swap3A_122, %swap3A_123] {strides = array<i32>} : memref<200x128xf32, #tpu.memory_space<vmem>>, vector<1x16xf32>,
        %swap3A_125 = vector.shape_cast %swap3A_124 : vector<1x16xf32> to vector<16xf32>
        %swap3A_126 = vector.shape_cast %get3A_121 : vector<16xf32> to vector<1x16xf32>
        tpu.vector_store %arg9[%swap3A_122, %swap3A_123], %swap3A_126 {add = true, strides = array<i32>} : memref<200x128xf32, #tpu.memory_space<vmem>>, vector<1x16xf32>,
        %get3A_127 = arith.index_cast %add3A_74 : i32 to index
        %get3A_128 = arith.constant 96 : index
        %get3A_129 = tpu.vector_load %arg10[%get3A_127, %get3A_128] {strides = array<i32>} : memref<200x128xf32, #tpu.memory_space<vmem>>, vector<1x16xf32>,
        %get3A_130 = vector.shape_cast %get3A_129 : vector<1x16xf32> to vector<16xf32>
        %swap3A_131 = arith.index_cast %add3A_74 : i32 to index
        %swap3A_132 = arith.constant 96 : index
        %swap3A_133 = tpu.vector_load %arg9[%swap3A_131, %swap3A_132] {strides = array<i32>} : memref<200x128xf32, #tpu.memory_space<vmem>>, vector<1x16xf32>,
        %swap3A_134 = vector.shape_cast %swap3A_133 : vector<1x16xf32> to vector<16xf32>
        %swap3A_135 = vector.shape_cast %get3A_130 : vector<16xf32> to vector<1x16xf32>
        tpu.vector_store %arg9[%swap3A_131, %swap3A_132], %swap3A_135 {add = true, strides = array<i32>} : memref<200x128xf32, #tpu.memory_space<vmem>>, vector<1x16xf32>,
        %get3A_136 = arith.index_cast %add3A_74 : i32 to index
        %get3A_137 = arith.constant 112 : index
        %get3A_138 = tpu.vector_load %arg10[%get3A_136, %get3A_137] {strides = array<i32>} : memref<200x128xf32, #tpu.memory_space<vmem>>, vector<1x16xf32>,
        %get3A_139 = vector.shape_cast %get3A_138 : vector<1x16xf32> to vector<16xf32>
        %swap3A_140 = arith.index_cast %add3A_74 : i32 to index
        %swap3A_141 = arith.constant 112 : index
        %swap3A_142 = tpu.vector_load %arg9[%swap3A_140, %swap3A_141] {strides = array<i32>} : memref<200x128xf32, #tpu.memory_space<vmem>>, vector<1x16xf32>,
        %swap3A_143 = vector.shape_cast %swap3A_142 : vector<1x16xf32> to vector<16xf32>
        %swap3A_144 = vector.shape_cast %get3A_139 : vector<16xf32> to vector<1x16xf32>
        tpu.vector_store %arg9[%swap3A_140, %swap3A_141], %swap3A_144 {add = true, strides = array<i32>} : memref<200x128xf32, #tpu.memory_space<vmem>>, vector<1x16xf32>,
      }
      %scan3A_51 = arith.constant 200 : i32
      "tpu.region"() ({
        %run_scoped3A = tpu.sem_alloc : memref<!tpu.dma_semaphore, #tpu.memory_space<semaphore_mem>>
        %dma_start3A_70 = arith.constant 0 : i32
        %dma_start3A_71 = tpu.memref_slice %arg6[%add3A_40, %dma_start3A_70] : memref<160000x128xf32, #tpu.memory_space<hbm>> -> memref<200x128xf32, #tpu.memory_space<hbm>>
        %dma_start3A_72 = arith.constant 0 : i32
        %dma_start3A_73 = tpu.memref_slice %arg6[%add3A_40, %dma_start3A_72] : memref<160000x128xf32, #tpu.memory_space<hbm>> -> memref<200x128xf32, #tpu.memory_space<hbm>>
        tpu.enqueue_dma source(%arg9 : memref<200x128xf32, #tpu.memory_space<vmem>>) target(%dma_start3A_73 : memref<200x128xf32, #tpu.memory_space<hbm>>) target_semaphore(%run_scoped3A : memref<!tpu.dma_semaphore, #tpu.memory_space<semaphore_mem>>)
        %dma_wait3A_74 = arith.constant 0 : i32
        %dma_wait3A_75 = tpu.memref_slice %arg6[%add3A_40, %dma_wait3A_74] : memref<160000x128xf32, #tpu.memory_space<hbm>> -> memref<200x128xf32, #tpu.memory_space<hbm>>
        %dma_wait3A_76 = arith.constant 0 : i32
        %dma_wait3A_77 = tpu.memref_slice %arg6[%add3A_40, %dma_wait3A_76] : memref<160000x128xf32, #tpu.memory_space<hbm>> -> memref<200x128xf32, #tpu.memory_space<hbm>>
        tpu.wait_dma2 semaphore(%run_scoped3A : memref<!tpu.dma_semaphore, #tpu.memory_space<semaphore_mem>>) src(%arg9 : memref<200x128xf32, #tpu.memory_space<vmem>>) dst(%dma_wait3A_77 : memref<200x128xf32, #tpu.memory_space<hbm>>)
        tpu.yield
      }) : () -> ()
      %add3A_52 = arith.constant 400 : i32
      %add3A_53 = arith.addi %add3A_30, %add3A_52 : i32
      %lt3A = arith.constant 5000 : i32
      %lt3A_54 = arith.cmpi slt, %add3A_53, %lt3A : i32
      %convert_element_type3A = arith.extui %lt3A_54 : i1 to i32
      %cond3A = arith.constant 0 : i32
      %cond3A_55 = arith.cmpi ne, %convert_element_type3A, %cond3A : i32
      scf.if %cond3A_55 {
        %add3A_70 = arith.constant 400 : i32
        %add3A_71 = arith.addi %add3A_30, %add3A_70 : i32
        %add3A_72 = arith.addi %mul3A_2, %add3A_71 : i32
        "tpu.region"() ({
          %run_scoped3A = tpu.sem_alloc : memref<!tpu.dma_semaphore, #tpu.memory_space<semaphore_mem>>
          %dma_start3A_79 = tpu.memref_slice %arg4[%add3A_72] : memref<160000xi32, #tpu.memory_space<hbm>> -> memref<200xi32, #tpu.memory_space<hbm>>
          %dma_start3A_80 = tpu.memref_slice %arg4[%add3A_72] : memref<160000xi32, #tpu.memory_space<hbm>> -> memref<200xi32, #tpu.memory_space<hbm>>
          tpu.enqueue_dma source(%dma_start3A_80 : memref<200xi32, #tpu.memory_space<hbm>>) target(%arg7 : memref<200xi32, #tpu.memory_space<vmem>>) target_semaphore(%run_scoped3A : memref<!tpu.dma_semaphore, #tpu.memory_space<semaphore_mem>>)
          %dma_wait3A_81 = tpu.memref_slice %arg4[%add3A_72] : memref<160000xi32, #tpu.memory_space<hbm>> -> memref<200xi32, #tpu.memory_space<hbm>>
          %dma_wait3A_82 = tpu.memref_slice %arg4[%add3A_72] : memref<160000xi32, #tpu.memory_space<hbm>> -> memref<200xi32, #tpu.memory_space<hbm>>
          tpu.wait_dma2 semaphore(%run_scoped3A : memref<!tpu.dma_semaphore, #tpu.memory_space<semaphore_mem>>) src(%dma_wait3A_82 : memref<200xi32, #tpu.memory_space<hbm>>) dst(%arg7 : memref<200xi32, #tpu.memory_space<vmem>>)
          tpu.yield
        }) : () -> ()
        "tpu.region"() ({
          %run_scoped3A = tpu.sem_alloc : memref<!tpu.dma_semaphore, #tpu.memory_space<semaphore_mem>>
          %dma_start3A_79 = tpu.memref_slice %arg5[%add3A_72] : memref<160000xi32, #tpu.memory_space<hbm>> -> memref<200xi32, #tpu.memory_space<hbm>>
          %dma_start3A_80 = tpu.memref_slice %arg5[%add3A_72] : memref<160000xi32, #tpu.memory_space<hbm>> -> memref<200xi32, #tpu.memory_space<hbm>>
          tpu.enqueue_dma source(%dma_start3A_80 : memref<200xi32, #tpu.memory_space<hbm>>) target(%arg8 : memref<200xi32, #tpu.memory_space<vmem>>) target_semaphore(%run_scoped3A : memref<!tpu.dma_semaphore, #tpu.memory_space<semaphore_mem>>)
          %dma_wait3A_81 = tpu.memref_slice %arg5[%add3A_72] : memref<160000xi32, #tpu.memory_space<hbm>> -> memref<200xi32, #tpu.memory_space<hbm>>
          %dma_wait3A_82 = tpu.memref_slice %arg5[%add3A_72] : memref<160000xi32, #tpu.memory_space<hbm>> -> memref<200xi32, #tpu.memory_space<hbm>>
          tpu.wait_dma2 semaphore(%run_scoped3A : memref<!tpu.dma_semaphore, #tpu.memory_space<semaphore_mem>>) src(%dma_wait3A_82 : memref<200xi32, #tpu.memory_space<hbm>>) dst(%arg8 : memref<200xi32, #tpu.memory_space<vmem>>)
          tpu.yield
        }) : () -> ()
        %dma_start3A_73 = arith.constant 0 : i32
        %dma_start3A_74 = arith.constant 0 : i32
        %dma_start3A_75 = tpu.memref_slice %arg2[%dma_start3A_73, %dma_start3A_74] : memref<10000x128xf32, #tpu.memory_space<hbm>> -> memref<10000x128xf32, #tpu.memory_space<hbm>>
        tpu.enqueue_indirect_dma source(%dma_start3A_75 : memref<10000x128xf32, #tpu.memory_space<hbm>>) target(%arg9 : memref<200x128xf32, #tpu.memory_space<vmem>>) offsets(%arg7 : memref<200xi32, #tpu.memory_space<vmem>>) semaphore(%arg15 : memref<!tpu.dma_semaphore, #tpu.memory_space<semaphore_mem>>)
        %dma_start3A_76 = arith.constant 0 : i32
        %dma_start3A_77 = arith.constant 0 : i32
        %dma_start3A_78 = tpu.memref_slice %arg3[%dma_start3A_76, %dma_start3A_77] : memref<10000x128xf32, #tpu.memory_space<hbm>> -> memref<10000x128xf32, #tpu.memory_space<hbm>>
        tpu.enqueue_indirect_dma source(%dma_start3A_78 : memref<10000x128xf32, #tpu.memory_space<hbm>>) target(%arg10 : memref<200x128xf32, #tpu.memory_space<vmem>>) offsets(%arg8 : memref<200xi32, #tpu.memory_space<vmem>>) semaphore(%arg16 : memref<!tpu.dma_semaphore, #tpu.memory_space<semaphore_mem>>)
      } else {
      }
      %add3A_56 = arith.constant 200 : i32
      %add3A_57 = arith.addi %add3A_30, %add3A_56 : i32
      %add3A_58 = arith.addi %mul3A_2, %add3A_57 : i32
      %dma_wait3A_59 = arith.constant 0 : i32
      %dma_wait3A_60 = arith.constant 0 : i32
      %dma_wait3A_61 = tpu.memref_slice %arg2[%dma_wait3A_59, %dma_wait3A_60] : memref<10000x128xf32, #tpu.memory_space<hbm>> -> memref<10000x128xf32, #tpu.memory_space<hbm>>
      tpu.wait_indirect_dma semaphore(%arg17 : memref<!tpu.dma_semaphore, #tpu.memory_space<semaphore_mem>>) src(%dma_wait3A_61 : memref<10000x128xf32, #tpu.memory_space<hbm>>) dst(%arg13 : memref<200x128xf32, #tpu.memory_space<vmem>>)
      %dma_wait3A_62 = arith.constant 0 : i32
      %dma_wait3A_63 = arith.constant 0 : i32
      %dma_wait3A_64 = tpu.memref_slice %arg3[%dma_wait3A_62, %dma_wait3A_63] : memref<10000x128xf32, #tpu.memory_space<hbm>> -> memref<10000x128xf32, #tpu.memory_space<hbm>>
      tpu.wait_indirect_dma semaphore(%arg18 : memref<!tpu.dma_semaphore, #tpu.memory_space<semaphore_mem>>) src(%dma_wait3A_64 : memref<10000x128xf32, #tpu.memory_space<hbm>>) dst(%arg14 : memref<200x128xf32, #tpu.memory_space<vmem>>)
      %scan3A_65 = arith.constant 0 : i32
      %scan3A_66 = arith.constant 200 : i32
      %scan3A_67 = arith.addi %scan3A_65, %scan3A_66 : i32
      %scan3A_68 = arith.constant 1 : i32
      scf.for %scan3A_70 = %scan3A_65 to %scan3A_67 step %scan3A_68  : i32 {
        %mul3A_71 = arith.constant 1 : i32
        %mul3A_72 = arith.muli %scan3A_70, %mul3A_71 : i32
        %add3A_73 = arith.constant 0 : i32
        %add3A_74 = arith.addi %add3A_73, %mul3A_72 : i32
        %get3A = arith.index_cast %add3A_74 : i32 to index
        %get3A_75 = arith.constant 0 : index
        %get3A_76 = tpu.vector_load %arg14[%get3A, %get3A_75] {strides = array<i32>} : memref<200x128xf32, #tpu.memory_space<vmem>>, vector<1x16xf32>,
        %get3A_77 = vector.shape_cast %get3A_76 : vector<1x16xf32> to vector<16xf32>
        %swap3A = arith.index_cast %add3A_74 : i32 to index
        %swap3A_78 = arith.constant 0 : index
        %swap3A_79 = tpu.vector_load %arg13[%swap3A, %swap3A_78] {strides = array<i32>} : memref<200x128xf32, #tpu.memory_space<vmem>>, vector<1x16xf32>,
        %swap3A_80 = vector.shape_cast %swap3A_79 : vector<1x16xf32> to vector<16xf32>
        %swap3A_81 = vector.shape_cast %get3A_77 : vector<16xf32> to vector<1x16xf32>
        tpu.vector_store %arg13[%swap3A, %swap3A_78], %swap3A_81 {add = true, strides = array<i32>} : memref<200x128xf32, #tpu.memory_space<vmem>>, vector<1x16xf32>,
        %get3A_82 = arith.index_cast %add3A_74 : i32 to index
        %get3A_83 = arith.constant 16 : index
        %get3A_84 = tpu.vector_load %arg14[%get3A_82, %get3A_83] {strides = array<i32>} : memref<200x128xf32, #tpu.memory_space<vmem>>, vector<1x16xf32>,
        %get3A_85 = vector.shape_cast %get3A_84 : vector<1x16xf32> to vector<16xf32>
        %swap3A_86 = arith.index_cast %add3A_74 : i32 to index
        %swap3A_87 = arith.constant 16 : index
        %swap3A_88 = tpu.vector_load %arg13[%swap3A_86, %swap3A_87] {strides = array<i32>} : memref<200x128xf32, #tpu.memory_space<vmem>>, vector<1x16xf32>,
        %swap3A_89 = vector.shape_cast %swap3A_88 : vector<1x16xf32> to vector<16xf32>
        %swap3A_90 = vector.shape_cast %get3A_85 : vector<16xf32> to vector<1x16xf32>
        tpu.vector_store %arg13[%swap3A_86, %swap3A_87], %swap3A_90 {add = true, strides = array<i32>} : memref<200x128xf32, #tpu.memory_space<vmem>>, vector<1x16xf32>,
        %get3A_91 = arith.index_cast %add3A_74 : i32 to index
        %get3A_92 = arith.constant 32 : index
        %get3A_93 = tpu.vector_load %arg14[%get3A_91, %get3A_92] {strides = array<i32>} : memref<200x128xf32, #tpu.memory_space<vmem>>, vector<1x16xf32>,
        %get3A_94 = vector.shape_cast %get3A_93 : vector<1x16xf32> to vector<16xf32>
        %swap3A_95 = arith.index_cast %add3A_74 : i32 to index
        %swap3A_96 = arith.constant 32 : index
        %swap3A_97 = tpu.vector_load %arg13[%swap3A_95, %swap3A_96] {strides = array<i32>} : memref<200x128xf32, #tpu.memory_space<vmem>>, vector<1x16xf32>,
        %swap3A_98 = vector.shape_cast %swap3A_97 : vector<1x16xf32> to vector<16xf32>
        %swap3A_99 = vector.shape_cast %get3A_94 : vector<16xf32> to vector<1x16xf32>
        tpu.vector_store %arg13[%swap3A_95, %swap3A_96], %swap3A_99 {add = true, strides = array<i32>} : memref<200x128xf32, #tpu.memory_space<vmem>>, vector<1x16xf32>,
        %get3A_100 = arith.index_cast %add3A_74 : i32 to index
        %get3A_101 = arith.constant 48 : index
        %get3A_102 = tpu.vector_load %arg14[%get3A_100, %get3A_101] {strides = array<i32>} : memref<200x128xf32, #tpu.memory_space<vmem>>, vector<1x16xf32>,
        %get3A_103 = vector.shape_cast %get3A_102 : vector<1x16xf32> to vector<16xf32>
        %swap3A_104 = arith.index_cast %add3A_74 : i32 to index
        %swap3A_105 = arith.constant 48 : index
        %swap3A_106 = tpu.vector_load %arg13[%swap3A_104, %swap3A_105] {strides = array<i32>} : memref<200x128xf32, #tpu.memory_space<vmem>>, vector<1x16xf32>,
        %swap3A_107 = vector.shape_cast %swap3A_106 : vector<1x16xf32> to vector<16xf32>
        %swap3A_108 = vector.shape_cast %get3A_103 : vector<16xf32> to vector<1x16xf32>
        tpu.vector_store %arg13[%swap3A_104, %swap3A_105], %swap3A_108 {add = true, strides = array<i32>} : memref<200x128xf32, #tpu.memory_space<vmem>>, vector<1x16xf32>,
        %get3A_109 = arith.index_cast %add3A_74 : i32 to index
        %get3A_110 = arith.constant 64 : index
        %get3A_111 = tpu.vector_load %arg14[%get3A_109, %get3A_110] {strides = array<i32>} : memref<200x128xf32, #tpu.memory_space<vmem>>, vector<1x16xf32>,
        %get3A_112 = vector.shape_cast %get3A_111 : vector<1x16xf32> to vector<16xf32>
        %swap3A_113 = arith.index_cast %add3A_74 : i32 to index
        %swap3A_114 = arith.constant 64 : index
        %swap3A_115 = tpu.vector_load %arg13[%swap3A_113, %swap3A_114] {strides = array<i32>} : memref<200x128xf32, #tpu.memory_space<vmem>>, vector<1x16xf32>,
        %swap3A_116 = vector.shape_cast %swap3A_115 : vector<1x16xf32> to vector<16xf32>
        %swap3A_117 = vector.shape_cast %get3A_112 : vector<16xf32> to vector<1x16xf32>
        tpu.vector_store %arg13[%swap3A_113, %swap3A_114], %swap3A_117 {add = true, strides = array<i32>} : memref<200x128xf32, #tpu.memory_space<vmem>>, vector<1x16xf32>,
        %get3A_118 = arith.index_cast %add3A_74 : i32 to index
        %get3A_119 = arith.constant 80 : index
        %get3A_120 = tpu.vector_load %arg14[%get3A_118, %get3A_119] {strides = array<i32>} : memref<200x128xf32, #tpu.memory_space<vmem>>, vector<1x16xf32>,
        %get3A_121 = vector.shape_cast %get3A_120 : vector<1x16xf32> to vector<16xf32>
        %swap3A_122 = arith.index_cast %add3A_74 : i32 to index
        %swap3A_123 = arith.constant 80 : index
        %swap3A_124 = tpu.vector_load %arg13[%swap3A_122, %swap3A_123] {strides = array<i32>} : memref<200x128xf32, #tpu.memory_space<vmem>>, vector<1x16xf32>,
        %swap3A_125 = vector.shape_cast %swap3A_124 : vector<1x16xf32> to vector<16xf32>
        %swap3A_126 = vector.shape_cast %get3A_121 : vector<16xf32> to vector<1x16xf32>
        tpu.vector_store %arg13[%swap3A_122, %swap3A_123], %swap3A_126 {add = true, strides = array<i32>} : memref<200x128xf32, #tpu.memory_space<vmem>>, vector<1x16xf32>,
        %get3A_127 = arith.index_cast %add3A_74 : i32 to index
        %get3A_128 = arith.constant 96 : index
        %get3A_129 = tpu.vector_load %arg14[%get3A_127, %get3A_128] {strides = array<i32>} : memref<200x128xf32, #tpu.memory_space<vmem>>, vector<1x16xf32>,
        %get3A_130 = vector.shape_cast %get3A_129 : vector<1x16xf32> to vector<16xf32>
        %swap3A_131 = arith.index_cast %add3A_74 : i32 to index
        %swap3A_132 = arith.constant 96 : index
        %swap3A_133 = tpu.vector_load %arg13[%swap3A_131, %swap3A_132] {strides = array<i32>} : memref<200x128xf32, #tpu.memory_space<vmem>>, vector<1x16xf32>,
        %swap3A_134 = vector.shape_cast %swap3A_133 : vector<1x16xf32> to vector<16xf32>
        %swap3A_135 = vector.shape_cast %get3A_130 : vector<16xf32> to vector<1x16xf32>
        tpu.vector_store %arg13[%swap3A_131, %swap3A_132], %swap3A_135 {add = true, strides = array<i32>} : memref<200x128xf32, #tpu.memory_space<vmem>>, vector<1x16xf32>,
        %get3A_136 = arith.index_cast %add3A_74 : i32 to index
        %get3A_137 = arith.constant 112 : index
        %get3A_138 = tpu.vector_load %arg14[%get3A_136, %get3A_137] {strides = array<i32>} : memref<200x128xf32, #tpu.memory_space<vmem>>, vector<1x16xf32>,
        %get3A_139 = vector.shape_cast %get3A_138 : vector<1x16xf32> to vector<16xf32>
        %swap3A_140 = arith.index_cast %add3A_74 : i32 to index
        %swap3A_141 = arith.constant 112 : index
        %swap3A_142 = tpu.vector_load %arg13[%swap3A_140, %swap3A_141] {strides = array<i32>} : memref<200x128xf32, #tpu.memory_space<vmem>>, vector<1x16xf32>,
        %swap3A_143 = vector.shape_cast %swap3A_142 : vector<1x16xf32> to vector<16xf32>
        %swap3A_144 = vector.shape_cast %get3A_139 : vector<16xf32> to vector<1x16xf32>
        tpu.vector_store %arg13[%swap3A_140, %swap3A_141], %swap3A_144 {add = true, strides = array<i32>} : memref<200x128xf32, #tpu.memory_space<vmem>>, vector<1x16xf32>,
      }
      %scan3A_69 = arith.constant 200 : i32
      "tpu.region"() ({
        %run_scoped3A = tpu.sem_alloc : memref<!tpu.dma_semaphore, #tpu.memory_space<semaphore_mem>>
        %dma_start3A_70 = arith.constant 0 : i32
        %dma_start3A_71 = tpu.memref_slice %arg6[%add3A_58, %dma_start3A_70] : memref<160000x128xf32, #tpu.memory_space<hbm>> -> memref<200x128xf32, #tpu.memory_space<hbm>>
        %dma_start3A_72 = arith.constant 0 : i32
        %dma_start3A_73 = tpu.memref_slice %arg6[%add3A_58, %dma_start3A_72] : memref<160000x128xf32, #tpu.memory_space<hbm>> -> memref<200x128xf32, #tpu.memory_space<hbm>>
        tpu.enqueue_dma source(%arg13 : memref<200x128xf32, #tpu.memory_space<vmem>>) target(%dma_start3A_73 : memref<200x128xf32, #tpu.memory_space<hbm>>) target_semaphore(%run_scoped3A : memref<!tpu.dma_semaphore, #tpu.memory_space<semaphore_mem>>)
        %dma_wait3A_74 = arith.constant 0 : i32
        %dma_wait3A_75 = tpu.memref_slice %arg6[%add3A_58, %dma_wait3A_74] : memref<160000x128xf32, #tpu.memory_space<hbm>> -> memref<200x128xf32, #tpu.memory_space<hbm>>
        %dma_wait3A_76 = arith.constant 0 : i32
        %dma_wait3A_77 = tpu.memref_slice %arg6[%add3A_58, %dma_wait3A_76] : memref<160000x128xf32, #tpu.memory_space<hbm>> -> memref<200x128xf32, #tpu.memory_space<hbm>>
        tpu.wait_dma2 semaphore(%run_scoped3A : memref<!tpu.dma_semaphore, #tpu.memory_space<semaphore_mem>>) src(%arg13 : memref<200x128xf32, #tpu.memory_space<vmem>>) dst(%dma_wait3A_77 : memref<200x128xf32, #tpu.memory_space<hbm>>)
        tpu.yield
      }) : () -> ()
    }
    %scan3A_13 = arith.constant 12 : i32
    %add3A_14 = arith.constant 4800 : i32
    %add3A_15 = arith.addi %mul3A_2, %add3A_14 : i32
    %dma_wait3A = arith.constant 0 : i32
    %dma_wait3A_16 = arith.constant 0 : i32
    %dma_wait3A_17 = tpu.memref_slice %arg2[%dma_wait3A, %dma_wait3A_16] : memref<10000x128xf32, #tpu.memory_space<hbm>> -> memref<10000x128xf32, #tpu.memory_space<hbm>>
    tpu.wait_indirect_dma semaphore(%arg15 : memref<!tpu.dma_semaphore, #tpu.memory_space<semaphore_mem>>) src(%dma_wait3A_17 : memref<10000x128xf32, #tpu.memory_space<hbm>>) dst(%arg9 : memref<200x128xf32, #tpu.memory_space<vmem>>)
    %dma_wait3A_18 = arith.constant 0 : i32
    %dma_wait3A_19 = arith.constant 0 : i32
    %dma_wait3A_20 = tpu.memref_slice %arg3[%dma_wait3A_18, %dma_wait3A_19] : memref<10000x128xf32, #tpu.memory_space<hbm>> -> memref<10000x128xf32, #tpu.memory_space<hbm>>
    tpu.wait_indirect_dma semaphore(%arg16 : memref<!tpu.dma_semaphore, #tpu.memory_space<semaphore_mem>>) src(%dma_wait3A_20 : memref<10000x128xf32, #tpu.memory_space<hbm>>) dst(%arg10 : memref<200x128xf32, #tpu.memory_space<vmem>>)
    %scan3A_21 = arith.constant 0 : i32
    %scan3A_22 = arith.constant 200 : i32
    %scan3A_23 = arith.addi %scan3A_21, %scan3A_22 : i32
    %scan3A_24 = arith.constant 1 : i32
    scf.for %scan3A_26 = %scan3A_21 to %scan3A_23 step %scan3A_24  : i32 {
      %mul3A_27 = arith.constant 1 : i32
      %mul3A_28 = arith.muli %scan3A_26, %mul3A_27 : i32
      %add3A_29 = arith.constant 0 : i32
      %add3A_30 = arith.addi %add3A_29, %mul3A_28 : i32
      %get3A = arith.index_cast %add3A_30 : i32 to index
      %get3A_31 = arith.constant 0 : index
      %get3A_32 = tpu.vector_load %arg10[%get3A, %get3A_31] {strides = array<i32>} : memref<200x128xf32, #tpu.memory_space<vmem>>, vector<1x16xf32>,
      %get3A_33 = vector.shape_cast %get3A_32 : vector<1x16xf32> to vector<16xf32>
      %swap3A = arith.index_cast %add3A_30 : i32 to index
      %swap3A_34 = arith.constant 0 : index
      %swap3A_35 = tpu.vector_load %arg9[%swap3A, %swap3A_34] {strides = array<i32>} : memref<200x128xf32, #tpu.memory_space<vmem>>, vector<1x16xf32>,
      %swap3A_36 = vector.shape_cast %swap3A_35 : vector<1x16xf32> to vector<16xf32>
      %swap3A_37 = vector.shape_cast %get3A_33 : vector<16xf32> to vector<1x16xf32>
      tpu.vector_store %arg9[%swap3A, %swap3A_34], %swap3A_37 {add = true, strides = array<i32>} : memref<200x128xf32, #tpu.memory_space<vmem>>, vector<1x16xf32>,
      %get3A_38 = arith.index_cast %add3A_30 : i32 to index
      %get3A_39 = arith.constant 16 : index
      %get3A_40 = tpu.vector_load %arg10[%get3A_38, %get3A_39] {strides = array<i32>} : memref<200x128xf32, #tpu.memory_space<vmem>>, vector<1x16xf32>,
      %get3A_41 = vector.shape_cast %get3A_40 : vector<1x16xf32> to vector<16xf32>
      %swap3A_42 = arith.index_cast %add3A_30 : i32 to index
      %swap3A_43 = arith.constant 16 : index
      %swap3A_44 = tpu.vector_load %arg9[%swap3A_42, %swap3A_43] {strides = array<i32>} : memref<200x128xf32, #tpu.memory_space<vmem>>, vector<1x16xf32>,
      %swap3A_45 = vector.shape_cast %swap3A_44 : vector<1x16xf32> to vector<16xf32>
      %swap3A_46 = vector.shape_cast %get3A_41 : vector<16xf32> to vector<1x16xf32>
      tpu.vector_store %arg9[%swap3A_42, %swap3A_43], %swap3A_46 {add = true, strides = array<i32>} : memref<200x128xf32, #tpu.memory_space<vmem>>, vector<1x16xf32>,
      %get3A_47 = arith.index_cast %add3A_30 : i32 to index
      %get3A_48 = arith.constant 32 : index
      %get3A_49 = tpu.vector_load %arg10[%get3A_47, %get3A_48] {strides = array<i32>} : memref<200x128xf32, #tpu.memory_space<vmem>>, vector<1x16xf32>,
      %get3A_50 = vector.shape_cast %get3A_49 : vector<1x16xf32> to vector<16xf32>
      %swap3A_51 = arith.index_cast %add3A_30 : i32 to index
      %swap3A_52 = arith.constant 32 : index
      %swap3A_53 = tpu.vector_load %arg9[%swap3A_51, %swap3A_52] {strides = array<i32>} : memref<200x128xf32, #tpu.memory_space<vmem>>, vector<1x16xf32>,
      %swap3A_54 = vector.shape_cast %swap3A_53 : vector<1x16xf32> to vector<16xf32>
      %swap3A_55 = vector.shape_cast %get3A_50 : vector<16xf32> to vector<1x16xf32>
      tpu.vector_store %arg9[%swap3A_51, %swap3A_52], %swap3A_55 {add = true, strides = array<i32>} : memref<200x128xf32, #tpu.memory_space<vmem>>, vector<1x16xf32>,
      %get3A_56 = arith.index_cast %add3A_30 : i32 to index
      %get3A_57 = arith.constant 48 : index
      %get3A_58 = tpu.vector_load %arg10[%get3A_56, %get3A_57] {strides = array<i32>} : memref<200x128xf32, #tpu.memory_space<vmem>>, vector<1x16xf32>,
      %get3A_59 = vector.shape_cast %get3A_58 : vector<1x16xf32> to vector<16xf32>
      %swap3A_60 = arith.index_cast %add3A_30 : i32 to index
      %swap3A_61 = arith.constant 48 : index
      %swap3A_62 = tpu.vector_load %arg9[%swap3A_60, %swap3A_61] {strides = array<i32>} : memref<200x128xf32, #tpu.memory_space<vmem>>, vector<1x16xf32>,
      %swap3A_63 = vector.shape_cast %swap3A_62 : vector<1x16xf32> to vector<16xf32>
      %swap3A_64 = vector.shape_cast %get3A_59 : vector<16xf32> to vector<1x16xf32>
      tpu.vector_store %arg9[%swap3A_60, %swap3A_61], %swap3A_64 {add = true, strides = array<i32>} : memref<200x128xf32, #tpu.memory_space<vmem>>, vector<1x16xf32>,
      %get3A_65 = arith.index_cast %add3A_30 : i32 to index
      %get3A_66 = arith.constant 64 : index
      %get3A_67 = tpu.vector_load %arg10[%get3A_65, %get3A_66] {strides = array<i32>} : memref<200x128xf32, #tpu.memory_space<vmem>>, vector<1x16xf32>,
      %get3A_68 = vector.shape_cast %get3A_67 : vector<1x16xf32> to vector<16xf32>
      %swap3A_69 = arith.index_cast %add3A_30 : i32 to index
      %swap3A_70 = arith.constant 64 : index
      %swap3A_71 = tpu.vector_load %arg9[%swap3A_69, %swap3A_70] {strides = array<i32>} : memref<200x128xf32, #tpu.memory_space<vmem>>, vector<1x16xf32>,
      %swap3A_72 = vector.shape_cast %swap3A_71 : vector<1x16xf32> to vector<16xf32>
      %swap3A_73 = vector.shape_cast %get3A_68 : vector<16xf32> to vector<1x16xf32>
      tpu.vector_store %arg9[%swap3A_69, %swap3A_70], %swap3A_73 {add = true, strides = array<i32>} : memref<200x128xf32, #tpu.memory_space<vmem>>, vector<1x16xf32>,
      %get3A_74 = arith.index_cast %add3A_30 : i32 to index
      %get3A_75 = arith.constant 80 : index
      %get3A_76 = tpu.vector_load %arg10[%get3A_74, %get3A_75] {strides = array<i32>} : memref<200x128xf32, #tpu.memory_space<vmem>>, vector<1x16xf32>,
      %get3A_77 = vector.shape_cast %get3A_76 : vector<1x16xf32> to vector<16xf32>
      %swap3A_78 = arith.index_cast %add3A_30 : i32 to index
      %swap3A_79 = arith.constant 80 : index
      %swap3A_80 = tpu.vector_load %arg9[%swap3A_78, %swap3A_79] {strides = array<i32>} : memref<200x128xf32, #tpu.memory_space<vmem>>, vector<1x16xf32>,
      %swap3A_81 = vector.shape_cast %swap3A_80 : vector<1x16xf32> to vector<16xf32>
      %swap3A_82 = vector.shape_cast %get3A_77 : vector<16xf32> to vector<1x16xf32>
      tpu.vector_store %arg9[%swap3A_78, %swap3A_79], %swap3A_82 {add = true, strides = array<i32>} : memref<200x128xf32, #tpu.memory_space<vmem>>, vector<1x16xf32>,
      %get3A_83 = arith.index_cast %add3A_30 : i32 to index
      %get3A_84 = arith.constant 96 : index
      %get3A_85 = tpu.vector_load %arg10[%get3A_83, %get3A_84] {strides = array<i32>} : memref<200x128xf32, #tpu.memory_space<vmem>>, vector<1x16xf32>,
      %get3A_86 = vector.shape_cast %get3A_85 : vector<1x16xf32> to vector<16xf32>
      %swap3A_87 = arith.index_cast %add3A_30 : i32 to index
      %swap3A_88 = arith.constant 96 : index
      %swap3A_89 = tpu.vector_load %arg9[%swap3A_87, %swap3A_88] {strides = array<i32>} : memref<200x128xf32, #tpu.memory_space<vmem>>, vector<1x16xf32>,
      %swap3A_90 = vector.shape_cast %swap3A_89 : vector<1x16xf32> to vector<16xf32>
      %swap3A_91 = vector.shape_cast %get3A_86 : vector<16xf32> to vector<1x16xf32>
      tpu.vector_store %arg9[%swap3A_87, %swap3A_88], %swap3A_91 {add = true, strides = array<i32>} : memref<200x128xf32, #tpu.memory_space<vmem>>, vector<1x16xf32>,
      %get3A_92 = arith.index_cast %add3A_30 : i32 to index
      %get3A_93 = arith.constant 112 : index
      %get3A_94 = tpu.vector_load %arg10[%get3A_92, %get3A_93] {strides = array<i32>} : memref<200x128xf32, #tpu.memory_space<vmem>>, vector<1x16xf32>,
      %get3A_95 = vector.shape_cast %get3A_94 : vector<1x16xf32> to vector<16xf32>
      %swap3A_96 = arith.index_cast %add3A_30 : i32 to index
      %swap3A_97 = arith.constant 112 : index
      %swap3A_98 = tpu.vector_load %arg9[%swap3A_96, %swap3A_97] {strides = array<i32>} : memref<200x128xf32, #tpu.memory_space<vmem>>, vector<1x16xf32>,
      %swap3A_99 = vector.shape_cast %swap3A_98 : vector<1x16xf32> to vector<16xf32>
      %swap3A_100 = vector.shape_cast %get3A_95 : vector<16xf32> to vector<1x16xf32>
      tpu.vector_store %arg9[%swap3A_96, %swap3A_97], %swap3A_100 {add = true, strides = array<i32>} : memref<200x128xf32, #tpu.memory_space<vmem>>, vector<1x16xf32>,
    }
    %scan3A_25 = arith.constant 200 : i32
    "tpu.region"() ({
      %run_scoped3A = tpu.sem_alloc : memref<!tpu.dma_semaphore, #tpu.memory_space<semaphore_mem>>
      %dma_start3A_26 = arith.constant 0 : i32
      %dma_start3A_27 = tpu.memref_slice %arg6[%add3A_15, %dma_start3A_26] : memref<160000x128xf32, #tpu.memory_space<hbm>> -> memref<200x128xf32, #tpu.memory_space<hbm>>
      %dma_start3A_28 = arith.constant 0 : i32
      %dma_start3A_29 = tpu.memref_slice %arg6[%add3A_15, %dma_start3A_28] : memref<160000x128xf32, #tpu.memory_space<hbm>> -> memref<200x128xf32, #tpu.memory_space<hbm>>
      tpu.enqueue_dma source(%arg9 : memref<200x128xf32, #tpu.memory_space<vmem>>) target(%dma_start3A_29 : memref<200x128xf32, #tpu.memory_space<hbm>>) target_semaphore(%run_scoped3A : memref<!tpu.dma_semaphore, #tpu.memory_space<semaphore_mem>>)
      %dma_wait3A_30 = arith.constant 0 : i32
      %dma_wait3A_31 = tpu.memref_slice %arg6[%add3A_15, %dma_wait3A_30] : memref<160000x128xf32, #tpu.memory_space<hbm>> -> memref<200x128xf32, #tpu.memory_space<hbm>>
      %dma_wait3A_32 = arith.constant 0 : i32
      %dma_wait3A_33 = tpu.memref_slice %arg6[%add3A_15, %dma_wait3A_32] : memref<160000x128xf32, #tpu.memory_space<hbm>> -> memref<200x128xf32, #tpu.memory_space<hbm>>
      tpu.wait_dma2 semaphore(%run_scoped3A : memref<!tpu.dma_semaphore, #tpu.memory_space<semaphore_mem>>) src(%arg9 : memref<200x128xf32, #tpu.memory_space<vmem>>) dst(%dma_wait3A_33 : memref<200x128xf32, #tpu.memory_space<hbm>>)
      tpu.yield
    }) : () -> ()
    return
  }
}

#map = affine_map<(d0, d1) -> (0, 0)>
#map1 = affine_map<(d0, d1) -> (0)>
#map2 = affine_map<(d0, d1) -> (0, 0, 0)>
module attributes {stable_mosaic.version = 14 : i64} {
  func.func @k(%arg0: i32, %arg1: i32, %arg2: memref<160000x128xf32, #tpu.memory_space<hbm>>, %arg3: memref<10000x128xf32, #tpu.memory_space<hbm>>, %arg4: memref<160000xi32, #tpu.memory_space<hbm>>, %arg5: memref<160000xi32, #tpu.memory_space<hbm>>, %arg6: memref<10000x128xf32, #tpu.memory_space<hbm>>, %arg7: memref<2x10000x128xf32, #tpu.memory_space<hbm>>, %arg8: memref<160xi32, #tpu.memory_space<vmem>>, %arg9: memref<160xi32, #tpu.memory_space<vmem>>, %arg10: memref<160x128xf32, #tpu.memory_space<vmem>>, %arg11: memref<160x128xf32, #tpu.memory_space<vmem>>, %arg12: memref<10000x128xf32, #tpu.memory_space<vmem_shared>>, %arg13: memref<!tpu.dma_semaphore, #tpu.memory_space<semaphore_mem>>, %arg14: memref<!tpu.dma_semaphore, #tpu.memory_space<semaphore_mem>>) attributes {dimension_semantics = [#tpu.dimension_semantics<core_parallel>, #tpu.dimension_semantics<subcore_parallel>], iteration_bounds = array<i64: 2, 16>, scalar_prefetch = 0 : i64, scratch_operands = 7 : i64, tpu.core_type = #tpu.core_type<sc_vector_subcore>, window_params = [{transform_indices = #map}, {transform_indices = #map}, {transform_indices = #map1}, {transform_indices = #map1}, {transform_indices = #map}, {transform_indices = #map2}]} {
    %mul3A = arith.constant 2 : i32
    %mul3A_0 = arith.muli %arg1, %mul3A : i32
    %add3A = arith.addi %mul3A_0, %arg0 : i32
    %eq3A = arith.constant 0 : i32
    %eq3A_1 = arith.cmpi eq, %arg1, %eq3A : i32
    %convert_element_type3A = arith.extui %eq3A_1 : i1 to i32
    %cond3A = arith.constant 0 : i32
    %cond3A_2 = arith.cmpi ne, %convert_element_type3A, %cond3A : i32
    scf.if %cond3A_2 {
      "tpu.region"() ({
        %run_scoped3A = tpu.sem_alloc : memref<!tpu.dma_semaphore, #tpu.memory_space<semaphore_mem>>
        tpu.enqueue_dma source(%arg6 : memref<10000x128xf32, #tpu.memory_space<hbm>>) target(%arg12 : memref<10000x128xf32, #tpu.memory_space<vmem_shared>>) target_semaphore(%run_scoped3A : memref<!tpu.dma_semaphore, #tpu.memory_space<semaphore_mem>>)
        tpu.wait_dma2 semaphore(%run_scoped3A : memref<!tpu.dma_semaphore, #tpu.memory_space<semaphore_mem>>) src(%arg6 : memref<10000x128xf32, #tpu.memory_space<hbm>>) dst(%arg12 : memref<10000x128xf32, #tpu.memory_space<vmem_shared>>)
        tpu.yield
      }) : () -> ()
    } else {
    }
    %barrier3A = arith.constant 0 : index
    tpu.barrier barrier_id(%barrier3A)
    %sub3A = arith.constant 1000 : i32
    %sub3A_3 = arith.subi %sub3A, %add3A : i32
    %sub3A_4 = arith.constant 32 : i32
    %sub3A_5 = arith.constant 1 : i32
    %sub3A_6 = arith.subi %sub3A_4, %sub3A_5 : i32
    %add3A_7 = arith.addi %sub3A_3, %sub3A_6 : i32
    %div3A = arith.constant 32 : i32
    %div3A_8 = arith.divsi %add3A_7, %div3A : i32
    %while3A = arith.constant 32 : i32
    %while3A_9 = arith.constant 0 : i32
    %while3A_10 = arith.subi %div3A_8, %while3A_9 : i32
    %while3A_11 = arith.addi %while3A_9, %while3A_10 : i32
    %while3A_12 = arith.constant 1 : i32
    %while3A_13 = arith.divsi %while3A_10, %while3A_12 : i32
    %while3A_14 = arith.muli %while3A_13, %while3A_12 : i32
    %while3A_15 = arith.addi %while3A_9, %while3A_14 : i32
    %while3A_16 = arith.constant 1 : i32
    scf.for %while3A_28 = %while3A_9 to %while3A_15 step %while3A_16  : i32 {
      %mul3A_29 = arith.muli %while3A_28, %while3A : i32
      %add3A_30 = arith.addi %add3A, %mul3A_29 : i32
      %mul3A_31 = arith.constant 160 : i32
      %mul3A_32 = arith.muli %add3A_30, %mul3A_31 : i32
      "tpu.region"() ({
        %run_scoped3A = tpu.sem_alloc : memref<!tpu.dma_semaphore, #tpu.memory_space<semaphore_mem>>
        %dma_start3A_49 = tpu.memref_slice %arg5[%mul3A_32] : memref<160000xi32, #tpu.memory_space<hbm>> -> memref<160xi32, #tpu.memory_space<hbm>>
        %dma_start3A_50 = tpu.memref_slice %arg5[%mul3A_32] : memref<160000xi32, #tpu.memory_space<hbm>> -> memref<160xi32, #tpu.memory_space<hbm>>
        tpu.enqueue_dma source(%dma_start3A_50 : memref<160xi32, #tpu.memory_space<hbm>>) target(%arg9 : memref<160xi32, #tpu.memory_space<vmem>>) target_semaphore(%run_scoped3A : memref<!tpu.dma_semaphore, #tpu.memory_space<semaphore_mem>>)
        %dma_wait3A_51 = tpu.memref_slice %arg5[%mul3A_32] : memref<160000xi32, #tpu.memory_space<hbm>> -> memref<160xi32, #tpu.memory_space<hbm>>
        %dma_wait3A_52 = tpu.memref_slice %arg5[%mul3A_32] : memref<160000xi32, #tpu.memory_space<hbm>> -> memref<160xi32, #tpu.memory_space<hbm>>
        tpu.wait_dma2 semaphore(%run_scoped3A : memref<!tpu.dma_semaphore, #tpu.memory_space<semaphore_mem>>) src(%dma_wait3A_52 : memref<160xi32, #tpu.memory_space<hbm>>) dst(%arg9 : memref<160xi32, #tpu.memory_space<vmem>>)
        tpu.yield
      }) : () -> ()
      %dma_start3A = arith.constant 0 : i32
      %dma_start3A_33 = tpu.memref_slice %arg2[%mul3A_32, %dma_start3A] : memref<160000x128xf32, #tpu.memory_space<hbm>> -> memref<160x128xf32, #tpu.memory_space<hbm>>
      %dma_start3A_34 = arith.constant 0 : i32
      %dma_start3A_35 = tpu.memref_slice %arg2[%mul3A_32, %dma_start3A_34] : memref<160000x128xf32, #tpu.memory_space<hbm>> -> memref<160x128xf32, #tpu.memory_space<hbm>>
      tpu.enqueue_dma source(%dma_start3A_35 : memref<160x128xf32, #tpu.memory_space<hbm>>) target(%arg10 : memref<160x128xf32, #tpu.memory_space<vmem>>) target_semaphore(%arg13 : memref<!tpu.dma_semaphore, #tpu.memory_space<semaphore_mem>>)
      %dma_start3A_36 = arith.constant 0 : i32
      %dma_start3A_37 = arith.constant 0 : i32
      %dma_start3A_38 = tpu.memref_slice %arg3[%dma_start3A_36, %dma_start3A_37] : memref<10000x128xf32, #tpu.memory_space<hbm>> -> memref<10000x128xf32, #tpu.memory_space<hbm>>
      tpu.enqueue_indirect_dma source(%dma_start3A_38 : memref<10000x128xf32, #tpu.memory_space<hbm>>) target(%arg11 : memref<160x128xf32, #tpu.memory_space<vmem>>) offsets(%arg9 : memref<160xi32, #tpu.memory_space<vmem>>) semaphore(%arg14 : memref<!tpu.dma_semaphore, #tpu.memory_space<semaphore_mem>>)
      "tpu.region"() ({
        %run_scoped3A = tpu.sem_alloc : memref<!tpu.dma_semaphore, #tpu.memory_space<semaphore_mem>>
        %dma_start3A_49 = tpu.memref_slice %arg4[%mul3A_32] : memref<160000xi32, #tpu.memory_space<hbm>> -> memref<160xi32, #tpu.memory_space<hbm>>
        %dma_start3A_50 = tpu.memref_slice %arg4[%mul3A_32] : memref<160000xi32, #tpu.memory_space<hbm>> -> memref<160xi32, #tpu.memory_space<hbm>>
        tpu.enqueue_dma source(%dma_start3A_50 : memref<160xi32, #tpu.memory_space<hbm>>) target(%arg8 : memref<160xi32, #tpu.memory_space<vmem>>) target_semaphore(%run_scoped3A : memref<!tpu.dma_semaphore, #tpu.memory_space<semaphore_mem>>)
        %dma_wait3A_51 = tpu.memref_slice %arg4[%mul3A_32] : memref<160000xi32, #tpu.memory_space<hbm>> -> memref<160xi32, #tpu.memory_space<hbm>>
        %dma_wait3A_52 = tpu.memref_slice %arg4[%mul3A_32] : memref<160000xi32, #tpu.memory_space<hbm>> -> memref<160xi32, #tpu.memory_space<hbm>>
        tpu.wait_dma2 semaphore(%run_scoped3A : memref<!tpu.dma_semaphore, #tpu.memory_space<semaphore_mem>>) src(%dma_wait3A_52 : memref<160xi32, #tpu.memory_space<hbm>>) dst(%arg8 : memref<160xi32, #tpu.memory_space<vmem>>)
        tpu.yield
      }) : () -> ()
      %dma_wait3A = arith.constant 0 : i32
      %dma_wait3A_39 = tpu.memref_slice %arg2[%mul3A_32, %dma_wait3A] : memref<160000x128xf32, #tpu.memory_space<hbm>> -> memref<160x128xf32, #tpu.memory_space<hbm>>
      %dma_wait3A_40 = arith.constant 0 : i32
      %dma_wait3A_41 = tpu.memref_slice %arg2[%mul3A_32, %dma_wait3A_40] : memref<160000x128xf32, #tpu.memory_space<hbm>> -> memref<160x128xf32, #tpu.memory_space<hbm>>
      tpu.wait_dma2 semaphore(%arg13 : memref<!tpu.dma_semaphore, #tpu.memory_space<semaphore_mem>>) src(%dma_wait3A_41 : memref<160x128xf32, #tpu.memory_space<hbm>>) dst(%arg10 : memref<160x128xf32, #tpu.memory_space<vmem>>)
      %dma_wait3A_42 = arith.constant 0 : i32
      %dma_wait3A_43 = arith.constant 0 : i32
      %dma_wait3A_44 = tpu.memref_slice %arg3[%dma_wait3A_42, %dma_wait3A_43] : memref<10000x128xf32, #tpu.memory_space<hbm>> -> memref<10000x128xf32, #tpu.memory_space<hbm>>
      tpu.wait_indirect_dma semaphore(%arg14 : memref<!tpu.dma_semaphore, #tpu.memory_space<semaphore_mem>>) src(%dma_wait3A_44 : memref<10000x128xf32, #tpu.memory_space<hbm>>) dst(%arg11 : memref<160x128xf32, #tpu.memory_space<vmem>>)
      %scan3A = arith.constant 0 : i32
      %scan3A_45 = arith.constant 160 : i32
      %scan3A_46 = arith.addi %scan3A, %scan3A_45 : i32
      %scan3A_47 = arith.constant 1 : i32
      scf.for %scan3A_49 = %scan3A to %scan3A_46 step %scan3A_47  : i32 {
        %mul3A_50 = arith.constant 1 : i32
        %mul3A_51 = arith.muli %scan3A_49, %mul3A_50 : i32
        %add3A_52 = arith.constant 0 : i32
        %add3A_53 = arith.addi %add3A_52, %mul3A_51 : i32
        %get3A = arith.index_cast %add3A_53 : i32 to index
        %get3A_54 = arith.constant 0 : index
        %get3A_55 = tpu.vector_load %arg10[%get3A, %get3A_54] {strides = array<i32>} : memref<160x128xf32, #tpu.memory_space<vmem>>, vector<1x16xf32>,
        %get3A_56 = vector.shape_cast %get3A_55 : vector<1x16xf32> to vector<16xf32>
        %get3A_57 = arith.index_cast %add3A_53 : i32 to index
        %get3A_58 = arith.constant 0 : index
        %get3A_59 = tpu.vector_load %arg11[%get3A_57, %get3A_58] {strides = array<i32>} : memref<160x128xf32, #tpu.memory_space<vmem>>, vector<1x16xf32>,
        %get3A_60 = vector.shape_cast %get3A_59 : vector<1x16xf32> to vector<16xf32>
        %mul3A_61 = arith.mulf %get3A_56, %get3A_60 : vector<16xf32>
        %swap3A = arith.index_cast %add3A_53 : i32 to index
        %swap3A_62 = arith.constant 0 : index
        %swap3A_63 = tpu.vector_load %arg10[%swap3A, %swap3A_62] {strides = array<i32>} : memref<160x128xf32, #tpu.memory_space<vmem>>, vector<1x16xf32>,
        %swap3A_64 = vector.shape_cast %swap3A_63 : vector<1x16xf32> to vector<16xf32>
        %swap3A_65 = vector.shape_cast %mul3A_61 : vector<16xf32> to vector<1x16xf32>
        tpu.vector_store %arg10[%swap3A, %swap3A_62], %swap3A_65 {strides = array<i32>} : memref<160x128xf32, #tpu.memory_space<vmem>>, vector<1x16xf32>,
        %get3A_66 = arith.index_cast %add3A_53 : i32 to index
        %get3A_67 = arith.constant 16 : index
        %get3A_68 = tpu.vector_load %arg10[%get3A_66, %get3A_67] {strides = array<i32>} : memref<160x128xf32, #tpu.memory_space<vmem>>, vector<1x16xf32>,
        %get3A_69 = vector.shape_cast %get3A_68 : vector<1x16xf32> to vector<16xf32>
        %get3A_70 = arith.index_cast %add3A_53 : i32 to index
        %get3A_71 = arith.constant 16 : index
        %get3A_72 = tpu.vector_load %arg11[%get3A_70, %get3A_71] {strides = array<i32>} : memref<160x128xf32, #tpu.memory_space<vmem>>, vector<1x16xf32>,
        %get3A_73 = vector.shape_cast %get3A_72 : vector<1x16xf32> to vector<16xf32>
        %mul3A_74 = arith.mulf %get3A_69, %get3A_73 : vector<16xf32>
        %swap3A_75 = arith.index_cast %add3A_53 : i32 to index
        %swap3A_76 = arith.constant 16 : index
        %swap3A_77 = tpu.vector_load %arg10[%swap3A_75, %swap3A_76] {strides = array<i32>} : memref<160x128xf32, #tpu.memory_space<vmem>>, vector<1x16xf32>,
        %swap3A_78 = vector.shape_cast %swap3A_77 : vector<1x16xf32> to vector<16xf32>
        %swap3A_79 = vector.shape_cast %mul3A_74 : vector<16xf32> to vector<1x16xf32>
        tpu.vector_store %arg10[%swap3A_75, %swap3A_76], %swap3A_79 {strides = array<i32>} : memref<160x128xf32, #tpu.memory_space<vmem>>, vector<1x16xf32>,
        %get3A_80 = arith.index_cast %add3A_53 : i32 to index
        %get3A_81 = arith.constant 32 : index
        %get3A_82 = tpu.vector_load %arg10[%get3A_80, %get3A_81] {strides = array<i32>} : memref<160x128xf32, #tpu.memory_space<vmem>>, vector<1x16xf32>,
        %get3A_83 = vector.shape_cast %get3A_82 : vector<1x16xf32> to vector<16xf32>
        %get3A_84 = arith.index_cast %add3A_53 : i32 to index
        %get3A_85 = arith.constant 32 : index
        %get3A_86 = tpu.vector_load %arg11[%get3A_84, %get3A_85] {strides = array<i32>} : memref<160x128xf32, #tpu.memory_space<vmem>>, vector<1x16xf32>,
        %get3A_87 = vector.shape_cast %get3A_86 : vector<1x16xf32> to vector<16xf32>
        %mul3A_88 = arith.mulf %get3A_83, %get3A_87 : vector<16xf32>
        %swap3A_89 = arith.index_cast %add3A_53 : i32 to index
        %swap3A_90 = arith.constant 32 : index
        %swap3A_91 = tpu.vector_load %arg10[%swap3A_89, %swap3A_90] {strides = array<i32>} : memref<160x128xf32, #tpu.memory_space<vmem>>, vector<1x16xf32>,
        %swap3A_92 = vector.shape_cast %swap3A_91 : vector<1x16xf32> to vector<16xf32>
        %swap3A_93 = vector.shape_cast %mul3A_88 : vector<16xf32> to vector<1x16xf32>
        tpu.vector_store %arg10[%swap3A_89, %swap3A_90], %swap3A_93 {strides = array<i32>} : memref<160x128xf32, #tpu.memory_space<vmem>>, vector<1x16xf32>,
        %get3A_94 = arith.index_cast %add3A_53 : i32 to index
        %get3A_95 = arith.constant 48 : index
        %get3A_96 = tpu.vector_load %arg10[%get3A_94, %get3A_95] {strides = array<i32>} : memref<160x128xf32, #tpu.memory_space<vmem>>, vector<1x16xf32>,
        %get3A_97 = vector.shape_cast %get3A_96 : vector<1x16xf32> to vector<16xf32>
        %get3A_98 = arith.index_cast %add3A_53 : i32 to index
        %get3A_99 = arith.constant 48 : index
        %get3A_100 = tpu.vector_load %arg11[%get3A_98, %get3A_99] {strides = array<i32>} : memref<160x128xf32, #tpu.memory_space<vmem>>, vector<1x16xf32>,
        %get3A_101 = vector.shape_cast %get3A_100 : vector<1x16xf32> to vector<16xf32>
        %mul3A_102 = arith.mulf %get3A_97, %get3A_101 : vector<16xf32>
        %swap3A_103 = arith.index_cast %add3A_53 : i32 to index
        %swap3A_104 = arith.constant 48 : index
        %swap3A_105 = tpu.vector_load %arg10[%swap3A_103, %swap3A_104] {strides = array<i32>} : memref<160x128xf32, #tpu.memory_space<vmem>>, vector<1x16xf32>,
        %swap3A_106 = vector.shape_cast %swap3A_105 : vector<1x16xf32> to vector<16xf32>
        %swap3A_107 = vector.shape_cast %mul3A_102 : vector<16xf32> to vector<1x16xf32>
        tpu.vector_store %arg10[%swap3A_103, %swap3A_104], %swap3A_107 {strides = array<i32>} : memref<160x128xf32, #tpu.memory_space<vmem>>, vector<1x16xf32>,
        %get3A_108 = arith.index_cast %add3A_53 : i32 to index
        %get3A_109 = arith.constant 64 : index
        %get3A_110 = tpu.vector_load %arg10[%get3A_108, %get3A_109] {strides = array<i32>} : memref<160x128xf32, #tpu.memory_space<vmem>>, vector<1x16xf32>,
        %get3A_111 = vector.shape_cast %get3A_110 : vector<1x16xf32> to vector<16xf32>
        %get3A_112 = arith.index_cast %add3A_53 : i32 to index
        %get3A_113 = arith.constant 64 : index
        %get3A_114 = tpu.vector_load %arg11[%get3A_112, %get3A_113] {strides = array<i32>} : memref<160x128xf32, #tpu.memory_space<vmem>>, vector<1x16xf32>,
        %get3A_115 = vector.shape_cast %get3A_114 : vector<1x16xf32> to vector<16xf32>
        %mul3A_116 = arith.mulf %get3A_111, %get3A_115 : vector<16xf32>
        %swap3A_117 = arith.index_cast %add3A_53 : i32 to index
        %swap3A_118 = arith.constant 64 : index
        %swap3A_119 = tpu.vector_load %arg10[%swap3A_117, %swap3A_118] {strides = array<i32>} : memref<160x128xf32, #tpu.memory_space<vmem>>, vector<1x16xf32>,
        %swap3A_120 = vector.shape_cast %swap3A_119 : vector<1x16xf32> to vector<16xf32>
        %swap3A_121 = vector.shape_cast %mul3A_116 : vector<16xf32> to vector<1x16xf32>
        tpu.vector_store %arg10[%swap3A_117, %swap3A_118], %swap3A_121 {strides = array<i32>} : memref<160x128xf32, #tpu.memory_space<vmem>>, vector<1x16xf32>,
        %get3A_122 = arith.index_cast %add3A_53 : i32 to index
        %get3A_123 = arith.constant 80 : index
        %get3A_124 = tpu.vector_load %arg10[%get3A_122, %get3A_123] {strides = array<i32>} : memref<160x128xf32, #tpu.memory_space<vmem>>, vector<1x16xf32>,
        %get3A_125 = vector.shape_cast %get3A_124 : vector<1x16xf32> to vector<16xf32>
        %get3A_126 = arith.index_cast %add3A_53 : i32 to index
        %get3A_127 = arith.constant 80 : index
        %get3A_128 = tpu.vector_load %arg11[%get3A_126, %get3A_127] {strides = array<i32>} : memref<160x128xf32, #tpu.memory_space<vmem>>, vector<1x16xf32>,
        %get3A_129 = vector.shape_cast %get3A_128 : vector<1x16xf32> to vector<16xf32>
        %mul3A_130 = arith.mulf %get3A_125, %get3A_129 : vector<16xf32>
        %swap3A_131 = arith.index_cast %add3A_53 : i32 to index
        %swap3A_132 = arith.constant 80 : index
        %swap3A_133 = tpu.vector_load %arg10[%swap3A_131, %swap3A_132] {strides = array<i32>} : memref<160x128xf32, #tpu.memory_space<vmem>>, vector<1x16xf32>,
        %swap3A_134 = vector.shape_cast %swap3A_133 : vector<1x16xf32> to vector<16xf32>
        %swap3A_135 = vector.shape_cast %mul3A_130 : vector<16xf32> to vector<1x16xf32>
        tpu.vector_store %arg10[%swap3A_131, %swap3A_132], %swap3A_135 {strides = array<i32>} : memref<160x128xf32, #tpu.memory_space<vmem>>, vector<1x16xf32>,
        %get3A_136 = arith.index_cast %add3A_53 : i32 to index
        %get3A_137 = arith.constant 96 : index
        %get3A_138 = tpu.vector_load %arg10[%get3A_136, %get3A_137] {strides = array<i32>} : memref<160x128xf32, #tpu.memory_space<vmem>>, vector<1x16xf32>,
        %get3A_139 = vector.shape_cast %get3A_138 : vector<1x16xf32> to vector<16xf32>
        %get3A_140 = arith.index_cast %add3A_53 : i32 to index
        %get3A_141 = arith.constant 96 : index
        %get3A_142 = tpu.vector_load %arg11[%get3A_140, %get3A_141] {strides = array<i32>} : memref<160x128xf32, #tpu.memory_space<vmem>>, vector<1x16xf32>,
        %get3A_143 = vector.shape_cast %get3A_142 : vector<1x16xf32> to vector<16xf32>
        %mul3A_144 = arith.mulf %get3A_139, %get3A_143 : vector<16xf32>
        %swap3A_145 = arith.index_cast %add3A_53 : i32 to index
        %swap3A_146 = arith.constant 96 : index
        %swap3A_147 = tpu.vector_load %arg10[%swap3A_145, %swap3A_146] {strides = array<i32>} : memref<160x128xf32, #tpu.memory_space<vmem>>, vector<1x16xf32>,
        %swap3A_148 = vector.shape_cast %swap3A_147 : vector<1x16xf32> to vector<16xf32>
        %swap3A_149 = vector.shape_cast %mul3A_144 : vector<16xf32> to vector<1x16xf32>
        tpu.vector_store %arg10[%swap3A_145, %swap3A_146], %swap3A_149 {strides = array<i32>} : memref<160x128xf32, #tpu.memory_space<vmem>>, vector<1x16xf32>,
        %get3A_150 = arith.index_cast %add3A_53 : i32 to index
        %get3A_151 = arith.constant 112 : index
        %get3A_152 = tpu.vector_load %arg10[%get3A_150, %get3A_151] {strides = array<i32>} : memref<160x128xf32, #tpu.memory_space<vmem>>, vector<1x16xf32>,
        %get3A_153 = vector.shape_cast %get3A_152 : vector<1x16xf32> to vector<16xf32>
        %get3A_154 = arith.index_cast %add3A_53 : i32 to index
        %get3A_155 = arith.constant 112 : index
        %get3A_156 = tpu.vector_load %arg11[%get3A_154, %get3A_155] {strides = array<i32>} : memref<160x128xf32, #tpu.memory_space<vmem>>, vector<1x16xf32>,
        %get3A_157 = vector.shape_cast %get3A_156 : vector<1x16xf32> to vector<16xf32>
        %mul3A_158 = arith.mulf %get3A_153, %get3A_157 : vector<16xf32>
        %swap3A_159 = arith.index_cast %add3A_53 : i32 to index
        %swap3A_160 = arith.constant 112 : index
        %swap3A_161 = tpu.vector_load %arg10[%swap3A_159, %swap3A_160] {strides = array<i32>} : memref<160x128xf32, #tpu.memory_space<vmem>>, vector<1x16xf32>,
        %swap3A_162 = vector.shape_cast %swap3A_161 : vector<1x16xf32> to vector<16xf32>
        %swap3A_163 = vector.shape_cast %mul3A_158 : vector<16xf32> to vector<1x16xf32>
        tpu.vector_store %arg10[%swap3A_159, %swap3A_160], %swap3A_163 {strides = array<i32>} : memref<160x128xf32, #tpu.memory_space<vmem>>, vector<1x16xf32>,
      }
      %scan3A_48 = arith.constant 160 : i32
      "tpu.region"() ({
        %run_scoped3A = tpu.sem_alloc : memref<!tpu.dma_semaphore, #tpu.memory_space<semaphore_mem>>
        %dma_start3A_49 = arith.constant 0 : i32
        %dma_start3A_50 = arith.constant 0 : i32
        %dma_start3A_51 = tpu.memref_slice %arg12[%dma_start3A_49, %dma_start3A_50] : memref<10000x128xf32, #tpu.memory_space<vmem_shared>> -> memref<10000x128xf32, #tpu.memory_space<vmem_shared>>
        tpu.enqueue_indirect_dma source(%arg10 : memref<160x128xf32, #tpu.memory_space<vmem>>) target(%dma_start3A_51 : memref<10000x128xf32, #tpu.memory_space<vmem_shared>>) offsets(%arg8 : memref<160xi32, #tpu.memory_space<vmem>>) semaphore(%run_scoped3A : memref<!tpu.dma_semaphore, #tpu.memory_space<semaphore_mem>>) {add = true}
        %dma_wait3A_52 = arith.constant 0 : i32
        %dma_wait3A_53 = arith.constant 0 : i32
        %dma_wait3A_54 = tpu.memref_slice %arg12[%dma_wait3A_52, %dma_wait3A_53] : memref<10000x128xf32, #tpu.memory_space<vmem_shared>> -> memref<10000x128xf32, #tpu.memory_space<vmem_shared>>
        tpu.wait_indirect_dma semaphore(%run_scoped3A : memref<!tpu.dma_semaphore, #tpu.memory_space<semaphore_mem>>) src(%arg10 : memref<160x128xf32, #tpu.memory_space<vmem>>) dst(%dma_wait3A_54 : memref<10000x128xf32, #tpu.memory_space<vmem_shared>>)
        tpu.yield
      }) : () -> ()
    }
    %while3A_17 = arith.constant 1 : i32
    scf.for %while3A_28 = %while3A_15 to %while3A_11 step %while3A_17  : i32 {
      %mul3A_29 = arith.muli %while3A_28, %while3A : i32
      %add3A_30 = arith.addi %add3A, %mul3A_29 : i32
      %mul3A_31 = arith.constant 160 : i32
      %mul3A_32 = arith.muli %add3A_30, %mul3A_31 : i32
      "tpu.region"() ({
        %run_scoped3A = tpu.sem_alloc : memref<!tpu.dma_semaphore, #tpu.memory_space<semaphore_mem>>
        %dma_start3A_49 = tpu.memref_slice %arg5[%mul3A_32] : memref<160000xi32, #tpu.memory_space<hbm>> -> memref<160xi32, #tpu.memory_space<hbm>>
        %dma_start3A_50 = tpu.memref_slice %arg5[%mul3A_32] : memref<160000xi32, #tpu.memory_space<hbm>> -> memref<160xi32, #tpu.memory_space<hbm>>
        tpu.enqueue_dma source(%dma_start3A_50 : memref<160xi32, #tpu.memory_space<hbm>>) target(%arg9 : memref<160xi32, #tpu.memory_space<vmem>>) target_semaphore(%run_scoped3A : memref<!tpu.dma_semaphore, #tpu.memory_space<semaphore_mem>>)
        %dma_wait3A_51 = tpu.memref_slice %arg5[%mul3A_32] : memref<160000xi32, #tpu.memory_space<hbm>> -> memref<160xi32, #tpu.memory_space<hbm>>
        %dma_wait3A_52 = tpu.memref_slice %arg5[%mul3A_32] : memref<160000xi32, #tpu.memory_space<hbm>> -> memref<160xi32, #tpu.memory_space<hbm>>
        tpu.wait_dma2 semaphore(%run_scoped3A : memref<!tpu.dma_semaphore, #tpu.memory_space<semaphore_mem>>) src(%dma_wait3A_52 : memref<160xi32, #tpu.memory_space<hbm>>) dst(%arg9 : memref<160xi32, #tpu.memory_space<vmem>>)
        tpu.yield
      }) : () -> ()
      %dma_start3A = arith.constant 0 : i32
      %dma_start3A_33 = tpu.memref_slice %arg2[%mul3A_32, %dma_start3A] : memref<160000x128xf32, #tpu.memory_space<hbm>> -> memref<160x128xf32, #tpu.memory_space<hbm>>
      %dma_start3A_34 = arith.constant 0 : i32
      %dma_start3A_35 = tpu.memref_slice %arg2[%mul3A_32, %dma_start3A_34] : memref<160000x128xf32, #tpu.memory_space<hbm>> -> memref<160x128xf32, #tpu.memory_space<hbm>>
      tpu.enqueue_dma source(%dma_start3A_35 : memref<160x128xf32, #tpu.memory_space<hbm>>) target(%arg10 : memref<160x128xf32, #tpu.memory_space<vmem>>) target_semaphore(%arg13 : memref<!tpu.dma_semaphore, #tpu.memory_space<semaphore_mem>>)
      %dma_start3A_36 = arith.constant 0 : i32
      %dma_start3A_37 = arith.constant 0 : i32
      %dma_start3A_38 = tpu.memref_slice %arg3[%dma_start3A_36, %dma_start3A_37] : memref<10000x128xf32, #tpu.memory_space<hbm>> -> memref<10000x128xf32, #tpu.memory_space<hbm>>
      tpu.enqueue_indirect_dma source(%dma_start3A_38 : memref<10000x128xf32, #tpu.memory_space<hbm>>) target(%arg11 : memref<160x128xf32, #tpu.memory_space<vmem>>) offsets(%arg9 : memref<160xi32, #tpu.memory_space<vmem>>) semaphore(%arg14 : memref<!tpu.dma_semaphore, #tpu.memory_space<semaphore_mem>>)
      "tpu.region"() ({
        %run_scoped3A = tpu.sem_alloc : memref<!tpu.dma_semaphore, #tpu.memory_space<semaphore_mem>>
        %dma_start3A_49 = tpu.memref_slice %arg4[%mul3A_32] : memref<160000xi32, #tpu.memory_space<hbm>> -> memref<160xi32, #tpu.memory_space<hbm>>
        %dma_start3A_50 = tpu.memref_slice %arg4[%mul3A_32] : memref<160000xi32, #tpu.memory_space<hbm>> -> memref<160xi32, #tpu.memory_space<hbm>>
        tpu.enqueue_dma source(%dma_start3A_50 : memref<160xi32, #tpu.memory_space<hbm>>) target(%arg8 : memref<160xi32, #tpu.memory_space<vmem>>) target_semaphore(%run_scoped3A : memref<!tpu.dma_semaphore, #tpu.memory_space<semaphore_mem>>)
        %dma_wait3A_51 = tpu.memref_slice %arg4[%mul3A_32] : memref<160000xi32, #tpu.memory_space<hbm>> -> memref<160xi32, #tpu.memory_space<hbm>>
        %dma_wait3A_52 = tpu.memref_slice %arg4[%mul3A_32] : memref<160000xi32, #tpu.memory_space<hbm>> -> memref<160xi32, #tpu.memory_space<hbm>>
        tpu.wait_dma2 semaphore(%run_scoped3A : memref<!tpu.dma_semaphore, #tpu.memory_space<semaphore_mem>>) src(%dma_wait3A_52 : memref<160xi32, #tpu.memory_space<hbm>>) dst(%arg8 : memref<160xi32, #tpu.memory_space<vmem>>)
        tpu.yield
      }) : () -> ()
      %dma_wait3A = arith.constant 0 : i32
      %dma_wait3A_39 = tpu.memref_slice %arg2[%mul3A_32, %dma_wait3A] : memref<160000x128xf32, #tpu.memory_space<hbm>> -> memref<160x128xf32, #tpu.memory_space<hbm>>
      %dma_wait3A_40 = arith.constant 0 : i32
      %dma_wait3A_41 = tpu.memref_slice %arg2[%mul3A_32, %dma_wait3A_40] : memref<160000x128xf32, #tpu.memory_space<hbm>> -> memref<160x128xf32, #tpu.memory_space<hbm>>
      tpu.wait_dma2 semaphore(%arg13 : memref<!tpu.dma_semaphore, #tpu.memory_space<semaphore_mem>>) src(%dma_wait3A_41 : memref<160x128xf32, #tpu.memory_space<hbm>>) dst(%arg10 : memref<160x128xf32, #tpu.memory_space<vmem>>)
      %dma_wait3A_42 = arith.constant 0 : i32
      %dma_wait3A_43 = arith.constant 0 : i32
      %dma_wait3A_44 = tpu.memref_slice %arg3[%dma_wait3A_42, %dma_wait3A_43] : memref<10000x128xf32, #tpu.memory_space<hbm>> -> memref<10000x128xf32, #tpu.memory_space<hbm>>
      tpu.wait_indirect_dma semaphore(%arg14 : memref<!tpu.dma_semaphore, #tpu.memory_space<semaphore_mem>>) src(%dma_wait3A_44 : memref<10000x128xf32, #tpu.memory_space<hbm>>) dst(%arg11 : memref<160x128xf32, #tpu.memory_space<vmem>>)
      %scan3A = arith.constant 0 : i32
      %scan3A_45 = arith.constant 160 : i32
      %scan3A_46 = arith.addi %scan3A, %scan3A_45 : i32
      %scan3A_47 = arith.constant 1 : i32
      scf.for %scan3A_49 = %scan3A to %scan3A_46 step %scan3A_47  : i32 {
        %mul3A_50 = arith.constant 1 : i32
        %mul3A_51 = arith.muli %scan3A_49, %mul3A_50 : i32
        %add3A_52 = arith.constant 0 : i32
        %add3A_53 = arith.addi %add3A_52, %mul3A_51 : i32
        %get3A = arith.index_cast %add3A_53 : i32 to index
        %get3A_54 = arith.constant 0 : index
        %get3A_55 = tpu.vector_load %arg10[%get3A, %get3A_54] {strides = array<i32>} : memref<160x128xf32, #tpu.memory_space<vmem>>, vector<1x16xf32>,
        %get3A_56 = vector.shape_cast %get3A_55 : vector<1x16xf32> to vector<16xf32>
        %get3A_57 = arith.index_cast %add3A_53 : i32 to index
        %get3A_58 = arith.constant 0 : index
        %get3A_59 = tpu.vector_load %arg11[%get3A_57, %get3A_58] {strides = array<i32>} : memref<160x128xf32, #tpu.memory_space<vmem>>, vector<1x16xf32>,
        %get3A_60 = vector.shape_cast %get3A_59 : vector<1x16xf32> to vector<16xf32>
        %mul3A_61 = arith.mulf %get3A_56, %get3A_60 : vector<16xf32>
        %swap3A = arith.index_cast %add3A_53 : i32 to index
        %swap3A_62 = arith.constant 0 : index
        %swap3A_63 = tpu.vector_load %arg10[%swap3A, %swap3A_62] {strides = array<i32>} : memref<160x128xf32, #tpu.memory_space<vmem>>, vector<1x16xf32>,
        %swap3A_64 = vector.shape_cast %swap3A_63 : vector<1x16xf32> to vector<16xf32>
        %swap3A_65 = vector.shape_cast %mul3A_61 : vector<16xf32> to vector<1x16xf32>
        tpu.vector_store %arg10[%swap3A, %swap3A_62], %swap3A_65 {strides = array<i32>} : memref<160x128xf32, #tpu.memory_space<vmem>>, vector<1x16xf32>,
        %get3A_66 = arith.index_cast %add3A_53 : i32 to index
        %get3A_67 = arith.constant 16 : index
        %get3A_68 = tpu.vector_load %arg10[%get3A_66, %get3A_67] {strides = array<i32>} : memref<160x128xf32, #tpu.memory_space<vmem>>, vector<1x16xf32>,
        %get3A_69 = vector.shape_cast %get3A_68 : vector<1x16xf32> to vector<16xf32>
        %get3A_70 = arith.index_cast %add3A_53 : i32 to index
        %get3A_71 = arith.constant 16 : index
        %get3A_72 = tpu.vector_load %arg11[%get3A_70, %get3A_71] {strides = array<i32>} : memref<160x128xf32, #tpu.memory_space<vmem>>, vector<1x16xf32>,
        %get3A_73 = vector.shape_cast %get3A_72 : vector<1x16xf32> to vector<16xf32>
        %mul3A_74 = arith.mulf %get3A_69, %get3A_73 : vector<16xf32>
        %swap3A_75 = arith.index_cast %add3A_53 : i32 to index
        %swap3A_76 = arith.constant 16 : index
        %swap3A_77 = tpu.vector_load %arg10[%swap3A_75, %swap3A_76] {strides = array<i32>} : memref<160x128xf32, #tpu.memory_space<vmem>>, vector<1x16xf32>,
        %swap3A_78 = vector.shape_cast %swap3A_77 : vector<1x16xf32> to vector<16xf32>
        %swap3A_79 = vector.shape_cast %mul3A_74 : vector<16xf32> to vector<1x16xf32>
        tpu.vector_store %arg10[%swap3A_75, %swap3A_76], %swap3A_79 {strides = array<i32>} : memref<160x128xf32, #tpu.memory_space<vmem>>, vector<1x16xf32>,
        %get3A_80 = arith.index_cast %add3A_53 : i32 to index
        %get3A_81 = arith.constant 32 : index
        %get3A_82 = tpu.vector_load %arg10[%get3A_80, %get3A_81] {strides = array<i32>} : memref<160x128xf32, #tpu.memory_space<vmem>>, vector<1x16xf32>,
        %get3A_83 = vector.shape_cast %get3A_82 : vector<1x16xf32> to vector<16xf32>
        %get3A_84 = arith.index_cast %add3A_53 : i32 to index
        %get3A_85 = arith.constant 32 : index
        %get3A_86 = tpu.vector_load %arg11[%get3A_84, %get3A_85] {strides = array<i32>} : memref<160x128xf32, #tpu.memory_space<vmem>>, vector<1x16xf32>,
        %get3A_87 = vector.shape_cast %get3A_86 : vector<1x16xf32> to vector<16xf32>
        %mul3A_88 = arith.mulf %get3A_83, %get3A_87 : vector<16xf32>
        %swap3A_89 = arith.index_cast %add3A_53 : i32 to index
        %swap3A_90 = arith.constant 32 : index
        %swap3A_91 = tpu.vector_load %arg10[%swap3A_89, %swap3A_90] {strides = array<i32>} : memref<160x128xf32, #tpu.memory_space<vmem>>, vector<1x16xf32>,
        %swap3A_92 = vector.shape_cast %swap3A_91 : vector<1x16xf32> to vector<16xf32>
        %swap3A_93 = vector.shape_cast %mul3A_88 : vector<16xf32> to vector<1x16xf32>
        tpu.vector_store %arg10[%swap3A_89, %swap3A_90], %swap3A_93 {strides = array<i32>} : memref<160x128xf32, #tpu.memory_space<vmem>>, vector<1x16xf32>,
        %get3A_94 = arith.index_cast %add3A_53 : i32 to index
        %get3A_95 = arith.constant 48 : index
        %get3A_96 = tpu.vector_load %arg10[%get3A_94, %get3A_95] {strides = array<i32>} : memref<160x128xf32, #tpu.memory_space<vmem>>, vector<1x16xf32>,
        %get3A_97 = vector.shape_cast %get3A_96 : vector<1x16xf32> to vector<16xf32>
        %get3A_98 = arith.index_cast %add3A_53 : i32 to index
        %get3A_99 = arith.constant 48 : index
        %get3A_100 = tpu.vector_load %arg11[%get3A_98, %get3A_99] {strides = array<i32>} : memref<160x128xf32, #tpu.memory_space<vmem>>, vector<1x16xf32>,
        %get3A_101 = vector.shape_cast %get3A_100 : vector<1x16xf32> to vector<16xf32>
        %mul3A_102 = arith.mulf %get3A_97, %get3A_101 : vector<16xf32>
        %swap3A_103 = arith.index_cast %add3A_53 : i32 to index
        %swap3A_104 = arith.constant 48 : index
        %swap3A_105 = tpu.vector_load %arg10[%swap3A_103, %swap3A_104] {strides = array<i32>} : memref<160x128xf32, #tpu.memory_space<vmem>>, vector<1x16xf32>,
        %swap3A_106 = vector.shape_cast %swap3A_105 : vector<1x16xf32> to vector<16xf32>
        %swap3A_107 = vector.shape_cast %mul3A_102 : vector<16xf32> to vector<1x16xf32>
        tpu.vector_store %arg10[%swap3A_103, %swap3A_104], %swap3A_107 {strides = array<i32>} : memref<160x128xf32, #tpu.memory_space<vmem>>, vector<1x16xf32>,
        %get3A_108 = arith.index_cast %add3A_53 : i32 to index
        %get3A_109 = arith.constant 64 : index
        %get3A_110 = tpu.vector_load %arg10[%get3A_108, %get3A_109] {strides = array<i32>} : memref<160x128xf32, #tpu.memory_space<vmem>>, vector<1x16xf32>,
        %get3A_111 = vector.shape_cast %get3A_110 : vector<1x16xf32> to vector<16xf32>
        %get3A_112 = arith.index_cast %add3A_53 : i32 to index
        %get3A_113 = arith.constant 64 : index
        %get3A_114 = tpu.vector_load %arg11[%get3A_112, %get3A_113] {strides = array<i32>} : memref<160x128xf32, #tpu.memory_space<vmem>>, vector<1x16xf32>,
        %get3A_115 = vector.shape_cast %get3A_114 : vector<1x16xf32> to vector<16xf32>
        %mul3A_116 = arith.mulf %get3A_111, %get3A_115 : vector<16xf32>
        %swap3A_117 = arith.index_cast %add3A_53 : i32 to index
        %swap3A_118 = arith.constant 64 : index
        %swap3A_119 = tpu.vector_load %arg10[%swap3A_117, %swap3A_118] {strides = array<i32>} : memref<160x128xf32, #tpu.memory_space<vmem>>, vector<1x16xf32>,
        %swap3A_120 = vector.shape_cast %swap3A_119 : vector<1x16xf32> to vector<16xf32>
        %swap3A_121 = vector.shape_cast %mul3A_116 : vector<16xf32> to vector<1x16xf32>
        tpu.vector_store %arg10[%swap3A_117, %swap3A_118], %swap3A_121 {strides = array<i32>} : memref<160x128xf32, #tpu.memory_space<vmem>>, vector<1x16xf32>,
        %get3A_122 = arith.index_cast %add3A_53 : i32 to index
        %get3A_123 = arith.constant 80 : index
        %get3A_124 = tpu.vector_load %arg10[%get3A_122, %get3A_123] {strides = array<i32>} : memref<160x128xf32, #tpu.memory_space<vmem>>, vector<1x16xf32>,
        %get3A_125 = vector.shape_cast %get3A_124 : vector<1x16xf32> to vector<16xf32>
        %get3A_126 = arith.index_cast %add3A_53 : i32 to index
        %get3A_127 = arith.constant 80 : index
        %get3A_128 = tpu.vector_load %arg11[%get3A_126, %get3A_127] {strides = array<i32>} : memref<160x128xf32, #tpu.memory_space<vmem>>, vector<1x16xf32>,
        %get3A_129 = vector.shape_cast %get3A_128 : vector<1x16xf32> to vector<16xf32>
        %mul3A_130 = arith.mulf %get3A_125, %get3A_129 : vector<16xf32>
        %swap3A_131 = arith.index_cast %add3A_53 : i32 to index
        %swap3A_132 = arith.constant 80 : index
        %swap3A_133 = tpu.vector_load %arg10[%swap3A_131, %swap3A_132] {strides = array<i32>} : memref<160x128xf32, #tpu.memory_space<vmem>>, vector<1x16xf32>,
        %swap3A_134 = vector.shape_cast %swap3A_133 : vector<1x16xf32> to vector<16xf32>
        %swap3A_135 = vector.shape_cast %mul3A_130 : vector<16xf32> to vector<1x16xf32>
        tpu.vector_store %arg10[%swap3A_131, %swap3A_132], %swap3A_135 {strides = array<i32>} : memref<160x128xf32, #tpu.memory_space<vmem>>, vector<1x16xf32>,
        %get3A_136 = arith.index_cast %add3A_53 : i32 to index
        %get3A_137 = arith.constant 96 : index
        %get3A_138 = tpu.vector_load %arg10[%get3A_136, %get3A_137] {strides = array<i32>} : memref<160x128xf32, #tpu.memory_space<vmem>>, vector<1x16xf32>,
        %get3A_139 = vector.shape_cast %get3A_138 : vector<1x16xf32> to vector<16xf32>
        %get3A_140 = arith.index_cast %add3A_53 : i32 to index
        %get3A_141 = arith.constant 96 : index
        %get3A_142 = tpu.vector_load %arg11[%get3A_140, %get3A_141] {strides = array<i32>} : memref<160x128xf32, #tpu.memory_space<vmem>>, vector<1x16xf32>,
        %get3A_143 = vector.shape_cast %get3A_142 : vector<1x16xf32> to vector<16xf32>
        %mul3A_144 = arith.mulf %get3A_139, %get3A_143 : vector<16xf32>
        %swap3A_145 = arith.index_cast %add3A_53 : i32 to index
        %swap3A_146 = arith.constant 96 : index
        %swap3A_147 = tpu.vector_load %arg10[%swap3A_145, %swap3A_146] {strides = array<i32>} : memref<160x128xf32, #tpu.memory_space<vmem>>, vector<1x16xf32>,
        %swap3A_148 = vector.shape_cast %swap3A_147 : vector<1x16xf32> to vector<16xf32>
        %swap3A_149 = vector.shape_cast %mul3A_144 : vector<16xf32> to vector<1x16xf32>
        tpu.vector_store %arg10[%swap3A_145, %swap3A_146], %swap3A_149 {strides = array<i32>} : memref<160x128xf32, #tpu.memory_space<vmem>>, vector<1x16xf32>,
        %get3A_150 = arith.index_cast %add3A_53 : i32 to index
        %get3A_151 = arith.constant 112 : index
        %get3A_152 = tpu.vector_load %arg10[%get3A_150, %get3A_151] {strides = array<i32>} : memref<160x128xf32, #tpu.memory_space<vmem>>, vector<1x16xf32>,
        %get3A_153 = vector.shape_cast %get3A_152 : vector<1x16xf32> to vector<16xf32>
        %get3A_154 = arith.index_cast %add3A_53 : i32 to index
        %get3A_155 = arith.constant 112 : index
        %get3A_156 = tpu.vector_load %arg11[%get3A_154, %get3A_155] {strides = array<i32>} : memref<160x128xf32, #tpu.memory_space<vmem>>, vector<1x16xf32>,
        %get3A_157 = vector.shape_cast %get3A_156 : vector<1x16xf32> to vector<16xf32>
        %mul3A_158 = arith.mulf %get3A_153, %get3A_157 : vector<16xf32>
        %swap3A_159 = arith.index_cast %add3A_53 : i32 to index
        %swap3A_160 = arith.constant 112 : index
        %swap3A_161 = tpu.vector_load %arg10[%swap3A_159, %swap3A_160] {strides = array<i32>} : memref<160x128xf32, #tpu.memory_space<vmem>>, vector<1x16xf32>,
        %swap3A_162 = vector.shape_cast %swap3A_161 : vector<1x16xf32> to vector<16xf32>
        %swap3A_163 = vector.shape_cast %mul3A_158 : vector<16xf32> to vector<1x16xf32>
        tpu.vector_store %arg10[%swap3A_159, %swap3A_160], %swap3A_163 {strides = array<i32>} : memref<160x128xf32, #tpu.memory_space<vmem>>, vector<1x16xf32>,
      }
      %scan3A_48 = arith.constant 160 : i32
      "tpu.region"() ({
        %run_scoped3A = tpu.sem_alloc : memref<!tpu.dma_semaphore, #tpu.memory_space<semaphore_mem>>
        %dma_start3A_49 = arith.constant 0 : i32
        %dma_start3A_50 = arith.constant 0 : i32
        %dma_start3A_51 = tpu.memref_slice %arg12[%dma_start3A_49, %dma_start3A_50] : memref<10000x128xf32, #tpu.memory_space<vmem_shared>> -> memref<10000x128xf32, #tpu.memory_space<vmem_shared>>
        tpu.enqueue_indirect_dma source(%arg10 : memref<160x128xf32, #tpu.memory_space<vmem>>) target(%dma_start3A_51 : memref<10000x128xf32, #tpu.memory_space<vmem_shared>>) offsets(%arg8 : memref<160xi32, #tpu.memory_space<vmem>>) semaphore(%run_scoped3A : memref<!tpu.dma_semaphore, #tpu.memory_space<semaphore_mem>>) {add = true}
        %dma_wait3A_52 = arith.constant 0 : i32
        %dma_wait3A_53 = arith.constant 0 : i32
        %dma_wait3A_54 = tpu.memref_slice %arg12[%dma_wait3A_52, %dma_wait3A_53] : memref<10000x128xf32, #tpu.memory_space<vmem_shared>> -> memref<10000x128xf32, #tpu.memory_space<vmem_shared>>
        tpu.wait_indirect_dma semaphore(%run_scoped3A : memref<!tpu.dma_semaphore, #tpu.memory_space<semaphore_mem>>) src(%arg10 : memref<160x128xf32, #tpu.memory_space<vmem>>) dst(%dma_wait3A_54 : memref<10000x128xf32, #tpu.memory_space<vmem_shared>>)
        tpu.yield
      }) : () -> ()
    }
    %barrier3A_18 = arith.constant 0 : index
    tpu.barrier barrier_id(%barrier3A_18)
    %lt3A = arith.constant 15 : i32
    %lt3A_19 = arith.cmpi slt, %arg1, %lt3A : i32
    %convert_element_type3A_20 = arith.extui %lt3A_19 : i1 to i32
    %cond3A_21 = arith.constant 0 : i32
    %cond3A_22 = arith.cmpi ne, %convert_element_type3A_20, %cond3A_21 : i32
    scf.if %cond3A_22 {
      %mul3A_28 = arith.constant 632 : i32
      %mul3A_29 = arith.muli %arg1, %mul3A_28 : i32
      %mul3A_30 = arith.constant 632 : i32
      %mul3A_31 = arith.muli %arg1, %mul3A_30 : i32
      "tpu.region"() ({
        %run_scoped3A = tpu.sem_alloc : memref<!tpu.dma_semaphore, #tpu.memory_space<semaphore_mem>>
        %dma_start3A = arith.constant 0 : i32
        %dma_start3A_32 = arith.constant 0 : i32
        %dma_start3A_33 = tpu.memref_slice %arg7[%arg0, %dma_start3A, %dma_start3A_32] : memref<2x10000x128xf32, #tpu.memory_space<hbm>> -> memref<1x10000x128xf32, #tpu.memory_space<hbm>>
        %dma_start3A_34 = tpu.memref_squeeze %dma_start3A_33 : memref<1x10000x128xf32, #tpu.memory_space<hbm>> -> memref<10000x128xf32, #tpu.memory_space<hbm>>
        %dma_start3A_35 = arith.constant 0 : i32
        %dma_start3A_36 = tpu.memref_slice %dma_start3A_34[%mul3A_31, %dma_start3A_35] : memref<10000x128xf32, #tpu.memory_space<hbm>> -> memref<632x128xf32, #tpu.memory_space<hbm>>
        %dma_start3A_37 = arith.constant 0 : i32
        %dma_start3A_38 = tpu.memref_slice %arg12[%mul3A_29, %dma_start3A_37] : memref<10000x128xf32, #tpu.memory_space<vmem_shared>> -> memref<632x128xf32, #tpu.memory_space<vmem_shared>>
        tpu.enqueue_dma source(%dma_start3A_38 : memref<632x128xf32, #tpu.memory_space<vmem_shared>>) target(%dma_start3A_36 : memref<632x128xf32, #tpu.memory_space<hbm>>) target_semaphore(%run_scoped3A : memref<!tpu.dma_semaphore, #tpu.memory_space<semaphore_mem>>)
        %dma_wait3A = arith.constant 0 : i32
        %dma_wait3A_39 = arith.constant 0 : i32
        %dma_wait3A_40 = tpu.memref_slice %arg7[%arg0, %dma_wait3A, %dma_wait3A_39] : memref<2x10000x128xf32, #tpu.memory_space<hbm>> -> memref<1x10000x128xf32, #tpu.memory_space<hbm>>
        %dma_wait3A_41 = tpu.memref_squeeze %dma_wait3A_40 : memref<1x10000x128xf32, #tpu.memory_space<hbm>> -> memref<10000x128xf32, #tpu.memory_space<hbm>>
        %dma_wait3A_42 = arith.constant 0 : i32
        %dma_wait3A_43 = tpu.memref_slice %dma_wait3A_41[%mul3A_31, %dma_wait3A_42] : memref<10000x128xf32, #tpu.memory_space<hbm>> -> memref<632x128xf32, #tpu.memory_space<hbm>>
        %dma_wait3A_44 = arith.constant 0 : i32
        %dma_wait3A_45 = tpu.memref_slice %arg12[%mul3A_29, %dma_wait3A_44] : memref<10000x128xf32, #tpu.memory_space<vmem_shared>> -> memref<632x128xf32, #tpu.memory_space<vmem_shared>>
        tpu.wait_dma2 semaphore(%run_scoped3A : memref<!tpu.dma_semaphore, #tpu.memory_space<semaphore_mem>>) src(%dma_wait3A_45 : memref<632x128xf32, #tpu.memory_space<vmem_shared>>) dst(%dma_wait3A_43 : memref<632x128xf32, #tpu.memory_space<hbm>>)
        tpu.yield
      }) : () -> ()
    } else {
    }
    %eq3A_23 = arith.constant 15 : i32
    %eq3A_24 = arith.cmpi eq, %arg1, %eq3A_23 : i32
    %convert_element_type3A_25 = arith.extui %eq3A_24 : i1 to i32
    %cond3A_26 = arith.constant 0 : i32
    %cond3A_27 = arith.cmpi ne, %convert_element_type3A_25, %cond3A_26 : i32
    scf.if %cond3A_27 {
      "tpu.region"() ({
        %run_scoped3A = tpu.sem_alloc : memref<!tpu.dma_semaphore, #tpu.memory_space<semaphore_mem>>
        %dma_start3A = arith.constant 0 : i32
        %dma_start3A_28 = arith.constant 0 : i32
        %dma_start3A_29 = tpu.memref_slice %arg7[%arg0, %dma_start3A, %dma_start3A_28] : memref<2x10000x128xf32, #tpu.memory_space<hbm>> -> memref<1x10000x128xf32, #tpu.memory_space<hbm>>
        %dma_start3A_30 = tpu.memref_squeeze %dma_start3A_29 : memref<1x10000x128xf32, #tpu.memory_space<hbm>> -> memref<10000x128xf32, #tpu.memory_space<hbm>>
        %dma_start3A_31 = arith.constant 9480 : i32
        %dma_start3A_32 = arith.constant 0 : i32
        %dma_start3A_33 = tpu.memref_slice %dma_start3A_30[%dma_start3A_31, %dma_start3A_32] : memref<10000x128xf32, #tpu.memory_space<hbm>> -> memref<520x128xf32, #tpu.memory_space<hbm>>
        %dma_start3A_34 = arith.constant 9480 : i32
        %dma_start3A_35 = arith.constant 0 : i32
        %dma_start3A_36 = tpu.memref_slice %arg12[%dma_start3A_34, %dma_start3A_35] : memref<10000x128xf32, #tpu.memory_space<vmem_shared>> -> memref<520x128xf32, #tpu.memory_space<vmem_shared>>
        tpu.enqueue_dma source(%dma_start3A_36 : memref<520x128xf32, #tpu.memory_space<vmem_shared>>) target(%dma_start3A_33 : memref<520x128xf32, #tpu.memory_space<hbm>>) target_semaphore(%run_scoped3A : memref<!tpu.dma_semaphore, #tpu.memory_space<semaphore_mem>>)
        %dma_wait3A = arith.constant 0 : i32
        %dma_wait3A_37 = arith.constant 0 : i32
        %dma_wait3A_38 = tpu.memref_slice %arg7[%arg0, %dma_wait3A, %dma_wait3A_37] : memref<2x10000x128xf32, #tpu.memory_space<hbm>> -> memref<1x10000x128xf32, #tpu.memory_space<hbm>>
        %dma_wait3A_39 = tpu.memref_squeeze %dma_wait3A_38 : memref<1x10000x128xf32, #tpu.memory_space<hbm>> -> memref<10000x128xf32, #tpu.memory_space<hbm>>
        %dma_wait3A_40 = arith.constant 9480 : i32
        %dma_wait3A_41 = arith.constant 0 : i32
        %dma_wait3A_42 = tpu.memref_slice %dma_wait3A_39[%dma_wait3A_40, %dma_wait3A_41] : memref<10000x128xf32, #tpu.memory_space<hbm>> -> memref<520x128xf32, #tpu.memory_space<hbm>>
        %dma_wait3A_43 = arith.constant 9480 : i32
        %dma_wait3A_44 = arith.constant 0 : i32
        %dma_wait3A_45 = tpu.memref_slice %arg12[%dma_wait3A_43, %dma_wait3A_44] : memref<10000x128xf32, #tpu.memory_space<vmem_shared>> -> memref<520x128xf32, #tpu.memory_space<vmem_shared>>
        tpu.wait_dma2 semaphore(%run_scoped3A : memref<!tpu.dma_semaphore, #tpu.memory_space<semaphore_mem>>) src(%dma_wait3A_45 : memref<520x128xf32, #tpu.memory_space<vmem_shared>>) dst(%dma_wait3A_42 : memref<520x128xf32, #tpu.memory_space<hbm>>)
        tpu.yield
      }) : () -> ()
    } else {
    }
    return
  }
}

#map = affine_map<(d0, d1) -> (0, 0)>
#map1 = affine_map<(d0, d1) -> (0)>
#map2 = affine_map<(d0, d1) -> (0, 0, 0)>
module attributes {stable_mosaic.version = 14 : i64} {
  func.func @k(%arg0: i32, %arg1: i32, %arg2: memref<160000x128xf32, #tpu.memory_space<hbm>>, %arg3: memref<10000x128xf32, #tpu.memory_space<hbm>>, %arg4: memref<160000xi32, #tpu.memory_space<hbm>>, %arg5: memref<160000xi32, #tpu.memory_space<hbm>>, %arg6: memref<10000x128xf32, #tpu.memory_space<hbm>>, %arg7: memref<2x10000x128xf32, #tpu.memory_space<hbm>>, %arg8: memref<160xi32, #tpu.memory_space<vmem>>, %arg9: memref<160xi32, #tpu.memory_space<vmem>>, %arg10: memref<160x128xf32, #tpu.memory_space<vmem>>, %arg11: memref<160x128xf32, #tpu.memory_space<vmem>>, %arg12: memref<10000x128xf32, #tpu.memory_space<vmem_shared>>, %arg13: memref<!tpu.dma_semaphore, #tpu.memory_space<semaphore_mem>>, %arg14: memref<!tpu.dma_semaphore, #tpu.memory_space<semaphore_mem>>) attributes {dimension_semantics = [#tpu.dimension_semantics<core_parallel>, #tpu.dimension_semantics<subcore_parallel>], iteration_bounds = array<i64: 2, 16>, scalar_prefetch = 0 : i64, scratch_operands = 7 : i64, tpu.core_type = #tpu.core_type<sc_vector_subcore>, window_params = [{transform_indices = #map}, {transform_indices = #map}, {transform_indices = #map1}, {transform_indices = #map1}, {transform_indices = #map}, {transform_indices = #map2}]} {
    %mul3A = arith.constant 2 : i32
    %mul3A_0 = arith.muli %arg1, %mul3A : i32
    %add3A = arith.addi %mul3A_0, %arg0 : i32
    %eq3A = arith.constant 0 : i32
    %eq3A_1 = arith.cmpi eq, %arg1, %eq3A : i32
    %convert_element_type3A = arith.extui %eq3A_1 : i1 to i32
    %cond3A = arith.constant 0 : i32
    %cond3A_2 = arith.cmpi ne, %convert_element_type3A, %cond3A : i32
    scf.if %cond3A_2 {
      "tpu.region"() ({
        %run_scoped3A = tpu.sem_alloc : memref<!tpu.dma_semaphore, #tpu.memory_space<semaphore_mem>>
        tpu.enqueue_dma source(%arg6 : memref<10000x128xf32, #tpu.memory_space<hbm>>) target(%arg12 : memref<10000x128xf32, #tpu.memory_space<vmem_shared>>) target_semaphore(%run_scoped3A : memref<!tpu.dma_semaphore, #tpu.memory_space<semaphore_mem>>)
        tpu.wait_dma2 semaphore(%run_scoped3A : memref<!tpu.dma_semaphore, #tpu.memory_space<semaphore_mem>>) src(%arg6 : memref<10000x128xf32, #tpu.memory_space<hbm>>) dst(%arg12 : memref<10000x128xf32, #tpu.memory_space<vmem_shared>>)
        tpu.yield
      }) : () -> ()
    } else {
    }
    %barrier3A = arith.constant 0 : index
    tpu.barrier barrier_id(%barrier3A)
    %sub3A = arith.constant 1000 : i32
    %sub3A_3 = arith.subi %sub3A, %add3A : i32
    %sub3A_4 = arith.constant 32 : i32
    %sub3A_5 = arith.constant 1 : i32
    %sub3A_6 = arith.subi %sub3A_4, %sub3A_5 : i32
    %add3A_7 = arith.addi %sub3A_3, %sub3A_6 : i32
    %div3A = arith.constant 32 : i32
    %div3A_8 = arith.divsi %add3A_7, %div3A : i32
    %while3A = arith.constant 32 : i32
    %while3A_9 = arith.constant 0 : i32
    %while3A_10 = arith.subi %div3A_8, %while3A_9 : i32
    %while3A_11 = arith.addi %while3A_9, %while3A_10 : i32
    %while3A_12 = arith.constant 1 : i32
    %while3A_13 = arith.divsi %while3A_10, %while3A_12 : i32
    %while3A_14 = arith.muli %while3A_13, %while3A_12 : i32
    %while3A_15 = arith.addi %while3A_9, %while3A_14 : i32
    %while3A_16 = arith.constant 1 : i32
    scf.for %while3A_28 = %while3A_9 to %while3A_15 step %while3A_16  : i32 {
      %mul3A_29 = arith.muli %while3A_28, %while3A : i32
      %add3A_30 = arith.addi %add3A, %mul3A_29 : i32
      %mul3A_31 = arith.constant 160 : i32
      %mul3A_32 = arith.muli %add3A_30, %mul3A_31 : i32
      "tpu.region"() ({
        %run_scoped3A = tpu.sem_alloc : memref<!tpu.dma_semaphore, #tpu.memory_space<semaphore_mem>>
        %dma_start3A_49 = tpu.memref_slice %arg5[%mul3A_32] : memref<160000xi32, #tpu.memory_space<hbm>> -> memref<160xi32, #tpu.memory_space<hbm>>
        %dma_start3A_50 = tpu.memref_slice %arg5[%mul3A_32] : memref<160000xi32, #tpu.memory_space<hbm>> -> memref<160xi32, #tpu.memory_space<hbm>>
        tpu.enqueue_dma source(%dma_start3A_50 : memref<160xi32, #tpu.memory_space<hbm>>) target(%arg9 : memref<160xi32, #tpu.memory_space<vmem>>) target_semaphore(%run_scoped3A : memref<!tpu.dma_semaphore, #tpu.memory_space<semaphore_mem>>)
        %dma_wait3A_51 = tpu.memref_slice %arg5[%mul3A_32] : memref<160000xi32, #tpu.memory_space<hbm>> -> memref<160xi32, #tpu.memory_space<hbm>>
        %dma_wait3A_52 = tpu.memref_slice %arg5[%mul3A_32] : memref<160000xi32, #tpu.memory_space<hbm>> -> memref<160xi32, #tpu.memory_space<hbm>>
        tpu.wait_dma2 semaphore(%run_scoped3A : memref<!tpu.dma_semaphore, #tpu.memory_space<semaphore_mem>>) src(%dma_wait3A_52 : memref<160xi32, #tpu.memory_space<hbm>>) dst(%arg9 : memref<160xi32, #tpu.memory_space<vmem>>)
        tpu.yield
      }) : () -> ()
      %dma_start3A = arith.constant 0 : i32
      %dma_start3A_33 = tpu.memref_slice %arg2[%mul3A_32, %dma_start3A] : memref<160000x128xf32, #tpu.memory_space<hbm>> -> memref<160x128xf32, #tpu.memory_space<hbm>>
      %dma_start3A_34 = arith.constant 0 : i32
      %dma_start3A_35 = tpu.memref_slice %arg2[%mul3A_32, %dma_start3A_34] : memref<160000x128xf32, #tpu.memory_space<hbm>> -> memref<160x128xf32, #tpu.memory_space<hbm>>
      tpu.enqueue_dma source(%dma_start3A_35 : memref<160x128xf32, #tpu.memory_space<hbm>>) target(%arg10 : memref<160x128xf32, #tpu.memory_space<vmem>>) target_semaphore(%arg13 : memref<!tpu.dma_semaphore, #tpu.memory_space<semaphore_mem>>)
      %dma_start3A_36 = arith.constant 0 : i32
      %dma_start3A_37 = arith.constant 0 : i32
      %dma_start3A_38 = tpu.memref_slice %arg3[%dma_start3A_36, %dma_start3A_37] : memref<10000x128xf32, #tpu.memory_space<hbm>> -> memref<10000x128xf32, #tpu.memory_space<hbm>>
      tpu.enqueue_indirect_dma source(%dma_start3A_38 : memref<10000x128xf32, #tpu.memory_space<hbm>>) target(%arg11 : memref<160x128xf32, #tpu.memory_space<vmem>>) offsets(%arg9 : memref<160xi32, #tpu.memory_space<vmem>>) semaphore(%arg14 : memref<!tpu.dma_semaphore, #tpu.memory_space<semaphore_mem>>)
      "tpu.region"() ({
        %run_scoped3A = tpu.sem_alloc : memref<!tpu.dma_semaphore, #tpu.memory_space<semaphore_mem>>
        %dma_start3A_49 = tpu.memref_slice %arg4[%mul3A_32] : memref<160000xi32, #tpu.memory_space<hbm>> -> memref<160xi32, #tpu.memory_space<hbm>>
        %dma_start3A_50 = tpu.memref_slice %arg4[%mul3A_32] : memref<160000xi32, #tpu.memory_space<hbm>> -> memref<160xi32, #tpu.memory_space<hbm>>
        tpu.enqueue_dma source(%dma_start3A_50 : memref<160xi32, #tpu.memory_space<hbm>>) target(%arg8 : memref<160xi32, #tpu.memory_space<vmem>>) target_semaphore(%run_scoped3A : memref<!tpu.dma_semaphore, #tpu.memory_space<semaphore_mem>>)
        %dma_wait3A_51 = tpu.memref_slice %arg4[%mul3A_32] : memref<160000xi32, #tpu.memory_space<hbm>> -> memref<160xi32, #tpu.memory_space<hbm>>
        %dma_wait3A_52 = tpu.memref_slice %arg4[%mul3A_32] : memref<160000xi32, #tpu.memory_space<hbm>> -> memref<160xi32, #tpu.memory_space<hbm>>
        tpu.wait_dma2 semaphore(%run_scoped3A : memref<!tpu.dma_semaphore, #tpu.memory_space<semaphore_mem>>) src(%dma_wait3A_52 : memref<160xi32, #tpu.memory_space<hbm>>) dst(%arg8 : memref<160xi32, #tpu.memory_space<vmem>>)
        tpu.yield
      }) : () -> ()
      %dma_wait3A = arith.constant 0 : i32
      %dma_wait3A_39 = tpu.memref_slice %arg2[%mul3A_32, %dma_wait3A] : memref<160000x128xf32, #tpu.memory_space<hbm>> -> memref<160x128xf32, #tpu.memory_space<hbm>>
      %dma_wait3A_40 = arith.constant 0 : i32
      %dma_wait3A_41 = tpu.memref_slice %arg2[%mul3A_32, %dma_wait3A_40] : memref<160000x128xf32, #tpu.memory_space<hbm>> -> memref<160x128xf32, #tpu.memory_space<hbm>>
      tpu.wait_dma2 semaphore(%arg13 : memref<!tpu.dma_semaphore, #tpu.memory_space<semaphore_mem>>) src(%dma_wait3A_41 : memref<160x128xf32, #tpu.memory_space<hbm>>) dst(%arg10 : memref<160x128xf32, #tpu.memory_space<vmem>>)
      %dma_wait3A_42 = arith.constant 0 : i32
      %dma_wait3A_43 = arith.constant 0 : i32
      %dma_wait3A_44 = tpu.memref_slice %arg3[%dma_wait3A_42, %dma_wait3A_43] : memref<10000x128xf32, #tpu.memory_space<hbm>> -> memref<10000x128xf32, #tpu.memory_space<hbm>>
      tpu.wait_indirect_dma semaphore(%arg14 : memref<!tpu.dma_semaphore, #tpu.memory_space<semaphore_mem>>) src(%dma_wait3A_44 : memref<10000x128xf32, #tpu.memory_space<hbm>>) dst(%arg11 : memref<160x128xf32, #tpu.memory_space<vmem>>)
      %scan3A = arith.constant 0 : i32
      %scan3A_45 = arith.constant 160 : i32
      %scan3A_46 = arith.addi %scan3A, %scan3A_45 : i32
      %scan3A_47 = arith.constant 1 : i32
      scf.for %scan3A_49 = %scan3A to %scan3A_46 step %scan3A_47  : i32 {
        %mul3A_50 = arith.constant 1 : i32
        %mul3A_51 = arith.muli %scan3A_49, %mul3A_50 : i32
        %add3A_52 = arith.constant 0 : i32
        %add3A_53 = arith.addi %add3A_52, %mul3A_51 : i32
        %get3A = arith.index_cast %add3A_53 : i32 to index
        %get3A_54 = arith.constant 0 : index
        %get3A_55 = tpu.vector_load %arg10[%get3A, %get3A_54] {strides = array<i32>} : memref<160x128xf32, #tpu.memory_space<vmem>>, vector<1x16xf32>,
        %get3A_56 = vector.shape_cast %get3A_55 : vector<1x16xf32> to vector<16xf32>
        %get3A_57 = arith.index_cast %add3A_53 : i32 to index
        %get3A_58 = arith.constant 0 : index
        %get3A_59 = tpu.vector_load %arg11[%get3A_57, %get3A_58] {strides = array<i32>} : memref<160x128xf32, #tpu.memory_space<vmem>>, vector<1x16xf32>,
        %get3A_60 = vector.shape_cast %get3A_59 : vector<1x16xf32> to vector<16xf32>
        %mul3A_61 = arith.mulf %get3A_56, %get3A_60 : vector<16xf32>
        %swap3A = arith.index_cast %add3A_53 : i32 to index
        %swap3A_62 = arith.constant 0 : index
        %swap3A_63 = tpu.vector_load %arg10[%swap3A, %swap3A_62] {strides = array<i32>} : memref<160x128xf32, #tpu.memory_space<vmem>>, vector<1x16xf32>,
        %swap3A_64 = vector.shape_cast %swap3A_63 : vector<1x16xf32> to vector<16xf32>
        %swap3A_65 = vector.shape_cast %mul3A_61 : vector<16xf32> to vector<1x16xf32>
        tpu.vector_store %arg10[%swap3A, %swap3A_62], %swap3A_65 {strides = array<i32>} : memref<160x128xf32, #tpu.memory_space<vmem>>, vector<1x16xf32>,
        %get3A_66 = arith.index_cast %add3A_53 : i32 to index
        %get3A_67 = arith.constant 16 : index
        %get3A_68 = tpu.vector_load %arg10[%get3A_66, %get3A_67] {strides = array<i32>} : memref<160x128xf32, #tpu.memory_space<vmem>>, vector<1x16xf32>,
        %get3A_69 = vector.shape_cast %get3A_68 : vector<1x16xf32> to vector<16xf32>
        %get3A_70 = arith.index_cast %add3A_53 : i32 to index
        %get3A_71 = arith.constant 16 : index
        %get3A_72 = tpu.vector_load %arg11[%get3A_70, %get3A_71] {strides = array<i32>} : memref<160x128xf32, #tpu.memory_space<vmem>>, vector<1x16xf32>,
        %get3A_73 = vector.shape_cast %get3A_72 : vector<1x16xf32> to vector<16xf32>
        %mul3A_74 = arith.mulf %get3A_69, %get3A_73 : vector<16xf32>
        %swap3A_75 = arith.index_cast %add3A_53 : i32 to index
        %swap3A_76 = arith.constant 16 : index
        %swap3A_77 = tpu.vector_load %arg10[%swap3A_75, %swap3A_76] {strides = array<i32>} : memref<160x128xf32, #tpu.memory_space<vmem>>, vector<1x16xf32>,
        %swap3A_78 = vector.shape_cast %swap3A_77 : vector<1x16xf32> to vector<16xf32>
        %swap3A_79 = vector.shape_cast %mul3A_74 : vector<16xf32> to vector<1x16xf32>
        tpu.vector_store %arg10[%swap3A_75, %swap3A_76], %swap3A_79 {strides = array<i32>} : memref<160x128xf32, #tpu.memory_space<vmem>>, vector<1x16xf32>,
        %get3A_80 = arith.index_cast %add3A_53 : i32 to index
        %get3A_81 = arith.constant 32 : index
        %get3A_82 = tpu.vector_load %arg10[%get3A_80, %get3A_81] {strides = array<i32>} : memref<160x128xf32, #tpu.memory_space<vmem>>, vector<1x16xf32>,
        %get3A_83 = vector.shape_cast %get3A_82 : vector<1x16xf32> to vector<16xf32>
        %get3A_84 = arith.index_cast %add3A_53 : i32 to index
        %get3A_85 = arith.constant 32 : index
        %get3A_86 = tpu.vector_load %arg11[%get3A_84, %get3A_85] {strides = array<i32>} : memref<160x128xf32, #tpu.memory_space<vmem>>, vector<1x16xf32>,
        %get3A_87 = vector.shape_cast %get3A_86 : vector<1x16xf32> to vector<16xf32>
        %mul3A_88 = arith.mulf %get3A_83, %get3A_87 : vector<16xf32>
        %swap3A_89 = arith.index_cast %add3A_53 : i32 to index
        %swap3A_90 = arith.constant 32 : index
        %swap3A_91 = tpu.vector_load %arg10[%swap3A_89, %swap3A_90] {strides = array<i32>} : memref<160x128xf32, #tpu.memory_space<vmem>>, vector<1x16xf32>,
        %swap3A_92 = vector.shape_cast %swap3A_91 : vector<1x16xf32> to vector<16xf32>
        %swap3A_93 = vector.shape_cast %mul3A_88 : vector<16xf32> to vector<1x16xf32>
        tpu.vector_store %arg10[%swap3A_89, %swap3A_90], %swap3A_93 {strides = array<i32>} : memref<160x128xf32, #tpu.memory_space<vmem>>, vector<1x16xf32>,
        %get3A_94 = arith.index_cast %add3A_53 : i32 to index
        %get3A_95 = arith.constant 48 : index
        %get3A_96 = tpu.vector_load %arg10[%get3A_94, %get3A_95] {strides = array<i32>} : memref<160x128xf32, #tpu.memory_space<vmem>>, vector<1x16xf32>,
        %get3A_97 = vector.shape_cast %get3A_96 : vector<1x16xf32> to vector<16xf32>
        %get3A_98 = arith.index_cast %add3A_53 : i32 to index
        %get3A_99 = arith.constant 48 : index
        %get3A_100 = tpu.vector_load %arg11[%get3A_98, %get3A_99] {strides = array<i32>} : memref<160x128xf32, #tpu.memory_space<vmem>>, vector<1x16xf32>,
        %get3A_101 = vector.shape_cast %get3A_100 : vector<1x16xf32> to vector<16xf32>
        %mul3A_102 = arith.mulf %get3A_97, %get3A_101 : vector<16xf32>
        %swap3A_103 = arith.index_cast %add3A_53 : i32 to index
        %swap3A_104 = arith.constant 48 : index
        %swap3A_105 = tpu.vector_load %arg10[%swap3A_103, %swap3A_104] {strides = array<i32>} : memref<160x128xf32, #tpu.memory_space<vmem>>, vector<1x16xf32>,
        %swap3A_106 = vector.shape_cast %swap3A_105 : vector<1x16xf32> to vector<16xf32>
        %swap3A_107 = vector.shape_cast %mul3A_102 : vector<16xf32> to vector<1x16xf32>
        tpu.vector_store %arg10[%swap3A_103, %swap3A_104], %swap3A_107 {strides = array<i32>} : memref<160x128xf32, #tpu.memory_space<vmem>>, vector<1x16xf32>,
        %get3A_108 = arith.index_cast %add3A_53 : i32 to index
        %get3A_109 = arith.constant 64 : index
        %get3A_110 = tpu.vector_load %arg10[%get3A_108, %get3A_109] {strides = array<i32>} : memref<160x128xf32, #tpu.memory_space<vmem>>, vector<1x16xf32>,
        %get3A_111 = vector.shape_cast %get3A_110 : vector<1x16xf32> to vector<16xf32>
        %get3A_112 = arith.index_cast %add3A_53 : i32 to index
        %get3A_113 = arith.constant 64 : index
        %get3A_114 = tpu.vector_load %arg11[%get3A_112, %get3A_113] {strides = array<i32>} : memref<160x128xf32, #tpu.memory_space<vmem>>, vector<1x16xf32>,
        %get3A_115 = vector.shape_cast %get3A_114 : vector<1x16xf32> to vector<16xf32>
        %mul3A_116 = arith.mulf %get3A_111, %get3A_115 : vector<16xf32>
        %swap3A_117 = arith.index_cast %add3A_53 : i32 to index
        %swap3A_118 = arith.constant 64 : index
        %swap3A_119 = tpu.vector_load %arg10[%swap3A_117, %swap3A_118] {strides = array<i32>} : memref<160x128xf32, #tpu.memory_space<vmem>>, vector<1x16xf32>,
        %swap3A_120 = vector.shape_cast %swap3A_119 : vector<1x16xf32> to vector<16xf32>
        %swap3A_121 = vector.shape_cast %mul3A_116 : vector<16xf32> to vector<1x16xf32>
        tpu.vector_store %arg10[%swap3A_117, %swap3A_118], %swap3A_121 {strides = array<i32>} : memref<160x128xf32, #tpu.memory_space<vmem>>, vector<1x16xf32>,
        %get3A_122 = arith.index_cast %add3A_53 : i32 to index
        %get3A_123 = arith.constant 80 : index
        %get3A_124 = tpu.vector_load %arg10[%get3A_122, %get3A_123] {strides = array<i32>} : memref<160x128xf32, #tpu.memory_space<vmem>>, vector<1x16xf32>,
        %get3A_125 = vector.shape_cast %get3A_124 : vector<1x16xf32> to vector<16xf32>
        %get3A_126 = arith.index_cast %add3A_53 : i32 to index
        %get3A_127 = arith.constant 80 : index
        %get3A_128 = tpu.vector_load %arg11[%get3A_126, %get3A_127] {strides = array<i32>} : memref<160x128xf32, #tpu.memory_space<vmem>>, vector<1x16xf32>,
        %get3A_129 = vector.shape_cast %get3A_128 : vector<1x16xf32> to vector<16xf32>
        %mul3A_130 = arith.mulf %get3A_125, %get3A_129 : vector<16xf32>
        %swap3A_131 = arith.index_cast %add3A_53 : i32 to index
        %swap3A_132 = arith.constant 80 : index
        %swap3A_133 = tpu.vector_load %arg10[%swap3A_131, %swap3A_132] {strides = array<i32>} : memref<160x128xf32, #tpu.memory_space<vmem>>, vector<1x16xf32>,
        %swap3A_134 = vector.shape_cast %swap3A_133 : vector<1x16xf32> to vector<16xf32>
        %swap3A_135 = vector.shape_cast %mul3A_130 : vector<16xf32> to vector<1x16xf32>
        tpu.vector_store %arg10[%swap3A_131, %swap3A_132], %swap3A_135 {strides = array<i32>} : memref<160x128xf32, #tpu.memory_space<vmem>>, vector<1x16xf32>,
        %get3A_136 = arith.index_cast %add3A_53 : i32 to index
        %get3A_137 = arith.constant 96 : index
        %get3A_138 = tpu.vector_load %arg10[%get3A_136, %get3A_137] {strides = array<i32>} : memref<160x128xf32, #tpu.memory_space<vmem>>, vector<1x16xf32>,
        %get3A_139 = vector.shape_cast %get3A_138 : vector<1x16xf32> to vector<16xf32>
        %get3A_140 = arith.index_cast %add3A_53 : i32 to index
        %get3A_141 = arith.constant 96 : index
        %get3A_142 = tpu.vector_load %arg11[%get3A_140, %get3A_141] {strides = array<i32>} : memref<160x128xf32, #tpu.memory_space<vmem>>, vector<1x16xf32>,
        %get3A_143 = vector.shape_cast %get3A_142 : vector<1x16xf32> to vector<16xf32>
        %mul3A_144 = arith.mulf %get3A_139, %get3A_143 : vector<16xf32>
        %swap3A_145 = arith.index_cast %add3A_53 : i32 to index
        %swap3A_146 = arith.constant 96 : index
        %swap3A_147 = tpu.vector_load %arg10[%swap3A_145, %swap3A_146] {strides = array<i32>} : memref<160x128xf32, #tpu.memory_space<vmem>>, vector<1x16xf32>,
        %swap3A_148 = vector.shape_cast %swap3A_147 : vector<1x16xf32> to vector<16xf32>
        %swap3A_149 = vector.shape_cast %mul3A_144 : vector<16xf32> to vector<1x16xf32>
        tpu.vector_store %arg10[%swap3A_145, %swap3A_146], %swap3A_149 {strides = array<i32>} : memref<160x128xf32, #tpu.memory_space<vmem>>, vector<1x16xf32>,
        %get3A_150 = arith.index_cast %add3A_53 : i32 to index
        %get3A_151 = arith.constant 112 : index
        %get3A_152 = tpu.vector_load %arg10[%get3A_150, %get3A_151] {strides = array<i32>} : memref<160x128xf32, #tpu.memory_space<vmem>>, vector<1x16xf32>,
        %get3A_153 = vector.shape_cast %get3A_152 : vector<1x16xf32> to vector<16xf32>
        %get3A_154 = arith.index_cast %add3A_53 : i32 to index
        %get3A_155 = arith.constant 112 : index
        %get3A_156 = tpu.vector_load %arg11[%get3A_154, %get3A_155] {strides = array<i32>} : memref<160x128xf32, #tpu.memory_space<vmem>>, vector<1x16xf32>,
        %get3A_157 = vector.shape_cast %get3A_156 : vector<1x16xf32> to vector<16xf32>
        %mul3A_158 = arith.mulf %get3A_153, %get3A_157 : vector<16xf32>
        %swap3A_159 = arith.index_cast %add3A_53 : i32 to index
        %swap3A_160 = arith.constant 112 : index
        %swap3A_161 = tpu.vector_load %arg10[%swap3A_159, %swap3A_160] {strides = array<i32>} : memref<160x128xf32, #tpu.memory_space<vmem>>, vector<1x16xf32>,
        %swap3A_162 = vector.shape_cast %swap3A_161 : vector<1x16xf32> to vector<16xf32>
        %swap3A_163 = vector.shape_cast %mul3A_158 : vector<16xf32> to vector<1x16xf32>
        tpu.vector_store %arg10[%swap3A_159, %swap3A_160], %swap3A_163 {strides = array<i32>} : memref<160x128xf32, #tpu.memory_space<vmem>>, vector<1x16xf32>,
      }
      %scan3A_48 = arith.constant 160 : i32
      "tpu.region"() ({
        %run_scoped3A = tpu.sem_alloc : memref<!tpu.dma_semaphore, #tpu.memory_space<semaphore_mem>>
        %dma_start3A_49 = arith.constant 0 : i32
        %dma_start3A_50 = arith.constant 0 : i32
        %dma_start3A_51 = tpu.memref_slice %arg12[%dma_start3A_49, %dma_start3A_50] : memref<10000x128xf32, #tpu.memory_space<vmem_shared>> -> memref<10000x128xf32, #tpu.memory_space<vmem_shared>>
        tpu.enqueue_indirect_dma source(%arg10 : memref<160x128xf32, #tpu.memory_space<vmem>>) target(%dma_start3A_51 : memref<10000x128xf32, #tpu.memory_space<vmem_shared>>) offsets(%arg8 : memref<160xi32, #tpu.memory_space<vmem>>) semaphore(%run_scoped3A : memref<!tpu.dma_semaphore, #tpu.memory_space<semaphore_mem>>) {add = true}
        %dma_wait3A_52 = arith.constant 0 : i32
        %dma_wait3A_53 = arith.constant 0 : i32
        %dma_wait3A_54 = tpu.memref_slice %arg12[%dma_wait3A_52, %dma_wait3A_53] : memref<10000x128xf32, #tpu.memory_space<vmem_shared>> -> memref<10000x128xf32, #tpu.memory_space<vmem_shared>>
        tpu.wait_indirect_dma semaphore(%run_scoped3A : memref<!tpu.dma_semaphore, #tpu.memory_space<semaphore_mem>>) src(%arg10 : memref<160x128xf32, #tpu.memory_space<vmem>>) dst(%dma_wait3A_54 : memref<10000x128xf32, #tpu.memory_space<vmem_shared>>)
        tpu.yield
      }) : () -> ()
    }
    %while3A_17 = arith.constant 1 : i32
    scf.for %while3A_28 = %while3A_15 to %while3A_11 step %while3A_17  : i32 {
      %mul3A_29 = arith.muli %while3A_28, %while3A : i32
      %add3A_30 = arith.addi %add3A, %mul3A_29 : i32
      %mul3A_31 = arith.constant 160 : i32
      %mul3A_32 = arith.muli %add3A_30, %mul3A_31 : i32
      "tpu.region"() ({
        %run_scoped3A = tpu.sem_alloc : memref<!tpu.dma_semaphore, #tpu.memory_space<semaphore_mem>>
        %dma_start3A_49 = tpu.memref_slice %arg5[%mul3A_32] : memref<160000xi32, #tpu.memory_space<hbm>> -> memref<160xi32, #tpu.memory_space<hbm>>
        %dma_start3A_50 = tpu.memref_slice %arg5[%mul3A_32] : memref<160000xi32, #tpu.memory_space<hbm>> -> memref<160xi32, #tpu.memory_space<hbm>>
        tpu.enqueue_dma source(%dma_start3A_50 : memref<160xi32, #tpu.memory_space<hbm>>) target(%arg9 : memref<160xi32, #tpu.memory_space<vmem>>) target_semaphore(%run_scoped3A : memref<!tpu.dma_semaphore, #tpu.memory_space<semaphore_mem>>)
        %dma_wait3A_51 = tpu.memref_slice %arg5[%mul3A_32] : memref<160000xi32, #tpu.memory_space<hbm>> -> memref<160xi32, #tpu.memory_space<hbm>>
        %dma_wait3A_52 = tpu.memref_slice %arg5[%mul3A_32] : memref<160000xi32, #tpu.memory_space<hbm>> -> memref<160xi32, #tpu.memory_space<hbm>>
        tpu.wait_dma2 semaphore(%run_scoped3A : memref<!tpu.dma_semaphore, #tpu.memory_space<semaphore_mem>>) src(%dma_wait3A_52 : memref<160xi32, #tpu.memory_space<hbm>>) dst(%arg9 : memref<160xi32, #tpu.memory_space<vmem>>)
        tpu.yield
      }) : () -> ()
      %dma_start3A = arith.constant 0 : i32
      %dma_start3A_33 = tpu.memref_slice %arg2[%mul3A_32, %dma_start3A] : memref<160000x128xf32, #tpu.memory_space<hbm>> -> memref<160x128xf32, #tpu.memory_space<hbm>>
      %dma_start3A_34 = arith.constant 0 : i32
      %dma_start3A_35 = tpu.memref_slice %arg2[%mul3A_32, %dma_start3A_34] : memref<160000x128xf32, #tpu.memory_space<hbm>> -> memref<160x128xf32, #tpu.memory_space<hbm>>
      tpu.enqueue_dma source(%dma_start3A_35 : memref<160x128xf32, #tpu.memory_space<hbm>>) target(%arg10 : memref<160x128xf32, #tpu.memory_space<vmem>>) target_semaphore(%arg13 : memref<!tpu.dma_semaphore, #tpu.memory_space<semaphore_mem>>)
      %dma_start3A_36 = arith.constant 0 : i32
      %dma_start3A_37 = arith.constant 0 : i32
      %dma_start3A_38 = tpu.memref_slice %arg3[%dma_start3A_36, %dma_start3A_37] : memref<10000x128xf32, #tpu.memory_space<hbm>> -> memref<10000x128xf32, #tpu.memory_space<hbm>>
      tpu.enqueue_indirect_dma source(%dma_start3A_38 : memref<10000x128xf32, #tpu.memory_space<hbm>>) target(%arg11 : memref<160x128xf32, #tpu.memory_space<vmem>>) offsets(%arg9 : memref<160xi32, #tpu.memory_space<vmem>>) semaphore(%arg14 : memref<!tpu.dma_semaphore, #tpu.memory_space<semaphore_mem>>)
      "tpu.region"() ({
        %run_scoped3A = tpu.sem_alloc : memref<!tpu.dma_semaphore, #tpu.memory_space<semaphore_mem>>
        %dma_start3A_49 = tpu.memref_slice %arg4[%mul3A_32] : memref<160000xi32, #tpu.memory_space<hbm>> -> memref<160xi32, #tpu.memory_space<hbm>>
        %dma_start3A_50 = tpu.memref_slice %arg4[%mul3A_32] : memref<160000xi32, #tpu.memory_space<hbm>> -> memref<160xi32, #tpu.memory_space<hbm>>
        tpu.enqueue_dma source(%dma_start3A_50 : memref<160xi32, #tpu.memory_space<hbm>>) target(%arg8 : memref<160xi32, #tpu.memory_space<vmem>>) target_semaphore(%run_scoped3A : memref<!tpu.dma_semaphore, #tpu.memory_space<semaphore_mem>>)
        %dma_wait3A_51 = tpu.memref_slice %arg4[%mul3A_32] : memref<160000xi32, #tpu.memory_space<hbm>> -> memref<160xi32, #tpu.memory_space<hbm>>
        %dma_wait3A_52 = tpu.memref_slice %arg4[%mul3A_32] : memref<160000xi32, #tpu.memory_space<hbm>> -> memref<160xi32, #tpu.memory_space<hbm>>
        tpu.wait_dma2 semaphore(%run_scoped3A : memref<!tpu.dma_semaphore, #tpu.memory_space<semaphore_mem>>) src(%dma_wait3A_52 : memref<160xi32, #tpu.memory_space<hbm>>) dst(%arg8 : memref<160xi32, #tpu.memory_space<vmem>>)
        tpu.yield
      }) : () -> ()
      %dma_wait3A = arith.constant 0 : i32
      %dma_wait3A_39 = tpu.memref_slice %arg2[%mul3A_32, %dma_wait3A] : memref<160000x128xf32, #tpu.memory_space<hbm>> -> memref<160x128xf32, #tpu.memory_space<hbm>>
      %dma_wait3A_40 = arith.constant 0 : i32
      %dma_wait3A_41 = tpu.memref_slice %arg2[%mul3A_32, %dma_wait3A_40] : memref<160000x128xf32, #tpu.memory_space<hbm>> -> memref<160x128xf32, #tpu.memory_space<hbm>>
      tpu.wait_dma2 semaphore(%arg13 : memref<!tpu.dma_semaphore, #tpu.memory_space<semaphore_mem>>) src(%dma_wait3A_41 : memref<160x128xf32, #tpu.memory_space<hbm>>) dst(%arg10 : memref<160x128xf32, #tpu.memory_space<vmem>>)
      %dma_wait3A_42 = arith.constant 0 : i32
      %dma_wait3A_43 = arith.constant 0 : i32
      %dma_wait3A_44 = tpu.memref_slice %arg3[%dma_wait3A_42, %dma_wait3A_43] : memref<10000x128xf32, #tpu.memory_space<hbm>> -> memref<10000x128xf32, #tpu.memory_space<hbm>>
      tpu.wait_indirect_dma semaphore(%arg14 : memref<!tpu.dma_semaphore, #tpu.memory_space<semaphore_mem>>) src(%dma_wait3A_44 : memref<10000x128xf32, #tpu.memory_space<hbm>>) dst(%arg11 : memref<160x128xf32, #tpu.memory_space<vmem>>)
      %scan3A = arith.constant 0 : i32
      %scan3A_45 = arith.constant 160 : i32
      %scan3A_46 = arith.addi %scan3A, %scan3A_45 : i32
      %scan3A_47 = arith.constant 1 : i32
      scf.for %scan3A_49 = %scan3A to %scan3A_46 step %scan3A_47  : i32 {
        %mul3A_50 = arith.constant 1 : i32
        %mul3A_51 = arith.muli %scan3A_49, %mul3A_50 : i32
        %add3A_52 = arith.constant 0 : i32
        %add3A_53 = arith.addi %add3A_52, %mul3A_51 : i32
        %get3A = arith.index_cast %add3A_53 : i32 to index
        %get3A_54 = arith.constant 0 : index
        %get3A_55 = tpu.vector_load %arg10[%get3A, %get3A_54] {strides = array<i32>} : memref<160x128xf32, #tpu.memory_space<vmem>>, vector<1x16xf32>,
        %get3A_56 = vector.shape_cast %get3A_55 : vector<1x16xf32> to vector<16xf32>
        %get3A_57 = arith.index_cast %add3A_53 : i32 to index
        %get3A_58 = arith.constant 0 : index
        %get3A_59 = tpu.vector_load %arg11[%get3A_57, %get3A_58] {strides = array<i32>} : memref<160x128xf32, #tpu.memory_space<vmem>>, vector<1x16xf32>,
        %get3A_60 = vector.shape_cast %get3A_59 : vector<1x16xf32> to vector<16xf32>
        %mul3A_61 = arith.mulf %get3A_56, %get3A_60 : vector<16xf32>
        %swap3A = arith.index_cast %add3A_53 : i32 to index
        %swap3A_62 = arith.constant 0 : index
        %swap3A_63 = tpu.vector_load %arg10[%swap3A, %swap3A_62] {strides = array<i32>} : memref<160x128xf32, #tpu.memory_space<vmem>>, vector<1x16xf32>,
        %swap3A_64 = vector.shape_cast %swap3A_63 : vector<1x16xf32> to vector<16xf32>
        %swap3A_65 = vector.shape_cast %mul3A_61 : vector<16xf32> to vector<1x16xf32>
        tpu.vector_store %arg10[%swap3A, %swap3A_62], %swap3A_65 {strides = array<i32>} : memref<160x128xf32, #tpu.memory_space<vmem>>, vector<1x16xf32>,
        %get3A_66 = arith.index_cast %add3A_53 : i32 to index
        %get3A_67 = arith.constant 16 : index
        %get3A_68 = tpu.vector_load %arg10[%get3A_66, %get3A_67] {strides = array<i32>} : memref<160x128xf32, #tpu.memory_space<vmem>>, vector<1x16xf32>,
        %get3A_69 = vector.shape_cast %get3A_68 : vector<1x16xf32> to vector<16xf32>
        %get3A_70 = arith.index_cast %add3A_53 : i32 to index
        %get3A_71 = arith.constant 16 : index
        %get3A_72 = tpu.vector_load %arg11[%get3A_70, %get3A_71] {strides = array<i32>} : memref<160x128xf32, #tpu.memory_space<vmem>>, vector<1x16xf32>,
        %get3A_73 = vector.shape_cast %get3A_72 : vector<1x16xf32> to vector<16xf32>
        %mul3A_74 = arith.mulf %get3A_69, %get3A_73 : vector<16xf32>
        %swap3A_75 = arith.index_cast %add3A_53 : i32 to index
        %swap3A_76 = arith.constant 16 : index
        %swap3A_77 = tpu.vector_load %arg10[%swap3A_75, %swap3A_76] {strides = array<i32>} : memref<160x128xf32, #tpu.memory_space<vmem>>, vector<1x16xf32>,
        %swap3A_78 = vector.shape_cast %swap3A_77 : vector<1x16xf32> to vector<16xf32>
        %swap3A_79 = vector.shape_cast %mul3A_74 : vector<16xf32> to vector<1x16xf32>
        tpu.vector_store %arg10[%swap3A_75, %swap3A_76], %swap3A_79 {strides = array<i32>} : memref<160x128xf32, #tpu.memory_space<vmem>>, vector<1x16xf32>,
        %get3A_80 = arith.index_cast %add3A_53 : i32 to index
        %get3A_81 = arith.constant 32 : index
        %get3A_82 = tpu.vector_load %arg10[%get3A_80, %get3A_81] {strides = array<i32>} : memref<160x128xf32, #tpu.memory_space<vmem>>, vector<1x16xf32>,
        %get3A_83 = vector.shape_cast %get3A_82 : vector<1x16xf32> to vector<16xf32>
        %get3A_84 = arith.index_cast %add3A_53 : i32 to index
        %get3A_85 = arith.constant 32 : index
        %get3A_86 = tpu.vector_load %arg11[%get3A_84, %get3A_85] {strides = array<i32>} : memref<160x128xf32, #tpu.memory_space<vmem>>, vector<1x16xf32>,
        %get3A_87 = vector.shape_cast %get3A_86 : vector<1x16xf32> to vector<16xf32>
        %mul3A_88 = arith.mulf %get3A_83, %get3A_87 : vector<16xf32>
        %swap3A_89 = arith.index_cast %add3A_53 : i32 to index
        %swap3A_90 = arith.constant 32 : index
        %swap3A_91 = tpu.vector_load %arg10[%swap3A_89, %swap3A_90] {strides = array<i32>} : memref<160x128xf32, #tpu.memory_space<vmem>>, vector<1x16xf32>,
        %swap3A_92 = vector.shape_cast %swap3A_91 : vector<1x16xf32> to vector<16xf32>
        %swap3A_93 = vector.shape_cast %mul3A_88 : vector<16xf32> to vector<1x16xf32>
        tpu.vector_store %arg10[%swap3A_89, %swap3A_90], %swap3A_93 {strides = array<i32>} : memref<160x128xf32, #tpu.memory_space<vmem>>, vector<1x16xf32>,
        %get3A_94 = arith.index_cast %add3A_53 : i32 to index
        %get3A_95 = arith.constant 48 : index
        %get3A_96 = tpu.vector_load %arg10[%get3A_94, %get3A_95] {strides = array<i32>} : memref<160x128xf32, #tpu.memory_space<vmem>>, vector<1x16xf32>,
        %get3A_97 = vector.shape_cast %get3A_96 : vector<1x16xf32> to vector<16xf32>
        %get3A_98 = arith.index_cast %add3A_53 : i32 to index
        %get3A_99 = arith.constant 48 : index
        %get3A_100 = tpu.vector_load %arg11[%get3A_98, %get3A_99] {strides = array<i32>} : memref<160x128xf32, #tpu.memory_space<vmem>>, vector<1x16xf32>,
        %get3A_101 = vector.shape_cast %get3A_100 : vector<1x16xf32> to vector<16xf32>
        %mul3A_102 = arith.mulf %get3A_97, %get3A_101 : vector<16xf32>
        %swap3A_103 = arith.index_cast %add3A_53 : i32 to index
        %swap3A_104 = arith.constant 48 : index
        %swap3A_105 = tpu.vector_load %arg10[%swap3A_103, %swap3A_104] {strides = array<i32>} : memref<160x128xf32, #tpu.memory_space<vmem>>, vector<1x16xf32>,
        %swap3A_106 = vector.shape_cast %swap3A_105 : vector<1x16xf32> to vector<16xf32>
        %swap3A_107 = vector.shape_cast %mul3A_102 : vector<16xf32> to vector<1x16xf32>
        tpu.vector_store %arg10[%swap3A_103, %swap3A_104], %swap3A_107 {strides = array<i32>} : memref<160x128xf32, #tpu.memory_space<vmem>>, vector<1x16xf32>,
        %get3A_108 = arith.index_cast %add3A_53 : i32 to index
        %get3A_109 = arith.constant 64 : index
        %get3A_110 = tpu.vector_load %arg10[%get3A_108, %get3A_109] {strides = array<i32>} : memref<160x128xf32, #tpu.memory_space<vmem>>, vector<1x16xf32>,
        %get3A_111 = vector.shape_cast %get3A_110 : vector<1x16xf32> to vector<16xf32>
        %get3A_112 = arith.index_cast %add3A_53 : i32 to index
        %get3A_113 = arith.constant 64 : index
        %get3A_114 = tpu.vector_load %arg11[%get3A_112, %get3A_113] {strides = array<i32>} : memref<160x128xf32, #tpu.memory_space<vmem>>, vector<1x16xf32>,
        %get3A_115 = vector.shape_cast %get3A_114 : vector<1x16xf32> to vector<16xf32>
        %mul3A_116 = arith.mulf %get3A_111, %get3A_115 : vector<16xf32>
        %swap3A_117 = arith.index_cast %add3A_53 : i32 to index
        %swap3A_118 = arith.constant 64 : index
        %swap3A_119 = tpu.vector_load %arg10[%swap3A_117, %swap3A_118] {strides = array<i32>} : memref<160x128xf32, #tpu.memory_space<vmem>>, vector<1x16xf32>,
        %swap3A_120 = vector.shape_cast %swap3A_119 : vector<1x16xf32> to vector<16xf32>
        %swap3A_121 = vector.shape_cast %mul3A_116 : vector<16xf32> to vector<1x16xf32>
        tpu.vector_store %arg10[%swap3A_117, %swap3A_118], %swap3A_121 {strides = array<i32>} : memref<160x128xf32, #tpu.memory_space<vmem>>, vector<1x16xf32>,
        %get3A_122 = arith.index_cast %add3A_53 : i32 to index
        %get3A_123 = arith.constant 80 : index
        %get3A_124 = tpu.vector_load %arg10[%get3A_122, %get3A_123] {strides = array<i32>} : memref<160x128xf32, #tpu.memory_space<vmem>>, vector<1x16xf32>,
        %get3A_125 = vector.shape_cast %get3A_124 : vector<1x16xf32> to vector<16xf32>
        %get3A_126 = arith.index_cast %add3A_53 : i32 to index
        %get3A_127 = arith.constant 80 : index
        %get3A_128 = tpu.vector_load %arg11[%get3A_126, %get3A_127] {strides = array<i32>} : memref<160x128xf32, #tpu.memory_space<vmem>>, vector<1x16xf32>,
        %get3A_129 = vector.shape_cast %get3A_128 : vector<1x16xf32> to vector<16xf32>
        %mul3A_130 = arith.mulf %get3A_125, %get3A_129 : vector<16xf32>
        %swap3A_131 = arith.index_cast %add3A_53 : i32 to index
        %swap3A_132 = arith.constant 80 : index
        %swap3A_133 = tpu.vector_load %arg10[%swap3A_131, %swap3A_132] {strides = array<i32>} : memref<160x128xf32, #tpu.memory_space<vmem>>, vector<1x16xf32>,
        %swap3A_134 = vector.shape_cast %swap3A_133 : vector<1x16xf32> to vector<16xf32>
        %swap3A_135 = vector.shape_cast %mul3A_130 : vector<16xf32> to vector<1x16xf32>
        tpu.vector_store %arg10[%swap3A_131, %swap3A_132], %swap3A_135 {strides = array<i32>} : memref<160x128xf32, #tpu.memory_space<vmem>>, vector<1x16xf32>,
        %get3A_136 = arith.index_cast %add3A_53 : i32 to index
        %get3A_137 = arith.constant 96 : index
        %get3A_138 = tpu.vector_load %arg10[%get3A_136, %get3A_137] {strides = array<i32>} : memref<160x128xf32, #tpu.memory_space<vmem>>, vector<1x16xf32>,
        %get3A_139 = vector.shape_cast %get3A_138 : vector<1x16xf32> to vector<16xf32>
        %get3A_140 = arith.index_cast %add3A_53 : i32 to index
        %get3A_141 = arith.constant 96 : index
        %get3A_142 = tpu.vector_load %arg11[%get3A_140, %get3A_141] {strides = array<i32>} : memref<160x128xf32, #tpu.memory_space<vmem>>, vector<1x16xf32>,
        %get3A_143 = vector.shape_cast %get3A_142 : vector<1x16xf32> to vector<16xf32>
        %mul3A_144 = arith.mulf %get3A_139, %get3A_143 : vector<16xf32>
        %swap3A_145 = arith.index_cast %add3A_53 : i32 to index
        %swap3A_146 = arith.constant 96 : index
        %swap3A_147 = tpu.vector_load %arg10[%swap3A_145, %swap3A_146] {strides = array<i32>} : memref<160x128xf32, #tpu.memory_space<vmem>>, vector<1x16xf32>,
        %swap3A_148 = vector.shape_cast %swap3A_147 : vector<1x16xf32> to vector<16xf32>
        %swap3A_149 = vector.shape_cast %mul3A_144 : vector<16xf32> to vector<1x16xf32>
        tpu.vector_store %arg10[%swap3A_145, %swap3A_146], %swap3A_149 {strides = array<i32>} : memref<160x128xf32, #tpu.memory_space<vmem>>, vector<1x16xf32>,
        %get3A_150 = arith.index_cast %add3A_53 : i32 to index
        %get3A_151 = arith.constant 112 : index
        %get3A_152 = tpu.vector_load %arg10[%get3A_150, %get3A_151] {strides = array<i32>} : memref<160x128xf32, #tpu.memory_space<vmem>>, vector<1x16xf32>,
        %get3A_153 = vector.shape_cast %get3A_152 : vector<1x16xf32> to vector<16xf32>
        %get3A_154 = arith.index_cast %add3A_53 : i32 to index
        %get3A_155 = arith.constant 112 : index
        %get3A_156 = tpu.vector_load %arg11[%get3A_154, %get3A_155] {strides = array<i32>} : memref<160x128xf32, #tpu.memory_space<vmem>>, vector<1x16xf32>,
        %get3A_157 = vector.shape_cast %get3A_156 : vector<1x16xf32> to vector<16xf32>
        %mul3A_158 = arith.mulf %get3A_153, %get3A_157 : vector<16xf32>
        %swap3A_159 = arith.index_cast %add3A_53 : i32 to index
        %swap3A_160 = arith.constant 112 : index
        %swap3A_161 = tpu.vector_load %arg10[%swap3A_159, %swap3A_160] {strides = array<i32>} : memref<160x128xf32, #tpu.memory_space<vmem>>, vector<1x16xf32>,
        %swap3A_162 = vector.shape_cast %swap3A_161 : vector<1x16xf32> to vector<16xf32>
        %swap3A_163 = vector.shape_cast %mul3A_158 : vector<16xf32> to vector<1x16xf32>
        tpu.vector_store %arg10[%swap3A_159, %swap3A_160], %swap3A_163 {strides = array<i32>} : memref<160x128xf32, #tpu.memory_space<vmem>>, vector<1x16xf32>,
      }
      %scan3A_48 = arith.constant 160 : i32
      "tpu.region"() ({
        %run_scoped3A = tpu.sem_alloc : memref<!tpu.dma_semaphore, #tpu.memory_space<semaphore_mem>>
        %dma_start3A_49 = arith.constant 0 : i32
        %dma_start3A_50 = arith.constant 0 : i32
        %dma_start3A_51 = tpu.memref_slice %arg12[%dma_start3A_49, %dma_start3A_50] : memref<10000x128xf32, #tpu.memory_space<vmem_shared>> -> memref<10000x128xf32, #tpu.memory_space<vmem_shared>>
        tpu.enqueue_indirect_dma source(%arg10 : memref<160x128xf32, #tpu.memory_space<vmem>>) target(%dma_start3A_51 : memref<10000x128xf32, #tpu.memory_space<vmem_shared>>) offsets(%arg8 : memref<160xi32, #tpu.memory_space<vmem>>) semaphore(%run_scoped3A : memref<!tpu.dma_semaphore, #tpu.memory_space<semaphore_mem>>) {add = true}
        %dma_wait3A_52 = arith.constant 0 : i32
        %dma_wait3A_53 = arith.constant 0 : i32
        %dma_wait3A_54 = tpu.memref_slice %arg12[%dma_wait3A_52, %dma_wait3A_53] : memref<10000x128xf32, #tpu.memory_space<vmem_shared>> -> memref<10000x128xf32, #tpu.memory_space<vmem_shared>>
        tpu.wait_indirect_dma semaphore(%run_scoped3A : memref<!tpu.dma_semaphore, #tpu.memory_space<semaphore_mem>>) src(%arg10 : memref<160x128xf32, #tpu.memory_space<vmem>>) dst(%dma_wait3A_54 : memref<10000x128xf32, #tpu.memory_space<vmem_shared>>)
        tpu.yield
      }) : () -> ()
    }
    %barrier3A_18 = arith.constant 0 : index
    tpu.barrier barrier_id(%barrier3A_18)
    %lt3A = arith.constant 15 : i32
    %lt3A_19 = arith.cmpi slt, %arg1, %lt3A : i32
    %convert_element_type3A_20 = arith.extui %lt3A_19 : i1 to i32
    %cond3A_21 = arith.constant 0 : i32
    %cond3A_22 = arith.cmpi ne, %convert_element_type3A_20, %cond3A_21 : i32
    scf.if %cond3A_22 {
      %mul3A_28 = arith.constant 632 : i32
      %mul3A_29 = arith.muli %arg1, %mul3A_28 : i32
      %mul3A_30 = arith.constant 632 : i32
      %mul3A_31 = arith.muli %arg1, %mul3A_30 : i32
      "tpu.region"() ({
        %run_scoped3A = tpu.sem_alloc : memref<!tpu.dma_semaphore, #tpu.memory_space<semaphore_mem>>
        %dma_start3A = arith.constant 0 : i32
        %dma_start3A_32 = arith.constant 0 : i32
        %dma_start3A_33 = tpu.memref_slice %arg7[%arg0, %dma_start3A, %dma_start3A_32] : memref<2x10000x128xf32, #tpu.memory_space<hbm>> -> memref<1x10000x128xf32, #tpu.memory_space<hbm>>
        %dma_start3A_34 = tpu.memref_squeeze %dma_start3A_33 : memref<1x10000x128xf32, #tpu.memory_space<hbm>> -> memref<10000x128xf32, #tpu.memory_space<hbm>>
        %dma_start3A_35 = arith.constant 0 : i32
        %dma_start3A_36 = tpu.memref_slice %dma_start3A_34[%mul3A_31, %dma_start3A_35] : memref<10000x128xf32, #tpu.memory_space<hbm>> -> memref<632x128xf32, #tpu.memory_space<hbm>>
        %dma_start3A_37 = arith.constant 0 : i32
        %dma_start3A_38 = tpu.memref_slice %arg12[%mul3A_29, %dma_start3A_37] : memref<10000x128xf32, #tpu.memory_space<vmem_shared>> -> memref<632x128xf32, #tpu.memory_space<vmem_shared>>
        tpu.enqueue_dma source(%dma_start3A_38 : memref<632x128xf32, #tpu.memory_space<vmem_shared>>) target(%dma_start3A_36 : memref<632x128xf32, #tpu.memory_space<hbm>>) target_semaphore(%run_scoped3A : memref<!tpu.dma_semaphore, #tpu.memory_space<semaphore_mem>>)
        %dma_wait3A = arith.constant 0 : i32
        %dma_wait3A_39 = arith.constant 0 : i32
        %dma_wait3A_40 = tpu.memref_slice %arg7[%arg0, %dma_wait3A, %dma_wait3A_39] : memref<2x10000x128xf32, #tpu.memory_space<hbm>> -> memref<1x10000x128xf32, #tpu.memory_space<hbm>>
        %dma_wait3A_41 = tpu.memref_squeeze %dma_wait3A_40 : memref<1x10000x128xf32, #tpu.memory_space<hbm>> -> memref<10000x128xf32, #tpu.memory_space<hbm>>
        %dma_wait3A_42 = arith.constant 0 : i32
        %dma_wait3A_43 = tpu.memref_slice %dma_wait3A_41[%mul3A_31, %dma_wait3A_42] : memref<10000x128xf32, #tpu.memory_space<hbm>> -> memref<632x128xf32, #tpu.memory_space<hbm>>
        %dma_wait3A_44 = arith.constant 0 : i32
        %dma_wait3A_45 = tpu.memref_slice %arg12[%mul3A_29, %dma_wait3A_44] : memref<10000x128xf32, #tpu.memory_space<vmem_shared>> -> memref<632x128xf32, #tpu.memory_space<vmem_shared>>
        tpu.wait_dma2 semaphore(%run_scoped3A : memref<!tpu.dma_semaphore, #tpu.memory_space<semaphore_mem>>) src(%dma_wait3A_45 : memref<632x128xf32, #tpu.memory_space<vmem_shared>>) dst(%dma_wait3A_43 : memref<632x128xf32, #tpu.memory_space<hbm>>)
        tpu.yield
      }) : () -> ()
    } else {
    }
    %eq3A_23 = arith.constant 15 : i32
    %eq3A_24 = arith.cmpi eq, %arg1, %eq3A_23 : i32
    %convert_element_type3A_25 = arith.extui %eq3A_24 : i1 to i32
    %cond3A_26 = arith.constant 0 : i32
    %cond3A_27 = arith.cmpi ne, %convert_element_type3A_25, %cond3A_26 : i32
    scf.if %cond3A_27 {
      "tpu.region"() ({
        %run_scoped3A = tpu.sem_alloc : memref<!tpu.dma_semaphore, #tpu.memory_space<semaphore_mem>>
        %dma_start3A = arith.constant 0 : i32
        %dma_start3A_28 = arith.constant 0 : i32
        %dma_start3A_29 = tpu.memref_slice %arg7[%arg0, %dma_start3A, %dma_start3A_28] : memref<2x10000x128xf32, #tpu.memory_space<hbm>> -> memref<1x10000x128xf32, #tpu.memory_space<hbm>>
        %dma_start3A_30 = tpu.memref_squeeze %dma_start3A_29 : memref<1x10000x128xf32, #tpu.memory_space<hbm>> -> memref<10000x128xf32, #tpu.memory_space<hbm>>
        %dma_start3A_31 = arith.constant 9480 : i32
        %dma_start3A_32 = arith.constant 0 : i32
        %dma_start3A_33 = tpu.memref_slice %dma_start3A_30[%dma_start3A_31, %dma_start3A_32] : memref<10000x128xf32, #tpu.memory_space<hbm>> -> memref<520x128xf32, #tpu.memory_space<hbm>>
        %dma_start3A_34 = arith.constant 9480 : i32
        %dma_start3A_35 = arith.constant 0 : i32
        %dma_start3A_36 = tpu.memref_slice %arg12[%dma_start3A_34, %dma_start3A_35] : memref<10000x128xf32, #tpu.memory_space<vmem_shared>> -> memref<520x128xf32, #tpu.memory_space<vmem_shared>>
        tpu.enqueue_dma source(%dma_start3A_36 : memref<520x128xf32, #tpu.memory_space<vmem_shared>>) target(%dma_start3A_33 : memref<520x128xf32, #tpu.memory_space<hbm>>) target_semaphore(%run_scoped3A : memref<!tpu.dma_semaphore, #tpu.memory_space<semaphore_mem>>)
        %dma_wait3A = arith.constant 0 : i32
        %dma_wait3A_37 = arith.constant 0 : i32
        %dma_wait3A_38 = tpu.memref_slice %arg7[%arg0, %dma_wait3A, %dma_wait3A_37] : memref<2x10000x128xf32, #tpu.memory_space<hbm>> -> memref<1x10000x128xf32, #tpu.memory_space<hbm>>
        %dma_wait3A_39 = tpu.memref_squeeze %dma_wait3A_38 : memref<1x10000x128xf32, #tpu.memory_space<hbm>> -> memref<10000x128xf32, #tpu.memory_space<hbm>>
        %dma_wait3A_40 = arith.constant 9480 : i32
        %dma_wait3A_41 = arith.constant 0 : i32
        %dma_wait3A_42 = tpu.memref_slice %dma_wait3A_39[%dma_wait3A_40, %dma_wait3A_41] : memref<10000x128xf32, #tpu.memory_space<hbm>> -> memref<520x128xf32, #tpu.memory_space<hbm>>
        %dma_wait3A_43 = arith.constant 9480 : i32
        %dma_wait3A_44 = arith.constant 0 : i32
        %dma_wait3A_45 = tpu.memref_slice %arg12[%dma_wait3A_43, %dma_wait3A_44] : memref<10000x128xf32, #tpu.memory_space<vmem_shared>> -> memref<520x128xf32, #tpu.memory_space<vmem_shared>>
        tpu.wait_dma2 semaphore(%run_scoped3A : memref<!tpu.dma_semaphore, #tpu.memory_space<semaphore_mem>>) src(%dma_wait3A_45 : memref<520x128xf32, #tpu.memory_space<vmem_shared>>) dst(%dma_wait3A_42 : memref<520x128xf32, #tpu.memory_space<hbm>>)
        tpu.yield
      }) : () -> ()
    } else {
    }
    return
  }
}

module attributes {stable_mosaic.version = 14 : i64} {
  func.func @_tables_body(%arg0: memref<10000x128xf32, #tpu.memory_space<vmem>>, %arg1: memref<128x128xf32, #tpu.memory_space<vmem>>, %arg2: memref<1x128xf32, #tpu.memory_space<vmem>>, %arg3: memref<128x128xf32, #tpu.memory_space<vmem>>, %arg4: memref<1x128xf32, #tpu.memory_space<vmem>>, %arg5: memref<128x128xf32, #tpu.memory_space<vmem>>, %arg6: memref<1x128xf32, #tpu.memory_space<vmem>>, %arg7: memref<128x128xf32, #tpu.memory_space<vmem>>, %arg8: memref<1x128xf32, #tpu.memory_space<vmem>>, %arg9: memref<10000x128xf32, #tpu.memory_space<vmem>>, %arg10: memref<10000x128xf32, #tpu.memory_space<vmem>>, %arg11: memref<10000x128xf32, #tpu.memory_space<vmem>>, %arg12: memref<10000x128xf32, #tpu.memory_space<vmem>>) attributes {dimension_semantics = [], scalar_prefetch = 0 : i64, scratch_operands = 0 : i64, tpu.core_type = #tpu.core_type<tc>} {
    %get3A = arith.constant 0 : index
    %get3A_0 = arith.constant 0 : index
    %get3A_1 = vector.load %arg0[%get3A, %get3A_0] : memref<10000x128xf32, #tpu.memory_space<vmem>>, vector<10000x128xf32>
    %get3A_2 = arith.constant 0 : index
    %get3A_3 = arith.constant 0 : index
    %get3A_4 = vector.load %arg1[%get3A_2, %get3A_3] : memref<128x128xf32, #tpu.memory_space<vmem>>, vector<128x128xf32>
    %dot_general3A = arith.constant dense<0.000000e+00> : vector<10000x128xf32>
    %dot_general3A_5 = tpu.matmul %get3A_1, %get3A_4, %dot_general3A {dimension_numbers = #tpu.dot_dimension_numbers<[1], [0], [0], [1], [0, 0, 1, 1], [], []>, transpose_lhs_hint = false} : vector<10000x128xf32>, vector<128x128xf32>, vector<10000x128xf32> -> vector<10000x128xf32>
    %get3A_6 = arith.constant 0 : index
    %get3A_7 = arith.constant 0 : index
    %get3A_8 = vector.load %arg2[%get3A_6, %get3A_7] : memref<1x128xf32, #tpu.memory_space<vmem>>, vector<1x128xf32>
    %add3A = vector.broadcast %get3A_8 : vector<1x128xf32> to vector<10000x128xf32>
    %add3A_9 = arith.addf %dot_general3A_5, %add3A : vector<10000x128xf32>
    %swap3A = arith.constant 0 : index
    %swap3A_10 = arith.constant 0 : index
    %swap3A_11 = vector.load %arg9[%swap3A, %swap3A_10] : memref<10000x128xf32, #tpu.memory_space<vmem>>, vector<10000x128xf32>
    tpu.vector_store %arg9[%swap3A, %swap3A_10], %add3A_9 {strides = array<i32>} : memref<10000x128xf32, #tpu.memory_space<vmem>>, vector<10000x128xf32>,
    %get3A_12 = arith.constant 0 : index
    %get3A_13 = arith.constant 0 : index
    %get3A_14 = vector.load %arg3[%get3A_12, %get3A_13] : memref<128x128xf32, #tpu.memory_space<vmem>>, vector<128x128xf32>
    %dot_general3A_15 = arith.constant dense<0.000000e+00> : vector<10000x128xf32>
    %dot_general3A_16 = tpu.matmul %get3A_1, %get3A_14, %dot_general3A_15 {dimension_numbers = #tpu.dot_dimension_numbers<[1], [0], [0], [1], [0, 0, 1, 1], [], []>, transpose_lhs_hint = false} : vector<10000x128xf32>, vector<128x128xf32>, vector<10000x128xf32> -> vector<10000x128xf32>
    %get3A_17 = arith.constant 0 : index
    %get3A_18 = arith.constant 0 : index
    %get3A_19 = vector.load %arg4[%get3A_17, %get3A_18] : memref<1x128xf32, #tpu.memory_space<vmem>>, vector<1x128xf32>
    %add3A_20 = vector.broadcast %get3A_19 : vector<1x128xf32> to vector<10000x128xf32>
    %add3A_21 = arith.addf %dot_general3A_16, %add3A_20 : vector<10000x128xf32>
    %swap3A_22 = arith.constant 0 : index
    %swap3A_23 = arith.constant 0 : index
    %swap3A_24 = vector.load %arg10[%swap3A_22, %swap3A_23] : memref<10000x128xf32, #tpu.memory_space<vmem>>, vector<10000x128xf32>
    tpu.vector_store %arg10[%swap3A_22, %swap3A_23], %add3A_21 {strides = array<i32>} : memref<10000x128xf32, #tpu.memory_space<vmem>>, vector<10000x128xf32>,
    %get3A_25 = arith.constant 0 : index
    %get3A_26 = arith.constant 0 : index
    %get3A_27 = vector.load %arg5[%get3A_25, %get3A_26] : memref<128x128xf32, #tpu.memory_space<vmem>>, vector<128x128xf32>
    %dot_general3A_28 = arith.constant dense<0.000000e+00> : vector<10000x128xf32>
    %dot_general3A_29 = tpu.matmul %get3A_1, %get3A_27, %dot_general3A_28 {dimension_numbers = #tpu.dot_dimension_numbers<[1], [0], [0], [1], [0, 0, 1, 1], [], []>, transpose_lhs_hint = false} : vector<10000x128xf32>, vector<128x128xf32>, vector<10000x128xf32> -> vector<10000x128xf32>
    %get3A_30 = arith.constant 0 : index
    %get3A_31 = arith.constant 0 : index
    %get3A_32 = vector.load %arg6[%get3A_30, %get3A_31] : memref<1x128xf32, #tpu.memory_space<vmem>>, vector<1x128xf32>
    %add3A_33 = vector.broadcast %get3A_32 : vector<1x128xf32> to vector<10000x128xf32>
    %add3A_34 = arith.addf %dot_general3A_29, %add3A_33 : vector<10000x128xf32>
    %swap3A_35 = arith.constant 0 : index
    %swap3A_36 = arith.constant 0 : index
    %swap3A_37 = vector.load %arg11[%swap3A_35, %swap3A_36] : memref<10000x128xf32, #tpu.memory_space<vmem>>, vector<10000x128xf32>
    tpu.vector_store %arg11[%swap3A_35, %swap3A_36], %add3A_34 {strides = array<i32>} : memref<10000x128xf32, #tpu.memory_space<vmem>>, vector<10000x128xf32>,
    %get3A_38 = arith.constant 0 : index
    %get3A_39 = arith.constant 0 : index
    %get3A_40 = vector.load %arg7[%get3A_38, %get3A_39] : memref<128x128xf32, #tpu.memory_space<vmem>>, vector<128x128xf32>
    %dot_general3A_41 = arith.constant dense<0.000000e+00> : vector<10000x128xf32>
    %dot_general3A_42 = tpu.matmul %get3A_1, %get3A_40, %dot_general3A_41 {dimension_numbers = #tpu.dot_dimension_numbers<[1], [0], [0], [1], [0, 0, 1, 1], [], []>, transpose_lhs_hint = false} : vector<10000x128xf32>, vector<128x128xf32>, vector<10000x128xf32> -> vector<10000x128xf32>
    %get3A_43 = arith.constant 0 : index
    %get3A_44 = arith.constant 0 : index
    %get3A_45 = vector.load %arg8[%get3A_43, %get3A_44] : memref<1x128xf32, #tpu.memory_space<vmem>>, vector<1x128xf32>
    %add3A_46 = vector.broadcast %get3A_45 : vector<1x128xf32> to vector<10000x128xf32>
    %add3A_47 = arith.addf %dot_general3A_42, %add3A_46 : vector<10000x128xf32>
    %swap3A_48 = arith.constant 0 : index
    %swap3A_49 = arith.constant 0 : index
    %swap3A_50 = vector.load %arg12[%swap3A_48, %swap3A_49] : memref<10000x128xf32, #tpu.memory_space<vmem>>, vector<10000x128xf32>
    tpu.vector_store %arg12[%swap3A_48, %swap3A_49], %add3A_47 {strides = array<i32>} : memref<10000x128xf32, #tpu.memory_space<vmem>>, vector<10000x128xf32>,
    return
  }
}

module attributes {stable_mosaic.version = 14 : i64} {
  func.func @_stats_body(%arg0: i32, %arg1: memref<2000x128xf32, #tpu.memory_space<vmem>>, %arg2: memref<2000x128xf32, #tpu.memory_space<vmem>>, %arg3: memref<128x128xf32, #tpu.memory_space<vmem>>, %arg4: memref<1x128xf32, #tpu.memory_space<vmem>>, %arg5: memref<8x128xf32, #tpu.memory_space<vmem>>, %arg6: memref<8x128xf32, #tpu.memory_space<vmem>>, %arg7: memref<8x128xf32, #tpu.memory_space<vmem>>, %arg8: memref<8x128xf32, #tpu.memory_space<vmem>>) attributes {dimension_semantics = [#tpu.dimension_semantics<arbitrary>], iteration_bounds = array<i64: 80>, scalar_prefetch = 0 : i64, scratch_operands = 2 : i64, tpu.core_type = #tpu.core_type<tc>, window_params = [{transform_indices = @transform_0, window_bounds = array<i64: 2000, 128>}, {transform_indices = @transform_1, window_bounds = array<i64: 2000, 128>}, {pipeline_mode = #tpu.pipeline_mode<synchronous>, transform_indices = @transform_2, window_bounds = array<i64: 128, 128>}, {pipeline_mode = #tpu.pipeline_mode<synchronous>, transform_indices = @transform_3, window_bounds = array<i64: 1, 128>}, {pipeline_mode = #tpu.pipeline_mode<synchronous>, transform_indices = @transform_4, window_bounds = array<i64: 8, 128>}, {pipeline_mode = #tpu.pipeline_mode<synchronous>, transform_indices = @transform_5, window_bounds = array<i64: 8, 128>}]} {
    %eq3A = arith.constant 0 : i32
    %eq3A_0 = arith.cmpi eq, %arg0, %eq3A : i32
    %convert_element_type3A = arith.extui %eq3A_0 : i1 to i32
    %cond3A = arith.constant 0 : i32
    %cond3A_1 = arith.cmpi ne, %convert_element_type3A, %cond3A : i32
    scf.if %cond3A_1 {
      %broadcast_in_dim3A = arith.constant 0.000000e+00 : f32
      %broadcast_in_dim3A_37 = vector.broadcast %broadcast_in_dim3A : f32 to vector<8x128xf32>
      %swap3A_38 = arith.constant 0 : index
      %swap3A_39 = arith.constant 0 : index
      %swap3A_40 = vector.load %arg7[%swap3A_38, %swap3A_39] : memref<8x128xf32, #tpu.memory_space<vmem>>, vector<8x128xf32>
      tpu.vector_store %arg7[%swap3A_38, %swap3A_39], %broadcast_in_dim3A_37 {strides = array<i32>} : memref<8x128xf32, #tpu.memory_space<vmem>>, vector<8x128xf32>,
      %broadcast_in_dim3A_41 = arith.constant 0.000000e+00 : f32
      %broadcast_in_dim3A_42 = vector.broadcast %broadcast_in_dim3A_41 : f32 to vector<8x128xf32>
      %swap3A_43 = arith.constant 0 : index
      %swap3A_44 = arith.constant 0 : index
      %swap3A_45 = vector.load %arg8[%swap3A_43, %swap3A_44] : memref<8x128xf32, #tpu.memory_space<vmem>>, vector<8x128xf32>
      tpu.vector_store %arg8[%swap3A_43, %swap3A_44], %broadcast_in_dim3A_42 {strides = array<i32>} : memref<8x128xf32, #tpu.memory_space<vmem>>, vector<8x128xf32>,
    } else {
    }
    %get3A = arith.constant 0 : index
    %get3A_2 = arith.constant 0 : index
    %get3A_3 = vector.load %arg1[%get3A, %get3A_2] : memref<2000x128xf32, #tpu.memory_space<vmem>>, vector<2000x128xf32>
    %get3A_4 = arith.constant 0 : index
    %get3A_5 = arith.constant 0 : index
    %get3A_6 = vector.load %arg3[%get3A_4, %get3A_5] : memref<128x128xf32, #tpu.memory_space<vmem>>, vector<128x128xf32>
    %dot_general3A = arith.constant dense<0.000000e+00> : vector<2000x128xf32>
    %dot_general3A_7 = tpu.matmul %get3A_3, %get3A_6, %dot_general3A {dimension_numbers = #tpu.dot_dimension_numbers<[1], [0], [0], [1], [0, 0, 1, 1], [], []>, transpose_lhs_hint = false} : vector<2000x128xf32>, vector<128x128xf32>, vector<2000x128xf32> -> vector<2000x128xf32>
    %get3A_8 = arith.constant 0 : index
    %get3A_9 = arith.constant 0 : index
    %get3A_10 = vector.load %arg4[%get3A_8, %get3A_9] : memref<1x128xf32, #tpu.memory_space<vmem>>, vector<1x128xf32>
    %add3A = vector.broadcast %get3A_10 : vector<1x128xf32> to vector<2000x128xf32>
    %add3A_11 = arith.addf %dot_general3A_7, %add3A : vector<2000x128xf32>
    %get3A_12 = arith.constant 0 : index
    %get3A_13 = arith.constant 0 : index
    %get3A_14 = vector.load %arg2[%get3A_12, %get3A_13] : memref<2000x128xf32, #tpu.memory_space<vmem>>, vector<2000x128xf32>
    %add3A_15 = arith.addf %add3A_11, %get3A_14 : vector<2000x128xf32>
    %reshape3A = vector.shape_cast %add3A_15 : vector<2000x128xf32> to vector<250x8x128xf32>
    %get3A_16 = arith.constant 0 : index
    %get3A_17 = arith.constant 0 : index
    %get3A_18 = vector.load %arg7[%get3A_16, %get3A_17] : memref<8x128xf32, #tpu.memory_space<vmem>>, vector<8x128xf32>
    %reduce_sum3A = arith.constant dense<0.000000e+00> : vector<8x128xf32>
    %reduce_sum3A_19 = vector.multi_reduction <add>, %reshape3A, %reduce_sum3A [0] : vector<250x8x128xf32> to vector<8x128xf32>
    %add3A_20 = arith.addf %get3A_18, %reduce_sum3A_19 : vector<8x128xf32>
    %swap3A = arith.constant 0 : index
    %swap3A_21 = arith.constant 0 : index
    %swap3A_22 = vector.load %arg7[%swap3A, %swap3A_21] : memref<8x128xf32, #tpu.memory_space<vmem>>, vector<8x128xf32>
    tpu.vector_store %arg7[%swap3A, %swap3A_21], %add3A_20 {strides = array<i32>} : memref<8x128xf32, #tpu.memory_space<vmem>>, vector<8x128xf32>,
    %get3A_23 = arith.constant 0 : index
    %get3A_24 = arith.constant 0 : index
    %get3A_25 = vector.load %arg8[%get3A_23, %get3A_24] : memref<8x128xf32, #tpu.memory_space<vmem>>, vector<8x128xf32>
    %mul3A = arith.mulf %reshape3A, %reshape3A : vector<250x8x128xf32>
    %reduce_sum3A_26 = arith.constant dense<0.000000e+00> : vector<8x128xf32>
    %reduce_sum3A_27 = vector.multi_reduction <add>, %mul3A, %reduce_sum3A_26 [0] : vector<250x8x128xf32> to vector<8x128xf32>
    %add3A_28 = arith.addf %get3A_25, %reduce_sum3A_27 : vector<8x128xf32>
    %swap3A_29 = arith.constant 0 : index
    %swap3A_30 = arith.constant 0 : index
    %swap3A_31 = vector.load %arg8[%swap3A_29, %swap3A_30] : memref<8x128xf32, #tpu.memory_space<vmem>>, vector<8x128xf32>
    tpu.vector_store %arg8[%swap3A_29, %swap3A_30], %add3A_28 {strides = array<i32>} : memref<8x128xf32, #tpu.memory_space<vmem>>, vector<8x128xf32>,
    %eq3A_32 = arith.constant 79 : i32
    %eq3A_33 = arith.cmpi eq, %arg0, %eq3A_32 : i32
    %convert_element_type3A_34 = arith.extui %eq3A_33 : i1 to i32
    %cond3A_35 = arith.constant 0 : i32
    %cond3A_36 = arith.cmpi ne, %convert_element_type3A_34, %cond3A_35 : i32
    scf.if %cond3A_36 {
      %get3A_37 = arith.constant 0 : index
      %get3A_38 = arith.constant 0 : index
      %get3A_39 = vector.load %arg7[%get3A_37, %get3A_38] : memref<8x128xf32, #tpu.memory_space<vmem>>, vector<8x128xf32>
      %swap3A_40 = arith.constant 0 : index
      %swap3A_41 = arith.constant 0 : index
      %swap3A_42 = vector.load %arg5[%swap3A_40, %swap3A_41] : memref<8x128xf32, #tpu.memory_space<vmem>>, vector<8x128xf32>
      tpu.vector_store %arg5[%swap3A_40, %swap3A_41], %get3A_39 {strides = array<i32>} : memref<8x128xf32, #tpu.memory_space<vmem>>, vector<8x128xf32>,
      %get3A_43 = arith.constant 0 : index
      %get3A_44 = arith.constant 0 : index
      %get3A_45 = vector.load %arg8[%get3A_43, %get3A_44] : memref<8x128xf32, #tpu.memory_space<vmem>>, vector<8x128xf32>
      %swap3A_46 = arith.constant 0 : index
      %swap3A_47 = arith.constant 0 : index
      %swap3A_48 = vector.load %arg6[%swap3A_46, %swap3A_47] : memref<8x128xf32, #tpu.memory_space<vmem>>, vector<8x128xf32>
      tpu.vector_store %arg6[%swap3A_46, %swap3A_47], %get3A_45 {strides = array<i32>} : memref<8x128xf32, #tpu.memory_space<vmem>>, vector<8x128xf32>,
    } else {
    }
    return
  }
  func.func @transform_0(%arg0: i32) -> (i32, i32) {
    %add3A = arith.constant 80 : i32
    %add3A_0 = arith.addi %arg0, %add3A : i32
    %c0_i32 = arith.constant 0 : i32
    %c0_i32_1 = arith.constant 0 : i32
    return %add3A_0, %c0_i32 : i32, i32
  }
  func.func @transform_1(%arg0: i32) -> (i32, i32) {
    %c0_i32 = arith.constant 0 : i32
    %c0_i32_0 = arith.constant 0 : i32
    return %arg0, %c0_i32 : i32, i32
  }
  func.func @transform_2(%arg0: i32) -> (i32, i32) {
    %c0_i32 = arith.constant 0 : i32
    %c0_i32_0 = arith.constant 0 : i32
    %c0_i32_1 = arith.constant 0 : i32
    return %c0_i32, %c0_i32_0 : i32, i32
  }
  func.func @transform_3(%arg0: i32) -> (i32, i32) {
    %c0_i32 = arith.constant 0 : i32
    %c0_i32_0 = arith.constant 0 : i32
    %c0_i32_1 = arith.constant 0 : i32
    return %c0_i32, %c0_i32_0 : i32, i32
  }
  func.func @transform_4(%arg0: i32) -> (i32, i32) {
    %c0_i32 = arith.constant 0 : i32
    %c0_i32_0 = arith.constant 0 : i32
    %c0_i32_1 = arith.constant 0 : i32
    return %c0_i32, %c0_i32_0 : i32, i32
  }
  func.func @transform_5(%arg0: i32) -> (i32, i32) {
    %c0_i32 = arith.constant 0 : i32
    %c0_i32_0 = arith.constant 0 : i32
    %c0_i32_1 = arith.constant 0 : i32
    return %c0_i32, %c0_i32_0 : i32, i32
  }
}

module attributes {stable_mosaic.version = 14 : i64} {
  func.func @_stats_body(%arg0: i32, %arg1: memref<2000x128xf32, #tpu.memory_space<vmem>>, %arg2: memref<2000x128xf32, #tpu.memory_space<vmem>>, %arg3: memref<128x128xf32, #tpu.memory_space<vmem>>, %arg4: memref<1x128xf32, #tpu.memory_space<vmem>>, %arg5: memref<8x128xf32, #tpu.memory_space<vmem>>, %arg6: memref<8x128xf32, #tpu.memory_space<vmem>>, %arg7: memref<8x128xf32, #tpu.memory_space<vmem>>, %arg8: memref<8x128xf32, #tpu.memory_space<vmem>>) attributes {dimension_semantics = [#tpu.dimension_semantics<arbitrary>], iteration_bounds = array<i64: 80>, scalar_prefetch = 0 : i64, scratch_operands = 2 : i64, tpu.core_type = #tpu.core_type<tc>, window_params = [{transform_indices = @transform_0, window_bounds = array<i64: 2000, 128>}, {transform_indices = @transform_1, window_bounds = array<i64: 2000, 128>}, {pipeline_mode = #tpu.pipeline_mode<synchronous>, transform_indices = @transform_2, window_bounds = array<i64: 128, 128>}, {pipeline_mode = #tpu.pipeline_mode<synchronous>, transform_indices = @transform_3, window_bounds = array<i64: 1, 128>}, {pipeline_mode = #tpu.pipeline_mode<synchronous>, transform_indices = @transform_4, window_bounds = array<i64: 8, 128>}, {pipeline_mode = #tpu.pipeline_mode<synchronous>, transform_indices = @transform_5, window_bounds = array<i64: 8, 128>}]} {
    %eq3A = arith.constant 0 : i32
    %eq3A_0 = arith.cmpi eq, %arg0, %eq3A : i32
    %convert_element_type3A = arith.extui %eq3A_0 : i1 to i32
    %cond3A = arith.constant 0 : i32
    %cond3A_1 = arith.cmpi ne, %convert_element_type3A, %cond3A : i32
    scf.if %cond3A_1 {
      %broadcast_in_dim3A = arith.constant 0.000000e+00 : f32
      %broadcast_in_dim3A_37 = vector.broadcast %broadcast_in_dim3A : f32 to vector<8x128xf32>
      %swap3A_38 = arith.constant 0 : index
      %swap3A_39 = arith.constant 0 : index
      %swap3A_40 = vector.load %arg7[%swap3A_38, %swap3A_39] : memref<8x128xf32, #tpu.memory_space<vmem>>, vector<8x128xf32>
      tpu.vector_store %arg7[%swap3A_38, %swap3A_39], %broadcast_in_dim3A_37 {strides = array<i32>} : memref<8x128xf32, #tpu.memory_space<vmem>>, vector<8x128xf32>,
      %broadcast_in_dim3A_41 = arith.constant 0.000000e+00 : f32
      %broadcast_in_dim3A_42 = vector.broadcast %broadcast_in_dim3A_41 : f32 to vector<8x128xf32>
      %swap3A_43 = arith.constant 0 : index
      %swap3A_44 = arith.constant 0 : index
      %swap3A_45 = vector.load %arg8[%swap3A_43, %swap3A_44] : memref<8x128xf32, #tpu.memory_space<vmem>>, vector<8x128xf32>
      tpu.vector_store %arg8[%swap3A_43, %swap3A_44], %broadcast_in_dim3A_42 {strides = array<i32>} : memref<8x128xf32, #tpu.memory_space<vmem>>, vector<8x128xf32>,
    } else {
    }
    %get3A = arith.constant 0 : index
    %get3A_2 = arith.constant 0 : index
    %get3A_3 = vector.load %arg1[%get3A, %get3A_2] : memref<2000x128xf32, #tpu.memory_space<vmem>>, vector<2000x128xf32>
    %get3A_4 = arith.constant 0 : index
    %get3A_5 = arith.constant 0 : index
    %get3A_6 = vector.load %arg3[%get3A_4, %get3A_5] : memref<128x128xf32, #tpu.memory_space<vmem>>, vector<128x128xf32>
    %dot_general3A = arith.constant dense<0.000000e+00> : vector<2000x128xf32>
    %dot_general3A_7 = tpu.matmul %get3A_3, %get3A_6, %dot_general3A {dimension_numbers = #tpu.dot_dimension_numbers<[1], [0], [0], [1], [0, 0, 1, 1], [], []>, transpose_lhs_hint = false} : vector<2000x128xf32>, vector<128x128xf32>, vector<2000x128xf32> -> vector<2000x128xf32>
    %get3A_8 = arith.constant 0 : index
    %get3A_9 = arith.constant 0 : index
    %get3A_10 = vector.load %arg4[%get3A_8, %get3A_9] : memref<1x128xf32, #tpu.memory_space<vmem>>, vector<1x128xf32>
    %add3A = vector.broadcast %get3A_10 : vector<1x128xf32> to vector<2000x128xf32>
    %add3A_11 = arith.addf %dot_general3A_7, %add3A : vector<2000x128xf32>
    %get3A_12 = arith.constant 0 : index
    %get3A_13 = arith.constant 0 : index
    %get3A_14 = vector.load %arg2[%get3A_12, %get3A_13] : memref<2000x128xf32, #tpu.memory_space<vmem>>, vector<2000x128xf32>
    %add3A_15 = arith.addf %add3A_11, %get3A_14 : vector<2000x128xf32>
    %reshape3A = vector.shape_cast %add3A_15 : vector<2000x128xf32> to vector<250x8x128xf32>
    %get3A_16 = arith.constant 0 : index
    %get3A_17 = arith.constant 0 : index
    %get3A_18 = vector.load %arg7[%get3A_16, %get3A_17] : memref<8x128xf32, #tpu.memory_space<vmem>>, vector<8x128xf32>
    %reduce_sum3A = arith.constant dense<0.000000e+00> : vector<8x128xf32>
    %reduce_sum3A_19 = vector.multi_reduction <add>, %reshape3A, %reduce_sum3A [0] : vector<250x8x128xf32> to vector<8x128xf32>
    %add3A_20 = arith.addf %get3A_18, %reduce_sum3A_19 : vector<8x128xf32>
    %swap3A = arith.constant 0 : index
    %swap3A_21 = arith.constant 0 : index
    %swap3A_22 = vector.load %arg7[%swap3A, %swap3A_21] : memref<8x128xf32, #tpu.memory_space<vmem>>, vector<8x128xf32>
    tpu.vector_store %arg7[%swap3A, %swap3A_21], %add3A_20 {strides = array<i32>} : memref<8x128xf32, #tpu.memory_space<vmem>>, vector<8x128xf32>,
    %get3A_23 = arith.constant 0 : index
    %get3A_24 = arith.constant 0 : index
    %get3A_25 = vector.load %arg8[%get3A_23, %get3A_24] : memref<8x128xf32, #tpu.memory_space<vmem>>, vector<8x128xf32>
    %mul3A = arith.mulf %reshape3A, %reshape3A : vector<250x8x128xf32>
    %reduce_sum3A_26 = arith.constant dense<0.000000e+00> : vector<8x128xf32>
    %reduce_sum3A_27 = vector.multi_reduction <add>, %mul3A, %reduce_sum3A_26 [0] : vector<250x8x128xf32> to vector<8x128xf32>
    %add3A_28 = arith.addf %get3A_25, %reduce_sum3A_27 : vector<8x128xf32>
    %swap3A_29 = arith.constant 0 : index
    %swap3A_30 = arith.constant 0 : index
    %swap3A_31 = vector.load %arg8[%swap3A_29, %swap3A_30] : memref<8x128xf32, #tpu.memory_space<vmem>>, vector<8x128xf32>
    tpu.vector_store %arg8[%swap3A_29, %swap3A_30], %add3A_28 {strides = array<i32>} : memref<8x128xf32, #tpu.memory_space<vmem>>, vector<8x128xf32>,
    %eq3A_32 = arith.constant 79 : i32
    %eq3A_33 = arith.cmpi eq, %arg0, %eq3A_32 : i32
    %convert_element_type3A_34 = arith.extui %eq3A_33 : i1 to i32
    %cond3A_35 = arith.constant 0 : i32
    %cond3A_36 = arith.cmpi ne, %convert_element_type3A_34, %cond3A_35 : i32
    scf.if %cond3A_36 {
      %get3A_37 = arith.constant 0 : index
      %get3A_38 = arith.constant 0 : index
      %get3A_39 = vector.load %arg7[%get3A_37, %get3A_38] : memref<8x128xf32, #tpu.memory_space<vmem>>, vector<8x128xf32>
      %swap3A_40 = arith.constant 0 : index
      %swap3A_41 = arith.constant 0 : index
      %swap3A_42 = vector.load %arg5[%swap3A_40, %swap3A_41] : memref<8x128xf32, #tpu.memory_space<vmem>>, vector<8x128xf32>
      tpu.vector_store %arg5[%swap3A_40, %swap3A_41], %get3A_39 {strides = array<i32>} : memref<8x128xf32, #tpu.memory_space<vmem>>, vector<8x128xf32>,
      %get3A_43 = arith.constant 0 : index
      %get3A_44 = arith.constant 0 : index
      %get3A_45 = vector.load %arg8[%get3A_43, %get3A_44] : memref<8x128xf32, #tpu.memory_space<vmem>>, vector<8x128xf32>
      %swap3A_46 = arith.constant 0 : index
      %swap3A_47 = arith.constant 0 : index
      %swap3A_48 = vector.load %arg6[%swap3A_46, %swap3A_47] : memref<8x128xf32, #tpu.memory_space<vmem>>, vector<8x128xf32>
      tpu.vector_store %arg6[%swap3A_46, %swap3A_47], %get3A_45 {strides = array<i32>} : memref<8x128xf32, #tpu.memory_space<vmem>>, vector<8x128xf32>,
    } else {
    }
    return
  }
  func.func @transform_0(%arg0: i32) -> (i32, i32) {
    %add3A = arith.constant 0 : i32
    %add3A_0 = arith.addi %arg0, %add3A : i32
    %c0_i32 = arith.constant 0 : i32
    %c0_i32_1 = arith.constant 0 : i32
    return %add3A_0, %c0_i32 : i32, i32
  }
  func.func @transform_1(%arg0: i32) -> (i32, i32) {
    %c0_i32 = arith.constant 0 : i32
    %c0_i32_0 = arith.constant 0 : i32
    return %arg0, %c0_i32 : i32, i32
  }
  func.func @transform_2(%arg0: i32) -> (i32, i32) {
    %c0_i32 = arith.constant 0 : i32
    %c0_i32_0 = arith.constant 0 : i32
    %c0_i32_1 = arith.constant 0 : i32
    return %c0_i32, %c0_i32_0 : i32, i32
  }
  func.func @transform_3(%arg0: i32) -> (i32, i32) {
    %c0_i32 = arith.constant 0 : i32
    %c0_i32_0 = arith.constant 0 : i32
    %c0_i32_1 = arith.constant 0 : i32
    return %c0_i32, %c0_i32_0 : i32, i32
  }
  func.func @transform_4(%arg0: i32) -> (i32, i32) {
    %c0_i32 = arith.constant 0 : i32
    %c0_i32_0 = arith.constant 0 : i32
    %c0_i32_1 = arith.constant 0 : i32
    return %c0_i32, %c0_i32_0 : i32, i32
  }
  func.func @transform_5(%arg0: i32) -> (i32, i32) {
    %c0_i32 = arith.constant 0 : i32
    %c0_i32_0 = arith.constant 0 : i32
    %c0_i32_1 = arith.constant 0 : i32
    return %c0_i32, %c0_i32_0 : i32, i32
  }
}

module attributes {stable_mosaic.version = 14 : i64} {
  func.func @_apply_body_first(%arg0: i32, %arg1: memref<2000x128xf32, #tpu.memory_space<vmem>>, %arg2: memref<2000x128xf32, #tpu.memory_space<vmem>>, %arg3: memref<128x128xf32, #tpu.memory_space<vmem>>, %arg4: memref<1x128xf32, #tpu.memory_space<vmem>>, %arg5: memref<8x128xf32, #tpu.memory_space<vmem>>, %arg6: memref<8x128xf32, #tpu.memory_space<vmem>>, %arg7: memref<8x128xf32, #tpu.memory_space<vmem>>, %arg8: memref<8x128xf32, #tpu.memory_space<vmem>>, %arg9: memref<1x128xf32, #tpu.memory_space<vmem>>, %arg10: memref<1x128xf32, #tpu.memory_space<vmem>>, %arg11: memref<2000x128xf32, #tpu.memory_space<vmem>>, %arg12: memref<2000x128xf32, #tpu.memory_space<vmem>>) attributes {dimension_semantics = [#tpu.dimension_semantics<arbitrary>], iteration_bounds = array<i64: 80>, scalar_prefetch = 0 : i64, scratch_operands = 0 : i64, tpu.core_type = #tpu.core_type<tc>, window_params = [{transform_indices = @transform_0, window_bounds = array<i64: 2000, 128>}, {transform_indices = @transform_1, window_bounds = array<i64: 2000, 128>}, {pipeline_mode = #tpu.pipeline_mode<synchronous>, transform_indices = @transform_2, window_bounds = array<i64: 128, 128>}, {pipeline_mode = #tpu.pipeline_mode<synchronous>, transform_indices = @transform_3, window_bounds = array<i64: 1, 128>}, {pipeline_mode = #tpu.pipeline_mode<synchronous>, transform_indices = @transform_4, window_bounds = array<i64: 8, 128>}, {pipeline_mode = #tpu.pipeline_mode<synchronous>, transform_indices = @transform_5, window_bounds = array<i64: 8, 128>}, {pipeline_mode = #tpu.pipeline_mode<synchronous>, transform_indices = @transform_6, window_bounds = array<i64: 8, 128>}, {pipeline_mode = #tpu.pipeline_mode<synchronous>, transform_indices = @transform_7, window_bounds = array<i64: 8, 128>}, {pipeline_mode = #tpu.pipeline_mode<synchronous>, transform_indices = @transform_8, window_bounds = array<i64: 1, 128>}, {pipeline_mode = #tpu.pipeline_mode<synchronous>, transform_indices = @transform_9, window_bounds = array<i64: 1, 128>}, {transform_indices = @transform_10, window_bounds = array<i64: 2000, 128>}, {transform_indices = @transform_11, window_bounds = array<i64: 2000, 128>}]} {
    %get3A = arith.constant 0 : index
    %get3A_0 = arith.constant 0 : index
    %get3A_1 = vector.load %arg5[%get3A, %get3A_0] : memref<8x128xf32, #tpu.memory_space<vmem>>, vector<8x128xf32>
    %get3A_2 = arith.constant 0 : index
    %get3A_3 = arith.constant 0 : index
    %get3A_4 = vector.load %arg6[%get3A_2, %get3A_3] : memref<8x128xf32, #tpu.memory_space<vmem>>, vector<8x128xf32>
    %add3A = arith.addf %get3A_1, %get3A_4 : vector<8x128xf32>
    %reduce_sum3A = arith.constant dense<0.000000e+00> : vector<128xf32>
    %reduce_sum3A_5 = vector.multi_reduction <add>, %add3A, %reduce_sum3A [0] : vector<8x128xf32> to vector<128xf32>
    %broadcast_in_dim3A = vector.shape_cast %reduce_sum3A_5 : vector<128xf32> to vector<1x128xf32>
    %get3A_6 = arith.constant 0 : index
    %get3A_7 = arith.constant 0 : index
    %get3A_8 = vector.load %arg7[%get3A_6, %get3A_7] : memref<8x128xf32, #tpu.memory_space<vmem>>, vector<8x128xf32>
    %get3A_9 = arith.constant 0 : index
    %get3A_10 = arith.constant 0 : index
    %get3A_11 = vector.load %arg8[%get3A_9, %get3A_10] : memref<8x128xf32, #tpu.memory_space<vmem>>, vector<8x128xf32>
    %add3A_12 = arith.addf %get3A_8, %get3A_11 : vector<8x128xf32>
    %reduce_sum3A_13 = arith.constant dense<0.000000e+00> : vector<128xf32>
    %reduce_sum3A_14 = vector.multi_reduction <add>, %add3A_12, %reduce_sum3A_13 [0] : vector<8x128xf32> to vector<128xf32>
    %broadcast_in_dim3A_15 = vector.shape_cast %reduce_sum3A_14 : vector<128xf32> to vector<1x128xf32>
    %div3A = arith.constant 3.200000e+05 : f32
    %div3A_16 = vector.broadcast %div3A : f32 to vector<1x128xf32>
    %div3A_17 = arith.divf %broadcast_in_dim3A, %div3A_16 : vector<1x128xf32>
    %div3A_18 = arith.constant 3.200000e+05 : f32
    %div3A_19 = vector.broadcast %div3A_18 : f32 to vector<1x128xf32>
    %div3A_20 = arith.divf %broadcast_in_dim3A_15, %div3A_19 : vector<1x128xf32>
    %mul3A = arith.mulf %div3A_17, %div3A_17 : vector<1x128xf32>
    %sub3A = arith.subf %div3A_20, %mul3A : vector<1x128xf32>
    %add3A_21 = arith.constant 9.99999974E-6 : f32
    %add3A_22 = vector.broadcast %add3A_21 : f32 to vector<1x128xf32>
    %add3A_23 = arith.addf %sub3A, %add3A_22 : vector<1x128xf32>
    %rsqrt3A = math.rsqrt %add3A_23 : vector<1x128xf32>
    %get3A_24 = arith.constant 0 : index
    %get3A_25 = arith.constant 0 : index
    %get3A_26 = vector.load %arg1[%get3A_24, %get3A_25] : memref<2000x128xf32, #tpu.memory_space<vmem>>, vector<2000x128xf32>
    %get3A_27 = arith.constant 0 : index
    %get3A_28 = arith.constant 0 : index
    %get3A_29 = vector.load %arg3[%get3A_27, %get3A_28] : memref<128x128xf32, #tpu.memory_space<vmem>>, vector<128x128xf32>
    %dot_general3A = arith.constant dense<0.000000e+00> : vector<2000x128xf32>
    %dot_general3A_30 = tpu.matmul %get3A_26, %get3A_29, %dot_general3A {dimension_numbers = #tpu.dot_dimension_numbers<[1], [0], [0], [1], [0, 0, 1, 1], [], []>, transpose_lhs_hint = false} : vector<2000x128xf32>, vector<128x128xf32>, vector<2000x128xf32> -> vector<2000x128xf32>
    %get3A_31 = arith.constant 0 : index
    %get3A_32 = arith.constant 0 : index
    %get3A_33 = vector.load %arg4[%get3A_31, %get3A_32] : memref<1x128xf32, #tpu.memory_space<vmem>>, vector<1x128xf32>
    %add3A_34 = vector.broadcast %get3A_33 : vector<1x128xf32> to vector<2000x128xf32>
    %add3A_35 = arith.addf %dot_general3A_30, %add3A_34 : vector<2000x128xf32>
    %get3A_36 = arith.constant 0 : index
    %get3A_37 = arith.constant 0 : index
    %get3A_38 = vector.load %arg2[%get3A_36, %get3A_37] : memref<2000x128xf32, #tpu.memory_space<vmem>>, vector<2000x128xf32>
    %add3A_39 = arith.addf %add3A_35, %get3A_38 : vector<2000x128xf32>
    %get3A_40 = arith.constant 0 : index
    %get3A_41 = arith.constant 0 : index
    %get3A_42 = vector.load %arg9[%get3A_40, %get3A_41] : memref<1x128xf32, #tpu.memory_space<vmem>>, vector<1x128xf32>
    %sub3A_43 = vector.broadcast %div3A_17 : vector<1x128xf32> to vector<2000x128xf32>
    %sub3A_44 = arith.subf %add3A_39, %sub3A_43 : vector<2000x128xf32>
    %mul3A_45 = vector.broadcast %get3A_42 : vector<1x128xf32> to vector<2000x128xf32>
    %mul3A_46 = arith.mulf %mul3A_45, %sub3A_44 : vector<2000x128xf32>
    %mul3A_47 = vector.broadcast %rsqrt3A : vector<1x128xf32> to vector<2000x128xf32>
    %mul3A_48 = arith.mulf %mul3A_46, %mul3A_47 : vector<2000x128xf32>
    %get3A_49 = arith.constant 0 : index
    %get3A_50 = arith.constant 0 : index
    %get3A_51 = vector.load %arg10[%get3A_49, %get3A_50] : memref<1x128xf32, #tpu.memory_space<vmem>>, vector<1x128xf32>
    %add3A_52 = vector.broadcast %get3A_51 : vector<1x128xf32> to vector<2000x128xf32>
    %add3A_53 = arith.addf %mul3A_48, %add3A_52 : vector<2000x128xf32>
    %max3A = arith.constant 0.000000e+00 : f32
    %max3A_54 = vector.broadcast %max3A : f32 to vector<2000x128xf32>
    %max3A_55 = arith.maximumf %add3A_53, %max3A_54 : vector<2000x128xf32>
    %add3A_56 = arith.addf %get3A_26, %max3A_55 : vector<2000x128xf32>
    %swap3A = arith.constant 0 : index
    %swap3A_57 = arith.constant 0 : index
    %swap3A_58 = vector.load %arg11[%swap3A, %swap3A_57] : memref<2000x128xf32, #tpu.memory_space<vmem>>, vector<2000x128xf32>
    tpu.vector_store %arg11[%swap3A, %swap3A_57], %add3A_56 {strides = array<i32>} : memref<2000x128xf32, #tpu.memory_space<vmem>>, vector<2000x128xf32>,
    %logistic3A = arith.negf %add3A_56 : vector<2000x128xf32>
    %logistic3A_59 = math.exp %logistic3A : vector<2000x128xf32>
    %logistic3A_60 = arith.constant 1.000000e+00 : f32
    %logistic3A_61 = vector.broadcast %logistic3A_60 : f32 to vector<2000x128xf32>
    %logistic3A_62 = arith.addf %logistic3A_61, %logistic3A_59 : vector<2000x128xf32>
    %logistic3A_63 = arith.divf %logistic3A_61, %logistic3A_62 : vector<2000x128xf32>
    %swap3A_64 = arith.constant 0 : index
    %swap3A_65 = arith.constant 0 : index
    %swap3A_66 = vector.load %arg12[%swap3A_64, %swap3A_65] : memref<2000x128xf32, #tpu.memory_space<vmem>>, vector<2000x128xf32>
    tpu.vector_store %arg12[%swap3A_64, %swap3A_65], %logistic3A_63 {strides = array<i32>} : memref<2000x128xf32, #tpu.memory_space<vmem>>, vector<2000x128xf32>,
    return
  }
  func.func @transform_0(%arg0: i32) -> (i32, i32) {
    %add3A = arith.constant 0 : i32
    %add3A_0 = arith.addi %arg0, %add3A : i32
    %c0_i32 = arith.constant 0 : i32
    %c0_i32_1 = arith.constant 0 : i32
    return %add3A_0, %c0_i32 : i32, i32
  }
  func.func @transform_1(%arg0: i32) -> (i32, i32) {
    %c0_i32 = arith.constant 0 : i32
    %c0_i32_0 = arith.constant 0 : i32
    return %arg0, %c0_i32 : i32, i32
  }
  func.func @transform_2(%arg0: i32) -> (i32, i32) {
    %c0_i32 = arith.constant 0 : i32
    %c0_i32_0 = arith.constant 0 : i32
    %c0_i32_1 = arith.constant 0 : i32
    return %c0_i32, %c0_i32_0 : i32, i32
  }
  func.func @transform_3(%arg0: i32) -> (i32, i32) {
    %c0_i32 = arith.constant 0 : i32
    %c0_i32_0 = arith.constant 0 : i32
    %c0_i32_1 = arith.constant 0 : i32
    return %c0_i32, %c0_i32_0 : i32, i32
  }
  func.func @transform_4(%arg0: i32) -> (i32, i32) {
    %c0_i32 = arith.constant 0 : i32
    %c0_i32_0 = arith.constant 0 : i32
    %c0_i32_1 = arith.constant 0 : i32
    return %c0_i32, %c0_i32_0 : i32, i32
  }
  func.func @transform_5(%arg0: i32) -> (i32, i32) {
    %c0_i32 = arith.constant 0 : i32
    %c0_i32_0 = arith.constant 0 : i32
    %c0_i32_1 = arith.constant 0 : i32
    return %c0_i32, %c0_i32_0 : i32, i32
  }
  func.func @transform_6(%arg0: i32) -> (i32, i32) {
    %c0_i32 = arith.constant 0 : i32
    %c0_i32_0 = arith.constant 0 : i32
    %c0_i32_1 = arith.constant 0 : i32
    return %c0_i32, %c0_i32_0 : i32, i32
  }
  func.func @transform_7(%arg0: i32) -> (i32, i32) {
    %c0_i32 = arith.constant 0 : i32
    %c0_i32_0 = arith.constant 0 : i32
    %c0_i32_1 = arith.constant 0 : i32
    return %c0_i32, %c0_i32_0 : i32, i32
  }
  func.func @transform_8(%arg0: i32) -> (i32, i32) {
    %c0_i32 = arith.constant 0 : i32
    %c0_i32_0 = arith.constant 0 : i32
    %c0_i32_1 = arith.constant 0 : i32
    return %c0_i32, %c0_i32_0 : i32, i32
  }
  func.func @transform_9(%arg0: i32) -> (i32, i32) {
    %c0_i32 = arith.constant 0 : i32
    %c0_i32_0 = arith.constant 0 : i32
    %c0_i32_1 = arith.constant 0 : i32
    return %c0_i32, %c0_i32_0 : i32, i32
  }
  func.func @transform_10(%arg0: i32) -> (i32, i32) {
    %add3A = arith.constant 0 : i32
    %add3A_0 = arith.addi %arg0, %add3A : i32
    %c0_i32 = arith.constant 0 : i32
    %c0_i32_1 = arith.constant 0 : i32
    return %add3A_0, %c0_i32 : i32, i32
  }
  func.func @transform_11(%arg0: i32) -> (i32, i32) {
    %c0_i32 = arith.constant 0 : i32
    %c0_i32_0 = arith.constant 0 : i32
    return %arg0, %c0_i32 : i32, i32
  }
}

module attributes {stable_mosaic.version = 14 : i64} {
  func.func @_apply_body_next(%arg0: i32, %arg1: memref<2000x128xf32, #tpu.memory_space<vmem>>, %arg2: memref<2000x128xf32, #tpu.memory_space<vmem>>, %arg3: memref<128x128xf32, #tpu.memory_space<vmem>>, %arg4: memref<1x128xf32, #tpu.memory_space<vmem>>, %arg5: memref<8x128xf32, #tpu.memory_space<vmem>>, %arg6: memref<8x128xf32, #tpu.memory_space<vmem>>, %arg7: memref<8x128xf32, #tpu.memory_space<vmem>>, %arg8: memref<8x128xf32, #tpu.memory_space<vmem>>, %arg9: memref<1x128xf32, #tpu.memory_space<vmem>>, %arg10: memref<1x128xf32, #tpu.memory_space<vmem>>, %arg11: memref<8x128xf32, #tpu.memory_space<vmem>>, %arg12: memref<2000x128xf32, #tpu.memory_space<vmem>>, %arg13: memref<2000x128xf32, #tpu.memory_space<vmem>>) attributes {dimension_semantics = [#tpu.dimension_semantics<arbitrary>], iteration_bounds = array<i64: 80>, scalar_prefetch = 0 : i64, scratch_operands = 0 : i64, tpu.core_type = #tpu.core_type<tc>, window_params = [{transform_indices = @transform_0, window_bounds = array<i64: 2000, 128>}, {transform_indices = @transform_1, window_bounds = array<i64: 2000, 128>}, {pipeline_mode = #tpu.pipeline_mode<synchronous>, transform_indices = @transform_2, window_bounds = array<i64: 128, 128>}, {pipeline_mode = #tpu.pipeline_mode<synchronous>, transform_indices = @transform_3, window_bounds = array<i64: 1, 128>}, {pipeline_mode = #tpu.pipeline_mode<synchronous>, transform_indices = @transform_4, window_bounds = array<i64: 8, 128>}, {pipeline_mode = #tpu.pipeline_mode<synchronous>, transform_indices = @transform_5, window_bounds = array<i64: 8, 128>}, {pipeline_mode = #tpu.pipeline_mode<synchronous>, transform_indices = @transform_6, window_bounds = array<i64: 8, 128>}, {pipeline_mode = #tpu.pipeline_mode<synchronous>, transform_indices = @transform_7, window_bounds = array<i64: 8, 128>}, {pipeline_mode = #tpu.pipeline_mode<synchronous>, transform_indices = @transform_8, window_bounds = array<i64: 1, 128>}, {pipeline_mode = #tpu.pipeline_mode<synchronous>, transform_indices = @transform_9, window_bounds = array<i64: 1, 128>}, {transform_indices = @transform_10, window_bounds = array<i64: 8, 128>}, {transform_indices = @transform_11, window_bounds = array<i64: 2000, 128>}, {transform_indices = @transform_12, window_bounds = array<i64: 2000, 128>}]} {
    %get3A = arith.constant 0 : index
    %get3A_0 = arith.constant 0 : index
    %get3A_1 = vector.load %arg5[%get3A, %get3A_0] : memref<8x128xf32, #tpu.memory_space<vmem>>, vector<8x128xf32>
    %get3A_2 = arith.constant 0 : index
    %get3A_3 = arith.constant 0 : index
    %get3A_4 = vector.load %arg6[%get3A_2, %get3A_3] : memref<8x128xf32, #tpu.memory_space<vmem>>, vector<8x128xf32>
    %add3A = arith.addf %get3A_1, %get3A_4 : vector<8x128xf32>
    %reduce_sum3A = arith.constant dense<0.000000e+00> : vector<128xf32>
    %reduce_sum3A_5 = vector.multi_reduction <add>, %add3A, %reduce_sum3A [0] : vector<8x128xf32> to vector<128xf32>
    %broadcast_in_dim3A = vector.shape_cast %reduce_sum3A_5 : vector<128xf32> to vector<1x128xf32>
    %get3A_6 = arith.constant 0 : index
    %get3A_7 = arith.constant 0 : index
    %get3A_8 = vector.load %arg7[%get3A_6, %get3A_7] : memref<8x128xf32, #tpu.memory_space<vmem>>, vector<8x128xf32>
    %get3A_9 = arith.constant 0 : index
    %get3A_10 = arith.constant 0 : index
    %get3A_11 = vector.load %arg8[%get3A_9, %get3A_10] : memref<8x128xf32, #tpu.memory_space<vmem>>, vector<8x128xf32>
    %add3A_12 = arith.addf %get3A_8, %get3A_11 : vector<8x128xf32>
    %reduce_sum3A_13 = arith.constant dense<0.000000e+00> : vector<128xf32>
    %reduce_sum3A_14 = vector.multi_reduction <add>, %add3A_12, %reduce_sum3A_13 [0] : vector<8x128xf32> to vector<128xf32>
    %broadcast_in_dim3A_15 = vector.shape_cast %reduce_sum3A_14 : vector<128xf32> to vector<1x128xf32>
    %div3A = arith.constant 3.200000e+05 : f32
    %div3A_16 = vector.broadcast %div3A : f32 to vector<1x128xf32>
    %div3A_17 = arith.divf %broadcast_in_dim3A, %div3A_16 : vector<1x128xf32>
    %div3A_18 = arith.constant 3.200000e+05 : f32
    %div3A_19 = vector.broadcast %div3A_18 : f32 to vector<1x128xf32>
    %div3A_20 = arith.divf %broadcast_in_dim3A_15, %div3A_19 : vector<1x128xf32>
    %mul3A = arith.mulf %div3A_17, %div3A_17 : vector<1x128xf32>
    %sub3A = arith.subf %div3A_20, %mul3A : vector<1x128xf32>
    %add3A_21 = arith.constant 9.99999974E-6 : f32
    %add3A_22 = vector.broadcast %add3A_21 : f32 to vector<1x128xf32>
    %add3A_23 = arith.addf %sub3A, %add3A_22 : vector<1x128xf32>
    %rsqrt3A = math.rsqrt %add3A_23 : vector<1x128xf32>
    %get3A_24 = arith.constant 0 : index
    %get3A_25 = arith.constant 0 : index
    %get3A_26 = vector.load %arg1[%get3A_24, %get3A_25] : memref<2000x128xf32, #tpu.memory_space<vmem>>, vector<2000x128xf32>
    %get3A_27 = arith.constant 0 : index
    %get3A_28 = arith.constant 0 : index
    %get3A_29 = vector.load %arg3[%get3A_27, %get3A_28] : memref<128x128xf32, #tpu.memory_space<vmem>>, vector<128x128xf32>
    %dot_general3A = arith.constant dense<0.000000e+00> : vector<2000x128xf32>
    %dot_general3A_30 = tpu.matmul %get3A_26, %get3A_29, %dot_general3A {dimension_numbers = #tpu.dot_dimension_numbers<[1], [0], [0], [1], [0, 0, 1, 1], [], []>, transpose_lhs_hint = false} : vector<2000x128xf32>, vector<128x128xf32>, vector<2000x128xf32> -> vector<2000x128xf32>
    %get3A_31 = arith.constant 0 : index
    %get3A_32 = arith.constant 0 : index
    %get3A_33 = vector.load %arg4[%get3A_31, %get3A_32] : memref<1x128xf32, #tpu.memory_space<vmem>>, vector<1x128xf32>
    %add3A_34 = vector.broadcast %get3A_33 : vector<1x128xf32> to vector<2000x128xf32>
    %add3A_35 = arith.addf %dot_general3A_30, %add3A_34 : vector<2000x128xf32>
    %get3A_36 = arith.constant 0 : index
    %get3A_37 = arith.constant 0 : index
    %get3A_38 = vector.load %arg2[%get3A_36, %get3A_37] : memref<2000x128xf32, #tpu.memory_space<vmem>>, vector<2000x128xf32>
    %add3A_39 = arith.addf %add3A_35, %get3A_38 : vector<2000x128xf32>
    %get3A_40 = arith.constant 0 : index
    %get3A_41 = arith.constant 0 : index
    %get3A_42 = vector.load %arg9[%get3A_40, %get3A_41] : memref<1x128xf32, #tpu.memory_space<vmem>>, vector<1x128xf32>
    %sub3A_43 = vector.broadcast %div3A_17 : vector<1x128xf32> to vector<2000x128xf32>
    %sub3A_44 = arith.subf %add3A_39, %sub3A_43 : vector<2000x128xf32>
    %mul3A_45 = vector.broadcast %get3A_42 : vector<1x128xf32> to vector<2000x128xf32>
    %mul3A_46 = arith.mulf %mul3A_45, %sub3A_44 : vector<2000x128xf32>
    %mul3A_47 = vector.broadcast %rsqrt3A : vector<1x128xf32> to vector<2000x128xf32>
    %mul3A_48 = arith.mulf %mul3A_46, %mul3A_47 : vector<2000x128xf32>
    %get3A_49 = arith.constant 0 : index
    %get3A_50 = arith.constant 0 : index
    %get3A_51 = vector.load %arg10[%get3A_49, %get3A_50] : memref<1x128xf32, #tpu.memory_space<vmem>>, vector<1x128xf32>
    %add3A_52 = vector.broadcast %get3A_51 : vector<1x128xf32> to vector<2000x128xf32>
    %add3A_53 = arith.addf %mul3A_48, %add3A_52 : vector<2000x128xf32>
    %max3A = arith.constant 0.000000e+00 : f32
    %max3A_54 = vector.broadcast %max3A : f32 to vector<2000x128xf32>
    %max3A_55 = arith.maximumf %add3A_53, %max3A_54 : vector<2000x128xf32>
    %add3A_56 = arith.addf %get3A_26, %max3A_55 : vector<2000x128xf32>
    %swap3A = arith.constant 0 : index
    %swap3A_57 = arith.constant 0 : index
    %swap3A_58 = vector.load %arg12[%swap3A, %swap3A_57] : memref<2000x128xf32, #tpu.memory_space<vmem>>, vector<2000x128xf32>
    tpu.vector_store %arg12[%swap3A, %swap3A_57], %add3A_56 {strides = array<i32>} : memref<2000x128xf32, #tpu.memory_space<vmem>>, vector<2000x128xf32>,
    %logistic3A = arith.negf %add3A_56 : vector<2000x128xf32>
    %logistic3A_59 = math.exp %logistic3A : vector<2000x128xf32>
    %logistic3A_60 = arith.constant 1.000000e+00 : f32
    %logistic3A_61 = vector.broadcast %logistic3A_60 : f32 to vector<2000x128xf32>
    %logistic3A_62 = arith.addf %logistic3A_61, %logistic3A_59 : vector<2000x128xf32>
    %logistic3A_63 = arith.divf %logistic3A_61, %logistic3A_62 : vector<2000x128xf32>
    %swap3A_64 = arith.constant 0 : index
    %swap3A_65 = arith.constant 0 : index
    %swap3A_66 = vector.load %arg13[%swap3A_64, %swap3A_65] : memref<2000x128xf32, #tpu.memory_space<vmem>>, vector<2000x128xf32>
    tpu.vector_store %arg13[%swap3A_64, %swap3A_65], %logistic3A_63 {strides = array<i32>} : memref<2000x128xf32, #tpu.memory_space<vmem>>, vector<2000x128xf32>,
    return
  }
  func.func @transform_0(%arg0: i32) -> (i32, i32) {
    %add3A = arith.constant 80 : i32
    %add3A_0 = arith.addi %arg0, %add3A : i32
    %c0_i32 = arith.constant 0 : i32
    %c0_i32_1 = arith.constant 0 : i32
    return %add3A_0, %c0_i32 : i32, i32
  }
  func.func @transform_1(%arg0: i32) -> (i32, i32) {
    %c0_i32 = arith.constant 0 : i32
    %c0_i32_0 = arith.constant 0 : i32
    return %arg0, %c0_i32 : i32, i32
  }
  func.func @transform_2(%arg0: i32) -> (i32, i32) {
    %c0_i32 = arith.constant 0 : i32
    %c0_i32_0 = arith.constant 0 : i32
    %c0_i32_1 = arith.constant 0 : i32
    return %c0_i32, %c0_i32_0 : i32, i32
  }
  func.func @transform_3(%arg0: i32) -> (i32, i32) {
    %c0_i32 = arith.constant 0 : i32
    %c0_i32_0 = arith.constant 0 : i32
    %c0_i32_1 = arith.constant 0 : i32
    return %c0_i32, %c0_i32_0 : i32, i32
  }
  func.func @transform_4(%arg0: i32) -> (i32, i32) {
    %c0_i32 = arith.constant 0 : i32
    %c0_i32_0 = arith.constant 0 : i32
    %c0_i32_1 = arith.constant 0 : i32
    return %c0_i32, %c0_i32_0 : i32, i32
  }
  func.func @transform_5(%arg0: i32) -> (i32, i32) {
    %c0_i32 = arith.constant 0 : i32
    %c0_i32_0 = arith.constant 0 : i32
    %c0_i32_1 = arith.constant 0 : i32
    return %c0_i32, %c0_i32_0 : i32, i32
  }
  func.func @transform_6(%arg0: i32) -> (i32, i32) {
    %c0_i32 = arith.constant 0 : i32
    %c0_i32_0 = arith.constant 0 : i32
    %c0_i32_1 = arith.constant 0 : i32
    return %c0_i32, %c0_i32_0 : i32, i32
  }
  func.func @transform_7(%arg0: i32) -> (i32, i32) {
    %c0_i32 = arith.constant 0 : i32
    %c0_i32_0 = arith.constant 0 : i32
    %c0_i32_1 = arith.constant 0 : i32
    return %c0_i32, %c0_i32_0 : i32, i32
  }
  func.func @transform_8(%arg0: i32) -> (i32, i32) {
    %c0_i32 = arith.constant 0 : i32
    %c0_i32_0 = arith.constant 0 : i32
    %c0_i32_1 = arith.constant 0 : i32
    return %c0_i32, %c0_i32_0 : i32, i32
  }
  func.func @transform_9(%arg0: i32) -> (i32, i32) {
    %c0_i32 = arith.constant 0 : i32
    %c0_i32_0 = arith.constant 0 : i32
    %c0_i32_1 = arith.constant 0 : i32
    return %c0_i32, %c0_i32_0 : i32, i32
  }
  func.func @transform_10(%arg0: i32) -> (i32, i32) {
    %c0_i32 = arith.constant 0 : i32
    %c0_i32_0 = arith.constant 0 : i32
    %c0_i32_1 = arith.constant 0 : i32
    return %c0_i32, %c0_i32_0 : i32, i32
  }
  func.func @transform_11(%arg0: i32) -> (i32, i32) {
    %add3A = arith.constant 80 : i32
    %add3A_0 = arith.addi %arg0, %add3A : i32
    %c0_i32 = arith.constant 0 : i32
    %c0_i32_1 = arith.constant 0 : i32
    return %add3A_0, %c0_i32 : i32, i32
  }
  func.func @transform_12(%arg0: i32) -> (i32, i32) {
    %c0_i32 = arith.constant 0 : i32
    %c0_i32_0 = arith.constant 0 : i32
    return %arg0, %c0_i32 : i32, i32
  }
}

module attributes {stable_mosaic.version = 14 : i64} {
  func.func @_node_body(%arg0: memref<10000x128xf32, #tpu.memory_space<vmem>>, %arg1: memref<10000x128xf32, #tpu.memory_space<vmem>>, %arg2: memref<2x10000x128xf32, #tpu.memory_space<vmem>>, %arg3: memref<2x10000x128xf32, #tpu.memory_space<vmem>>, %arg4: memref<1x128xf32, #tpu.memory_space<vmem>>, %arg5: memref<1x128xf32, #tpu.memory_space<vmem>>, %arg6: memref<10000x128xf32, #tpu.memory_space<vmem>>) attributes {dimension_semantics = [], scalar_prefetch = 0 : i64, scratch_operands = 0 : i64, tpu.core_type = #tpu.core_type<tc>} {
    %get3A = arith.constant 0 : index
    %get3A_0 = arith.constant 0 : index
    %get3A_1 = vector.load %arg1[%get3A, %get3A_0] : memref<10000x128xf32, #tpu.memory_space<vmem>>, vector<10000x128xf32>
    %get3A_2 = arith.constant 0 : index
    %get3A_3 = arith.constant 0 : index
    %get3A_4 = arith.constant 0 : index
    %get3A_5 = vector.load %arg2[%get3A_2, %get3A_3, %get3A_4] : memref<2x10000x128xf32, #tpu.memory_space<vmem>>, vector<1x10000x128xf32>
    %get3A_6 = vector.shape_cast %get3A_5 : vector<1x10000x128xf32> to vector<10000x128xf32>
    %add3A = arith.addf %get3A_1, %get3A_6 : vector<10000x128xf32>
    %get3A_7 = arith.constant 1 : index
    %get3A_8 = arith.constant 0 : index
    %get3A_9 = arith.constant 0 : index
    %get3A_10 = vector.load %arg2[%get3A_7, %get3A_8, %get3A_9] : memref<2x10000x128xf32, #tpu.memory_space<vmem>>, vector<1x10000x128xf32>
    %get3A_11 = vector.shape_cast %get3A_10 : vector<1x10000x128xf32> to vector<10000x128xf32>
    %add3A_12 = arith.addf %add3A, %get3A_11 : vector<10000x128xf32>
    %get3A_13 = arith.constant 0 : index
    %get3A_14 = arith.constant 0 : index
    %get3A_15 = arith.constant 0 : index
    %get3A_16 = vector.load %arg3[%get3A_13, %get3A_14, %get3A_15] : memref<2x10000x128xf32, #tpu.memory_space<vmem>>, vector<1x10000x128xf32>
    %get3A_17 = vector.shape_cast %get3A_16 : vector<1x10000x128xf32> to vector<10000x128xf32>
    %add3A_18 = arith.addf %add3A_12, %get3A_17 : vector<10000x128xf32>
    %get3A_19 = arith.constant 1 : index
    %get3A_20 = arith.constant 0 : index
    %get3A_21 = arith.constant 0 : index
    %get3A_22 = vector.load %arg3[%get3A_19, %get3A_20, %get3A_21] : memref<2x10000x128xf32, #tpu.memory_space<vmem>>, vector<1x10000x128xf32>
    %get3A_23 = vector.shape_cast %get3A_22 : vector<1x10000x128xf32> to vector<10000x128xf32>
    %add3A_24 = arith.addf %add3A_18, %get3A_23 : vector<10000x128xf32>
    %reduce_sum3A = arith.constant dense<0.000000e+00> : vector<128xf32>
    %reduce_sum3A_25 = vector.multi_reduction <add>, %add3A_24, %reduce_sum3A [0] : vector<10000x128xf32> to vector<128xf32>
    %broadcast_in_dim3A = vector.shape_cast %reduce_sum3A_25 : vector<128xf32> to vector<1x128xf32>
    %div3A = arith.constant 1.000000e+04 : f32
    %div3A_26 = vector.broadcast %div3A : f32 to vector<1x128xf32>
    %div3A_27 = arith.divf %broadcast_in_dim3A, %div3A_26 : vector<1x128xf32>
    %mul3A = arith.mulf %add3A_24, %add3A_24 : vector<10000x128xf32>
    %reduce_sum3A_28 = arith.constant dense<0.000000e+00> : vector<128xf32>
    %reduce_sum3A_29 = vector.multi_reduction <add>, %mul3A, %reduce_sum3A_28 [0] : vector<10000x128xf32> to vector<128xf32>
    %broadcast_in_dim3A_30 = vector.shape_cast %reduce_sum3A_29 : vector<128xf32> to vector<1x128xf32>
    %div3A_31 = arith.constant 1.000000e+04 : f32
    %div3A_32 = vector.broadcast %div3A_31 : f32 to vector<1x128xf32>
    %div3A_33 = arith.divf %broadcast_in_dim3A_30, %div3A_32 : vector<1x128xf32>
    %mul3A_34 = arith.mulf %div3A_27, %div3A_27 : vector<1x128xf32>
    %sub3A = arith.subf %div3A_33, %mul3A_34 : vector<1x128xf32>
    %add3A_35 = arith.constant 9.99999974E-6 : f32
    %add3A_36 = vector.broadcast %add3A_35 : f32 to vector<1x128xf32>
    %add3A_37 = arith.addf %sub3A, %add3A_36 : vector<1x128xf32>
    %rsqrt3A = math.rsqrt %add3A_37 : vector<1x128xf32>
    %get3A_38 = arith.constant 0 : index
    %get3A_39 = arith.constant 0 : index
    %get3A_40 = vector.load %arg4[%get3A_38, %get3A_39] : memref<1x128xf32, #tpu.memory_space<vmem>>, vector<1x128xf32>
    %sub3A_41 = vector.broadcast %div3A_27 : vector<1x128xf32> to vector<10000x128xf32>
    %sub3A_42 = arith.subf %add3A_24, %sub3A_41 : vector<10000x128xf32>
    %mul3A_43 = vector.broadcast %get3A_40 : vector<1x128xf32> to vector<10000x128xf32>
    %mul3A_44 = arith.mulf %mul3A_43, %sub3A_42 : vector<10000x128xf32>
    %mul3A_45 = vector.broadcast %rsqrt3A : vector<1x128xf32> to vector<10000x128xf32>
    %mul3A_46 = arith.mulf %mul3A_44, %mul3A_45 : vector<10000x128xf32>
    %get3A_47 = arith.constant 0 : index
    %get3A_48 = arith.constant 0 : index
    %get3A_49 = vector.load %arg5[%get3A_47, %get3A_48] : memref<1x128xf32, #tpu.memory_space<vmem>>, vector<1x128xf32>
    %add3A_50 = vector.broadcast %get3A_49 : vector<1x128xf32> to vector<10000x128xf32>
    %add3A_51 = arith.addf %mul3A_46, %add3A_50 : vector<10000x128xf32>
    %max3A = arith.constant 0.000000e+00 : f32
    %max3A_52 = vector.broadcast %max3A : f32 to vector<10000x128xf32>
    %max3A_53 = arith.maximumf %add3A_51, %max3A_52 : vector<10000x128xf32>
    %get3A_54 = arith.constant 0 : index
    %get3A_55 = arith.constant 0 : index
    %get3A_56 = vector.load %arg0[%get3A_54, %get3A_55] : memref<10000x128xf32, #tpu.memory_space<vmem>>, vector<10000x128xf32>
    %add3A_57 = arith.addf %get3A_56, %max3A_53 : vector<10000x128xf32>
    %swap3A = arith.constant 0 : index
    %swap3A_58 = arith.constant 0 : index
    %swap3A_59 = vector.load %arg6[%swap3A, %swap3A_58] : memref<10000x128xf32, #tpu.memory_space<vmem>>, vector<10000x128xf32>
    tpu.vector_store %arg6[%swap3A, %swap3A_58], %add3A_57 {strides = array<i32>} : memref<10000x128xf32, #tpu.memory_space<vmem>>, vector<10000x128xf32>,
    return
  }
}

</mosaic_0001>

<sc_bundles>
// kernel: kernel.12.cloned.1.call-start
scs
__scs_entry_jumppad:
0x0: {  	(pc) =	sbr.rel $0x88, $3  }
0x1: {  	(tag) =	ssettag $0x0;
	lr =	simm.s32 $0x1  }
0x2: {  	[smem:$0x3F90] =	sst lr;
	_ =	strace $0xD0000000  }
0x3: {  	_ = 	snop  }
0x4: {  	_ = 	snop  }
0x5: {  	_ = 	snop  }
0x6: {  	_ = 	snop  }
0x7: {  	_ = 	snop  }
__scs_overlays_trampoline_lowered:
0x8: {  	[smem:$0x3F9F] =	sst s0  }
0x9: {  	[smem:$0x3FA0] =	sst s1  }
0xa: {  	[smem:$0x3FA1] =	sst s2  }
0xb: {  	[smem:$0x3FA2] =	sst s3  }
0xc: {  	[smem:$0x3FA3] =	sst s4  }
0xd: {  	[smem:$0x3FA4] =	sst s5  }
0xe: {  	[smem:$0x3FA5] =	sst s6  }
0xf: {  	[smem:$0x3FA6] =	sst s7  }
0x10: {  	[smem:$0x3FA7] =	sst s8  }
0x11: {  	[smem:$0x3FA8] =	sst s9;
	s0 =	simm.s32 @!p0 $0x0  }
0x12: {  	s1 =	sld [smem:$0x3F8E];
	s0 =	simm.s32 @p0 $0x1  }
0x13: {  	[smem:$0x3FA9] =	sst s0;
	s0 =	simm.s32 @!p1 $0x0  }
0x14: {  	s2 =	sld [smem:$0x3F8D];
	s0 =	simm.s32 @p1 $0x1  }
0x15: {  	[smem:$0x3FAA] =	sst s0;
	s0 =	simm.s32 @!p2 $0x0  }
0x16: {  	s3 =	sld [smem:$0x3FDB];
	s0 =	simm.s32 @p2 $0x1  }
0x17: {  	s4 =	simm.s32 $0x1BF5;
	[smem:$0x3FAC] =	sst s0  }
0x18: {  	s0 =	sld [smem:$0x3F8F];
	_ =	swait.ge [sflag:s4], $0x0  }
0x19: {  	s7 =	sld [smem:$0x3F90]  }
0x1a: {  	s8 =	sadd.s32 $0xFFFFE003, lr  }
0x1b: {  	s9 =	sadd.s32 $0xFFFFFEF7, lr;
	s5 =	simm.s32 $0xFFFFFFFF;
	p2 =	slt.u32 s8, $0xFFFFF086  }
0x1c: {  	p1 =	slt.u32 s9, $0xF7A;
	s5 =	simm.s32 @!p2 $0x0  }
0x1d: {  	s5 =	simm.s32 @p1 $0x1;
	p0 =	seq.s32 s7, s2  }
0x1e: {  	s7 =	smul.u32 @!p0 $0xF7A, s2;
	p2 =	seq.s32 @!p0 s5, $0x0  }
0x1f: {  	s9 =	smul.u32 $0xF7A, s1;
	s8 =	simm.s32 @!p0 $0x1BF5;
	p2 =	por !p2, p0  }
0x20: {  	[sflag:s8] =	ssyncset.s32 @!p0 $0xFFFFF086;
	s6 =	sadd.s32 @!p0 s3, s7;
	s7 =	simm.s32 @!p0 $0x108  }
0x21: {  	s3 =	sadd.s32 s3, s9;
	s6 =	sadd.s32 @!p0 $0x88, s6;
	s7 =	simm.s32 @p2 $0x1082  }
0x22: {  	[simem:s7], [sflag:s8] =	dma.local @!p0 [hbm:s6], $0xF7A  }
0x23: {  	s9 =	sor.u32 $0xD0000000, s2;
	s6 =	simm.s32 $0x108;
	_ =	swait.ge @!p0 [sflag:s8], $0x0  }
0x24: {  	s3 =	sadd.s32 $0x88, s3;
	s6 =	simm.s32 @!p1 $0x1082;
	[sflag:s4] =	ssyncset.s32 $0xFFFFF086  }
0x25: {  	[simem:s6], [sflag:s4] =	dma.local [hbm:s3], $0xF7A  }
0x26: {  	[smem:$0x3F90] =	sst s1;
	(tag) =	ssettag s2;
	_ =	strace s9  }
0x27: {  	s1 =	sld [smem:$0x3FA0]  }
0x28: {  	s2 =	sld [smem:$0x3FA1]  }
0x29: {  	s4 =	sld [smem:$0x3FA3]  }
0x2a: {  	p0 =	seq.s32 s5, $0x0;
	s5 =	sld [smem:$0x3FA4]  }
0x2b: {  	s6 =	sld [smem:$0x3FA5]  }
0x2c: {  	s7 =	sld [smem:$0x3FA6]  }
0x2d: {  	s3 =	simm.s32 $0x108;
	s8 =	sld [smem:$0x3FA7]  }
0x2e: {  	s3 =	simm.s32 @!p0 $0x1082;
	s9 =	sld [smem:$0x3FA8]  }
0x2f: {  	lr =	sadd.s32 s0, s3;
	s0 =	sld [smem:$0x3F9F]  }
0x30: {  	s3 =	sld [smem:$0x3FA2]  }
0x31: {  	[smem:$0x3FAB] =	sst s10  }
0x32: {  	s10 =	sld [smem:$0x3FA9];
	_ =	sdelay $0x3  }
0x33: {  	p0 =	seq.s32 s10, $0x1;
	s10 =	sld [smem:$0x3FAB];
	_ =	sdelay $0x3  }
0x34: {  	[smem:$0x3FAB] =	sst s10  }
0x35: {  	s10 =	sld [smem:$0x3FAA];
	_ =	sdelay $0x3  }
0x36: {  	p1 =	seq.s32 s10, $0x1;
	s10 =	sld [smem:$0x3FAB];
	_ =	sdelay $0x3  }
0x37: {  	[smem:$0x3FAB] =	sst s10  }
0x38: {  	s10 =	sld [smem:$0x3FAC]  }
0x39: {  	_ = 	snop;
	(pc) =	sbr.ind lr, $3  }
0x3a: {  	_ = 	snop  }
0x3b: {  	_ = 	snop  }
0x3c: {  	p2 =	seq.s32 s10, $0x1;
	s10 =	sld [smem:$0x3FAB]  }
0x3d: {  	_ =	shalt  }
0x3e: {  	_ =	shalt  }
0x3f: {  	_ =	shalt  }
0x40: {  	_ =	shalt  }
0x41: {  	_ =	shalt  }
0x42: {  	_ =	shalt  }
0x43: {  	_ =	shalt  }
0x44: {  	_ =	shalt  }
0x45: {  	_ =	shalt  }
0x46: {  	_ =	shalt  }
0x47: {  	_ =	shalt  }
0x48: {  	_ =	shalt  }
0x49: {  	_ =	shalt  }
0x4a: {  	_ =	shalt  }
0x4b: {  	_ =	shalt  }
0x4c: {  	_ =	shalt  }
0x4d: {  	_ =	shalt  }
0x4e: {  	_ =	shalt  }
0x4f: {  	_ =	shalt  }
0x50: {  	_ =	shalt  }
0x51: {  	_ =	shalt  }
0x52: {  	_ =	shalt  }
0x53: {  	_ =	shalt  }
0x54: {  	_ =	shalt  }
0x55: {  	_ =	shalt  }
0x56: {  	_ =	shalt  }
0x57: {  	_ =	shalt  }
0x58: {  	_ =	shalt  }
0x59: {  	_ =	shalt  }
0x5a: {  	_ =	shalt  }
0x5b: {  	_ =	shalt  }
0x5c: {  	_ =	shalt  }
0x5d: {  	_ =	shalt  }
0x5e: {  	_ =	shalt  }
0x5f: {  	_ =	shalt  }
0x60: {  	_ =	shalt  }
0x61: {  	_ =	shalt  }
0x62: {  	_ =	shalt  }
0x63: {  	_ =	shalt  }
0x64: {  	_ =	shalt  }
0x65: {  	_ =	shalt  }
0x66: {  	_ =	shalt  }
0x67: {  	_ =	shalt  }
0x68: {  	_ =	shalt  }
0x69: {  	_ =	shalt  }
0x6a: {  	_ =	shalt  }
0x6b: {  	_ =	shalt  }
0x6c: {  	_ =	shalt  }
0x6d: {  	_ =	shalt  }
0x6e: {  	_ =	shalt  }
0x6f: {  	_ =	shalt  }
0x70: {  	_ =	shalt  }
0x71: {  	_ =	shalt  }
0x72: {  	_ =	shalt  }
0x73: {  	_ =	shalt  }
0x74: {  	_ =	shalt  }
0x75: {  	_ =	shalt  }
0x76: {  	_ =	shalt  }
0x77: {  	_ =	shalt  }
0x78: {  	_ =	shalt  }
0x79: {  	_ =	shalt  }
0x7a: {  	_ =	shalt  }
0x7b: {  	_ =	shalt  }
0x7c: {  	_ =	shalt  }
0x7d: {  	_ =	shalt  }
0x7e: {  	_ =	shalt  }
0x7f: {  	_ =	shalt  }
0x80: {  	_ =	shalt  }
0x81: {  	_ =	shalt  }
0x82: {  	_ =	shalt  }
0x83: {  	_ =	shalt  }
0x84: {  	_ =	shalt  }
0x85: {  	_ =	shalt  }
0x86: {  	_ =	shalt  }
0x87: {  	_ =	shalt  }
.Lfunc_end0:
.L_simem_size_0:
called_computation_lowered:
.L_overlay_start_0:
0x88: {  	s2 =	sld [smem:$0x3FD9]  }
0x89: {  	s3 =	sld [smem:$0x3FFE];
	_ =	sdelay $0x1  }
0x8a: {  	s1 =	srdreg.scid  }
0x8b: {  	s0 =	sand.u32 $0x1, s1  }
0x8c: {  	s15 =	sshll.u32 s0, $0xA;
	s2 =	sadd.s32 s3, s2  }
0x8d: {  	s2 =	sadd.s32 s2, s15  }
0x8e: {  	[smem:$0x3FB7] =	sst s2  }
0x8f: {  	_ = 	snop  }
0x90: {  	s2 =	sld [smem:$0x3FD0];
	_ =	sdelay $0x2  }
0x91: {  	s16 =	simm.s32 $0xB;
	s4 =	simm.s32 $0x10  }
0x92: {  	[smem:s4], [sflag:s16] =	dma.local [hbm:s2], $0x1  }
0x93: {  	_ =	swait.eq [sflag:s16], $0x1  }
0x94: {  	[sflag:s16] =	ssyncset.done $0x0  }
0x95: {  	[sflag:s16] =	ssyncadd.s32 $0xFFFFFFFF  }
0x96: {  	s17 =	sld [smem:$0x11];
	(tm) =	ssettm $0x1  }
0x97: {  	s18 =	sld [smem:$0x3FFB];
	_ =	sdelay $0x3  }
0x98: {  	_ =	strace s18  }
0x99: {  	s2 =	sld [smem:$0x3FFC];
	_ =	sdelay $0x3  }
0x9a: {  	_ =	strace s2  }
0x9b: {  	s2 =	sld [smem:$0x3FFD];
	_ =	sdelay $0x3  }
0x9c: {  	_ =	strace s2  }
0x9d: {  	_ =	strace $0x8FFFFFFF  }
0x9e: {  	s19 =	sld [smem:$0x3FDB];
	_ =	sdelay $0x1  }
0x9f: {  	s20 =	simm.s32 $_scs_section_size  }
0xa0: {  	s5 =	simm.s32 $_size__tile_overlayer_lowered;
	s6 =	simm.s32 $_tile_overlayer_lowered  }
0xa1: {  	s7 =	simm.s32 $0x1BFF;
	s21 =	sshll.u32 s6, $0x1;
	s4 =	sadd.s32 s20, s19  }
0xa2: {  	s22 =	simm.s32 $0x0;
	s5 =	sshll.u32 s5, $0x1;
	s6 =	sadd.s32 s21, s4  }
0xa3: {  	[timem:s22], [sflag:s7] =	dma.local [hbm:s6], s5  }
0xa4: {  	_ =	swait.ge [sflag:s7], s5  }
0xa5: {  	s5 =	ssub.s32 $0x0, s5;
	[sflag:s7] =	ssyncset.done $0x0  }
0xa6: {  	[sflag:s7] =	ssyncadd.s32 s5;
	_ =	sdelay $0x1  }
0xa7: {  	s23 =	simm.s32 $0x1B8B  }
0xa8: {  	_ =	swait.ge [sflag:s23], $0x1  }
0xa9: {  	[sflag:s23] =	ssyncset.done $0x0  }
0xaa: {  	[sflag:s23] =	ssyncadd.s32 $0xFFFFFFFF  }
0xab: {  	s5 =	sld [smem:$0x0]  }
0xac: {  	s6 =	sand.u32 $0xFFFFFFFE, s1  }
0xad: {  	p0 =	sne.s32 s1, s6  }
0xae: {  	s6 =	sshll.u32 @p0 s6, $0xE  }
0xaf: {  	s6 =	sadd.s32 @p0 $0x11B8D, s6;
	s7 =	sshll.u32 @p0 s5, $0x11  }
0xb0: {  	s6 =	sor.u32 @p0 s7, s6  }
0xb1: {  	[sflag:s6] =	ssyncadd.remote.s32 @p0 $0x1;
	_ =	sdelay $0x1  }
0xb2: {  	s6 =	simm.s32 @p0 $0x1B8D  }
0xb3: {  	_ =	swait.eq @p0 [sflag:s6], $0x1  }
0xb4: {  	[sflag:s6] =	ssyncadd.s32 @p0 $0xFFFFFFFF  }
0xb5: {  	s7 =	sshll.u32 @!p0 s1, $0xE  }
0xb6: {  	s7 =	sor.u32 @!p0 $0x4000, s7;
	s6 =	simm.s32 @!p0 $0x1B8D  }
0xb7: {  	s5 =	sshll.u32 @!p0 s5, $0x11;
	s7 =	sadd.s32 @!p0 $0x11B8D, s7;
	_ =	swait.eq @!p0 [sflag:s6], $0x1  }
0xb8: {  	s5 =	sor.u32 @!p0 s5, s7;
	[sflag:s6] =	ssyncadd.s32 @!p0 $0xFFFFFFFF  }
0xb9: {  	s25 =	simm.s32 $0x1B8E;
	s24 =	sld [smem:$0x3FFE];
	[sflag:s5] =	ssyncadd.remote.s32 @!p0 $0x1  }
0xba: {  	s26 =	simm.s32 $execute0_lowered;
	[smem:$0x3FD2] =	sst s25  }
0xbb: {  	s6 =	sshll.u32 s26, $0x1;
	_ =	strace $0x80000049;
	[dreg:$0x1] =	wrdreg $0xFFFFFFFF  }
0xbc: {  	s28 =	simm.s32 $_size_execute0_lowered;
	s4 =	sadd.s32 s4, s6;
	[dreg:$0x0] =	wrdreg $0x0  }
0xbd: {  	s6 =	sshll.u32 s28, $0x1;
	[dreg:$0x2] =	wrdreg s4  }
0xbe: {  	[dreg:$0x3] =	wrdreg s6  }
0xbf: {  	[dreg:$0x4] =	wrdreg $0xC0  }
0xc0: {  	_ =	task [dreg:s22], $0x5FFFF  }
0xc1: {  	[dreg:$0x1] =	wrdreg $0xFFFFFFFF  }
0xc2: {  	[dreg:$0x0] =	wrdreg $0x60  }
0xc3: {  	[dreg:$0x2] =	wrdreg s17  }
0xc4: {  	[dreg:$0x3] =	wrdreg s24  }
0xc5: {  	[dreg:$0x4] =	wrdreg $0x9  }
0xc6: {  	_ =	task.clear_ibuf [dreg:s22], $0x5FFFF;
	_ =	strace $0x90000049  }
0xc7: {  	s29 =	simm.s32 $0x9;
	_ =	strace $0x8000004B  }
0xc8: {  	_ =	swait.ge [sflag:s29], $0x1  }
0xc9: {  	[sflag:s29] =	ssyncadd.s32 $0xFFFFFFFF  }
0xca: {  	_ =	strace $0x9000004B  }
0xcb: {  	_ =	sfence  }
0xcc: {  	s30 =	sld [smem:$0x0];
	_ =	sdelay $0x2  }
0xcd: {  	s31 =	sshll.u32 s1, $0xD;
	s1 =	sshrl.u32 s1, $0x2  }
0xce: {  	s4 =	sand.u32 $0x4000, s31;
	s1 =	sadd.s32 s1, s30  }
0xcf: {  	s0 =	sor.u32 s4, s0;
	s1 =	sshll.u32 s1, $0x11  }
0xd0: {  	s0 =	sor.u32 s1, s0  }
0xd1: {  	s0 =	sadd.s32 $0x8F2B, s0  }
0xd2: {  	[sflag:s0] =	ssyncadd.remote.s32 $0x1  }
0xd3: {  	_ =	sfence.sel $0xFFFF  }
0xd4: {  	[dreg:$0x0] =	wrdreg $0xFFFFFFFF;
	(pc) =	sbr.abs _section_cstart, $3  }
0xd5: {  	[dreg:$0x1] =	wrdreg $0xFFFFFFFF  }
0xd6: {  	_ =	task.clear_ibuf [dreg:s22], $0x2FFFF;
	_ =	strace $0x9FFFFFFF  }
0xd7: {  	(tm) =	ssettm $0x7FFFFFFF  }
tec
execute0_lowered:
.L_overlay_start_1:
0x0: {  	(tag) =	ssettag $0x1  }
0x1: {  	s2 =	rddreg [dreg:$0x0]  }
0x2: {  	s0 =	rddreg [dreg:$0x1];
	s1 =	srdreg.scid  }
0x3: {  	s4 =	stileid.u32;
	s3 =	simm.s32 $0x0;
	s15 =	simm.s32 $0x5  }
0x4: {  	s16 =	simm.s32 $0x100;
	s17 =	simm.s32 $0xC8;
	s18 =	simm.s32 $0x200  }
0x5: {  	s19 =	simm.s32 $0x6600;
	s20 =	simm.s32 $0xCA00;
	s21 =	simm.s32 $0xCB00  }
0x6: {  	s22 =	simm.s32 $0xCC00;
	s23 =	simm.s32 $0x13000;
	s24 =	simm.s32 $0x1  }
0x7: {  	s25 =	simm.s32 $0x2;
	s28 =	simm.s32 $0x4;
	s29 =	simm.s32 $0x0  }
0x8: {  	s1 =	sand.u32 $0x1, s1;
	s4 =	sshll.u32 s4, $0x1;
	[smem:$0x7FF] =	sst s3  }
0x9: {  	s6 =	sadd.s32 $0x2D1000, s0;
	s8 =	sadd.s32 $0x2D6000, s0;
	s7 =	sor.u32 s1, s4  }
0xa: {  	_ =	strace $0x8000004A;
	s1 =	ssub.s32 $0x2, s1;
	s5 =	smul.u32 $0x1388, s7  }
0xb: {  	s4 =	sadd.s32 $0xCC00, s0;
	s9 =	smul.u32 $0x9C400, s7;
	s26 =	sshrl.u32 s1, $0x1  }
0xc: {  	s7 =	sadd.s32 $0x2CC000, s0;
	s0 =	ssub.s32 s1, s26;
	s26 =	simm.s32 $0x3  }
0xd: {  	s30 =	sshrl.u32 s5, $0x3;
	s9 =	sshrl.u32 s9, $0x3;
	s11 =	sadd.s32 $0xC8, s5  }
0xe: {  	s12 =	sadd.s32 $0x190, s5;
	s14 =	smax.u32 s0, $0x1;
	s10 =	sadd.s32 s6, s30  }
0xf: {  	s1 =	sadd.s32 s7, s30;
	s31 =	sadd.s32 s8, s9;
	[dreg:$0x3] =	wrdreg s10  }
0x10: {  	[dreg:$0x4] =	wrdreg s1;
	s13 =	sadd.s32 $0x12C00, s31;
	s10 =	simm.s32 $0x0  }
.LBB2_1:
0x11: {  	s0 =	rddreg [dreg:$0x3]  }
0x12: {  	[tilespmem:s3], [sflag:$0x5] =	stream.linear.gather [hbm4b:s0+s3], $0xC8, $0x38;
	[tilespmem:$0x19400] =	vst v63  }
0x13: {  	_ =	swait.ge [sflag:s15], $0xC8  }
0x14: {  	[sflag:s15] =	ssyncset.done $0x0  }
0x15: {  	s31 =	rddreg [dreg:$0x4];
	[sflag:s15] =	ssyncadd.s32 $0xFFFFFF38  }
0x16: {  	[tilespmem:s16], [sflag:$0x5] =	stream.linear.gather [hbm4b:s31+s3], $0xC8, $0x38;
	[tilespmem:$0x19400] =	vst v63  }
0x17: {  	_ =	swait.ge [sflag:s15], $0xC8  }
0x18: {  	[sflag:s15] =	ssyncset.done $0x0  }
0x19: {  	[sflag:s15] =	ssyncadd.s32 $0xFFFFFF38  }
0x1a: {  	[tilespmem:s18], [sflag:$0x1] =	stream.indirect.gather [hbm4b:s2+s17], $0x80, s3, s17, $0xb8;
	[tilespmem:$0x19400] =	vst v63  }
0x1b: {  	s30 =	simm.s32 $0x0  }
0x1c: {  	[tilespmem:s19], [sflag:$0x2] =	stream.indirect.gather [hbm4b:s4+s17], $0x80, s16, s17, $0xb8;
	[tilespmem:$0x19400] =	vst v63  }
.LBB2_2:
0x1d: {  	s0 =	smul.u32 $0x190, s30;
	_ =	sdelay $0x1  }
0x1e: {  	s31 =	sadd.s32 s0, s11  }
0x1f: {  	s1 =	sshrl.u32 s31, $0x3  }
0x20: {  	s9 =	sadd.s32 s6, s1  }
0x21: {  	[tilespmem:s20], [sflag:$0x5] =	stream.linear.gather [hbm4b:s9+s10], $0xC8, $0x38;
	[tilespmem:$0x19400] =	vst v63  }
0x22: {  	_ =	swait.ge [sflag:s15], $0xC8  }
0x23: {  	[sflag:s15] =	ssyncset.done $0x0  }
0x24: {  	s1 =	sadd.s32 s7, s1;
	[sflag:s15] =	ssyncadd.s32 $0xFFFFFF38  }
0x25: {  	[tilespmem:s21], [sflag:$0x5] =	stream.linear.gather [hbm4b:s1+s10], $0xC8, $0x38;
	[tilespmem:$0x19400] =	vst v63  }
0x26: {  	_ =	swait.ge [sflag:s15], $0xC8  }
0x27: {  	[sflag:s15] =	ssyncset.done $0x0  }
0x28: {  	[sflag:s15] =	ssyncadd.s32 $0xFFFFFF38  }
0x29: {  	[tilespmem:s22], [sflag:$0x3] =	stream.indirect.gather [hbm4b:s2+s17], $0x80, s20, s17, $0xb8;
	[tilespmem:$0x19400] =	vst v63  }
0x2a: {  	_ = 	snop  }
0x2b: {  	[tilespmem:s23], [sflag:$0x4] =	stream.indirect.gather [hbm4b:s4+s17], $0x80, s21, s17, $0xb8;
	[tilespmem:$0x19400] =	vst v63  }
0x2c: {  	_ =	swait.ge [sflag:s24], $0x6400  }
0x2d: {  	[sflag:s24] =	ssyncset.done $0x0  }
0x2e: {  	[sflag:s24] =	ssyncadd.s32 $0xFFFF9C00  }
0x2f: {  	_ =	swait.ge [sflag:s25], $0x6400  }
0x30: {  	[sflag:s25] =	ssyncset.done $0x0  }
0x31: {  	s9 =	simm.s32 $0x200;
	s1 =	simm.s32 $0x0;
	[sflag:s25] =	ssyncadd.s32 $0xFFFF9C00  }
.LBB2_3:
0x32: {  	p0 =	sne.s32 s9, $0x18E00;
	v0 =	vld [tilespmem:s1+$0x6670]  }
0x33: {  	v1 =	vld [tilespmem:s1+$0x6600]  }
0x34: {  	v2 =	vld [tilespmem:s1+$0x6610]  }
0x35: {  	v3 =	vld [tilespmem:s1+$0x6620]  }
0x36: {  	v4 =	vld [tilespmem:s1+$0x6630]  }
0x37: {  	[tilespmem:s1+$0x270] =	vst.add.f32.msk $0xffff, v0  }
0x38: {  	v0 =	vld [tilespmem:s1+$0x6640]  }
0x39: {  	v5 =	vld [tilespmem:s1+$0x6650]  }
0x3a: {  	v6 =	vld [tilespmem:s1+$0x6660]  }
0x3b: {  	[tilespmem:s1+$0x200] =	vst.add.f32.msk $0xffff, v1  }
0x3c: {  	[tilespmem:s1+$0x210] =	vst.add.f32.msk $0xffff, v2  }
.Ltmp0:
0x3d: {  	[tilespmem:s1+$0x220] =	vst.add.f32.msk $0xffff, v3;
	(pc) =	sbr.rel @p0 .LBB2_3-.Ltmp0, $4  }
0x3e: {  	[tilespmem:s1+$0x230] =	vst.add.f32.msk $0xffff, v4  }
0x3f: {  	[tilespmem:s1+$0x240] =	vst.add.f32.msk $0xffff, v0  }
0x40: {  	[tilespmem:s1+$0x250] =	vst.add.f32.msk $0xffff, v5  }
0x41: {  	[tilespmem:s1+$0x260] =	vst.add.f32.msk $0xffff, v6;
	s1 =	sshra.s32 s9, $0x2;
	s9 =	sadd.s32 $0x200, s9  }
0x42: {  	v0 =	vld [tilespmem:s1+$0x6670]  }
0x43: {  	v1 =	vld [tilespmem:s1+$0x6600]  }
0x44: {  	v2 =	vld [tilespmem:s1+$0x6610]  }
0x45: {  	v3 =	vld [tilespmem:s1+$0x6620]  }
0x46: {  	v4 =	vld [tilespmem:s1+$0x6630]  }
0x47: {  	v63 =	vld [tilespmem:s1+$0x6640]  }
0x48: {  	v5 =	vld [tilespmem:s1+$0x6650]  }
0x49: {  	v6 =	vld [tilespmem:s1+$0x6660]  }
0x4a: {  	[tilespmem:s1+$0x270] =	vst.add.f32.msk $0xffff, v0  }
0x4b: {  	[tilespmem:s1+$0x200] =	vst.add.f32.msk $0xffff, v1  }
0x4c: {  	[tilespmem:s1+$0x210] =	vst.add.f32.msk $0xffff, v2  }
0x4d: {  	[tilespmem:s1+$0x220] =	vst.add.f32.msk $0xffff, v3  }
0x4e: {  	[tilespmem:s1+$0x230] =	vst.add.f32.msk $0xffff, v4  }
0x4f: {  	s9 =	sadd.s32 s5, s0;
	[tilespmem:s1+$0x240] =	vst.add.f32.msk $0xffff, v63  }
0x50: {  	s9 =	sshll.u32 s9, $0x4;
	[tilespmem:s1+$0x250] =	vst.add.f32.msk $0xffff, v5  }
0x51: {  	[tilespmem:s1+$0x260] =	vst.add.f32.msk $0xffff, v6;
	s1 =	sadd.s32 s8, s9;
	s9 =	simm.s32 $0x0  }
0x52: {  	[hbm4b:s1+s9] =	stream.linear.scatter [tilespmem:s18], [sflag:$0x5], $0x6400, $0x38;
	[tilespmem:$0x19400] =	vst v63  }
0x53: {  	s1 =	sadd.s32 s0, s12;
	_ =	swait.ge [sflag:s15], $0x6400  }
0x54: {  	s0 =	sshrl.u32 s1, $0x3;
	[sflag:s15] =	ssyncset.done $0x0  }
0x55: {  	s1 =	sadd.s32 s6, s0;
	[sflag:s15] =	ssyncadd.s32 $0xFFFF9C00  }
0x56: {  	[tilespmem:s9], [sflag:$0x5] =	stream.linear.gather [hbm4b:s1+s9], $0xC8, $0x38;
	[tilespmem:$0x19400] =	vst v63  }
0x57: {  	_ =	swait.ge [sflag:s15], $0xC8  }
0x58: {  	[sflag:s15] =	ssyncset.done $0x0  }
0x59: {  	s0 =	sadd.s32 s7, s0;
	[sflag:s15] =	ssyncadd.s32 $0xFFFFFF38  }
0x5a: {  	[tilespmem:s16], [sflag:$0x5] =	stream.linear.gather [hbm4b:s0+s9], $0xC8, $0x38;
	[tilespmem:$0x19400] =	vst v63  }
0x5b: {  	_ =	swait.ge [sflag:s15], $0xC8  }
0x5c: {  	[sflag:s15] =	ssyncset.done $0x0  }
0x5d: {  	[sflag:s15] =	ssyncadd.s32 $0xFFFFFF38  }
0x5e: {  	[tilespmem:s18], [sflag:$0x1] =	stream.indirect.gather [hbm4b:s2+s17], $0x80, s9, s17, $0xb8;
	[tilespmem:$0x19400] =	vst v63  }
0x5f: {  	_ = 	snop  }
0x60: {  	[tilespmem:s19], [sflag:$0x2] =	stream.indirect.gather [hbm4b:s4+s17], $0x80, s16, s17, $0xb8;
	[tilespmem:$0x19400] =	vst v63  }
0x61: {  	_ =	swait.ge [sflag:s26], $0x6400  }
0x62: {  	[sflag:s26] =	ssyncset.done $0x0  }
0x63: {  	[sflag:s26] =	ssyncadd.s32 $0xFFFF9C00  }
0x64: {  	_ =	swait.ge [sflag:s28], $0x6400  }
0x65: {  	[sflag:s28] =	ssyncset.done $0x0  }
0x66: {  	s1 =	simm.s32 $0x200;
	s0 =	simm.s32 $0x0;
	[sflag:s28] =	ssyncadd.s32 $0xFFFF9C00  }
.LBB2_5:
0x67: {  	p0 =	sne.s32 s1, $0x18E00;
	v0 =	vld [tilespmem:s0+$0x13070]  }
0x68: {  	v1 =	vld [tilespmem:s0+$0x13000]  }
0x69: {  	v2 =	vld [tilespmem:s0+$0x13010]  }
0x6a: {  	v3 =	vld [tilespmem:s0+$0x13020]  }
0x6b: {  	v4 =	vld [tilespmem:s0+$0x13030]  }
0x6c: {  	[tilespmem:s0+$0xCC70] =	vst.add.f32.msk $0xffff, v0  }
0x6d: {  	v0 =	vld [tilespmem:s0+$0x13040]  }
0x6e: {  	v5 =	vld [tilespmem:s0+$0x13050]  }
0x6f: {  	v6 =	vld [tilespmem:s0+$0x13060]  }
0x70: {  	[tilespmem:s0+$0xCC00] =	vst.add.f32.msk $0xffff, v1  }
0x71: {  	[tilespmem:s0+$0xCC10] =	vst.add.f32.msk $0xffff, v2  }
.Ltmp1:
0x72: {  	[tilespmem:s0+$0xCC20] =	vst.add.f32.msk $0xffff, v3;
	(pc) =	sbr.rel @p0 .LBB2_5-.Ltmp1, $4  }
0x73: {  	[tilespmem:s0+$0xCC30] =	vst.add.f32.msk $0xffff, v4  }
0x74: {  	[tilespmem:s0+$0xCC40] =	vst.add.f32.msk $0xffff, v0  }
0x75: {  	[tilespmem:s0+$0xCC50] =	vst.add.f32.msk $0xffff, v5  }
0x76: {  	[tilespmem:s0+$0xCC60] =	vst.add.f32.msk $0xffff, v6;
	s0 =	sshra.s32 s1, $0x2;
	s1 =	sadd.s32 $0x200, s1  }
0x77: {  	v0 =	vld [tilespmem:s0+$0x13070]  }
0x78: {  	v1 =	vld [tilespmem:s0+$0x13000]  }
0x79: {  	v2 =	vld [tilespmem:s0+$0x13010]  }
0x7a: {  	v3 =	vld [tilespmem:s0+$0x13020]  }
0x7b: {  	v4 =	vld [tilespmem:s0+$0x13030]  }
0x7c: {  	v63 =	vld [tilespmem:s0+$0x13040]  }
0x7d: {  	v5 =	vld [tilespmem:s0+$0x13050]  }
0x7e: {  	v6 =	vld [tilespmem:s0+$0x13060]  }
0x7f: {  	[tilespmem:s0+$0xCC70] =	vst.add.f32.msk $0xffff, v0  }
0x80: {  	[tilespmem:s0+$0xCC00] =	vst.add.f32.msk $0xffff, v1  }
0x81: {  	[tilespmem:s0+$0xCC10] =	vst.add.f32.msk $0xffff, v2  }
0x82: {  	[tilespmem:s0+$0xCC20] =	vst.add.f32.msk $0xffff, v3  }
0x83: {  	[tilespmem:s0+$0xCC30] =	vst.add.f32.msk $0xffff, v4  }
0x84: {  	s30 =	sadd.s32 $0x1, s30;
	[tilespmem:s0+$0xCC40] =	vst.add.f32.msk $0xffff, v63  }
0x85: {  	s1 =	sshll.u32 s31, $0x4;
	p0 =	sne.s32 s30, $0xC;
	[tilespmem:s0+$0xCC50] =	vst.add.f32.msk $0xffff, v5  }
.Ltmp2:
0x86: {  	s31 =	sadd.s32 s8, s1;
	[tilespmem:s0+$0xCC60] =	vst.add.f32.msk $0xffff, v6;
	(pc) =	sbr.rel @p0 .LBB2_2-.Ltmp2, $4  }
0x87: {  	[hbm4b:s31+s3] =	stream.linear.scatter [tilespmem:s22], [sflag:$0x5], $0x6400, $0x38;
	[tilespmem:$0x19400] =	vst v63  }
0x88: {  	_ =	swait.ge [sflag:s15], $0x6400  }
0x89: {  	[sflag:s15] =	ssyncset.done $0x0  }
0x8a: {  	[sflag:s15] =	ssyncadd.s32 $0xFFFF9C00  }
0x8b: {  	_ =	swait.ge [sflag:s24], $0x6400  }
0x8c: {  	[sflag:s24] =	ssyncset.done $0x0  }
0x8d: {  	[sflag:s24] =	ssyncadd.s32 $0xFFFF9C00  }
0x8e: {  	_ =	swait.ge [sflag:s25], $0x6400  }
0x8f: {  	[sflag:s25] =	ssyncset.done $0x0  }
0x90: {  	s0 =	simm.s32 $0x0;
	s1 =	simm.s32 $0x200;
	[sflag:s25] =	ssyncadd.s32 $0xFFFF9C00  }
.LBB2_8:
0x91: {  	p0 =	sne.s32 s1, $0x18E00;
	v0 =	vld [tilespmem:s0+$0x6670]  }
0x92: {  	v1 =	vld [tilespmem:s0+$0x6600]  }
0x93: {  	v2 =	vld [tilespmem:s0+$0x6610]  }
0x94: {  	v3 =	vld [tilespmem:s0+$0x6620]  }
0x95: {  	v4 =	vld [tilespmem:s0+$0x6630]  }
0x96: {  	[tilespmem:s0+$0x270] =	vst.add.f32.msk $0xffff, v0  }
0x97: {  	v0 =	vld [tilespmem:s0+$0x6640]  }
0x98: {  	v5 =	vld [tilespmem:s0+$0x6650]  }
0x99: {  	v6 =	vld [tilespmem:s0+$0x6660]  }
0x9a: {  	[tilespmem:s0+$0x200] =	vst.add.f32.msk $0xffff, v1  }
0x9b: {  	[tilespmem:s0+$0x210] =	vst.add.f32.msk $0xffff, v2  }
.Ltmp3:
0x9c: {  	[tilespmem:s0+$0x220] =	vst.add.f32.msk $0xffff, v3;
	(pc) =	sbr.rel @p0 .LBB2_8-.Ltmp3, $4  }
0x9d: {  	[tilespmem:s0+$0x230] =	vst.add.f32.msk $0xffff, v4  }
0x9e: {  	[tilespmem:s0+$0x240] =	vst.add.f32.msk $0xffff, v0  }
0x9f: {  	[tilespmem:s0+$0x250] =	vst.add.f32.msk $0xffff, v5  }
0xa0: {  	[tilespmem:s0+$0x260] =	vst.add.f32.msk $0xffff, v6;
	s0 =	sshra.s32 s1, $0x2;
	s1 =	sadd.s32 $0x200, s1  }
0xa1: {  	v0 =	vld [tilespmem:s0+$0x6670]  }
0xa2: {  	v1 =	vld [tilespmem:s0+$0x6600]  }
0xa3: {  	v2 =	vld [tilespmem:s0+$0x6610]  }
0xa4: {  	v3 =	vld [tilespmem:s0+$0x6620]  }
0xa5: {  	v4 =	vld [tilespmem:s0+$0x6630]  }
0xa6: {  	v63 =	vld [tilespmem:s0+$0x6640]  }
0xa7: {  	v5 =	vld [tilespmem:s0+$0x6650]  }
0xa8: {  	v6 =	vld [tilespmem:s0+$0x6660]  }
0xa9: {  	[tilespmem:s0+$0x270] =	vst.add.f32.msk $0xffff, v0  }
0xaa: {  	[tilespmem:s0+$0x200] =	vst.add.f32.msk $0xffff, v1  }
0xab: {  	[tilespmem:s0+$0x210] =	vst.add.f32.msk $0xffff, v2  }
0xac: {  	[tilespmem:s0+$0x220] =	vst.add.f32.msk $0xffff, v3  }
0xad: {  	[tilespmem:s0+$0x230] =	vst.add.f32.msk $0xffff, v4  }
0xae: {  	s29 =	sadd.s32 $0x1, s29;
	[tilespmem:s0+$0x240] =	vst.add.f32.msk $0xffff, v63  }
0xaf: {  	p0 =	sne.s32 s29, s14;
	[tilespmem:s0+$0x250] =	vst.add.f32.msk $0xffff, v5  }
.Ltmp4:
0xb0: {  	[tilespmem:s0+$0x260] =	vst.add.f32.msk $0xffff, v6;
	(pc) =	sbr.rel @p0 .LBB2_1-.Ltmp4, $4  }
0xb1: {  	[hbm4b:s13+s3] =	stream.linear.scatter [tilespmem:s18], [sflag:$0x5], $0x6400, $0x38;
	[tilespmem:$0x19400] =	vst v63  }
0xb2: {  	_ =	swait.ge [sflag:s15], $0x6400  }
0xb3: {  	[sflag:s15] =	ssyncset.done $0x0  }
0xb4: {  	[sflag:s15] =	ssyncadd.s32 $0xFFFF9C00  }
0xb5: {  	_ =	sfence.sel $0x180000  }
0xb6: {  	[bflag:$0x0] =	sbarrier.arrive $0xFFFF  }
0xb7: {  	_ =	strace $0x9000004A  }
0xb8: {  	s0 =	stileid.u32;
	[bflag:$0x2] =	sbarrier.arrive $0xFFFF  }
0xb9: {  	p0 =	sne.s32 s0, $0x0;
	s0 =	rddreg [dreg:$0x2]  }
0xba: {  	s0 =	sadd.s32 @!p0 $0x100000, s0  }
0xbb: {  	[sflag:s0] =	ssyncadd.tile.s32 @!p0 $0x1;
	_ =	shalt  }
.Lfunc_end2:
_tile_overlayer_lowered:
.L_overlay_start_2:
0xbc: {  	(tag) =	ssettag $0x2  }
0xbd: {  	s0 =	rddreg [dreg:$0x0];
	s2 =	stileid.u32  }
0xbe: {  	s1 =	rddreg [dreg:$0x1];
	p0 =	sne.s32 s2, $0x0  }
0xbf: {  	s3 =	rddreg [dreg:$0x2];
	[bflag:$0x3] =	sbarrier.arrive $0xFFFF;
	s2 =	simm.s32 @!p0 $0x1C05  }
0xc0: {  	[timem:s3], [sflag:s2] =	dma.local @!p0 [hbm:s0], s1  }
0xc1: {  	s0 =	simm.s32 @!p0 $0x5  }
0xc2: {  	_ =	swait.ge @!p0 [sflag:s0], s1  }
0xc3: {  	s1 =	ssub.s32 @!p0 $0x0, s1;
	[sflag:s0] =	ssyncset.done @!p0 $0x0  }
0xc4: {  	[sflag:s0] =	ssyncadd.s32 @!p0 s1  }
0xc5: {  	[bflag:$0x3] =	sbarrier.arrive $0xFFFF  }
0xc6: {  	_ =	shalt  }

// kernel: kernel.15.cloned.1.call-start
scs
__scs_entry_jumppad:
0x0: {  	(pc) =	sbr.rel $0x88, $3  }
0x1: {  	(tag) =	ssettag $0x0;
	lr =	simm.s32 $0x1  }
0x2: {  	[smem:$0x3F90] =	sst lr;
	_ =	strace $0xD0000000  }
0x3: {  	_ = 	snop  }
0x4: {  	_ = 	snop  }
0x5: {  	_ = 	snop  }
0x6: {  	_ = 	snop  }
0x7: {  	_ = 	snop  }
__scs_overlays_trampoline_lowered:
0x8: {  	[smem:$0x3F9F] =	sst s0  }
0x9: {  	[smem:$0x3FA0] =	sst s1  }
0xa: {  	[smem:$0x3FA1] =	sst s2  }
0xb: {  	[smem:$0x3FA2] =	sst s3  }
0xc: {  	[smem:$0x3FA3] =	sst s4  }
0xd: {  	[smem:$0x3FA4] =	sst s5  }
0xe: {  	[smem:$0x3FA5] =	sst s6  }
0xf: {  	[smem:$0x3FA6] =	sst s7  }
0x10: {  	[smem:$0x3FA7] =	sst s8  }
0x11: {  	[smem:$0x3FA8] =	sst s9;
	s0 =	simm.s32 @!p0 $0x0  }
0x12: {  	s1 =	sld [smem:$0x3F8E];
	s0 =	simm.s32 @p0 $0x1  }
0x13: {  	[smem:$0x3FA9] =	sst s0;
	s0 =	simm.s32 @!p1 $0x0  }
0x14: {  	s2 =	sld [smem:$0x3F8D];
	s0 =	simm.s32 @p1 $0x1  }
0x15: {  	[smem:$0x3FAA] =	sst s0;
	s0 =	simm.s32 @!p2 $0x0  }
0x16: {  	s3 =	sld [smem:$0x3FDB];
	s0 =	simm.s32 @p2 $0x1  }
0x17: {  	s4 =	simm.s32 $0x1BF5;
	[smem:$0x3FAC] =	sst s0  }
0x18: {  	s0 =	sld [smem:$0x3F8F];
	_ =	swait.ge [sflag:s4], $0x0  }
0x19: {  	s7 =	sld [smem:$0x3F90]  }
0x1a: {  	s8 =	sadd.s32 $0xFFFFE003, lr  }
0x1b: {  	s9 =	sadd.s32 $0xFFFFFEF7, lr;
	s5 =	simm.s32 $0xFFFFFFFF;
	p2 =	slt.u32 s8, $0xFFFFF086  }
0x1c: {  	p1 =	slt.u32 s9, $0xF7A;
	s5 =	simm.s32 @!p2 $0x0  }
0x1d: {  	s5 =	simm.s32 @p1 $0x1;
	p0 =	seq.s32 s7, s2  }
0x1e: {  	s7 =	smul.u32 @!p0 $0xF7A, s2;
	p2 =	seq.s32 @!p0 s5, $0x0  }
0x1f: {  	s9 =	smul.u32 $0xF7A, s1;
	s8 =	simm.s32 @!p0 $0x1BF5;
	p2 =	por !p2, p0  }
0x20: {  	[sflag:s8] =	ssyncset.s32 @!p0 $0xFFFFF086;
	s6 =	sadd.s32 @!p0 s3, s7;
	s7 =	simm.s32 @!p0 $0x108  }
0x21: {  	s3 =	sadd.s32 s3, s9;
	s6 =	sadd.s32 @!p0 $0x88, s6;
	s7 =	simm.s32 @p2 $0x1082  }
0x22: {  	[simem:s7], [sflag:s8] =	dma.local @!p0 [hbm:s6], $0xF7A  }
0x23: {  	s9 =	sor.u32 $0xD0000000, s2;
	s6 =	simm.s32 $0x108;
	_ =	swait.ge @!p0 [sflag:s8], $0x0  }
0x24: {  	s3 =	sadd.s32 $0x88, s3;
	s6 =	simm.s32 @!p1 $0x1082;
	[sflag:s4] =	ssyncset.s32 $0xFFFFF086  }
0x25: {  	[simem:s6], [sflag:s4] =	dma.local [hbm:s3], $0xF7A  }
0x26: {  	[smem:$0x3F90] =	sst s1;
	(tag) =	ssettag s2;
	_ =	strace s9  }
0x27: {  	s1 =	sld [smem:$0x3FA0]  }
0x28: {  	s2 =	sld [smem:$0x3FA1]  }
0x29: {  	s4 =	sld [smem:$0x3FA3]  }
0x2a: {  	p0 =	seq.s32 s5, $0x0;
	s5 =	sld [smem:$0x3FA4]  }
0x2b: {  	s6 =	sld [smem:$0x3FA5]  }
0x2c: {  	s7 =	sld [smem:$0x3FA6]  }
0x2d: {  	s3 =	simm.s32 $0x108;
	s8 =	sld [smem:$0x3FA7]  }
0x2e: {  	s3 =	simm.s32 @!p0 $0x1082;
	s9 =	sld [smem:$0x3FA8]  }
0x2f: {  	lr =	sadd.s32 s0, s3;
	s0 =	sld [smem:$0x3F9F]  }
0x30: {  	s3 =	sld [smem:$0x3FA2]  }
0x31: {  	[smem:$0x3FAB] =	sst s10  }
0x32: {  	s10 =	sld [smem:$0x3FA9];
	_ =	sdelay $0x3  }
0x33: {  	p0 =	seq.s32 s10, $0x1;
	s10 =	sld [smem:$0x3FAB];
	_ =	sdelay $0x3  }
0x34: {  	[smem:$0x3FAB] =	sst s10  }
0x35: {  	s10 =	sld [smem:$0x3FAA];
	_ =	sdelay $0x3  }
0x36: {  	p1 =	seq.s32 s10, $0x1;
	s10 =	sld [smem:$0x3FAB];
	_ =	sdelay $0x3  }
0x37: {  	[smem:$0x3FAB] =	sst s10  }
0x38: {  	s10 =	sld [smem:$0x3FAC]  }
0x39: {  	_ = 	snop;
	(pc) =	sbr.ind lr, $3  }
0x3a: {  	_ = 	snop  }
0x3b: {  	_ = 	snop  }
0x3c: {  	p2 =	seq.s32 s10, $0x1;
	s10 =	sld [smem:$0x3FAB]  }
0x3d: {  	_ =	shalt  }
0x3e: {  	_ =	shalt  }
0x3f: {  	_ =	shalt  }
0x40: {  	_ =	shalt  }
0x41: {  	_ =	shalt  }
0x42: {  	_ =	shalt  }
0x43: {  	_ =	shalt  }
0x44: {  	_ =	shalt  }
0x45: {  	_ =	shalt  }
0x46: {  	_ =	shalt  }
0x47: {  	_ =	shalt  }
0x48: {  	_ =	shalt  }
0x49: {  	_ =	shalt  }
0x4a: {  	_ =	shalt  }
0x4b: {  	_ =	shalt  }
0x4c: {  	_ =	shalt  }
0x4d: {  	_ =	shalt  }
0x4e: {  	_ =	shalt  }
0x4f: {  	_ =	shalt  }
0x50: {  	_ =	shalt  }
0x51: {  	_ =	shalt  }
0x52: {  	_ =	shalt  }
0x53: {  	_ =	shalt  }
0x54: {  	_ =	shalt  }
0x55: {  	_ =	shalt  }
0x56: {  	_ =	shalt  }
0x57: {  	_ =	shalt  }
0x58: {  	_ =	shalt  }
0x59: {  	_ =	shalt  }
0x5a: {  	_ =	shalt  }
0x5b: {  	_ =	shalt  }
0x5c: {  	_ =	shalt  }
0x5d: {  	_ =	shalt  }
0x5e: {  	_ =	shalt  }
0x5f: {  	_ =	shalt  }
0x60: {  	_ =	shalt  }
0x61: {  	_ =	shalt  }
0x62: {  	_ =	shalt  }
0x63: {  	_ =	shalt  }
0x64: {  	_ =	shalt  }
0x65: {  	_ =	shalt  }
0x66: {  	_ =	shalt  }
0x67: {  	_ =	shalt  }
0x68: {  	_ =	shalt  }
0x69: {  	_ =	shalt  }
0x6a: {  	_ =	shalt  }
0x6b: {  	_ =	shalt  }
0x6c: {  	_ =	shalt  }
0x6d: {  	_ =	shalt  }
0x6e: {  	_ =	shalt  }
0x6f: {  	_ =	shalt  }
0x70: {  	_ =	shalt  }
0x71: {  	_ =	shalt  }
0x72: {  	_ =	shalt  }
0x73: {  	_ =	shalt  }
0x74: {  	_ =	shalt  }
0x75: {  	_ =	shalt  }
0x76: {  	_ =	shalt  }
0x77: {  	_ =	shalt  }
0x78: {  	_ =	shalt  }
0x79: {  	_ =	shalt  }
0x7a: {  	_ =	shalt  }
0x7b: {  	_ =	shalt  }
0x7c: {  	_ =	shalt  }
0x7d: {  	_ =	shalt  }
0x7e: {  	_ =	shalt  }
0x7f: {  	_ =	shalt  }
0x80: {  	_ =	shalt  }
0x81: {  	_ =	shalt  }
0x82: {  	_ =	shalt  }
0x83: {  	_ =	shalt  }
0x84: {  	_ =	shalt  }
0x85: {  	_ =	shalt  }
0x86: {  	_ =	shalt  }
0x87: {  	_ =	shalt  }
.Lfunc_end0:
.L_simem_size_0:
called_computation.1_lowered:
.L_overlay_start_0:
0x88: {  	s2 =	sld [smem:$0x3FD9]  }
0x89: {  	s3 =	sld [smem:$0x3FFE];
	_ =	sdelay $0x1  }
0x8a: {  	s1 =	srdreg.scid  }
0x8b: {  	s0 =	sand.u32 $0x1, s1  }
0x8c: {  	s14 =	sshll.u32 s0, $0xA;
	s2 =	sadd.s32 s3, s2  }
0x8d: {  	s2 =	sadd.s32 s2, s14  }
0x8e: {  	[smem:$0x3FB7] =	sst s2  }
0x8f: {  	_ = 	snop  }
0x90: {  	s2 =	sld [smem:$0x3FD0];
	_ =	sdelay $0x2  }
0x91: {  	s15 =	simm.s32 $0xB;
	s4 =	simm.s32 $0x10  }
0x92: {  	[smem:s4], [sflag:s15] =	dma.local [hbm:s2], $0x1  }
0x93: {  	_ =	swait.eq [sflag:s15], $0x1  }
0x94: {  	[sflag:s15] =	ssyncset.done $0x0  }
0x95: {  	[sflag:s15] =	ssyncadd.s32 $0xFFFFFFFF  }
0x96: {  	s16 =	sld [smem:$0x11];
	(tm) =	ssettm $0x1  }
0x97: {  	s17 =	sld [smem:$0x3FFB];
	_ =	sdelay $0x3  }
0x98: {  	_ =	strace s17  }
0x99: {  	s3 =	sld [smem:$0x3FFC];
	_ =	sdelay $0x3  }
0x9a: {  	_ =	strace s3  }
0x9b: {  	s3 =	sld [smem:$0x3FFD];
	_ =	sdelay $0x3  }
0x9c: {  	_ =	strace s3  }
0x9d: {  	_ =	strace $0x8FFFFFFF  }
0x9e: {  	s18 =	sld [smem:$0x3FDB];
	_ =	sdelay $0x1  }
0x9f: {  	s19 =	simm.s32 $_scs_section_size  }
0xa0: {  	s5 =	simm.s32 $_size__tile_overlayer_lowered;
	s6 =	simm.s32 $_tile_overlayer_lowered  }
0xa1: {  	s22 =	simm.s32 $0x1BFF;
	s21 =	sshll.u32 s6, $0x1;
	s3 =	sadd.s32 s19, s18  }
0xa2: {  	s7 =	simm.s32 $0x0;
	s20 =	sshll.u32 s5, $0x1;
	s5 =	sadd.s32 s21, s3  }
0xa3: {  	[timem:s7], [sflag:s22] =	dma.local [hbm:s5], s20  }
0xa4: {  	_ =	swait.ge [sflag:s22], s20  }
0xa5: {  	s4 =	ssub.s32 $0x0, s20;
	[sflag:s22] =	ssyncset.done $0x0  }
0xa6: {  	[sflag:s22] =	ssyncadd.s32 s4;
	_ =	sdelay $0x1  }
0xa7: {  	s23 =	simm.s32 $0x1B8B  }
0xa8: {  	_ =	swait.ge [sflag:s23], $0x1  }
0xa9: {  	[sflag:s23] =	ssyncset.done $0x0  }
0xaa: {  	s25 =	simm.s32 $0x1B8E;
	s24 =	sld [smem:$0x3FFE];
	[sflag:s23] =	ssyncadd.s32 $0xFFFFFFFF  }
0xab: {  	s26 =	simm.s32 $execute0_lowered;
	[smem:$0x3FD2] =	sst s25  }
0xac: {  	s5 =	sshll.u32 s26, $0x1;
	_ =	strace $0x80000046;
	[dreg:$0x1] =	wrdreg $0xFFFFFFFF  }
0xad: {  	s28 =	simm.s32 $_size_execute0_lowered;
	s3 =	sadd.s32 s3, s5;
	[dreg:$0x0] =	wrdreg $0x0  }
0xae: {  	s5 =	sshll.u32 s28, $0x1;
	[dreg:$0x2] =	wrdreg s3  }
0xaf: {  	[dreg:$0x3] =	wrdreg s5  }
0xb0: {  	[dreg:$0x4] =	wrdreg $0xC0  }
0xb1: {  	_ =	task [dreg:s7], $0x5FFFF  }
0xb2: {  	[dreg:$0x1] =	wrdreg $0xFFFFFFFF  }
0xb3: {  	[dreg:$0x0] =	wrdreg $0x60  }
0xb4: {  	[dreg:$0x2] =	wrdreg s16  }
0xb5: {  	[dreg:$0x3] =	wrdreg s24  }
0xb6: {  	[dreg:$0x4] =	wrdreg $0xA  }
0xb7: {  	_ =	task.clear_ibuf [dreg:s7], $0x5FFFF;
	_ =	strace $0x90000046  }
0xb8: {  	s29 =	simm.s32 $0xA;
	_ =	strace $0x80000048  }
0xb9: {  	_ =	swait.ge [sflag:s29], $0x1  }
0xba: {  	[sflag:s29] =	ssyncadd.s32 $0xFFFFFFFF  }
0xbb: {  	_ =	strace $0x90000048  }
0xbc: {  	_ =	sfence  }
0xbd: {  	s30 =	sld [smem:$0x0];
	_ =	sdelay $0x2  }
0xbe: {  	s31 =	sshll.u32 s1, $0xD;
	s1 =	sshrl.u32 s1, $0x2  }
0xbf: {  	s3 =	sand.u32 $0x4000, s31;
	s1 =	sadd.s32 s1, s30  }
0xc0: {  	s0 =	sor.u32 s3, s0;
	s1 =	sshll.u32 s1, $0x11  }
0xc1: {  	s0 =	sor.u32 s1, s0  }
0xc2: {  	s0 =	sadd.s32 $0x8F2B, s0  }
0xc3: {  	[sflag:s0] =	ssyncadd.remote.s32 $0x1  }
0xc4: {  	_ =	sfence.sel $0xFFFF  }
0xc5: {  	[dreg:$0x0] =	wrdreg $0xFFFFFFFF;
	(pc) =	sbr.abs _section_cstart, $3  }
0xc6: {  	[dreg:$0x1] =	wrdreg $0xFFFFFFFF  }
0xc7: {  	_ =	task.clear_ibuf [dreg:s7], $0x2FFFF;
	_ =	strace $0x9FFFFFFF  }
0xc8: {  	(tm) =	ssettm $0x7FFFFFFF  }
0xc9: {  	_ =	shalt  }
tec
execute0_lowered:
.L_overlay_start_1:
0x0: {  	(tag) =	ssettag $0x1  }
0x1: {  	s2 =	rddreg [dreg:$0x0]  }
0x2: {  	s0 =	rddreg [dreg:$0x1];
	s1 =	srdreg.scid  }
0x3: {  	s4 =	stileid.u32;
	s3 =	simm.s32 $0x0;
	s15 =	simm.s32 $0x5  }
0x4: {  	s16 =	simm.s32 $0x100;
	s17 =	simm.s32 $0xC8;
	s18 =	simm.s32 $0x200  }
0x5: {  	s19 =	simm.s32 $0x6600;
	s20 =	simm.s32 $0xCA00;
	s21 =	simm.s32 $0xCB00  }
0x6: {  	s22 =	simm.s32 $0xCC00;
	s23 =	simm.s32 $0x13000;
	s24 =	simm.s32 $0x1  }
0x7: {  	s25 =	simm.s32 $0x2;
	s28 =	simm.s32 $0x4;
	s29 =	simm.s32 $0x0  }
0x8: {  	s1 =	sand.u32 $0x1, s1;
	s4 =	sshll.u32 s4, $0x1;
	[smem:$0x7FF] =	sst s3  }
0x9: {  	s6 =	sadd.s32 $0x7C00, s0;
	s8 =	sadd.s32 $0x5B000, s0;
	s7 =	sor.u32 s1, s4  }
0xa: {  	_ =	strace $0x80000047;
	s1 =	ssub.s32 $0x2, s1;
	s5 =	smul.u32 $0x1388, s7  }
0xb: {  	s4 =	sadd.s32 $0xCC00, s0;
	s9 =	smul.u32 $0x9C400, s7;
	s26 =	sshrl.u32 s1, $0x1  }
0xc: {  	s7 =	sadd.s32 $0x2C00, s0;
	s0 =	ssub.s32 s1, s26;
	s26 =	simm.s32 $0x3  }
0xd: {  	s30 =	sshrl.u32 s5, $0x3;
	s9 =	sshrl.u32 s9, $0x3;
	s11 =	sadd.s32 $0xC8, s5  }
0xe: {  	s12 =	sadd.s32 $0x190, s5;
	s14 =	smax.u32 s0, $0x1;
	s10 =	sadd.s32 s6, s30  }
0xf: {  	s1 =	sadd.s32 s7, s30;
	s31 =	sadd.s32 s8, s9;
	[dreg:$0x3] =	wrdreg s10  }
0x10: {  	[dreg:$0x4] =	wrdreg s1;
	s13 =	sadd.s32 $0x12C00, s31;
	s10 =	simm.s32 $0x0  }
.LBB2_1:
0x11: {  	s0 =	rddreg [dreg:$0x3]  }
0x12: {  	[tilespmem:s3], [sflag:$0x5] =	stream.linear.gather [hbm4b:s0+s3], $0xC8, $0x38;
	[tilespmem:$0x19400] =	vst v63  }
0x13: {  	_ =	swait.ge [sflag:s15], $0xC8  }
0x14: {  	[sflag:s15] =	ssyncset.done $0x0  }
0x15: {  	s31 =	rddreg [dreg:$0x4];
	[sflag:s15] =	ssyncadd.s32 $0xFFFFFF38  }
0x16: {  	[tilespmem:s16], [sflag:$0x5] =	stream.linear.gather [hbm4b:s31+s3], $0xC8, $0x38;
	[tilespmem:$0x19400] =	vst v63  }
0x17: {  	_ =	swait.ge [sflag:s15], $0xC8  }
0x18: {  	[sflag:s15] =	ssyncset.done $0x0  }
0x19: {  	[sflag:s15] =	ssyncadd.s32 $0xFFFFFF38  }
0x1a: {  	[tilespmem:s18], [sflag:$0x1] =	stream.indirect.gather [hbm4b:s2+s17], $0x80, s3, s17, $0xb8;
	[tilespmem:$0x19400] =	vst v63  }
0x1b: {  	s30 =	simm.s32 $0x0  }
0x1c: {  	[tilespmem:s19], [sflag:$0x2] =	stream.indirect.gather [hbm4b:s4+s17], $0x80, s16, s17, $0xb8;
	[tilespmem:$0x19400] =	vst v63  }
.LBB2_2:
0x1d: {  	s0 =	smul.u32 $0x190, s30;
	_ =	sdelay $0x1  }
0x1e: {  	s31 =	sadd.s32 s0, s11  }
0x1f: {  	s1 =	sshrl.u32 s31, $0x3  }
0x20: {  	s9 =	sadd.s32 s6, s1  }
0x21: {  	[tilespmem:s20], [sflag:$0x5] =	stream.linear.gather [hbm4b:s9+s10], $0xC8, $0x38;
	[tilespmem:$0x19400] =	vst v63  }
0x22: {  	_ =	swait.ge [sflag:s15], $0xC8  }
0x23: {  	[sflag:s15] =	ssyncset.done $0x0  }
0x24: {  	s1 =	sadd.s32 s7, s1;
	[sflag:s15] =	ssyncadd.s32 $0xFFFFFF38  }
0x25: {  	[tilespmem:s21], [sflag:$0x5] =	stream.linear.gather [hbm4b:s1+s10], $0xC8, $0x38;
	[tilespmem:$0x19400] =	vst v63  }
0x26: {  	_ =	swait.ge [sflag:s15], $0xC8  }
0x27: {  	[sflag:s15] =	ssyncset.done $0x0  }
0x28: {  	[sflag:s15] =	ssyncadd.s32 $0xFFFFFF38  }
0x29: {  	[tilespmem:s22], [sflag:$0x3] =	stream.indirect.gather [hbm4b:s2+s17], $0x80, s20, s17, $0xb8;
	[tilespmem:$0x19400] =	vst v63  }
0x2a: {  	_ = 	snop  }
0x2b: {  	[tilespmem:s23], [sflag:$0x4] =	stream.indirect.gather [hbm4b:s4+s17], $0x80, s21, s17, $0xb8;
	[tilespmem:$0x19400] =	vst v63  }
0x2c: {  	_ =	swait.ge [sflag:s24], $0x6400  }
0x2d: {  	[sflag:s24] =	ssyncset.done $0x0  }
0x2e: {  	[sflag:s24] =	ssyncadd.s32 $0xFFFF9C00  }
0x2f: {  	_ =	swait.ge [sflag:s25], $0x6400  }
0x30: {  	[sflag:s25] =	ssyncset.done $0x0  }
0x31: {  	s9 =	simm.s32 $0x200;
	s1 =	simm.s32 $0x0;
	[sflag:s25] =	ssyncadd.s32 $0xFFFF9C00  }
.LBB2_3:
0x32: {  	p0 =	sne.s32 s9, $0x18E00;
	v0 =	vld [tilespmem:s1+$0x6670]  }
0x33: {  	v1 =	vld [tilespmem:s1+$0x6600]  }
0x34: {  	v2 =	vld [tilespmem:s1+$0x6610]  }
0x35: {  	v3 =	vld [tilespmem:s1+$0x6620]  }
0x36: {  	v4 =	vld [tilespmem:s1+$0x6630]  }
0x37: {  	[tilespmem:s1+$0x270] =	vst.add.f32.msk $0xffff, v0  }
0x38: {  	v0 =	vld [tilespmem:s1+$0x6640]  }
0x39: {  	v5 =	vld [tilespmem:s1+$0x6650]  }
0x3a: {  	v6 =	vld [tilespmem:s1+$0x6660]  }
0x3b: {  	[tilespmem:s1+$0x200] =	vst.add.f32.msk $0xffff, v1  }
0x3c: {  	[tilespmem:s1+$0x210] =	vst.add.f32.msk $0xffff, v2  }
.Ltmp0:
0x3d: {  	[tilespmem:s1+$0x220] =	vst.add.f32.msk $0xffff, v3;
	(pc) =	sbr.rel @p0 .LBB2_3-.Ltmp0, $4  }
0x3e: {  	[tilespmem:s1+$0x230] =	vst.add.f32.msk $0xffff, v4  }
0x3f: {  	[tilespmem:s1+$0x240] =	vst.add.f32.msk $0xffff, v0  }
0x40: {  	[tilespmem:s1+$0x250] =	vst.add.f32.msk $0xffff, v5  }
0x41: {  	[tilespmem:s1+$0x260] =	vst.add.f32.msk $0xffff, v6;
	s1 =	sshra.s32 s9, $0x2;
	s9 =	sadd.s32 $0x200, s9  }
0x42: {  	v0 =	vld [tilespmem:s1+$0x6670]  }
0x43: {  	v1 =	vld [tilespmem:s1+$0x6600]  }
0x44: {  	v2 =	vld [tilespmem:s1+$0x6610]  }
0x45: {  	v3 =	vld [tilespmem:s1+$0x6620]  }
0x46: {  	v4 =	vld [tilespmem:s1+$0x6630]  }
0x47: {  	v63 =	vld [tilespmem:s1+$0x6640]  }
0x48: {  	v5 =	vld [tilespmem:s1+$0x6650]  }
0x49: {  	v6 =	vld [tilespmem:s1+$0x6660]  }
0x4a: {  	[tilespmem:s1+$0x270] =	vst.add.f32.msk $0xffff, v0  }
0x4b: {  	[tilespmem:s1+$0x200] =	vst.add.f32.msk $0xffff, v1  }
0x4c: {  	[tilespmem:s1+$0x210] =	vst.add.f32.msk $0xffff, v2  }
0x4d: {  	[tilespmem:s1+$0x220] =	vst.add.f32.msk $0xffff, v3  }
0x4e: {  	[tilespmem:s1+$0x230] =	vst.add.f32.msk $0xffff, v4  }
0x4f: {  	s9 =	sadd.s32 s5, s0;
	[tilespmem:s1+$0x240] =	vst.add.f32.msk $0xffff, v63  }
0x50: {  	s9 =	sshll.u32 s9, $0x4;
	[tilespmem:s1+$0x250] =	vst.add.f32.msk $0xffff, v5  }
0x51: {  	[tilespmem:s1+$0x260] =	vst.add.f32.msk $0xffff, v6;
	s1 =	sadd.s32 s8, s9;
	s9 =	simm.s32 $0x0  }
0x52: {  	[hbm4b:s1+s9] =	stream.linear.scatter [tilespmem:s18], [sflag:$0x5], $0x6400, $0x38;
	[tilespmem:$0x19400] =	vst v63  }
0x53: {  	s1 =	sadd.s32 s0, s12;
	_ =	swait.ge [sflag:s15], $0x6400  }
0x54: {  	s0 =	sshrl.u32 s1, $0x3;
	[sflag:s15] =	ssyncset.done $0x0  }
0x55: {  	s1 =	sadd.s32 s6, s0;
	[sflag:s15] =	ssyncadd.s32 $0xFFFF9C00  }
0x56: {  	[tilespmem:s9], [sflag:$0x5] =	stream.linear.gather [hbm4b:s1+s9], $0xC8, $0x38;
	[tilespmem:$0x19400] =	vst v63  }
0x57: {  	_ =	swait.ge [sflag:s15], $0xC8  }
0x58: {  	[sflag:s15] =	ssyncset.done $0x0  }
0x59: {  	s0 =	sadd.s32 s7, s0;
	[sflag:s15] =	ssyncadd.s32 $0xFFFFFF38  }
0x5a: {  	[tilespmem:s16], [sflag:$0x5] =	stream.linear.gather [hbm4b:s0+s9], $0xC8, $0x38;
	[tilespmem:$0x19400] =	vst v63  }
0x5b: {  	_ =	swait.ge [sflag:s15], $0xC8  }
0x5c: {  	[sflag:s15] =	ssyncset.done $0x0  }
0x5d: {  	[sflag:s15] =	ssyncadd.s32 $0xFFFFFF38  }
0x5e: {  	[tilespmem:s18], [sflag:$0x1] =	stream.indirect.gather [hbm4b:s2+s17], $0x80, s9, s17, $0xb8;
	[tilespmem:$0x19400] =	vst v63  }
0x5f: {  	_ = 	snop  }
0x60: {  	[tilespmem:s19], [sflag:$0x2] =	stream.indirect.gather [hbm4b:s4+s17], $0x80, s16, s17, $0xb8;
	[tilespmem:$0x19400] =	vst v63  }
0x61: {  	_ =	swait.ge [sflag:s26], $0x6400  }
0x62: {  	[sflag:s26] =	ssyncset.done $0x0  }
0x63: {  	[sflag:s26] =	ssyncadd.s32 $0xFFFF9C00  }
0x64: {  	_ =	swait.ge [sflag:s28], $0x6400  }
0x65: {  	[sflag:s28] =	ssyncset.done $0x0  }
0x66: {  	s1 =	simm.s32 $0x200;
	s0 =	simm.s32 $0x0;
	[sflag:s28] =	ssyncadd.s32 $0xFFFF9C00  }
.LBB2_5:
0x67: {  	p0 =	sne.s32 s1, $0x18E00;
	v0 =	vld [tilespmem:s0+$0x13070]  }
0x68: {  	v1 =	vld [tilespmem:s0+$0x13000]  }
0x69: {  	v2 =	vld [tilespmem:s0+$0x13010]  }
0x6a: {  	v3 =	vld [tilespmem:s0+$0x13020]  }
0x6b: {  	v4 =	vld [tilespmem:s0+$0x13030]  }
0x6c: {  	[tilespmem:s0+$0xCC70] =	vst.add.f32.msk $0xffff, v0  }
0x6d: {  	v0 =	vld [tilespmem:s0+$0x13040]  }
0x6e: {  	v5 =	vld [tilespmem:s0+$0x13050]  }
0x6f: {  	v6 =	vld [tilespmem:s0+$0x13060]  }
0x70: {  	[tilespmem:s0+$0xCC00] =	vst.add.f32.msk $0xffff, v1  }
0x71: {  	[tilespmem:s0+$0xCC10] =	vst.add.f32.msk $0xffff, v2  }
.Ltmp1:
0x72: {  	[tilespmem:s0+$0xCC20] =	vst.add.f32.msk $0xffff, v3;
	(pc) =	sbr.rel @p0 .LBB2_5-.Ltmp1, $4  }
0x73: {  	[tilespmem:s0+$0xCC30] =	vst.add.f32.msk $0xffff, v4  }
0x74: {  	[tilespmem:s0+$0xCC40] =	vst.add.f32.msk $0xffff, v0  }
0x75: {  	[tilespmem:s0+$0xCC50] =	vst.add.f32.msk $0xffff, v5  }
0x76: {  	[tilespmem:s0+$0xCC60] =	vst.add.f32.msk $0xffff, v6;
	s0 =	sshra.s32 s1, $0x2;
	s1 =	sadd.s32 $0x200, s1  }
0x77: {  	v0 =	vld [tilespmem:s0+$0x13070]  }
0x78: {  	v1 =	vld [tilespmem:s0+$0x13000]  }
0x79: {  	v2 =	vld [tilespmem:s0+$0x13010]  }
0x7a: {  	v3 =	vld [tilespmem:s0+$0x13020]  }
0x7b: {  	v4 =	vld [tilespmem:s0+$0x13030]  }
0x7c: {  	v63 =	vld [tilespmem:s0+$0x13040]  }
0x7d: {  	v5 =	vld [tilespmem:s0+$0x13050]  }
0x7e: {  	v6 =	vld [tilespmem:s0+$0x13060]  }
0x7f: {  	[tilespmem:s0+$0xCC70] =	vst.add.f32.msk $0xffff, v0  }
0x80: {  	[tilespmem:s0+$0xCC00] =	vst.add.f32.msk $0xffff, v1  }
0x81: {  	[tilespmem:s0+$0xCC10] =	vst.add.f32.msk $0xffff, v2  }
0x82: {  	[tilespmem:s0+$0xCC20] =	vst.add.f32.msk $0xffff, v3  }
0x83: {  	[tilespmem:s0+$0xCC30] =	vst.add.f32.msk $0xffff, v4  }
0x84: {  	s30 =	sadd.s32 $0x1, s30;
	[tilespmem:s0+$0xCC40] =	vst.add.f32.msk $0xffff, v63  }
0x85: {  	s1 =	sshll.u32 s31, $0x4;
	p0 =	sne.s32 s30, $0xC;
	[tilespmem:s0+$0xCC50] =	vst.add.f32.msk $0xffff, v5  }
.Ltmp2:
0x86: {  	s31 =	sadd.s32 s8, s1;
	[tilespmem:s0+$0xCC60] =	vst.add.f32.msk $0xffff, v6;
	(pc) =	sbr.rel @p0 .LBB2_2-.Ltmp2, $4  }
0x87: {  	[hbm4b:s31+s3] =	stream.linear.scatter [tilespmem:s22], [sflag:$0x5], $0x6400, $0x38;
	[tilespmem:$0x19400] =	vst v63  }
0x88: {  	_ =	swait.ge [sflag:s15], $0x6400  }
0x89: {  	[sflag:s15] =	ssyncset.done $0x0  }
0x8a: {  	[sflag:s15] =	ssyncadd.s32 $0xFFFF9C00  }
0x8b: {  	_ =	swait.ge [sflag:s24], $0x6400  }
0x8c: {  	[sflag:s24] =	ssyncset.done $0x0  }
0x8d: {  	[sflag:s24] =	ssyncadd.s32 $0xFFFF9C00  }
0x8e: {  	_ =	swait.ge [sflag:s25], $0x6400  }
0x8f: {  	[sflag:s25] =	ssyncset.done $0x0  }
0x90: {  	s0 =	simm.s32 $0x0;
	s1 =	simm.s32 $0x200;
	[sflag:s25] =	ssyncadd.s32 $0xFFFF9C00  }
.LBB2_8:
0x91: {  	p0 =	sne.s32 s1, $0x18E00;
	v0 =	vld [tilespmem:s0+$0x6670]  }
0x92: {  	v1 =	vld [tilespmem:s0+$0x6600]  }
0x93: {  	v2 =	vld [tilespmem:s0+$0x6610]  }
0x94: {  	v3 =	vld [tilespmem:s0+$0x6620]  }
0x95: {  	v4 =	vld [tilespmem:s0+$0x6630]  }
0x96: {  	[tilespmem:s0+$0x270] =	vst.add.f32.msk $0xffff, v0  }
0x97: {  	v0 =	vld [tilespmem:s0+$0x6640]  }
0x98: {  	v5 =	vld [tilespmem:s0+$0x6650]  }
0x99: {  	v6 =	vld [tilespmem:s0+$0x6660]  }
0x9a: {  	[tilespmem:s0+$0x200] =	vst.add.f32.msk $0xffff, v1  }
0x9b: {  	[tilespmem:s0+$0x210] =	vst.add.f32.msk $0xffff, v2  }
.Ltmp3:
0x9c: {  	[tilespmem:s0+$0x220] =	vst.add.f32.msk $0xffff, v3;
	(pc) =	sbr.rel @p0 .LBB2_8-.Ltmp3, $4  }
0x9d: {  	[tilespmem:s0+$0x230] =	vst.add.f32.msk $0xffff, v4  }
0x9e: {  	[tilespmem:s0+$0x240] =	vst.add.f32.msk $0xffff, v0  }
0x9f: {  	[tilespmem:s0+$0x250] =	vst.add.f32.msk $0xffff, v5  }
0xa0: {  	[tilespmem:s0+$0x260] =	vst.add.f32.msk $0xffff, v6;
	s0 =	sshra.s32 s1, $0x2;
	s1 =	sadd.s32 $0x200, s1  }
0xa1: {  	v0 =	vld [tilespmem:s0+$0x6670]  }
0xa2: {  	v1 =	vld [tilespmem:s0+$0x6600]  }
0xa3: {  	v2 =	vld [tilespmem:s0+$0x6610]  }
0xa4: {  	v3 =	vld [tilespmem:s0+$0x6620]  }
0xa5: {  	v4 =	vld [tilespmem:s0+$0x6630]  }
0xa6: {  	v63 =	vld [tilespmem:s0+$0x6640]  }
0xa7: {  	v5 =	vld [tilespmem:s0+$0x6650]  }
0xa8: {  	v6 =	vld [tilespmem:s0+$0x6660]  }
0xa9: {  	[tilespmem:s0+$0x270] =	vst.add.f32.msk $0xffff, v0  }
0xaa: {  	[tilespmem:s0+$0x200] =	vst.add.f32.msk $0xffff, v1  }
0xab: {  	[tilespmem:s0+$0x210] =	vst.add.f32.msk $0xffff, v2  }
0xac: {  	[tilespmem:s0+$0x220] =	vst.add.f32.msk $0xffff, v3  }
0xad: {  	[tilespmem:s0+$0x230] =	vst.add.f32.msk $0xffff, v4  }
0xae: {  	s29 =	sadd.s32 $0x1, s29;
	[tilespmem:s0+$0x240] =	vst.add.f32.msk $0xffff, v63  }
0xaf: {  	p0 =	sne.s32 s29, s14;
	[tilespmem:s0+$0x250] =	vst.add.f32.msk $0xffff, v5  }
.Ltmp4:
0xb0: {  	[tilespmem:s0+$0x260] =	vst.add.f32.msk $0xffff, v6;
	(pc) =	sbr.rel @p0 .LBB2_1-.Ltmp4, $4  }
0xb1: {  	[hbm4b:s13+s3] =	stream.linear.scatter [tilespmem:s18], [sflag:$0x5], $0x6400, $0x38;
	[tilespmem:$0x19400] =	vst v63  }
0xb2: {  	_ =	swait.ge [sflag:s15], $0x6400  }
0xb3: {  	[sflag:s15] =	ssyncset.done $0x0  }
0xb4: {  	[sflag:s15] =	ssyncadd.s32 $0xFFFF9C00  }
0xb5: {  	_ =	sfence.sel $0x180000  }
0xb6: {  	[bflag:$0x0] =	sbarrier.arrive $0xFFFF  }
0xb7: {  	_ =	strace $0x90000047  }
0xb8: {  	s0 =	stileid.u32;
	[bflag:$0x2] =	sbarrier.arrive $0xFFFF  }
0xb9: {  	p0 =	sne.s32 s0, $0x0;
	s0 =	rddreg [dreg:$0x2]  }
0xba: {  	s0 =	sadd.s32 @!p0 $0x100000, s0  }
0xbb: {  	[sflag:s0] =	ssyncadd.tile.s32 @!p0 $0x1;
	_ =	shalt  }
.Lfunc_end2:
_tile_overlayer_lowered:
.L_overlay_start_2:
0xbc: {  	(tag) =	ssettag $0x2  }
0xbd: {  	s0 =	rddreg [dreg:$0x0];
	s2 =	stileid.u32  }
0xbe: {  	s1 =	rddreg [dreg:$0x1];
	p0 =	sne.s32 s2, $0x0  }
0xbf: {  	s3 =	rddreg [dreg:$0x2];
	[bflag:$0x3] =	sbarrier.arrive $0xFFFF;
	s2 =	simm.s32 @!p0 $0x1C05  }
0xc0: {  	[timem:s3], [sflag:s2] =	dma.local @!p0 [hbm:s0], s1  }
0xc1: {  	s0 =	simm.s32 @!p0 $0x5  }
0xc2: {  	_ =	swait.ge @!p0 [sflag:s0], s1  }
0xc3: {  	s1 =	ssub.s32 @!p0 $0x0, s1;
	[sflag:s0] =	ssyncset.done @!p0 $0x0  }
0xc4: {  	[sflag:s0] =	ssyncadd.s32 @!p0 s1  }
0xc5: {  	[bflag:$0x3] =	sbarrier.arrive $0xFFFF  }
0xc6: {  	_ =	shalt  }

// kernel: kernel.18.cloned.1.call-start
scs
__scs_entry_jumppad:
0x0: {  	(pc) =	sbr.rel $0x88, $3  }
0x1: {  	(tag) =	ssettag $0x0;
	lr =	simm.s32 $0x1  }
0x2: {  	[smem:$0x3F90] =	sst lr;
	_ =	strace $0xD0000000  }
0x3: {  	_ = 	snop  }
0x4: {  	_ = 	snop  }
0x5: {  	_ = 	snop  }
0x6: {  	_ = 	snop  }
0x7: {  	_ = 	snop  }
__scs_overlays_trampoline_lowered:
0x8: {  	[smem:$0x3F9F] =	sst s0  }
0x9: {  	[smem:$0x3FA0] =	sst s1  }
0xa: {  	[smem:$0x3FA1] =	sst s2  }
0xb: {  	[smem:$0x3FA2] =	sst s3  }
0xc: {  	[smem:$0x3FA3] =	sst s4  }
0xd: {  	[smem:$0x3FA4] =	sst s5  }
0xe: {  	[smem:$0x3FA5] =	sst s6  }
0xf: {  	[smem:$0x3FA6] =	sst s7  }
0x10: {  	[smem:$0x3FA7] =	sst s8  }
0x11: {  	[smem:$0x3FA8] =	sst s9;
	s0 =	simm.s32 @!p0 $0x0  }
0x12: {  	s1 =	sld [smem:$0x3F8E];
	s0 =	simm.s32 @p0 $0x1  }
0x13: {  	[smem:$0x3FA9] =	sst s0;
	s0 =	simm.s32 @!p1 $0x0  }
0x14: {  	s2 =	sld [smem:$0x3F8D];
	s0 =	simm.s32 @p1 $0x1  }
0x15: {  	[smem:$0x3FAA] =	sst s0;
	s0 =	simm.s32 @!p2 $0x0  }
0x16: {  	s3 =	sld [smem:$0x3FDB];
	s0 =	simm.s32 @p2 $0x1  }
0x17: {  	s4 =	simm.s32 $0x1BF5;
	[smem:$0x3FAC] =	sst s0  }
0x18: {  	s0 =	sld [smem:$0x3F8F];
	_ =	swait.ge [sflag:s4], $0x0  }
0x19: {  	s7 =	sld [smem:$0x3F90]  }
0x1a: {  	s8 =	sadd.s32 $0xFFFFE003, lr  }
0x1b: {  	s9 =	sadd.s32 $0xFFFFFEF7, lr;
	s5 =	simm.s32 $0xFFFFFFFF;
	p2 =	slt.u32 s8, $0xFFFFF086  }
0x1c: {  	p1 =	slt.u32 s9, $0xF7A;
	s5 =	simm.s32 @!p2 $0x0  }
0x1d: {  	s5 =	simm.s32 @p1 $0x1;
	p0 =	seq.s32 s7, s2  }
0x1e: {  	s7 =	smul.u32 @!p0 $0xF7A, s2;
	p2 =	seq.s32 @!p0 s5, $0x0  }
0x1f: {  	s9 =	smul.u32 $0xF7A, s1;
	s8 =	simm.s32 @!p0 $0x1BF5;
	p2 =	por !p2, p0  }
0x20: {  	[sflag:s8] =	ssyncset.s32 @!p0 $0xFFFFF086;
	s6 =	sadd.s32 @!p0 s3, s7;
	s7 =	simm.s32 @!p0 $0x108  }
0x21: {  	s3 =	sadd.s32 s3, s9;
	s6 =	sadd.s32 @!p0 $0x88, s6;
	s7 =	simm.s32 @p2 $0x1082  }
0x22: {  	[simem:s7], [sflag:s8] =	dma.local @!p0 [hbm:s6], $0xF7A  }
0x23: {  	s9 =	sor.u32 $0xD0000000, s2;
	s6 =	simm.s32 $0x108;
	_ =	swait.ge @!p0 [sflag:s8], $0x0  }
0x24: {  	s3 =	sadd.s32 $0x88, s3;
	s6 =	simm.s32 @!p1 $0x1082;
	[sflag:s4] =	ssyncset.s32 $0xFFFFF086  }
0x25: {  	[simem:s6], [sflag:s4] =	dma.local [hbm:s3], $0xF7A  }
0x26: {  	[smem:$0x3F90] =	sst s1;
	(tag) =	ssettag s2;
	_ =	strace s9  }
0x27: {  	s1 =	sld [smem:$0x3FA0]  }
0x28: {  	s2 =	sld [smem:$0x3FA1]  }
0x29: {  	s4 =	sld [smem:$0x3FA3]  }
0x2a: {  	p0 =	seq.s32 s5, $0x0;
	s5 =	sld [smem:$0x3FA4]  }
0x2b: {  	s6 =	sld [smem:$0x3FA5]  }
0x2c: {  	s7 =	sld [smem:$0x3FA6]  }
0x2d: {  	s3 =	simm.s32 $0x108;
	s8 =	sld [smem:$0x3FA7]  }
0x2e: {  	s3 =	simm.s32 @!p0 $0x1082;
	s9 =	sld [smem:$0x3FA8]  }
0x2f: {  	lr =	sadd.s32 s0, s3;
	s0 =	sld [smem:$0x3F9F]  }
0x30: {  	s3 =	sld [smem:$0x3FA2]  }
0x31: {  	[smem:$0x3FAB] =	sst s10  }
0x32: {  	s10 =	sld [smem:$0x3FA9];
	_ =	sdelay $0x3  }
0x33: {  	p0 =	seq.s32 s10, $0x1;
	s10 =	sld [smem:$0x3FAB];
	_ =	sdelay $0x3  }
0x34: {  	[smem:$0x3FAB] =	sst s10  }
0x35: {  	s10 =	sld [smem:$0x3FAA];
	_ =	sdelay $0x3  }
0x36: {  	p1 =	seq.s32 s10, $0x1;
	s10 =	sld [smem:$0x3FAB];
	_ =	sdelay $0x3  }
0x37: {  	[smem:$0x3FAB] =	sst s10  }
0x38: {  	s10 =	sld [smem:$0x3FAC]  }
0x39: {  	_ = 	snop;
	(pc) =	sbr.ind lr, $3  }
0x3a: {  	_ = 	snop  }
0x3b: {  	_ = 	snop  }
0x3c: {  	p2 =	seq.s32 s10, $0x1;
	s10 =	sld [smem:$0x3FAB]  }
0x3d: {  	_ =	shalt  }
0x3e: {  	_ =	shalt  }
0x3f: {  	_ =	shalt  }
0x40: {  	_ =	shalt  }
0x41: {  	_ =	shalt  }
0x42: {  	_ =	shalt  }
0x43: {  	_ =	shalt  }
0x44: {  	_ =	shalt  }
0x45: {  	_ =	shalt  }
0x46: {  	_ =	shalt  }
0x47: {  	_ =	shalt  }
0x48: {  	_ =	shalt  }
0x49: {  	_ =	shalt  }
0x4a: {  	_ =	shalt  }
0x4b: {  	_ =	shalt  }
0x4c: {  	_ =	shalt  }
0x4d: {  	_ =	shalt  }
0x4e: {  	_ =	shalt  }
0x4f: {  	_ =	shalt  }
0x50: {  	_ =	shalt  }
0x51: {  	_ =	shalt  }
0x52: {  	_ =	shalt  }
0x53: {  	_ =	shalt  }
0x54: {  	_ =	shalt  }
0x55: {  	_ =	shalt  }
0x56: {  	_ =	shalt  }
0x57: {  	_ =	shalt  }
0x58: {  	_ =	shalt  }
0x59: {  	_ =	shalt  }
0x5a: {  	_ =	shalt  }
0x5b: {  	_ =	shalt  }
0x5c: {  	_ =	shalt  }
0x5d: {  	_ =	shalt  }
0x5e: {  	_ =	shalt  }
0x5f: {  	_ =	shalt  }
0x60: {  	_ =	shalt  }
0x61: {  	_ =	shalt  }
0x62: {  	_ =	shalt  }
0x63: {  	_ =	shalt  }
0x64: {  	_ =	shalt  }
0x65: {  	_ =	shalt  }
0x66: {  	_ =	shalt  }
0x67: {  	_ =	shalt  }
0x68: {  	_ =	shalt  }
0x69: {  	_ =	shalt  }
0x6a: {  	_ =	shalt  }
0x6b: {  	_ =	shalt  }
0x6c: {  	_ =	shalt  }
0x6d: {  	_ =	shalt  }
0x6e: {  	_ =	shalt  }
0x6f: {  	_ =	shalt  }
0x70: {  	_ =	shalt  }
0x71: {  	_ =	shalt  }
0x72: {  	_ =	shalt  }
0x73: {  	_ =	shalt  }
0x74: {  	_ =	shalt  }
0x75: {  	_ =	shalt  }
0x76: {  	_ =	shalt  }
0x77: {  	_ =	shalt  }
0x78: {  	_ =	shalt  }
0x79: {  	_ =	shalt  }
0x7a: {  	_ =	shalt  }
0x7b: {  	_ =	shalt  }
0x7c: {  	_ =	shalt  }
0x7d: {  	_ =	shalt  }
0x7e: {  	_ =	shalt  }
0x7f: {  	_ =	shalt  }
0x80: {  	_ =	shalt  }
0x81: {  	_ =	shalt  }
0x82: {  	_ =	shalt  }
0x83: {  	_ =	shalt  }
0x84: {  	_ =	shalt  }
0x85: {  	_ =	shalt  }
0x86: {  	_ =	shalt  }
0x87: {  	_ =	shalt  }
.Lfunc_end0:
.L_simem_size_0:
called_computation.2_lowered:
.L_overlay_start_0:
0x88: {  	s2 =	sld [smem:$0x3FD9]  }
0x89: {  	s3 =	sld [smem:$0x3FFE];
	_ =	sdelay $0x1  }
0x8a: {  	s1 =	srdreg.scid  }
0x8b: {  	s0 =	sand.u32 $0x1, s1  }
0x8c: {  	s16 =	sshll.u32 s0, $0xA;
	s2 =	sadd.s32 s3, s2  }
0x8d: {  	s2 =	sadd.s32 s2, s16  }
0x8e: {  	[smem:$0x3FB7] =	sst s2  }
0x8f: {  	_ = 	snop  }
0x90: {  	(tm) =	ssettm $0x1  }
0x91: {  	s17 =	sld [smem:$0x3FFB];
	_ =	sdelay $0x3  }
0x92: {  	_ =	strace s17  }
0x93: {  	s2 =	sld [smem:$0x3FFC];
	_ =	sdelay $0x3  }
0x94: {  	_ =	strace s2  }
0x95: {  	s2 =	sld [smem:$0x3FFD];
	_ =	sdelay $0x3  }
0x96: {  	_ =	strace s2  }
0x97: {  	_ =	strace $0x8FFFFFFF  }
0x98: {  	s18 =	sld [smem:$0x3FDB];
	_ =	sdelay $0x1  }
0x99: {  	s19 =	simm.s32 $_scs_section_size  }
0x9a: {  	s4 =	simm.s32 $_size__tile_overlayer_lowered;
	s5 =	simm.s32 $_tile_overlayer_lowered  }
0x9b: {  	s22 =	simm.s32 $0x1BFF;
	s21 =	sshll.u32 s5, $0x1;
	s2 =	sadd.s32 s19, s18  }
0x9c: {  	s6 =	simm.s32 $0x0;
	s20 =	sshll.u32 s4, $0x1;
	s4 =	sadd.s32 s21, s2  }
0x9d: {  	[timem:s6], [sflag:s22] =	dma.local [hbm:s4], s20  }
0x9e: {  	_ =	swait.ge [sflag:s22], s20  }
0x9f: {  	s3 =	ssub.s32 $0x0, s20;
	[sflag:s22] =	ssyncset.done $0x0  }
0xa0: {  	[sflag:s22] =	ssyncadd.s32 s3;
	_ =	sdelay $0x1  }
0xa1: {  	s23 =	simm.s32 $0x1B8B  }
0xa2: {  	_ =	swait.ge [sflag:s23], $0x1  }
0xa3: {  	[sflag:s23] =	ssyncset.done $0x0  }
0xa4: {  	s25 =	simm.s32 $0x1B8E;
	s24 =	sld [smem:$0x3FFE];
	[sflag:s23] =	ssyncadd.s32 $0xFFFFFFFF  }
0xa5: {  	s26 =	simm.s32 $execute0_lowered;
	[smem:$0x3FD2] =	sst s25  }
0xa6: {  	s4 =	sshll.u32 s26, $0x1;
	_ =	strace $0x8000004C;
	[dreg:$0x1] =	wrdreg $0xFFFFFFFF  }
0xa7: {  	s28 =	simm.s32 $_size_execute0_lowered;
	s2 =	sadd.s32 s2, s4;
	[dreg:$0x0] =	wrdreg $0x0  }
0xa8: {  	s4 =	sshll.u32 s28, $0x1;
	[dreg:$0x2] =	wrdreg s2  }
0xa9: {  	[dreg:$0x3] =	wrdreg s4  }
0xaa: {  	[dreg:$0x4] =	wrdreg $0xC0  }
0xab: {  	_ =	task [dreg:s6], $0x5FFFF  }
0xac: {  	[dreg:$0x1] =	wrdreg $0xFFFFFFFF  }
0xad: {  	[dreg:$0x0] =	wrdreg $0x60  }
0xae: {  	[dreg:$0x2] =	wrdreg s24  }
0xaf: {  	[dreg:$0x3] =	wrdreg $0xA2000  }
0xb0: {  	[dreg:$0x4] =	wrdreg $0x9  }
0xb1: {  	_ =	task.clear_ibuf [dreg:s6], $0x5FFFF;
	_ =	strace $0x9000004C  }
0xb2: {  	s29 =	simm.s32 $0x9;
	_ =	strace $0x8000004E  }
0xb3: {  	_ =	swait.ge [sflag:s29], $0x1  }
0xb4: {  	[sflag:s29] =	ssyncadd.s32 $0xFFFFFFFF  }
0xb5: {  	_ =	strace $0x9000004E  }
0xb6: {  	_ =	sfence  }
0xb7: {  	s30 =	sld [smem:$0x0];
	_ =	sdelay $0x2  }
0xb8: {  	s31 =	sshll.u32 s1, $0xD;
	s1 =	sshrl.u32 s1, $0x2  }
0xb9: {  	s3 =	sand.u32 $0x4000, s31;
	s1 =	sadd.s32 s1, s30  }
0xba: {  	s0 =	sor.u32 s3, s0;
	s1 =	sshll.u32 s1, $0x11  }
0xbb: {  	s0 =	sor.u32 s1, s0  }
0xbc: {  	s0 =	sadd.s32 $0x8F2B, s0  }
0xbd: {  	[sflag:s0] =	ssyncadd.remote.s32 $0x1  }
0xbe: {  	_ =	sfence.sel $0xFFFF  }
0xbf: {  	[dreg:$0x0] =	wrdreg $0xFFFFFFFF;
	(pc) =	sbr.abs _section_cstart, $3  }
0xc0: {  	[dreg:$0x1] =	wrdreg $0xFFFFFFFF  }
0xc1: {  	_ =	task.clear_ibuf [dreg:s6], $0x2FFFF;
	_ =	strace $0x9FFFFFFF  }
0xc2: {  	(tm) =	ssettm $0x7FFFFFFF  }
0xc3: {  	_ =	shalt  }
tec
execute0_lowered:
.L_overlay_start_1:
0x0: {  	(tag) =	ssettag $0x1  }
0x1: {  	s8 =	rddreg [dreg:$0x0]  }
0x2: {  	s1 =	rddreg [dreg:$0x1]  }
0x3: {  	s0 =	rddreg [dreg:$0x2]  }
0x4: {  	s2 =	simm.s32 $0x0;
	s6 =	srdreg.scid;
	s22 =	stileid.u32  }
0x5: {  	s14 =	simm.s32 $0x200;
	s15 =	simm.s32 $0xA0;
	s16 =	simm.s32 $0x5200  }
0x6: {  	s17 =	simm.s32 $0x1;
	s18 =	simm.s32 $0x2;
	s30 =	simm.s32 $0x0  }
0x7: {  	[smem:$0x7FF] =	sst s2;
	s3 =	sadd.s32 $0x547000, s8;
	s4 =	sadd.s32 $0x33E00, s8  }
0x8: {  	s5 =	sadd.s32 $0x2D1000, s8;
	s9 =	sand.u32 $0x1, s6;
	s6 =	sadd.s32 $0x2CC000, s8  }
0x9: {  	s13 =	smul.u32 $0x4F000, s22;
	s7 =	sadd.s32 $0xCC00, s8;
	s29 =	sshll.u32 s22, $0x1  }
0xa: {  	s24 =	smul.u32 $0x2780, s22;
	s20 =	sadd.s32 $0x128400, s1;
	p0 =	sne.s32 s22, $0x0  }
0xb: {  	p1 =	seq.s32 s22, $0xF;
	_ =	strace $0x8000004D;
	s10 =	smul.u32 $0x27100, s9  }
0xc: {  	s11 =	ssub.s32 $0x2, s9;
	s20 =	sshrl.u32 @p1 s20, $0x3;
	s22 =	sshll.u32 @!p1 s22, $0x6  }
0xd: {  	s12 =	sshrl.u32 s11, $0x1;
	s31 =	sshrl.u32 s13, $0x2;
	s13 =	simm.s32 $0x3  }
0xe: {  	s22 =	sor.u32 @!p1 $0x1C03, s22;
	s8 =	sadd.s32 s10, s8;
	s28 =	ssub.s32 s11, s12  }
0xf: {  	s23 =	sadd.s32 s31, s1;
	s11 =	sshrl.u32 @!p0 s1, $0x3;
	s12 =	simm.s32 $0x100  }
0x10: {  	s21 =	sadd.s32 $0x2D6000, s8;
	s8 =	sor.u32 s29, s9;
	s10 =	smax.u32 s28, $0x1  }
0x11: {  	s23 =	sshrl.u32 @!p1 s23, $0x3;
	s9 =	ssub.s32 $0x407, s8;
	s19 =	sadd.s32 @p1 $0x25080, s21  }
0x12: {  	s21 =	sadd.s32 @!p1 s24, s21;
	s24 =	simm.s32 $0x0;
	s9 =	sshrl.u32 s9, $0x5  }
.LBB2_1:
0x13: {  	s25 =	simm.s32 @!p0 $0x1C03  }
0x14: {  	[spmem:s11], [sflag:s25] =	dma.local @!p0 [hbm:s7], $0x27100  }
0x15: {  	s25 =	simm.s32 @!p0 $0x3  }
0x16: {  	_ =	swait.ge @!p0 [sflag:s25], $0x27100  }
0x17: {  	[sflag:s25] =	ssyncset.done @!p0 $0x0  }
0x18: {  	[sflag:s25] =	ssyncadd.s32 @!p0 $0xFFFD8F00  }
0x19: {  	s25 =	simm.s32 $0x0;
	[bflag:$0x0] =	sbarrier.arrive $0xFFFF  }
.LBB2_2:
0x1a: {  	s26 =	sshll.u32 s25, $0x5  }
0x1b: {  	s26 =	sor.u32 s8, s26  }
0x1c: {  	s28 =	smul.u32 $0xA0, s26;
	_ =	sdelay $0x1  }
0x1d: {  	s28 =	sshrl.u32 s28, $0x3  }
0x1e: {  	s26 =	smul.u32 $0x5000, s26;
	s29 =	sadd.s32 s6, s28  }
0x1f: {  	[tilespmem:s12], [sflag:$0x3] =	stream.linear.gather [hbm4b:s29+s30], $0xA0, $0x38;
	[tilespmem:$0x1DA80] =	vst v63  }
0x20: {  	_ =	swait.ge [sflag:s13], $0xA0  }
0x21: {  	s26 =	sshrl.u32 s26, $0x3;
	[sflag:s13] =	ssyncset.done $0x0  }
0x22: {  	s26 =	sadd.s32 s3, s26;
	[sflag:s13] =	ssyncadd.s32 $0xFFFFFF60  }
0x23: {  	[tilespmem:s14], [sflag:$0x1] =	stream.linear.gather [hbm4b:s26+s30], $0x5000, $0x38;
	[tilespmem:$0x1DA80] =	vst v63  }
0x24: {  	_ = 	snop  }
0x25: {  	[tilespmem:s16], [sflag:$0x2] =	stream.indirect.gather [hbm4b:s4+s15], $0x80, s12, s15, $0xb8;
	[tilespmem:$0x1DA80] =	vst v63  }
0x26: {  	s31 =	sadd.s32 s5, s28  }
0x27: {  	[tilespmem:s30], [sflag:$0x3] =	stream.linear.gather [hbm4b:s31+s30], $0xA0, $0x38;
	[tilespmem:$0x1DA80] =	vst v63  }
0x28: {  	_ =	swait.ge [sflag:s13], $0xA0  }
0x29: {  	[sflag:s13] =	ssyncset.done $0x0  }
0x2a: {  	[sflag:s13] =	ssyncadd.s32 $0xFFFFFF60  }
0x2b: {  	_ =	swait.ge [sflag:s17], $0x5000  }
0x2c: {  	[sflag:s17] =	ssyncset.done $0x0  }
0x2d: {  	[sflag:s17] =	ssyncadd.s32 $0xFFFFB000  }
0x2e: {  	_ =	swait.ge [sflag:s18], $0x5000  }
0x2f: {  	[sflag:s18] =	ssyncset.done $0x0  }
0x30: {  	s26 =	simm.s32 $0x0;
	[sflag:s18] =	ssyncadd.s32 $0xFFFFB000  }
0x31: {  	v7 =	vld [tilespmem:s26+$0x5200]  }
0x32: {  	v11 =	vld [tilespmem:s26+$0x5210]  }
0x33: {  	v5 =	vld [tilespmem:s26+$0x5220]  }
0x34: {  	v4 =	vld [tilespmem:s26+$0x5230]  }
0x35: {  	v3 =	vld [tilespmem:s26+$0x5240]  }
0x36: {  	v2 =	vld [tilespmem:s26+$0x5250]  }
0x37: {  	v1 =	vld [tilespmem:s26+$0x5260]  }
0x38: {  	v0 =	vld [tilespmem:s26+$0x5270]  }
0x39: {  	v12 =	vld [tilespmem:s26+$0x200]  }
0x3a: {  	v13 =	vld [tilespmem:s26+$0x210]  }
0x3b: {  	v10 =	vld [tilespmem:s26+$0x220]  }
0x3c: {  	v9 =	vld [tilespmem:s26+$0x230]  }
0x3d: {  	v8 =	vld [tilespmem:s26+$0x240]  }
0x3e: {  	v6 =	vld [tilespmem:s26+$0x250];
	v12 =	vmul.f32 v7, v12  }
0x3f: {  	s28 =	simm.s32 $0x200;
	v11 =	vmul.f32 v11, v13;
	v7 =	vld [tilespmem:s26+$0x260]  }
.LBB2_3:
0x40: {  	s29 =	sshra.s32 s28, $0x2;
	p2 =	sne.s32 s28, $0x13E00;
	[tilespmem:s26+$0x200] =	vst v12;
	v5 =	vmul.f32 v5, v10;
	v10 =	vld [tilespmem:s26+$0x270]  }
0x41: {  	v12 =	vld [tilespmem:s29+$0x5200];
	[tilespmem:s26+$0x210] =	vst v11;
	v4 =	vmul.f32 v4, v9  }
0x42: {  	v11 =	vld [tilespmem:s29+$0x5210];
	[tilespmem:s26+$0x220] =	vst v5;
	v3 =	vmul.f32 v3, v8  }
0x43: {  	v5 =	vld [tilespmem:s29+$0x5220];
	[tilespmem:s26+$0x230] =	vst v4;
	v2 =	vmul.f32 v2, v6  }
0x44: {  	v4 =	vld [tilespmem:s29+$0x5230];
	[tilespmem:s26+$0x240] =	vst v3;
	v1 =	vmul.f32 v1, v7  }
0x45: {  	v3 =	vld [tilespmem:s29+$0x5240];
	[tilespmem:s26+$0x250] =	vst v2;
	v0 =	vmul.f32 v0, v10  }
0x46: {  	v2 =	vld [tilespmem:s29+$0x5250];
	[tilespmem:s26+$0x260] =	vst v1  }
0x47: {  	v1 =	vld [tilespmem:s29+$0x5260];
	[tilespmem:s26+$0x270] =	vst v0;
	s26 =	smov.u32 s29  }
0x48: {  	v0 =	vld [tilespmem:s26+$0x5270]  }
0x49: {  	v6 =	vld [tilespmem:s26+$0x200]  }
0x4a: {  	v7 =	vld [tilespmem:s26+$0x210]  }
.Ltmp0:
0x4b: {  	v10 =	vld [tilespmem:s26+$0x220];
	(pc) =	sbr.rel @p2 .LBB2_3-.Ltmp0, $4  }
0x4c: {  	v9 =	vld [tilespmem:s26+$0x230]  }
0x4d: {  	v8 =	vld [tilespmem:s26+$0x240]  }
0x4e: {  	v12 =	vmul.f32 v12, v6;
	v6 =	vld [tilespmem:s26+$0x250]  }
0x4f: {  	s28 =	sadd.s32 $0x200, s28;
	v11 =	vmul.f32 v11, v7;
	v7 =	vld [tilespmem:s26+$0x260]  }
0x50: {  	[tilespmem:s26+$0x200] =	vst v12;
	v5 =	vmul.f32 v5, v10;
	v63 =	vld [tilespmem:s26+$0x270]  }
0x51: {  	[tilespmem:s26+$0x210] =	vst v11;
	v4 =	vmul.f32 v4, v9  }
0x52: {  	[tilespmem:s26+$0x220] =	vst v5;
	v3 =	vmul.f32 v3, v8  }
0x53: {  	[tilespmem:s26+$0x230] =	vst v4;
	v2 =	vmul.f32 v2, v6  }
0x54: {  	[tilespmem:s26+$0x240] =	vst v3;
	v1 =	vmul.f32 v1, v7  }
0x55: {  	s25 =	sadd.s32 $0x1, s25;
	[tilespmem:s26+$0x250] =	vst v2;
	v0 =	vmul.f32 v0, v63  }
0x56: {  	p2 =	sne.s32 s25, s9;
	[tilespmem:s26+$0x260] =	vst v1  }
.Ltmp1:
0x57: {  	[tilespmem:s26+$0x270] =	vst v0;
	(pc) =	sbr.rel @p2 .LBB2_2-.Ltmp1, $4  }
0x58: {  	[spmem:s1] =	stream.indirect.scatter.add.f32 [tilespmem:s14], [sflag:$0x3], $0x80, s2, s15, $0xb8;
	[tilespmem:$0x1DA80] =	vst v63  }
0x59: {  	_ =	swait.ge [sflag:s13], $0x5000  }
0x5a: {  	[sflag:s13] =	ssyncset.done $0x0  }
0x5b: {  	[sflag:s13] =	ssyncadd.s32 $0xFFFFB000  }
0x5c: {  	[bflag:$0x0] =	sbarrier.arrive $0xFFFF;
	s25 =	simm.s32 @p1 $0x1FC3  }
0x5d: {  	[hbm:s19], [sflag:s25] =	dma.local @p1 [spmem:s20], $0x2080  }
0x5e: {  	s25 =	simm.s32 @p1 $0x3  }
0x5f: {  	s24 =	sadd.s32 $0x1, s24;
	_ =	swait.ge @p1 [sflag:s25], $0x2080  }
0x60: {  	p2 =	sne.s32 s24, s10;
	[sflag:s25] =	ssyncset.done @p1 $0x0  }
.Ltmp2:
0x61: {  	[sflag:s25] =	ssyncadd.s32 @p1 $0xFFFFDF80;
	s25 =	simm.s32 @!p1 $0x3;
	(pc) =	sbr.rel @p2 .LBB2_1-.Ltmp2, $4  }
0x62: {  	[hbm:s21], [sflag:s22] =	dma.local @!p1 [spmem:s23], $0x2780  }
0x63: {  	_ =	swait.ge @!p1 [sflag:s25], $0x2780  }
0x64: {  	[sflag:s25] =	ssyncset.done @!p1 $0x0  }
0x65: {  	[sflag:s25] =	ssyncadd.s32 @!p1 $0xFFFFD880  }
0x66: {  	_ =	sfence.sel $0x180000  }
0x67: {  	[bflag:$0x0] =	sbarrier.arrive $0xFFFF  }
0x68: {  	_ =	strace $0x9000004D  }
0x69: {  	s0 =	sadd.s32 @!p0 $0x100000, s0;
	[bflag:$0x2] =	sbarrier.arrive $0xFFFF  }
0x6a: {  	[sflag:s0] =	ssyncadd.tile.s32 @!p0 $0x1;
	_ =	shalt  }
.Lfunc_end2:
_tile_overlayer_lowered:
.L_overlay_start_2:
0x6b: {  	(tag) =	ssettag $0x2  }
0x6c: {  	s0 =	rddreg [dreg:$0x0];
	s2 =	stileid.u32  }
0x6d: {  	s1 =	rddreg [dreg:$0x1];
	p0 =	sne.s32 s2, $0x0  }
0x6e: {  	s3 =	rddreg [dreg:$0x2];
	[bflag:$0x3] =	sbarrier.arrive $0xFFFF;
	s2 =	simm.s32 @!p0 $0x1C03  }
0x6f: {  	[timem:s3], [sflag:s2] =	dma.local @!p0 [hbm:s0], s1  }
0x70: {  	s0 =	simm.s32 @!p0 $0x3  }
0x71: {  	_ =	swait.ge @!p0 [sflag:s0], s1  }
0x72: {  	s1 =	ssub.s32 @!p0 $0x0, s1;
	[sflag:s0] =	ssyncset.done @!p0 $0x0  }
0x73: {  	[sflag:s0] =	ssyncadd.s32 @!p0 s1  }
0x74: {  	[bflag:$0x3] =	sbarrier.arrive $0xFFFF  }
0x75: {  	_ =	shalt  }

// kernel: kernel.21.cloned.1.call-start
scs
__scs_entry_jumppad:
0x0: {  	(pc) =	sbr.rel $0x88, $3  }
0x1: {  	(tag) =	ssettag $0x0;
	lr =	simm.s32 $0x1  }
0x2: {  	[smem:$0x3F90] =	sst lr;
	_ =	strace $0xD0000000  }
0x3: {  	_ = 	snop  }
0x4: {  	_ = 	snop  }
0x5: {  	_ = 	snop  }
0x6: {  	_ = 	snop  }
0x7: {  	_ = 	snop  }
__scs_overlays_trampoline_lowered:
0x8: {  	[smem:$0x3F9F] =	sst s0  }
0x9: {  	[smem:$0x3FA0] =	sst s1  }
0xa: {  	[smem:$0x3FA1] =	sst s2  }
0xb: {  	[smem:$0x3FA2] =	sst s3  }
0xc: {  	[smem:$0x3FA3] =	sst s4  }
0xd: {  	[smem:$0x3FA4] =	sst s5  }
0xe: {  	[smem:$0x3FA5] =	sst s6  }
0xf: {  	[smem:$0x3FA6] =	sst s7  }
0x10: {  	[smem:$0x3FA7] =	sst s8  }
0x11: {  	[smem:$0x3FA8] =	sst s9;
	s0 =	simm.s32 @!p0 $0x0  }
0x12: {  	s1 =	sld [smem:$0x3F8E];
	s0 =	simm.s32 @p0 $0x1  }
0x13: {  	[smem:$0x3FA9] =	sst s0;
	s0 =	simm.s32 @!p1 $0x0  }
0x14: {  	s2 =	sld [smem:$0x3F8D];
	s0 =	simm.s32 @p1 $0x1  }
0x15: {  	[smem:$0x3FAA] =	sst s0;
	s0 =	simm.s32 @!p2 $0x0  }
0x16: {  	s3 =	sld [smem:$0x3FDB];
	s0 =	simm.s32 @p2 $0x1  }
0x17: {  	s4 =	simm.s32 $0x1BF5;
	[smem:$0x3FAC] =	sst s0  }
0x18: {  	s0 =	sld [smem:$0x3F8F];
	_ =	swait.ge [sflag:s4], $0x0  }
0x19: {  	s7 =	sld [smem:$0x3F90]  }
0x1a: {  	s8 =	sadd.s32 $0xFFFFE003, lr  }
0x1b: {  	s9 =	sadd.s32 $0xFFFFFEF7, lr;
	s5 =	simm.s32 $0xFFFFFFFF;
	p2 =	slt.u32 s8, $0xFFFFF086  }
0x1c: {  	p1 =	slt.u32 s9, $0xF7A;
	s5 =	simm.s32 @!p2 $0x0  }
0x1d: {  	s5 =	simm.s32 @p1 $0x1;
	p0 =	seq.s32 s7, s2  }
0x1e: {  	s7 =	smul.u32 @!p0 $0xF7A, s2;
	p2 =	seq.s32 @!p0 s5, $0x0  }
0x1f: {  	s9 =	smul.u32 $0xF7A, s1;
	s8 =	simm.s32 @!p0 $0x1BF5;
	p2 =	por !p2, p0  }
0x20: {  	[sflag:s8] =	ssyncset.s32 @!p0 $0xFFFFF086;
	s6 =	sadd.s32 @!p0 s3, s7;
	s7 =	simm.s32 @!p0 $0x108  }
0x21: {  	s3 =	sadd.s32 s3, s9;
	s6 =	sadd.s32 @!p0 $0x88, s6;
	s7 =	simm.s32 @p2 $0x1082  }
0x22: {  	[simem:s7], [sflag:s8] =	dma.local @!p0 [hbm:s6], $0xF7A  }
0x23: {  	s9 =	sor.u32 $0xD0000000, s2;
	s6 =	simm.s32 $0x108;
	_ =	swait.ge @!p0 [sflag:s8], $0x0  }
0x24: {  	s3 =	sadd.s32 $0x88, s3;
	s6 =	simm.s32 @!p1 $0x1082;
	[sflag:s4] =	ssyncset.s32 $0xFFFFF086  }
0x25: {  	[simem:s6], [sflag:s4] =	dma.local [hbm:s3], $0xF7A  }
0x26: {  	[smem:$0x3F90] =	sst s1;
	(tag) =	ssettag s2;
	_ =	strace s9  }
0x27: {  	s1 =	sld [smem:$0x3FA0]  }
0x28: {  	s2 =	sld [smem:$0x3FA1]  }
0x29: {  	s4 =	sld [smem:$0x3FA3]  }
0x2a: {  	p0 =	seq.s32 s5, $0x0;
	s5 =	sld [smem:$0x3FA4]  }
0x2b: {  	s6 =	sld [smem:$0x3FA5]  }
0x2c: {  	s7 =	sld [smem:$0x3FA6]  }
0x2d: {  	s3 =	simm.s32 $0x108;
	s8 =	sld [smem:$0x3FA7]  }
0x2e: {  	s3 =	simm.s32 @!p0 $0x1082;
	s9 =	sld [smem:$0x3FA8]  }
0x2f: {  	lr =	sadd.s32 s0, s3;
	s0 =	sld [smem:$0x3F9F]  }
0x30: {  	s3 =	sld [smem:$0x3FA2]  }
0x31: {  	[smem:$0x3FAB] =	sst s10  }
0x32: {  	s10 =	sld [smem:$0x3FA9];
	_ =	sdelay $0x3  }
0x33: {  	p0 =	seq.s32 s10, $0x1;
	s10 =	sld [smem:$0x3FAB];
	_ =	sdelay $0x3  }
0x34: {  	[smem:$0x3FAB] =	sst s10  }
0x35: {  	s10 =	sld [smem:$0x3FAA];
	_ =	sdelay $0x3  }
0x36: {  	p1 =	seq.s32 s10, $0x1;
	s10 =	sld [smem:$0x3FAB];
	_ =	sdelay $0x3  }
0x37: {  	[smem:$0x3FAB] =	sst s10  }
0x38: {  	s10 =	sld [smem:$0x3FAC]  }
0x39: {  	_ = 	snop;
	(pc) =	sbr.ind lr, $3  }
0x3a: {  	_ = 	snop  }
0x3b: {  	_ = 	snop  }
0x3c: {  	p2 =	seq.s32 s10, $0x1;
	s10 =	sld [smem:$0x3FAB]  }
0x3d: {  	_ =	shalt  }
0x3e: {  	_ =	shalt  }
0x3f: {  	_ =	shalt  }
0x40: {  	_ =	shalt  }
0x41: {  	_ =	shalt  }
0x42: {  	_ =	shalt  }
0x43: {  	_ =	shalt  }
0x44: {  	_ =	shalt  }
0x45: {  	_ =	shalt  }
0x46: {  	_ =	shalt  }
0x47: {  	_ =	shalt  }
0x48: {  	_ =	shalt  }
0x49: {  	_ =	shalt  }
0x4a: {  	_ =	shalt  }
0x4b: {  	_ =	shalt  }
0x4c: {  	_ =	shalt  }
0x4d: {  	_ =	shalt  }
0x4e: {  	_ =	shalt  }
0x4f: {  	_ =	shalt  }
0x50: {  	_ =	shalt  }
0x51: {  	_ =	shalt  }
0x52: {  	_ =	shalt  }
0x53: {  	_ =	shalt  }
0x54: {  	_ =	shalt  }
0x55: {  	_ =	shalt  }
0x56: {  	_ =	shalt  }
0x57: {  	_ =	shalt  }
0x58: {  	_ =	shalt  }
0x59: {  	_ =	shalt  }
0x5a: {  	_ =	shalt  }
0x5b: {  	_ =	shalt  }
0x5c: {  	_ =	shalt  }
0x5d: {  	_ =	shalt  }
0x5e: {  	_ =	shalt  }
0x5f: {  	_ =	shalt  }
0x60: {  	_ =	shalt  }
0x61: {  	_ =	shalt  }
0x62: {  	_ =	shalt  }
0x63: {  	_ =	shalt  }
0x64: {  	_ =	shalt  }
0x65: {  	_ =	shalt  }
0x66: {  	_ =	shalt  }
0x67: {  	_ =	shalt  }
0x68: {  	_ =	shalt  }
0x69: {  	_ =	shalt  }
0x6a: {  	_ =	shalt  }
0x6b: {  	_ =	shalt  }
0x6c: {  	_ =	shalt  }
0x6d: {  	_ =	shalt  }
0x6e: {  	_ =	shalt  }
0x6f: {  	_ =	shalt  }
0x70: {  	_ =	shalt  }
0x71: {  	_ =	shalt  }
0x72: {  	_ =	shalt  }
0x73: {  	_ =	shalt  }
0x74: {  	_ =	shalt  }
0x75: {  	_ =	shalt  }
0x76: {  	_ =	shalt  }
0x77: {  	_ =	shalt  }
0x78: {  	_ =	shalt  }
0x79: {  	_ =	shalt  }
0x7a: {  	_ =	shalt  }
0x7b: {  	_ =	shalt  }
0x7c: {  	_ =	shalt  }
0x7d: {  	_ =	shalt  }
0x7e: {  	_ =	shalt  }
0x7f: {  	_ =	shalt  }
0x80: {  	_ =	shalt  }
0x81: {  	_ =	shalt  }
0x82: {  	_ =	shalt  }
0x83: {  	_ =	shalt  }
0x84: {  	_ =	shalt  }
0x85: {  	_ =	shalt  }
0x86: {  	_ =	shalt  }
0x87: {  	_ =	shalt  }
.Lfunc_end0:
.L_simem_size_0:
called_computation.3_lowered:
.L_overlay_start_0:
0x88: {  	s2 =	sld [smem:$0x3FD9]  }
0x89: {  	s3 =	sld [smem:$0x3FFE];
	_ =	sdelay $0x1  }
0x8a: {  	s1 =	srdreg.scid  }
0x8b: {  	s0 =	sand.u32 $0x1, s1  }
0x8c: {  	s17 =	sshll.u32 s0, $0xA;
	s2 =	sadd.s32 s3, s2  }
0x8d: {  	s2 =	sadd.s32 s2, s17  }
0x8e: {  	[smem:$0x3FB7] =	sst s2  }
0x8f: {  	_ = 	snop  }
0x90: {  	(tm) =	ssettm $0x1  }
0x91: {  	s18 =	sld [smem:$0x3FFB];
	_ =	sdelay $0x3  }
0x92: {  	_ =	strace s18  }
0x93: {  	s2 =	sld [smem:$0x3FFC];
	_ =	sdelay $0x3  }
0x94: {  	_ =	strace s2  }
0x95: {  	s2 =	sld [smem:$0x3FFD];
	_ =	sdelay $0x3  }
0x96: {  	_ =	strace s2  }
0x97: {  	_ =	strace $0x8FFFFFFF  }
0x98: {  	s19 =	sld [smem:$0x3FDB];
	_ =	sdelay $0x1  }
0x99: {  	s20 =	simm.s32 $_scs_section_size  }
0x9a: {  	s4 =	simm.s32 $_size__tile_overlayer_lowered;
	s5 =	simm.s32 $_tile_overlayer_lowered  }
0x9b: {  	s6 =	simm.s32 $0x1BFF;
	s21 =	sshll.u32 s5, $0x1;
	s3 =	sadd.s32 s20, s19  }
0x9c: {  	s22 =	simm.s32 $0x0;
	s4 =	sshll.u32 s4, $0x1;
	s5 =	sadd.s32 s21, s3  }
0x9d: {  	[timem:s22], [sflag:s6] =	dma.local [hbm:s5], s4  }
0x9e: {  	_ =	swait.ge [sflag:s6], s4  }
0x9f: {  	s4 =	ssub.s32 $0x0, s4;
	[sflag:s6] =	ssyncset.done $0x0  }
0xa0: {  	[sflag:s6] =	ssyncadd.s32 s4;
	_ =	sdelay $0x1  }
0xa1: {  	s23 =	simm.s32 $0x1B8B  }
0xa2: {  	_ =	swait.ge [sflag:s23], $0x1  }
0xa3: {  	[sflag:s23] =	ssyncset.done $0x0  }
0xa4: {  	[sflag:s23] =	ssyncadd.s32 $0xFFFFFFFF  }
0xa5: {  	s4 =	sld [smem:$0x0]  }
0xa6: {  	s5 =	sand.u32 $0xFFFFFFFE, s1  }
0xa7: {  	p0 =	sne.s32 s1, s5  }
0xa8: {  	s5 =	sshll.u32 @p0 s5, $0xE  }
0xa9: {  	s5 =	sadd.s32 @p0 $0x11B8D, s5;
	s6 =	sshll.u32 @p0 s4, $0x11  }
0xaa: {  	s5 =	sor.u32 @p0 s6, s5  }
0xab: {  	[sflag:s5] =	ssyncadd.remote.s32 @p0 $0x1;
	_ =	sdelay $0x1  }
0xac: {  	s5 =	simm.s32 @p0 $0x1B8D  }
0xad: {  	_ =	swait.eq @p0 [sflag:s5], $0x1  }
0xae: {  	[sflag:s5] =	ssyncadd.s32 @p0 $0xFFFFFFFF  }
0xaf: {  	s6 =	sshll.u32 @!p0 s1, $0xE  }
0xb0: {  	s6 =	sor.u32 @!p0 $0x4000, s6;
	s5 =	simm.s32 @!p0 $0x1B8D  }
0xb1: {  	s4 =	sshll.u32 @!p0 s4, $0x11;
	s6 =	sadd.s32 @!p0 $0x11B8D, s6;
	_ =	swait.eq @!p0 [sflag:s5], $0x1  }
0xb2: {  	s4 =	sor.u32 @!p0 s4, s6;
	[sflag:s5] =	ssyncadd.s32 @!p0 $0xFFFFFFFF  }
0xb3: {  	s25 =	simm.s32 $0x1B8E;
	s24 =	sld [smem:$0x3FFE];
	[sflag:s4] =	ssyncadd.remote.s32 @!p0 $0x1  }
0xb4: {  	s26 =	simm.s32 $execute0_lowered;
	[smem:$0x3FD2] =	sst s25  }
0xb5: {  	s5 =	sshll.u32 s26, $0x1;
	_ =	strace $0x8000004F;
	[dreg:$0x1] =	wrdreg $0xFFFFFFFF  }
0xb6: {  	s28 =	simm.s32 $_size_execute0_lowered;
	s3 =	sadd.s32 s3, s5;
	[dreg:$0x0] =	wrdreg $0x0  }
0xb7: {  	s5 =	sshll.u32 s28, $0x1;
	[dreg:$0x2] =	wrdreg s3  }
0xb8: {  	[dreg:$0x3] =	wrdreg s5  }
0xb9: {  	[dreg:$0x4] =	wrdreg $0xC0  }
0xba: {  	_ =	task [dreg:s22], $0x5FFFF  }
0xbb: {  	[dreg:$0x1] =	wrdreg $0xFFFFFFFF  }
0xbc: {  	[dreg:$0x0] =	wrdreg $0x60  }
0xbd: {  	[dreg:$0x2] =	wrdreg s24  }
0xbe: {  	[dreg:$0x3] =	wrdreg $0xA2000  }
0xbf: {  	[dreg:$0x4] =	wrdreg $0xA  }
0xc0: {  	_ =	task.clear_ibuf [dreg:s22], $0x5FFFF;
	_ =	strace $0x9000004F  }
0xc1: {  	s29 =	simm.s32 $0xA;
	_ =	strace $0x80000051  }
0xc2: {  	_ =	swait.ge [sflag:s29], $0x1  }
0xc3: {  	[sflag:s29] =	ssyncadd.s32 $0xFFFFFFFF  }
0xc4: {  	_ =	strace $0x90000051  }
0xc5: {  	_ =	sfence  }
0xc6: {  	s30 =	sld [smem:$0x0];
	_ =	sdelay $0x2  }
0xc7: {  	s31 =	sshll.u32 s1, $0xD;
	s1 =	sshrl.u32 s1, $0x2  }
0xc8: {  	s4 =	sand.u32 $0x4000, s31;
	s1 =	sadd.s32 s1, s30  }
0xc9: {  	s0 =	sor.u32 s4, s0;
	s1 =	sshll.u32 s1, $0x11  }
0xca: {  	s0 =	sor.u32 s1, s0  }
0xcb: {  	s0 =	sadd.s32 $0x8F2B, s0  }
0xcc: {  	[sflag:s0] =	ssyncadd.remote.s32 $0x1  }
0xcd: {  	_ =	sfence.sel $0xFFFF  }
0xce: {  	[dreg:$0x0] =	wrdreg $0xFFFFFFFF;
	(pc) =	sbr.abs _section_cstart, $3  }
0xcf: {  	[dreg:$0x1] =	wrdreg $0xFFFFFFFF  }
0xd0: {  	_ =	task.clear_ibuf [dreg:s22], $0x2FFFF;
	_ =	strace $0x9FFFFFFF  }
0xd1: {  	(tm) =	ssettm $0x7FFFFFFF  }
tec
execute0_lowered:
.L_overlay_start_1:
0x0: {  	(tag) =	ssettag $0x1  }
0x1: {  	s8 =	rddreg [dreg:$0x0]  }
0x2: {  	s1 =	rddreg [dreg:$0x1]  }
0x3: {  	s0 =	rddreg [dreg:$0x2]  }
0x4: {  	s2 =	simm.s32 $0x0;
	s6 =	srdreg.scid;
	s22 =	stileid.u32  }
0x5: {  	s14 =	simm.s32 $0x200;
	s15 =	simm.s32 $0xA0;
	s16 =	simm.s32 $0x5200  }
0x6: {  	s17 =	simm.s32 $0x1;
	s18 =	simm.s32 $0x2;
	s30 =	simm.s32 $0x0  }
0x7: {  	[smem:$0x7FF] =	sst s2;
	s3 =	sadd.s32 $0x7B8000, s8;
	s4 =	sadd.s32 $0x33E00, s8  }
0x8: {  	s5 =	sadd.s32 $0x7C00, s8;
	s9 =	sand.u32 $0x1, s6;
	s6 =	sadd.s32 $0x2C00, s8  }
0x9: {  	s13 =	smul.u32 $0x4F000, s22;
	s7 =	sadd.s32 $0xCC00, s8;
	s29 =	sshll.u32 s22, $0x1  }
0xa: {  	s24 =	smul.u32 $0x2780, s22;
	s20 =	sadd.s32 $0x128400, s1;
	p0 =	sne.s32 s22, $0x0  }
0xb: {  	p1 =	seq.s32 s22, $0xF;
	_ =	strace $0x80000050;
	s10 =	smul.u32 $0x27100, s9  }
0xc: {  	s11 =	ssub.s32 $0x2, s9;
	s20 =	sshrl.u32 @p1 s20, $0x3;
	s22 =	sshll.u32 @!p1 s22, $0x6  }
0xd: {  	s12 =	sshrl.u32 s11, $0x1;
	s31 =	sshrl.u32 s13, $0x2;
	s13 =	simm.s32 $0x3  }
0xe: {  	s22 =	sor.u32 @!p1 $0x1C03, s22;
	s8 =	sadd.s32 s10, s8;
	s28 =	ssub.s32 s11, s12  }
0xf: {  	s23 =	sadd.s32 s31, s1;
	s11 =	sshrl.u32 @!p0 s1, $0x3;
	s12 =	simm.s32 $0x100  }
0x10: {  	s21 =	sadd.s32 $0x324200, s8;
	s8 =	sor.u32 s29, s9;
	s10 =	smax.u32 s28, $0x1  }
0x11: {  	s23 =	sshrl.u32 @!p1 s23, $0x3;
	s9 =	ssub.s32 $0x407, s8;
	s19 =	sadd.s32 @p1 $0x25080, s21  }
0x12: {  	s21 =	sadd.s32 @!p1 s24, s21;
	s24 =	simm.s32 $0x0;
	s9 =	sshrl.u32 s9, $0x5  }
.LBB2_1:
0x13: {  	s25 =	simm.s32 @!p0 $0x1C03  }
0x14: {  	[spmem:s11], [sflag:s25] =	dma.local @!p0 [hbm:s7], $0x27100  }
0x15: {  	s25 =	simm.s32 @!p0 $0x3  }
0x16: {  	_ =	swait.ge @!p0 [sflag:s25], $0x27100  }
0x17: {  	[sflag:s25] =	ssyncset.done @!p0 $0x0  }
0x18: {  	[sflag:s25] =	ssyncadd.s32 @!p0 $0xFFFD8F00  }
0x19: {  	s25 =	simm.s32 $0x0;
	[bflag:$0x0] =	sbarrier.arrive $0xFFFF  }
.LBB2_2:
0x1a: {  	s26 =	sshll.u32 s25, $0x5  }
0x1b: {  	s26 =	sor.u32 s8, s26  }
0x1c: {  	s28 =	smul.u32 $0xA0, s26;
	_ =	sdelay $0x1  }
0x1d: {  	s28 =	sshrl.u32 s28, $0x3  }
0x1e: {  	s26 =	smul.u32 $0x5000, s26;
	s29 =	sadd.s32 s6, s28  }
0x1f: {  	[tilespmem:s12], [sflag:$0x3] =	stream.linear.gather [hbm4b:s29+s30], $0xA0, $0x38;
	[tilespmem:$0x1DA80] =	vst v63  }
0x20: {  	_ =	swait.ge [sflag:s13], $0xA0  }
0x21: {  	s26 =	sshrl.u32 s26, $0x3;
	[sflag:s13] =	ssyncset.done $0x0  }
0x22: {  	s26 =	sadd.s32 s3, s26;
	[sflag:s13] =	ssyncadd.s32 $0xFFFFFF60  }
0x23: {  	[tilespmem:s14], [sflag:$0x1] =	stream.linear.gather [hbm4b:s26+s30], $0x5000, $0x38;
	[tilespmem:$0x1DA80] =	vst v63  }
0x24: {  	_ = 	snop  }
0x25: {  	[tilespmem:s16], [sflag:$0x2] =	stream.indirect.gather [hbm4b:s4+s15], $0x80, s12, s15, $0xb8;
	[tilespmem:$0x1DA80] =	vst v63  }
0x26: {  	s31 =	sadd.s32 s5, s28  }
0x27: {  	[tilespmem:s30], [sflag:$0x3] =	stream.linear.gather [hbm4b:s31+s30], $0xA0, $0x38;
	[tilespmem:$0x1DA80] =	vst v63  }
0x28: {  	_ =	swait.ge [sflag:s13], $0xA0  }
0x29: {  	[sflag:s13] =	ssyncset.done $0x0  }
0x2a: {  	[sflag:s13] =	ssyncadd.s32 $0xFFFFFF60  }
0x2b: {  	_ =	swait.ge [sflag:s17], $0x5000  }
0x2c: {  	[sflag:s17] =	ssyncset.done $0x0  }
0x2d: {  	[sflag:s17] =	ssyncadd.s32 $0xFFFFB000  }
0x2e: {  	_ =	swait.ge [sflag:s18], $0x5000  }
0x2f: {  	[sflag:s18] =	ssyncset.done $0x0  }
0x30: {  	s26 =	simm.s32 $0x0;
	[sflag:s18] =	ssyncadd.s32 $0xFFFFB000  }
0x31: {  	v7 =	vld [tilespmem:s26+$0x5200]  }
0x32: {  	v11 =	vld [tilespmem:s26+$0x5210]  }
0x33: {  	v5 =	vld [tilespmem:s26+$0x5220]  }
0x34: {  	v4 =	vld [tilespmem:s26+$0x5230]  }
0x35: {  	v3 =	vld [tilespmem:s26+$0x5240]  }
0x36: {  	v2 =	vld [tilespmem:s26+$0x5250]  }
0x37: {  	v1 =	vld [tilespmem:s26+$0x5260]  }
0x38: {  	v0 =	vld [tilespmem:s26+$0x5270]  }
0x39: {  	v12 =	vld [tilespmem:s26+$0x200]  }
0x3a: {  	v13 =	vld [tilespmem:s26+$0x210]  }
0x3b: {  	v10 =	vld [tilespmem:s26+$0x220]  }
0x3c: {  	v9 =	vld [tilespmem:s26+$0x230]  }
0x3d: {  	v8 =	vld [tilespmem:s26+$0x240]  }
0x3e: {  	v6 =	vld [tilespmem:s26+$0x250];
	v12 =	vmul.f32 v7, v12  }
0x3f: {  	s28 =	simm.s32 $0x200;
	v11 =	vmul.f32 v11, v13;
	v7 =	vld [tilespmem:s26+$0x260]  }
.LBB2_3:
0x40: {  	s29 =	sshra.s32 s28, $0x2;
	p2 =	sne.s32 s28, $0x13E00;
	[tilespmem:s26+$0x200] =	vst v12;
	v5 =	vmul.f32 v5, v10;
	v10 =	vld [tilespmem:s26+$0x270]  }
0x41: {  	v12 =	vld [tilespmem:s29+$0x5200];
	[tilespmem:s26+$0x210] =	vst v11;
	v4 =	vmul.f32 v4, v9  }
0x42: {  	v11 =	vld [tilespmem:s29+$0x5210];
	[tilespmem:s26+$0x220] =	vst v5;
	v3 =	vmul.f32 v3, v8  }
0x43: {  	v5 =	vld [tilespmem:s29+$0x5220];
	[tilespmem:s26+$0x230] =	vst v4;
	v2 =	vmul.f32 v2, v6  }
0x44: {  	v4 =	vld [tilespmem:s29+$0x5230];
	[tilespmem:s26+$0x240] =	vst v3;
	v1 =	vmul.f32 v1, v7  }
0x45: {  	v3 =	vld [tilespmem:s29+$0x5240];
	[tilespmem:s26+$0x250] =	vst v2;
	v0 =	vmul.f32 v0, v10  }
0x46: {  	v2 =	vld [tilespmem:s29+$0x5250];
	[tilespmem:s26+$0x260] =	vst v1  }
0x47: {  	v1 =	vld [tilespmem:s29+$0x5260];
	[tilespmem:s26+$0x270] =	vst v0;
	s26 =	smov.u32 s29  }
0x48: {  	v0 =	vld [tilespmem:s26+$0x5270]  }
0x49: {  	v6 =	vld [tilespmem:s26+$0x200]  }
0x4a: {  	v7 =	vld [tilespmem:s26+$0x210]  }
.Ltmp0:
0x4b: {  	v10 =	vld [tilespmem:s26+$0x220];
	(pc) =	sbr.rel @p2 .LBB2_3-.Ltmp0, $4  }
0x4c: {  	v9 =	vld [tilespmem:s26+$0x230]  }
0x4d: {  	v8 =	vld [tilespmem:s26+$0x240]  }
0x4e: {  	v12 =	vmul.f32 v12, v6;
	v6 =	vld [tilespmem:s26+$0x250]  }
0x4f: {  	s28 =	sadd.s32 $0x200, s28;
	v11 =	vmul.f32 v11, v7;
	v7 =	vld [tilespmem:s26+$0x260]  }
0x50: {  	[tilespmem:s26+$0x200] =	vst v12;
	v5 =	vmul.f32 v5, v10;
	v63 =	vld [tilespmem:s26+$0x270]  }
0x51: {  	[tilespmem:s26+$0x210] =	vst v11;
	v4 =	vmul.f32 v4, v9  }
0x52: {  	[tilespmem:s26+$0x220] =	vst v5;
	v3 =	vmul.f32 v3, v8  }
0x53: {  	[tilespmem:s26+$0x230] =	vst v4;
	v2 =	vmul.f32 v2, v6  }
0x54: {  	[tilespmem:s26+$0x240] =	vst v3;
	v1 =	vmul.f32 v1, v7  }
0x55: {  	s25 =	sadd.s32 $0x1, s25;
	[tilespmem:s26+$0x250] =	vst v2;
	v0 =	vmul.f32 v0, v63  }
0x56: {  	p2 =	sne.s32 s25, s9;
	[tilespmem:s26+$0x260] =	vst v1  }
.Ltmp1:
0x57: {  	[tilespmem:s26+$0x270] =	vst v0;
	(pc) =	sbr.rel @p2 .LBB2_2-.Ltmp1, $4  }
0x58: {  	[spmem:s1] =	stream.indirect.scatter.add.f32 [tilespmem:s14], [sflag:$0x3], $0x80, s2, s15, $0xb8;
	[tilespmem:$0x1DA80] =	vst v63  }
0x59: {  	_ =	swait.ge [sflag:s13], $0x5000  }
0x5a: {  	[sflag:s13] =	ssyncset.done $0x0  }
0x5b: {  	[sflag:s13] =	ssyncadd.s32 $0xFFFFB000  }
0x5c: {  	[bflag:$0x0] =	sbarrier.arrive $0xFFFF;
	s25 =	simm.s32 @p1 $0x1FC3  }
0x5d: {  	[hbm:s19], [sflag:s25] =	dma.local @p1 [spmem:s20], $0x2080  }
0x5e: {  	s25 =	simm.s32 @p1 $0x3  }
0x5f: {  	s24 =	sadd.s32 $0x1, s24;
	_ =	swait.ge @p1 [sflag:s25], $0x2080  }
0x60: {  	p2 =	sne.s32 s24, s10;
	[sflag:s25] =	ssyncset.done @p1 $0x0  }
.Ltmp2:
0x61: {  	[sflag:s25] =	ssyncadd.s32 @p1 $0xFFFFDF80;
	s25 =	simm.s32 @!p1 $0x3;
	(pc) =	sbr.rel @p2 .LBB2_1-.Ltmp2, $4  }
0x62: {  	[hbm:s21], [sflag:s22] =	dma.local @!p1 [spmem:s23], $0x2780  }
0x63: {  	_ =	swait.ge @!p1 [sflag:s25], $0x2780  }
0x64: {  	[sflag:s25] =	ssyncset.done @!p1 $0x0  }
0x65: {  	[sflag:s25] =	ssyncadd.s32 @!p1 $0xFFFFD880  }
0x66: {  	_ =	sfence.sel $0x180000  }
0x67: {  	[bflag:$0x0] =	sbarrier.arrive $0xFFFF  }
0x68: {  	_ =	strace $0x90000050  }
0x69: {  	s0 =	sadd.s32 @!p0 $0x100000, s0;
	[bflag:$0x2] =	sbarrier.arrive $0xFFFF  }
0x6a: {  	[sflag:s0] =	ssyncadd.tile.s32 @!p0 $0x1;
	_ =	shalt  }
.Lfunc_end2:
_tile_overlayer_lowered:
.L_overlay_start_2:
0x6b: {  	(tag) =	ssettag $0x2  }
0x6c: {  	s0 =	rddreg [dreg:$0x0];
	s2 =	stileid.u32  }
0x6d: {  	s1 =	rddreg [dreg:$0x1];
	p0 =	sne.s32 s2, $0x0  }
0x6e: {  	s3 =	rddreg [dreg:$0x2];
	[bflag:$0x3] =	sbarrier.arrive $0xFFFF;
	s2 =	simm.s32 @!p0 $0x1C03  }
0x6f: {  	[timem:s3], [sflag:s2] =	dma.local @!p0 [hbm:s0], s1  }
0x70: {  	s0 =	simm.s32 @!p0 $0x3  }
0x71: {  	_ =	swait.ge @!p0 [sflag:s0], s1  }
0x72: {  	s1 =	ssub.s32 @!p0 $0x0, s1;
	[sflag:s0] =	ssyncset.done @!p0 $0x0  }
0x73: {  	[sflag:s0] =	ssyncadd.s32 @!p0 s1  }
0x74: {  	[bflag:$0x3] =	sbarrier.arrive $0xFFFF  }
0x75: {  	_ =	shalt  }

</sc_bundles>
